<compile_context>
chip_gen: v7x
topology: tpu7x:2x2x1
jax: 0.10.2.dev20260603
libtpu: 0.0.44.dev20260713+nightly
codegen_flags: <defaults>
</compile_context>

<pallas_src>
import functools

import jax
import jax.numpy as jnp
import numpy as np
from jax import lax
from jax.experimental import pallas as pl
from jax.experimental.pallas import tpu as pltpu
from jax.experimental.pallas import tpu_sc as plsc

B = 1024
P = 100000
C = 100
K = 64

NC = 2
NS = 16
NW = NC * NS
ROWS_PER_W = B // NW
NRG = ROWS_PER_W // 8

W = 640
NWF = P // W
TAIL = P - NWF * W
NWIN = NWF + 1
GRP = 8
NGRP = (W // 16) // GRP
GRP_T = 10
NGRP_T = (TAIL // 16) // GRP_T
CT = 256
BUF = CT + W

_I32_MAX = np.int32(2**31 - 1)


def _f2key(v):
    s = lax.bitcast_convert_type(v, jnp.int32)
    return s ^ ((s >> 31) & _I32_MAX)


def _key2f(k):
    return lax.bitcast_convert_type(k ^ ((k >> 31) & _I32_MAX), jnp.float32)


def _splat(x, dtype=jnp.int32):
    return jnp.full((16,), x, dtype)


def _scal(v):
    return lax.reduce_max(v, axes=(0,))


def _lane0(v):
    return lax.squeeze(lax.slice_in_dim(v, 0, 1), dimensions=(0,))


def _labels_tc(oh):
    rows = 1000
    grid = P // rows

    def body(oh_ref, out_ref):
        cls = lax.broadcasted_iota(jnp.int32, (1, C), 1).astype(jnp.float32)
        s = jnp.sum(oh_ref[...] * cls, axis=1)
        out_ref[0, 0, :] = s.astype(jnp.int32)

    out = pl.pallas_call(
        body,
        grid=(grid,),
        in_specs=[pl.BlockSpec((rows, C), lambda i: (i, 0))],
        out_specs=pl.BlockSpec((1, 1, rows), lambda i: (i, 0, 0)),
        out_shape=jax.ShapeDtypeStruct((grid, 1, rows), jnp.int32),
    )(oh)
    return out.reshape(P)


def _sc_knnc(x, x_tail, labels):
    mesh = plsc.VectorSubcoreMesh(
        core_axis_name="c", subcore_axis_name="s", num_cores=NC, num_subcores=NS
    )

    @functools.partial(
        pl.kernel,
        out_type=jax.ShapeDtypeStruct((B,), jnp.int32),
        mesh=mesh,
        compiler_params=pltpu.CompilerParams(needs_layout_passes=False),
        scratch_types=[
            pltpu.VMEM((P,), jnp.int32),
            pltpu.VMEM((2, 8, W), jnp.float32),
            pltpu.VMEM((2, 8, TAIL), jnp.float32),
            pltpu.VMEM((8, BUF), jnp.int32),
            pltpu.VMEM((8, BUF), jnp.int32),
            pltpu.VMEM((256,), jnp.int32),
            pltpu.VMEM((C * 16 + 64,), jnp.int32),
            pltpu.SMEM((8,), jnp.int32),
            pltpu.SMEM((8,), jnp.float32),
            pltpu.SemaphoreType.DMA,
        ],
    )
    def sc_kernel(x_hbm, xt_hbm, lab_hbm, out_hbm, labels_v, win_v, win_t,
                  keys_v, labs_v, hist_v, vote_v, cnt_s8, tau_s8, sem0):
        wid = lax.axis_index("s") * NC + lax.axis_index("c")
        row0 = wid * ROWS_PER_W
        lane = lax.iota(jnp.int32, 16)
        zeros16 = _splat(0)
        ones16 = _splat(1)

        pltpu.sync_copy(lab_hbm, labels_v)

        def compact(r8, cnt):
            nv = (cnt + 15) // 16
            cnt_v = _splat(cnt)

            def radix_pass(ppass, st):
                prefix, pmask, target, n_lt = st
                shift = 28 - 4 * ppass
                shift_v = _splat(shift)
                oflip = jnp.where(ppass == 0, 8, 0)
                for i in range(16):
                    hist_v[pl.ds(i * 16, 16)] = zeros16

                def scan(i, _):
                    kv = keys_v[r8, pl.ds(i * 16, 16)]
                    valid = (lane + i * 16) < cnt_v
                    match = (kv & _splat(pmask)) == _splat(prefix)
                    ok = valid & match
                    od = ((kv >> shift_v) & _splat(15)) ^ _splat(oflip)
                    idxv = lane * 16 + od
                    plsc.addupdate_scatter(hist_v, [idxv], jnp.where(ok, 1, 0))
                    return 0

                lax.fori_loop(0, nv, scan, 0)
                totals = zeros16
                for r in range(16):
                    totals = totals + hist_v[pl.ds(r * 16, 16)]
                cum = plsc.cumsum(totals)
                dstar = plsc.all_reduce_ffs(cum >= _splat(target))
                below = lax.reduce_sum(jnp.where(lane < dstar, totals, 0), axes=(0,))
                d_s = _lane0(dstar) ^ oflip
                prefix = prefix | (d_s << shift)
                pmask = pmask | (15 << shift)
                return (prefix, pmask, target - below, n_lt + below)

            prefix, _, m, n_lt = lax.fori_loop(
                0, 8, radix_pass,
                (jnp.int32(0), jnp.int32(0), jnp.int32(K), jnp.int32(0)))
            v64 = _splat(prefix)
            m_v = _splat(m)

            def rewrite(i, st):
                wofs, eqc = st
                kv = keys_v[r8, pl.ds(i * 16, 16)]
                lb = labs_v[r8, pl.ds(i * 16, 16)]
                valid = (lane + i * 16) < cnt_v
                lt = (kv < v64) & valid
                eq = (kv == v64) & valid
                eqi = jnp.where(eq, 1, 0)
                eqrank = _splat(eqc) + plsc.cumsum(eqi) - eqi
                keep = lt | (eq & (eqrank < m_v))
                ki = jnp.where(keep, 1, 0)
                pos = _splat(wofs) + plsc.cumsum(ki) - ki
                r8_v = _splat(r8)
                plsc.store_scatter(keys_v, [r8_v, pos], kv, mask=keep)
                plsc.store_scatter(labs_v, [r8_v, pos], lb, mask=keep)
                wofs = wofs + _lane0(plsc.all_reduce_population_count(keep))
                eqc = eqc + _lane0(plsc.all_reduce_population_count(eq))
                return (wofs, eqc)

            lax.fori_loop(0, nv, rewrite, (jnp.int32(0), jnp.int32(0)))
            return jnp.int32(K), _lane0(_key2f(v64))

        def append_vregs(wref, pbuf, r8, base_off, gbase, n, cnt, tau_vec):

            r8_v = _splat(r8)

            def vbody(j, cnt):
                off = base_off + j * 16
                v = wref[pbuf, r8, pl.ds(off, 16)]
                msk = v < tau_vec
                key = _f2key(v)
                gidx = gbase + j * 16 + lane
                lb = plsc.load_gather(labels_v, [gidx])
                mi = jnp.where(msk, 1, 0)
                pos = _splat(cnt) + plsc.cumsum(mi) - mi
                plsc.store_scatter(keys_v, [r8_v, pos], key, mask=msk)
                plsc.store_scatter(labs_v, [r8_v, pos], lb, mask=msk)
                return cnt + _lane0(plsc.all_reduce_population_count(msk))

            return lax.fori_loop(0, n, vbody, cnt)

        def groups_loop(wref, pbuf, r8, w, skip0, ngrp, grp, cnt, tau_vec):

            for g in range(ngrp):
                base = g * grp * 16

                def gbody(cnt, base=base):
                    anyhit = wref[pbuf, r8, pl.ds(base, 16)] < tau_vec
                    for j in range(1, grp):
                        anyhit = anyhit | (
                            wref[pbuf, r8, pl.ds(base + j * 16, 16)] < tau_vec)
                    return lax.cond(
                        jnp.any(anyhit),
                        lambda c: append_vregs(wref, pbuf, r8, base,
                                               w * W + base, grp, c, tau_vec),
                        lambda c: c, cnt)

                if skip0 and g == 0:
                    cnt = lax.cond(w > 0, gbody, lambda c: c, cnt)
                else:
                    cnt = gbody(cnt)
            return cnt

        def rg_body(rg, _):
            rgbase = pl.multiple_of(row0 + rg * 8, 8)

            pltpu.async_copy(
                x_hbm.at[pl.ds(rgbase, 8), pl.ds(0, W)], win_v.at[0],
                sem0).wait()

            def prologue(r8, _):
                inf16 = _splat(jnp.inf, jnp.float32)
                cnt = append_vregs(win_v, 0, r8, 0, 0, GRP, jnp.int32(0), inf16)
                cnt, tau = compact(r8, cnt)
                cnt_s8[r8] = cnt
                tau_s8[r8] = tau
                return 0

            lax.fori_loop(0, 8, prologue, 0)

            def win_body(w, _):
                pbuf = w & 1

                @pl.when((w > 0) & (w < NWF))
                def _():
                    cb = pl.multiple_of(w * W, 128)
                    pltpu.make_async_copy(
                        x_hbm.at[pl.ds(rgbase, 8), pl.ds(cb, W)],
                        win_v.at[pbuf], sem0).wait()

                @pl.when(w == NWF)
                def _():
                    pltpu.make_async_copy(
                        xt_hbm.at[pl.ds(rgbase, 8)],
                        win_t.at[pbuf], sem0).wait()

                @pl.when(w + 1 < NWF)
                def _():
                    cb = pl.multiple_of((w + 1) * W, 128)
                    pltpu.async_copy(
                        x_hbm.at[pl.ds(rgbase, 8), pl.ds(cb, W)],
                        win_v.at[1 - pbuf], sem0)

                @pl.when(w + 1 == NWF)
                def _():
                    pltpu.async_copy(
                        xt_hbm.at[pl.ds(rgbase, 8)],
                        win_t.at[1 - pbuf], sem0)

                def per_row(r8, _):
                    cnt = cnt_s8[r8]
                    tau = tau_s8[r8]
                    cnt, tau = lax.cond(cnt >= CT,
                                        lambda c, t: compact(r8, c),
                                        lambda c, t: (c, t), cnt, tau)
                    tau_vec = _splat(tau, jnp.float32)
                    cnt = lax.cond(
                        w < NWF,
                        lambda c: groups_loop(win_v, pbuf, r8, w, True, NGRP,
                                              GRP, c, tau_vec),
                        lambda c: groups_loop(win_t, pbuf, r8, w, False,
                                              NGRP_T, GRP_T, c, tau_vec),
                        cnt)
                    cnt_s8[r8] = cnt
                    tau_s8[r8] = tau
                    return 0

                lax.fori_loop(0, 8, per_row, 0)
                return 0

            lax.fori_loop(0, NWIN, win_body, 0)

            def finalize(r8, _):
                cnt = cnt_s8[r8]
                cnt, tau = compact(r8, cnt)

                for i in range(C):
                    vote_v[pl.ds(i * 16, 16)] = zeros16
                for j in range(K // 16):
                    lb = labs_v[r8, pl.ds(j * 16, 16)]
                    plsc.addupdate_scatter(vote_v, [lb * 16 + lane], ones16)

                def argmax_body(c, st):
                    best, bc = st
                    tot = lax.reduce_sum(vote_v[pl.ds(c * 16, 16)], axes=(0,))
                    better = tot > best
                    return (jnp.where(better, tot, best),
                            jnp.where(better, c, bc))

                _, bc = lax.fori_loop(0, C, argmax_body,
                                      (jnp.int32(-1), jnp.int32(0)))
                plsc.store_scatter(vote_v, [_splat(C * 16 + rg * 8 + r8)],
                                   _splat(bc), mask=lane == 0)
                return 0

            lax.fori_loop(0, 8, finalize, 0)
            return 0

        lax.fori_loop(0, NRG, rg_body, 0)
        pltpu.sync_copy(vote_v.at[pl.ds(C * 16, ROWS_PER_W)],
                        out_hbm.at[pl.ds(row0, ROWS_PER_W)])

    return sc_kernel(x, x_tail, labels)


def kernel(x, oh_prototype_labels):
    labels = _labels_tc(oh_prototype_labels)
    x_tail = lax.slice(x, (0, NWF * W), (B, P))
    return _sc_knnc(x, x_tail, labels)

# --- scband reference (transcript-rebuilt; emitter-appended) ---
"""Pipeline reference for scband-knnc-49881750176069 (READ-ONLY COPY).

The authoritative reference and input builder live on the scoring server;
editing this copy changes nothing except your own understanding.
"""

import jax, jax.numpy as jnp
import numpy as np

K = 64
B = 1024
P = 100000
C = 100

def setup_inputs(seed: int = 0) -> dict:
    key = jax.random.key(seed)
    kx, kl = jax.random.split(key)
    # x: precomputed (squared) distances from B queries to P prototypes
    x = jax.random.normal(kx, (B, P), dtype=jnp.float32)
    # one-hot prototype labels [P, C]
    labels = jax.random.randint(kl, (P,), 0, C)
    oh_prototype_labels = jax.nn.one_hot(labels, C, dtype=jnp.float32)
    return {"x": x, "oh_prototype_labels": oh_prototype_labels}

def reference(x, oh_prototype_labels):
    # KNNC.call: negate distances, top-k, gather one-hot labels, vote, argmax
    neg_distances = jnp.negative(x)
    _, winning_indices = jax.lax.top_k(neg_distances, K)          # [B, K]
    top_k_labels = jnp.take(oh_prototype_labels, winning_indices, axis=0)  # [B, K, C]
    predictions_sum = jnp.sum(top_k_labels, axis=1)               # [B, C]
    y_pred = jnp.argmax(predictions_sum, axis=1)                  # [B]
    return y_pred

if __name__ == "__main__":
    import jax
    _d = setup_inputs()
    print(jax.jit(kernel)(*tuple(_d.values())))

</pallas_src>

<mosaic_0001>
#map = affine_map<(d0, d1) -> (0, 0)>
#map1 = affine_map<(d0, d1) -> (0)>
module attributes {stable_mosaic.version = 14 : i64} {
  func.func @sc_kernel(%arg0: i32, %arg1: i32, %arg2: memref<1024x100000xf32, #tpu.memory_space<hbm>>, %arg3: memref<1024x160xf32, #tpu.memory_space<hbm>>, %arg4: memref<100000xi32, #tpu.memory_space<hbm>>, %arg5: memref<1024xi32, #tpu.memory_space<hbm>>, %arg6: memref<100000xi32, #tpu.memory_space<vmem>>, %arg7: memref<2x8x640xf32, #tpu.memory_space<vmem>>, %arg8: memref<2x8x160xf32, #tpu.memory_space<vmem>>, %arg9: memref<8x896xi32, #tpu.memory_space<vmem>>, %arg10: memref<8x896xi32, #tpu.memory_space<vmem>>, %arg11: memref<256xi32, #tpu.memory_space<vmem>>, %arg12: memref<1664xi32, #tpu.memory_space<vmem>>, %arg13: memref<8xi32, #tpu.memory_space<smem>>, %arg14: memref<8xf32, #tpu.memory_space<smem>>, %arg15: memref<!tpu.dma_semaphore, #tpu.memory_space<semaphore_mem>>) attributes {dimension_semantics = [#tpu.dimension_semantics<core_parallel>, #tpu.dimension_semantics<subcore_parallel>], iteration_bounds = array<i64: 2, 16>, scalar_prefetch = 0 : i64, scratch_operands = 10 : i64, tpu.core_type = #tpu.core_type<sc_vector_subcore>, window_params = [{transform_indices = #map}, {transform_indices = #map}, {transform_indices = #map1}, {transform_indices = #map1}]} {
    %mul3A = arith.constant 2 : i32
    %mul3A_0 = arith.muli %arg1, %mul3A : i32
    %add3A = arith.addi %mul3A_0, %arg0 : i32
    %mul3A_1 = arith.constant 32 : i32
    %mul3A_2 = arith.muli %add3A, %mul3A_1 : i32
    %iota3A = tpu.iota {dimensions = array<i32: 0>} : vector<16xi32>
    %broadcast_in_dim3A = arith.constant 0 : i32
    %broadcast_in_dim3A_3 = vector.broadcast %broadcast_in_dim3A : i32 to vector<16xi32>
    %broadcast_in_dim3A_4 = arith.constant 1 : i32
    %broadcast_in_dim3A_5 = vector.broadcast %broadcast_in_dim3A_4 : i32 to vector<16xi32>
    "tpu.region"() ({
      %run_scoped3A = tpu.sem_alloc : memref<!tpu.dma_semaphore, #tpu.memory_space<semaphore_mem>>
      tpu.enqueue_dma source(%arg4 : memref<100000xi32, #tpu.memory_space<hbm>>) target(%arg6 : memref<100000xi32, #tpu.memory_space<vmem>>) target_semaphore(%run_scoped3A : memref<!tpu.dma_semaphore, #tpu.memory_space<semaphore_mem>>)
      tpu.wait_dma2 semaphore(%run_scoped3A : memref<!tpu.dma_semaphore, #tpu.memory_space<semaphore_mem>>) src(%arg4 : memref<100000xi32, #tpu.memory_space<hbm>>) dst(%arg6 : memref<100000xi32, #tpu.memory_space<vmem>>)
      tpu.yield
    }) : () -> ()
    %scan3A = arith.constant 0 : i32
    %scan3A_6 = arith.constant 0 : i32
    %scan3A_7 = arith.constant 4 : i32
    %scan3A_8 = arith.addi %scan3A_6, %scan3A_7 : i32
    %scan3A_9 = arith.constant 1 : i32
    %scan3A_10 = scf.for %scan3A_12 = %scan3A_6 to %scan3A_8 step %scan3A_9 iter_args(%scan3A_13 = %scan3A) -> (i32)  : i32 {
      %mul3A_14 = arith.constant 8 : i32
      %mul3A_15 = arith.muli %scan3A_12, %mul3A_14 : i32
      %add3A_16 = arith.addi %mul3A_2, %mul3A_15 : i32
      %multiple_of3A = tpu.assume_multiple %add3A_16, 8 : i32
      %dma_start3A = arith.constant 0 : i32
      %dma_start3A_17 = arith.constant 0 : i32
      %dma_start3A_18 = arith.constant 0 : i32
      %dma_start3A_19 = tpu.memref_slice %arg7[%dma_start3A, %dma_start3A_17, %dma_start3A_18] : memref<2x8x640xf32, #tpu.memory_space<vmem>> -> memref<1x8x640xf32, #tpu.memory_space<vmem>>
      %dma_start3A_20 = tpu.memref_squeeze %dma_start3A_19 : memref<1x8x640xf32, #tpu.memory_space<vmem>> -> memref<8x640xf32, #tpu.memory_space<vmem>>
      %dma_start3A_21 = arith.constant 0 : i32
      %dma_start3A_22 = tpu.memref_slice %arg2[%multiple_of3A, %dma_start3A_21] : memref<1024x100000xf32, #tpu.memory_space<hbm>> -> memref<8x640xf32, #tpu.memory_space<hbm>>
      %dma_start3A_23 = arith.constant 0 : i32
      %dma_start3A_24 = arith.constant 0 : i32
      %dma_start3A_25 = tpu.memref_slice %arg7[%dma_start3A, %dma_start3A_23, %dma_start3A_24] : memref<2x8x640xf32, #tpu.memory_space<vmem>> -> memref<1x8x640xf32, #tpu.memory_space<vmem>>
      %dma_start3A_26 = tpu.memref_squeeze %dma_start3A_25 : memref<1x8x640xf32, #tpu.memory_space<vmem>> -> memref<8x640xf32, #tpu.memory_space<vmem>>
      %dma_start3A_27 = arith.constant 0 : i32
      %dma_start3A_28 = tpu.memref_slice %arg2[%multiple_of3A, %dma_start3A_27] : memref<1024x100000xf32, #tpu.memory_space<hbm>> -> memref<8x640xf32, #tpu.memory_space<hbm>>
      tpu.enqueue_dma source(%dma_start3A_28 : memref<8x640xf32, #tpu.memory_space<hbm>>) target(%dma_start3A_26 : memref<8x640xf32, #tpu.memory_space<vmem>>) target_semaphore(%arg15 : memref<!tpu.dma_semaphore, #tpu.memory_space<semaphore_mem>>)
      %dma_wait3A = arith.constant 0 : i32
      %dma_wait3A_29 = arith.constant 0 : i32
      %dma_wait3A_30 = arith.constant 0 : i32
      %dma_wait3A_31 = tpu.memref_slice %arg7[%dma_wait3A, %dma_wait3A_29, %dma_wait3A_30] : memref<2x8x640xf32, #tpu.memory_space<vmem>> -> memref<1x8x640xf32, #tpu.memory_space<vmem>>
      %dma_wait3A_32 = tpu.memref_squeeze %dma_wait3A_31 : memref<1x8x640xf32, #tpu.memory_space<vmem>> -> memref<8x640xf32, #tpu.memory_space<vmem>>
      %dma_wait3A_33 = arith.constant 0 : i32
      %dma_wait3A_34 = tpu.memref_slice %arg2[%multiple_of3A, %dma_wait3A_33] : memref<1024x100000xf32, #tpu.memory_space<hbm>> -> memref<8x640xf32, #tpu.memory_space<hbm>>
      %dma_wait3A_35 = arith.constant 0 : i32
      %dma_wait3A_36 = arith.constant 0 : i32
      %dma_wait3A_37 = tpu.memref_slice %arg7[%dma_wait3A, %dma_wait3A_35, %dma_wait3A_36] : memref<2x8x640xf32, #tpu.memory_space<vmem>> -> memref<1x8x640xf32, #tpu.memory_space<vmem>>
      %dma_wait3A_38 = tpu.memref_squeeze %dma_wait3A_37 : memref<1x8x640xf32, #tpu.memory_space<vmem>> -> memref<8x640xf32, #tpu.memory_space<vmem>>
      %dma_wait3A_39 = arith.constant 0 : i32
      %dma_wait3A_40 = tpu.memref_slice %arg2[%multiple_of3A, %dma_wait3A_39] : memref<1024x100000xf32, #tpu.memory_space<hbm>> -> memref<8x640xf32, #tpu.memory_space<hbm>>
      tpu.wait_dma2 semaphore(%arg15 : memref<!tpu.dma_semaphore, #tpu.memory_space<semaphore_mem>>) src(%dma_wait3A_40 : memref<8x640xf32, #tpu.memory_space<hbm>>) dst(%dma_wait3A_38 : memref<8x640xf32, #tpu.memory_space<vmem>>)
      %scan3A_41 = arith.constant 0 : i32
      %scan3A_42 = arith.constant 0 : i32
      %scan3A_43 = arith.constant 8 : i32
      %scan3A_44 = arith.addi %scan3A_42, %scan3A_43 : i32
      %scan3A_45 = arith.constant 1 : i32
      %scan3A_46 = scf.for %scan3A_63 = %scan3A_42 to %scan3A_44 step %scan3A_45 iter_args(%scan3A_64 = %scan3A_41) -> (i32)  : i32 {
        %broadcast_in_dim3A_65 = arith.constant 0x7F800000 : f32
        %broadcast_in_dim3A_66 = vector.broadcast %broadcast_in_dim3A_65 : f32 to vector<16xf32>
        %broadcast_in_dim3A_67 = vector.broadcast %scan3A_63 : i32 to vector<16xi32>
        %scan3A_68 = arith.constant 0 : i32
        %scan3A_69 = arith.constant 0 : i32
        %scan3A_70 = arith.constant 8 : i32
        %scan3A_71 = arith.addi %scan3A_69, %scan3A_70 : i32
        %scan3A_72 = arith.constant 1 : i32
        %scan3A_73 = scf.for %scan3A_128 = %scan3A_69 to %scan3A_71 step %scan3A_72 iter_args(%scan3A_129 = %scan3A_68) -> (i32)  : i32 {
          %mul3A_130 = arith.constant 16 : i32
          %mul3A_131 = arith.muli %scan3A_128, %mul3A_130 : i32
          %add3A_132 = arith.constant 0 : i32
          %add3A_133 = arith.addi %add3A_132, %mul3A_131 : i32
          %get3A = arith.constant 0 : i32
          %get3A_134 = arith.index_cast %get3A : i32 to index
          %get3A_135 = arith.index_cast %scan3A_63 : i32 to index
          %get3A_136 = arith.index_cast %add3A_133 : i32 to index
          %get3A_137 = tpu.vector_load %arg7[%get3A_134, %get3A_135, %get3A_136] {strides = array<i32>} : memref<2x8x640xf32, #tpu.memory_space<vmem>>, vector<16xf32>,
          %lt3A = arith.cmpf olt, %get3A_137, %broadcast_in_dim3A_66 : vector<16xf32>
          %bitcast_convert_type3A_138 = tpu.bitcast %get3A_137 : vector<16xf32> -> vector<16xi32>
          %shift_right_arithmetic3A_139 = arith.constant 31 : i32
          %shift_right_arithmetic3A_140 = vector.broadcast %shift_right_arithmetic3A_139 : i32 to vector<16xi32>
          %shift_right_arithmetic3A_141 = arith.shrsi %bitcast_convert_type3A_138, %shift_right_arithmetic3A_140 : vector<16xi32>
          %and3A_142 = arith.constant 2147483647 : i32
          %and3A_143 = vector.broadcast %and3A_142 : i32 to vector<16xi32>
          %and3A_144 = arith.andi %shift_right_arithmetic3A_141, %and3A_143 : vector<16xi32>
          %xor3A_145 = arith.xori %bitcast_convert_type3A_138, %and3A_144 : vector<16xi32>
          %mul3A_146 = arith.constant 16 : i32
          %mul3A_147 = arith.muli %scan3A_128, %mul3A_146 : i32
          %add3A_148 = arith.constant 0 : i32
          %add3A_149 = arith.addi %add3A_148, %mul3A_147 : i32
          %add3A_150 = vector.broadcast %add3A_149 : i32 to vector<16xi32>
          %add3A_151 = arith.addi %add3A_150, %iota3A : vector<16xi32>
          %gather3A = tpu.vector_load_idx %arg6[%add3A_151] : memref<100000xi32, #tpu.memory_space<vmem>>[vector<16xi32>], vector<16xi32>,
          %jit3A_152 = arith.constant 1 : i32
          %jit3A_153 = arith.constant 0 : i32
          %broadcast_in_dim3A_154 = vector.broadcast %jit3A_152 : i32 to vector<16xi32>
          %broadcast_in_dim3A_155 = vector.broadcast %jit3A_153 : i32 to vector<16xi32>
          %select_n3A_156 = arith.select %lt3A, %broadcast_in_dim3A_154, %broadcast_in_dim3A_155 : vector<16xi1>, vector<16xi32>
          %broadcast_in_dim3A_157 = vector.broadcast %scan3A_129 : i32 to vector<16xi32>
          %broadcast_in_dim3A_158 = arith.constant true
          %broadcast_in_dim3A_159 = vector.broadcast %broadcast_in_dim3A_158 : i1 to vector<16xi1>
          %masked_cumsum3A = tpu.scan <sum>, %select_n3A_156 masked %broadcast_in_dim3A_159 : vector<16xi32>, vector<16xi1> -> vector<16xi32>
          %add3A_160 = arith.addi %broadcast_in_dim3A_157, %masked_cumsum3A : vector<16xi32>
          %sub3A_161 = arith.subi %add3A_160, %select_n3A_156 : vector<16xi32>
          tpu.vector_store_idx %arg9[%broadcast_in_dim3A_67, %sub3A_161], %xor3A_145 masked %lt3A : memref<8x896xi32, #tpu.memory_space<vmem>>[vector<16xi32>, vector<16xi32>], vector<16xi32>, vector<16xi1>
          tpu.vector_store_idx %arg10[%broadcast_in_dim3A_67, %sub3A_161], %gather3A masked %lt3A : memref<8x896xi32, #tpu.memory_space<vmem>>[vector<16xi32>, vector<16xi32>], vector<16xi32>, vector<16xi1>
          %all_reduce_population_count3A = tpu.all_reduce %lt3A {dim = 0 : i64, kind = #tpu.reduction_kind<sum>} : vector<16xi1> -> vector<16xi32>
          %slice3A_162 = vector.extract_strided_slice %all_reduce_population_count3A {offsets = [0], sizes = [1], strides = [1]} : vector<16xi32> to vector<1xi32>
          %squeeze3A_163 = vector.extract %slice3A_162[0] : i32 from vector<1xi32>
          %add3A_164 = arith.addi %scan3A_129, %squeeze3A_163 : i32
          scf.yield %add3A_164 : i32
        }
        %scan3A_74 = arith.constant 8 : i32
        %add3A_75 = arith.constant 15 : i32
        %add3A_76 = arith.addi %scan3A_73, %add3A_75 : i32
        %jit3A = arith.constant 16 : i32
        %div3A = arith.divsi %add3A_76, %jit3A : i32
        %sign3A = arith.constant 0 : i32
        %sign3A_77 = arith.cmpi sgt, %add3A_76, %sign3A : i32
        %sign3A_78 = arith.extui %sign3A_77 : i1 to i32
        %sign3A_79 = arith.constant 0 : i32
        %sign3A_80 = arith.cmpi slt, %add3A_76, %sign3A_79 : i32
        %sign3A_81 = arith.extui %sign3A_80 : i1 to i32
        %sign3A_82 = arith.subi %sign3A_78, %sign3A_81 : i32
        %sign3A_83 = arith.constant 0 : i32
        %sign3A_84 = arith.cmpi sgt, %jit3A, %sign3A_83 : i32
        %sign3A_85 = arith.extui %sign3A_84 : i1 to i32
        %sign3A_86 = arith.constant 0 : i32
        %sign3A_87 = arith.cmpi slt, %jit3A, %sign3A_86 : i32
        %sign3A_88 = arith.extui %sign3A_87 : i1 to i32
        %sign3A_89 = arith.subi %sign3A_85, %sign3A_88 : i32
        %ne3A = arith.cmpi ne, %sign3A_82, %sign3A_89 : i32
        %rem3A = arith.remsi %add3A_76, %jit3A : i32
        %ne3A_90 = arith.constant 0 : i32
        %ne3A_91 = arith.cmpi ne, %rem3A, %ne3A_90 : i32
        %and3A = arith.andi %ne3A, %ne3A_91 : i1
        %sub3A = arith.constant 1 : i32
        %sub3A_92 = arith.subi %div3A, %sub3A : i32
        %select_n3A = arith.select %and3A, %sub3A_92, %div3A : i32
        %broadcast_in_dim3A_93 = vector.broadcast %scan3A_73 : i32 to vector<16xi32>
        %scan3A_94 = arith.constant 0 : i32
        %scan3A_95 = arith.constant 0 : i32
        %scan3A_96 = arith.constant 64 : i32
        %scan3A_97 = arith.constant 0 : i32
        %scan3A_98 = arith.constant 0 : i32
        %scan3A_99 = arith.constant 8 : i32
        %scan3A_100 = arith.addi %scan3A_98, %scan3A_99 : i32
        %scan3A_101 = arith.constant 1 : i32
        %scan3A_102:4 = scf.for %scan3A_128 = %scan3A_98 to %scan3A_100 step %scan3A_101 iter_args(%scan3A_129 = %scan3A_94, %scan3A_130 = %scan3A_95, %scan3A_131 = %scan3A_96, %scan3A_132 = %scan3A_97) -> (i32, i32, i32, i32)  : i32 {
          %mul3A_133 = arith.constant 4 : i32
          %mul3A_134 = arith.muli %mul3A_133, %scan3A_128 : i32
          %sub3A_135 = arith.constant 28 : i32
          %sub3A_136 = arith.subi %sub3A_135, %mul3A_134 : i32
          %broadcast_in_dim3A_137 = vector.broadcast %sub3A_136 : i32 to vector<16xi32>
          %eq3A = arith.constant 0 : i32
          %eq3A_138 = arith.cmpi eq, %scan3A_128, %eq3A : i32
          %jit3A_139 = arith.constant 8 : i32
          %jit3A_140 = arith.constant 0 : i32
          %select_n3A_141 = arith.select %eq3A_138, %jit3A_139, %jit3A_140 : i32
          %swap3A_142 = arith.constant 0 : index
          %swap3A_143 = tpu.vector_load %arg11[%swap3A_142] {strides = array<i32>} : memref<256xi32, #tpu.memory_space<vmem>>, vector<16xi32>,
          tpu.vector_store %arg11[%swap3A_142], %broadcast_in_dim3A_3 {strides = array<i32>} : memref<256xi32, #tpu.memory_space<vmem>>, vector<16xi32>,
          %swap3A_144 = arith.constant 16 : index
          %swap3A_145 = tpu.vector_load %arg11[%swap3A_144] {strides = array<i32>} : memref<256xi32, #tpu.memory_space<vmem>>, vector<16xi32>,
          tpu.vector_store %arg11[%swap3A_144], %broadcast_in_dim3A_3 {strides = array<i32>} : memref<256xi32, #tpu.memory_space<vmem>>, vector<16xi32>,
          %swap3A_146 = arith.constant 32 : index
          %swap3A_147 = tpu.vector_load %arg11[%swap3A_146] {strides = array<i32>} : memref<256xi32, #tpu.memory_space<vmem>>, vector<16xi32>,
          tpu.vector_store %arg11[%swap3A_146], %broadcast_in_dim3A_3 {strides = array<i32>} : memref<256xi32, #tpu.memory_space<vmem>>, vector<16xi32>,
          %swap3A_148 = arith.constant 48 : index
          %swap3A_149 = tpu.vector_load %arg11[%swap3A_148] {strides = array<i32>} : memref<256xi32, #tpu.memory_space<vmem>>, vector<16xi32>,
          tpu.vector_store %arg11[%swap3A_148], %broadcast_in_dim3A_3 {strides = array<i32>} : memref<256xi32, #tpu.memory_space<vmem>>, vector<16xi32>,
          %swap3A_150 = arith.constant 64 : index
          %swap3A_151 = tpu.vector_load %arg11[%swap3A_150] {strides = array<i32>} : memref<256xi32, #tpu.memory_space<vmem>>, vector<16xi32>,
          tpu.vector_store %arg11[%swap3A_150], %broadcast_in_dim3A_3 {strides = array<i32>} : memref<256xi32, #tpu.memory_space<vmem>>, vector<16xi32>,
          %swap3A_152 = arith.constant 80 : index
          %swap3A_153 = tpu.vector_load %arg11[%swap3A_152] {strides = array<i32>} : memref<256xi32, #tpu.memory_space<vmem>>, vector<16xi32>,
          tpu.vector_store %arg11[%swap3A_152], %broadcast_in_dim3A_3 {strides = array<i32>} : memref<256xi32, #tpu.memory_space<vmem>>, vector<16xi32>,
          %swap3A_154 = arith.constant 96 : index
          %swap3A_155 = tpu.vector_load %arg11[%swap3A_154] {strides = array<i32>} : memref<256xi32, #tpu.memory_space<vmem>>, vector<16xi32>,
          tpu.vector_store %arg11[%swap3A_154], %broadcast_in_dim3A_3 {strides = array<i32>} : memref<256xi32, #tpu.memory_space<vmem>>, vector<16xi32>,
          %swap3A_156 = arith.constant 112 : index
          %swap3A_157 = tpu.vector_load %arg11[%swap3A_156] {strides = array<i32>} : memref<256xi32, #tpu.memory_space<vmem>>, vector<16xi32>,
          tpu.vector_store %arg11[%swap3A_156], %broadcast_in_dim3A_3 {strides = array<i32>} : memref<256xi32, #tpu.memory_space<vmem>>, vector<16xi32>,
          %swap3A_158 = arith.constant 128 : index
          %swap3A_159 = tpu.vector_load %arg11[%swap3A_158] {strides = array<i32>} : memref<256xi32, #tpu.memory_space<vmem>>, vector<16xi32>,
          tpu.vector_store %arg11[%swap3A_158], %broadcast_in_dim3A_3 {strides = array<i32>} : memref<256xi32, #tpu.memory_space<vmem>>, vector<16xi32>,
          %swap3A_160 = arith.constant 144 : index
          %swap3A_161 = tpu.vector_load %arg11[%swap3A_160] {strides = array<i32>} : memref<256xi32, #tpu.memory_space<vmem>>, vector<16xi32>,
          tpu.vector_store %arg11[%swap3A_160], %broadcast_in_dim3A_3 {strides = array<i32>} : memref<256xi32, #tpu.memory_space<vmem>>, vector<16xi32>,
          %swap3A_162 = arith.constant 160 : index
          %swap3A_163 = tpu.vector_load %arg11[%swap3A_162] {strides = array<i32>} : memref<256xi32, #tpu.memory_space<vmem>>, vector<16xi32>,
          tpu.vector_store %arg11[%swap3A_162], %broadcast_in_dim3A_3 {strides = array<i32>} : memref<256xi32, #tpu.memory_space<vmem>>, vector<16xi32>,
          %swap3A_164 = arith.constant 176 : index
          %swap3A_165 = tpu.vector_load %arg11[%swap3A_164] {strides = array<i32>} : memref<256xi32, #tpu.memory_space<vmem>>, vector<16xi32>,
          tpu.vector_store %arg11[%swap3A_164], %broadcast_in_dim3A_3 {strides = array<i32>} : memref<256xi32, #tpu.memory_space<vmem>>, vector<16xi32>,
          %swap3A_166 = arith.constant 192 : index
          %swap3A_167 = tpu.vector_load %arg11[%swap3A_166] {strides = array<i32>} : memref<256xi32, #tpu.memory_space<vmem>>, vector<16xi32>,
          tpu.vector_store %arg11[%swap3A_166], %broadcast_in_dim3A_3 {strides = array<i32>} : memref<256xi32, #tpu.memory_space<vmem>>, vector<16xi32>,
          %swap3A_168 = arith.constant 208 : index
          %swap3A_169 = tpu.vector_load %arg11[%swap3A_168] {strides = array<i32>} : memref<256xi32, #tpu.memory_space<vmem>>, vector<16xi32>,
          tpu.vector_store %arg11[%swap3A_168], %broadcast_in_dim3A_3 {strides = array<i32>} : memref<256xi32, #tpu.memory_space<vmem>>, vector<16xi32>,
          %swap3A_170 = arith.constant 224 : index
          %swap3A_171 = tpu.vector_load %arg11[%swap3A_170] {strides = array<i32>} : memref<256xi32, #tpu.memory_space<vmem>>, vector<16xi32>,
          tpu.vector_store %arg11[%swap3A_170], %broadcast_in_dim3A_3 {strides = array<i32>} : memref<256xi32, #tpu.memory_space<vmem>>, vector<16xi32>,
          %swap3A_172 = arith.constant 240 : index
          %swap3A_173 = tpu.vector_load %arg11[%swap3A_172] {strides = array<i32>} : memref<256xi32, #tpu.memory_space<vmem>>, vector<16xi32>,
          tpu.vector_store %arg11[%swap3A_172], %broadcast_in_dim3A_3 {strides = array<i32>} : memref<256xi32, #tpu.memory_space<vmem>>, vector<16xi32>,
          %while3A_174 = arith.constant 0 : i32
          %while3A_175 = arith.constant 0 : i32
          %while3A_176 = arith.subi %select_n3A, %while3A_174 : i32
          %while3A_177 = arith.addi %while3A_174, %while3A_176 : i32
          %while3A_178 = arith.constant 1 : i32
          %while3A_179 = arith.divsi %while3A_176, %while3A_178 : i32
          %while3A_180 = arith.muli %while3A_179, %while3A_178 : i32
          %while3A_181 = arith.addi %while3A_174, %while3A_180 : i32
          %while3A_182 = arith.constant 1 : i32
          %while3A_183 = scf.for %while3A_250 = %while3A_174 to %while3A_181 step %while3A_182 iter_args(%while3A_251 = %while3A_175) -> (i32)  : i32 {
            %mul3A_252 = arith.constant 16 : i32
            %mul3A_253 = arith.muli %while3A_250, %mul3A_252 : i32
            %get3A_254 = arith.index_cast %scan3A_63 : i32 to index
            %get3A_255 = arith.index_cast %mul3A_253 : i32 to index
            %get3A_256 = tpu.vector_load %arg9[%get3A_254, %get3A_255] {strides = array<i32>} : memref<8x896xi32, #tpu.memory_space<vmem>>, vector<16xi32>,
            %mul3A_257 = arith.constant 16 : i32
            %mul3A_258 = arith.muli %while3A_250, %mul3A_257 : i32
            %add3A_259 = vector.broadcast %mul3A_258 : i32 to vector<16xi32>
            %add3A_260 = arith.addi %iota3A, %add3A_259 : vector<16xi32>
            %lt3A_261 = arith.cmpi slt, %add3A_260, %broadcast_in_dim3A_93 : vector<16xi32>
            %broadcast_in_dim3A_262 = vector.broadcast %scan3A_130 : i32 to vector<16xi32>
            %and3A_263 = arith.andi %get3A_256, %broadcast_in_dim3A_262 : vector<16xi32>
            %broadcast_in_dim3A_264 = vector.broadcast %scan3A_129 : i32 to vector<16xi32>
            %eq3A_265 = arith.cmpi eq, %and3A_263, %broadcast_in_dim3A_264 : vector<16xi32>
            %and3A_266 = arith.andi %lt3A_261, %eq3A_265 : vector<16xi1>
            %shift_right_arithmetic3A_267 = arith.shrsi %get3A_256, %broadcast_in_dim3A_137 : vector<16xi32>
            %broadcast_in_dim3A_268 = arith.constant 15 : i32
            %broadcast_in_dim3A_269 = vector.broadcast %broadcast_in_dim3A_268 : i32 to vector<16xi32>
            %and3A_270 = arith.andi %shift_right_arithmetic3A_267, %broadcast_in_dim3A_269 : vector<16xi32>
            %broadcast_in_dim3A_271 = vector.broadcast %select_n3A_141 : i32 to vector<16xi32>
            %xor3A_272 = arith.xori %and3A_270, %broadcast_in_dim3A_271 : vector<16xi32>
            %mul3A_273 = arith.constant 16 : i32
            %mul3A_274 = vector.broadcast %mul3A_273 : i32 to vector<16xi32>
            %mul3A_275 = arith.muli %iota3A, %mul3A_274 : vector<16xi32>
            %add3A_276 = arith.addi %mul3A_275, %xor3A_272 : vector<16xi32>
            %jit3A_277 = arith.constant 1 : i32
            %jit3A_278 = arith.constant 0 : i32
            %broadcast_in_dim3A_279 = vector.broadcast %jit3A_277 : i32 to vector<16xi32>
            %broadcast_in_dim3A_280 = vector.broadcast %jit3A_278 : i32 to vector<16xi32>
            %select_n3A_281 = arith.select %and3A_266, %broadcast_in_dim3A_279, %broadcast_in_dim3A_280 : vector<16xi1>, vector<16xi32>
            tpu.vector_store_idx %arg11[%add3A_276], %select_n3A_281 {add = true} : memref<256xi32, #tpu.memory_space<vmem>>[vector<16xi32>], vector<16xi32>,
            %while3A_282 = arith.constant 0 : i32
            scf.yield %while3A_282 : i32
          }
          %while3A_184 = arith.constant 1 : i32
          %while3A_185 = scf.for %while3A_250 = %while3A_181 to %while3A_177 step %while3A_184 iter_args(%while3A_251 = %while3A_183) -> (i32)  : i32 {
            %mul3A_252 = arith.constant 16 : i32
            %mul3A_253 = arith.muli %while3A_250, %mul3A_252 : i32
            %get3A_254 = arith.index_cast %scan3A_63 : i32 to index
            %get3A_255 = arith.index_cast %mul3A_253 : i32 to index
            %get3A_256 = tpu.vector_load %arg9[%get3A_254, %get3A_255] {strides = array<i32>} : memref<8x896xi32, #tpu.memory_space<vmem>>, vector<16xi32>,
            %mul3A_257 = arith.constant 16 : i32
            %mul3A_258 = arith.muli %while3A_250, %mul3A_257 : i32
            %add3A_259 = vector.broadcast %mul3A_258 : i32 to vector<16xi32>
            %add3A_260 = arith.addi %iota3A, %add3A_259 : vector<16xi32>
            %lt3A_261 = arith.cmpi slt, %add3A_260, %broadcast_in_dim3A_93 : vector<16xi32>
            %broadcast_in_dim3A_262 = vector.broadcast %scan3A_130 : i32 to vector<16xi32>
            %and3A_263 = arith.andi %get3A_256, %broadcast_in_dim3A_262 : vector<16xi32>
            %broadcast_in_dim3A_264 = vector.broadcast %scan3A_129 : i32 to vector<16xi32>
            %eq3A_265 = arith.cmpi eq, %and3A_263, %broadcast_in_dim3A_264 : vector<16xi32>
            %and3A_266 = arith.andi %lt3A_261, %eq3A_265 : vector<16xi1>
            %shift_right_arithmetic3A_267 = arith.shrsi %get3A_256, %broadcast_in_dim3A_137 : vector<16xi32>
            %broadcast_in_dim3A_268 = arith.constant 15 : i32
            %broadcast_in_dim3A_269 = vector.broadcast %broadcast_in_dim3A_268 : i32 to vector<16xi32>
            %and3A_270 = arith.andi %shift_right_arithmetic3A_267, %broadcast_in_dim3A_269 : vector<16xi32>
            %broadcast_in_dim3A_271 = vector.broadcast %select_n3A_141 : i32 to vector<16xi32>
            %xor3A_272 = arith.xori %and3A_270, %broadcast_in_dim3A_271 : vector<16xi32>
            %mul3A_273 = arith.constant 16 : i32
            %mul3A_274 = vector.broadcast %mul3A_273 : i32 to vector<16xi32>
            %mul3A_275 = arith.muli %iota3A, %mul3A_274 : vector<16xi32>
            %add3A_276 = arith.addi %mul3A_275, %xor3A_272 : vector<16xi32>
            %jit3A_277 = arith.constant 1 : i32
            %jit3A_278 = arith.constant 0 : i32
            %broadcast_in_dim3A_279 = vector.broadcast %jit3A_277 : i32 to vector<16xi32>
            %broadcast_in_dim3A_280 = vector.broadcast %jit3A_278 : i32 to vector<16xi32>
            %select_n3A_281 = arith.select %and3A_266, %broadcast_in_dim3A_279, %broadcast_in_dim3A_280 : vector<16xi1>, vector<16xi32>
            tpu.vector_store_idx %arg11[%add3A_276], %select_n3A_281 {add = true} : memref<256xi32, #tpu.memory_space<vmem>>[vector<16xi32>], vector<16xi32>,
            %while3A_282 = arith.constant 0 : i32
            scf.yield %while3A_282 : i32
          }
          %get3A = arith.constant 0 : index
          %get3A_186 = tpu.vector_load %arg11[%get3A] {strides = array<i32>} : memref<256xi32, #tpu.memory_space<vmem>>, vector<16xi32>,
          %add3A_187 = arith.addi %broadcast_in_dim3A_3, %get3A_186 : vector<16xi32>
          %get3A_188 = arith.constant 16 : index
          %get3A_189 = tpu.vector_load %arg11[%get3A_188] {strides = array<i32>} : memref<256xi32, #tpu.memory_space<vmem>>, vector<16xi32>,
          %add3A_190 = arith.addi %add3A_187, %get3A_189 : vector<16xi32>
          %get3A_191 = arith.constant 32 : index
          %get3A_192 = tpu.vector_load %arg11[%get3A_191] {strides = array<i32>} : memref<256xi32, #tpu.memory_space<vmem>>, vector<16xi32>,
          %add3A_193 = arith.addi %add3A_190, %get3A_192 : vector<16xi32>
          %get3A_194 = arith.constant 48 : index
          %get3A_195 = tpu.vector_load %arg11[%get3A_194] {strides = array<i32>} : memref<256xi32, #tpu.memory_space<vmem>>, vector<16xi32>,
          %add3A_196 = arith.addi %add3A_193, %get3A_195 : vector<16xi32>
          %get3A_197 = arith.constant 64 : index
          %get3A_198 = tpu.vector_load %arg11[%get3A_197] {strides = array<i32>} : memref<256xi32, #tpu.memory_space<vmem>>, vector<16xi32>,
          %add3A_199 = arith.addi %add3A_196, %get3A_198 : vector<16xi32>
          %get3A_200 = arith.constant 80 : index
          %get3A_201 = tpu.vector_load %arg11[%get3A_200] {strides = array<i32>} : memref<256xi32, #tpu.memory_space<vmem>>, vector<16xi32>,
          %add3A_202 = arith.addi %add3A_199, %get3A_201 : vector<16xi32>
          %get3A_203 = arith.constant 96 : index
          %get3A_204 = tpu.vector_load %arg11[%get3A_203] {strides = array<i32>} : memref<256xi32, #tpu.memory_space<vmem>>, vector<16xi32>,
          %add3A_205 = arith.addi %add3A_202, %get3A_204 : vector<16xi32>
          %get3A_206 = arith.constant 112 : index
          %get3A_207 = tpu.vector_load %arg11[%get3A_206] {strides = array<i32>} : memref<256xi32, #tpu.memory_space<vmem>>, vector<16xi32>,
          %add3A_208 = arith.addi %add3A_205, %get3A_207 : vector<16xi32>
          %get3A_209 = arith.constant 128 : index
          %get3A_210 = tpu.vector_load %arg11[%get3A_209] {strides = array<i32>} : memref<256xi32, #tpu.memory_space<vmem>>, vector<16xi32>,
          %add3A_211 = arith.addi %add3A_208, %get3A_210 : vector<16xi32>
          %get3A_212 = arith.constant 144 : index
          %get3A_213 = tpu.vector_load %arg11[%get3A_212] {strides = array<i32>} : memref<256xi32, #tpu.memory_space<vmem>>, vector<16xi32>,
          %add3A_214 = arith.addi %add3A_211, %get3A_213 : vector<16xi32>
          %get3A_215 = arith.constant 160 : index
          %get3A_216 = tpu.vector_load %arg11[%get3A_215] {strides = array<i32>} : memref<256xi32, #tpu.memory_space<vmem>>, vector<16xi32>,
          %add3A_217 = arith.addi %add3A_214, %get3A_216 : vector<16xi32>
          %get3A_218 = arith.constant 176 : index
          %get3A_219 = tpu.vector_load %arg11[%get3A_218] {strides = array<i32>} : memref<256xi32, #tpu.memory_space<vmem>>, vector<16xi32>,
          %add3A_220 = arith.addi %add3A_217, %get3A_219 : vector<16xi32>
          %get3A_221 = arith.constant 192 : index
          %get3A_222 = tpu.vector_load %arg11[%get3A_221] {strides = array<i32>} : memref<256xi32, #tpu.memory_space<vmem>>, vector<16xi32>,
          %add3A_223 = arith.addi %add3A_220, %get3A_222 : vector<16xi32>
          %get3A_224 = arith.constant 208 : index
          %get3A_225 = tpu.vector_load %arg11[%get3A_224] {strides = array<i32>} : memref<256xi32, #tpu.memory_space<vmem>>, vector<16xi32>,
          %add3A_226 = arith.addi %add3A_223, %get3A_225 : vector<16xi32>
          %get3A_227 = arith.constant 224 : index
          %get3A_228 = tpu.vector_load %arg11[%get3A_227] {strides = array<i32>} : memref<256xi32, #tpu.memory_space<vmem>>, vector<16xi32>,
          %add3A_229 = arith.addi %add3A_226, %get3A_228 : vector<16xi32>
          %get3A_230 = arith.constant 240 : index
          %get3A_231 = tpu.vector_load %arg11[%get3A_230] {strides = array<i32>} : memref<256xi32, #tpu.memory_space<vmem>>, vector<16xi32>,
          %add3A_232 = arith.addi %add3A_229, %get3A_231 : vector<16xi32>
          %broadcast_in_dim3A_233 = arith.constant true
          %broadcast_in_dim3A_234 = vector.broadcast %broadcast_in_dim3A_233 : i1 to vector<16xi1>
          %masked_cumsum3A = tpu.scan <sum>, %add3A_232 masked %broadcast_in_dim3A_234 : vector<16xi32>, vector<16xi1> -> vector<16xi32>
          %broadcast_in_dim3A_235 = vector.broadcast %scan3A_131 : i32 to vector<16xi32>
          %ge3A = arith.cmpi sge, %masked_cumsum3A, %broadcast_in_dim3A_235 : vector<16xi32>
          %all_reduce_ffs3A = tpu.all_reduce %ge3A {dim = 0 : i64, kind = #tpu.reduction_kind<find_first_set>} : vector<16xi1> -> vector<16xi32>
          %lt3A = arith.cmpi slt, %iota3A, %all_reduce_ffs3A : vector<16xi32>
          %jit3A_236 = arith.constant 0 : i32
          %broadcast_in_dim3A_237 = vector.broadcast %jit3A_236 : i32 to vector<16xi32>
          %select_n3A_238 = arith.select %lt3A, %add3A_232, %broadcast_in_dim3A_237 : vector<16xi1>, vector<16xi32>
          %reduce_sum3A = arith.constant true
          %reduce_sum3A_239 = vector.broadcast %reduce_sum3A : i1 to vector<16xi1>
          %reduce_sum3A_240 = tpu.scan <sum>, %select_n3A_238 masked %reduce_sum3A_239 : vector<16xi32>, vector<16xi1> -> vector<16xi32>
          %reduce_sum3A_241 = vector.extract %reduce_sum3A_240[15] : i32 from vector<16xi32>
          %slice3A_242 = vector.extract_strided_slice %all_reduce_ffs3A {offsets = [0], sizes = [1], strides = [1]} : vector<16xi32> to vector<1xi32>
          %squeeze3A_243 = vector.extract %slice3A_242[0] : i32 from vector<1xi32>
          %xor3A_244 = arith.xori %squeeze3A_243, %select_n3A_141 : i32
          %shift_left3A = arith.shli %xor3A_244, %sub3A_136 : i32
          %or3A = arith.ori %scan3A_129, %shift_left3A : i32
          %shift_left3A_245 = arith.constant 15 : i32
          %shift_left3A_246 = arith.shli %shift_left3A_245, %sub3A_136 : i32
          %or3A_247 = arith.ori %scan3A_130, %shift_left3A_246 : i32
          %sub3A_248 = arith.subi %scan3A_131, %reduce_sum3A_241 : i32
          %add3A_249 = arith.addi %scan3A_132, %reduce_sum3A_241 : i32
          scf.yield %or3A, %or3A_247, %sub3A_248, %add3A_249 : i32, i32, i32, i32
        }
        %scan3A_103 = arith.constant 8 : i32
        %broadcast_in_dim3A_104 = vector.broadcast %scan3A_102#0 : i32 to vector<16xi32>
        %broadcast_in_dim3A_105 = vector.broadcast %scan3A_102#2 : i32 to vector<16xi32>
        %while3A = arith.constant 0 : i32
        %while3A_106 = arith.constant 0 : i32
        %while3A_107 = arith.constant 0 : i32
        %while3A_108 = arith.subi %select_n3A, %while3A : i32
        %while3A_109 = arith.addi %while3A, %while3A_108 : i32
        %while3A_110 = arith.constant 1 : i32
        %while3A_111 = arith.divsi %while3A_108, %while3A_110 : i32
        %while3A_112 = arith.muli %while3A_111, %while3A_110 : i32
        %while3A_113 = arith.addi %while3A, %while3A_112 : i32
        %while3A_114 = arith.constant 1 : i32
        %while3A_115:2 = scf.for %while3A_128 = %while3A to %while3A_113 step %while3A_114 iter_args(%while3A_129 = %while3A_106, %while3A_130 = %while3A_107) -> (i32, i32)  : i32 {
          %mul3A_131 = arith.constant 16 : i32
          %mul3A_132 = arith.muli %while3A_128, %mul3A_131 : i32
          %get3A = arith.index_cast %scan3A_63 : i32 to index
          %get3A_133 = arith.index_cast %mul3A_132 : i32 to index
          %get3A_134 = tpu.vector_load %arg9[%get3A, %get3A_133] {strides = array<i32>} : memref<8x896xi32, #tpu.memory_space<vmem>>, vector<16xi32>,
          %mul3A_135 = arith.constant 16 : i32
          %mul3A_136 = arith.muli %while3A_128, %mul3A_135 : i32
          %get3A_137 = arith.index_cast %scan3A_63 : i32 to index
          %get3A_138 = arith.index_cast %mul3A_136 : i32 to index
          %get3A_139 = tpu.vector_load %arg10[%get3A_137, %get3A_138] {strides = array<i32>} : memref<8x896xi32, #tpu.memory_space<vmem>>, vector<16xi32>,
          %mul3A_140 = arith.constant 16 : i32
          %mul3A_141 = arith.muli %while3A_128, %mul3A_140 : i32
          %add3A_142 = vector.broadcast %mul3A_141 : i32 to vector<16xi32>
          %add3A_143 = arith.addi %iota3A, %add3A_142 : vector<16xi32>
          %lt3A = arith.cmpi slt, %add3A_143, %broadcast_in_dim3A_93 : vector<16xi32>
          %lt3A_144 = arith.cmpi slt, %get3A_134, %broadcast_in_dim3A_104 : vector<16xi32>
          %and3A_145 = arith.andi %lt3A_144, %lt3A : vector<16xi1>
          %eq3A = arith.cmpi eq, %get3A_134, %broadcast_in_dim3A_104 : vector<16xi32>
          %and3A_146 = arith.andi %eq3A, %lt3A : vector<16xi1>
          %jit3A_147 = arith.constant 1 : i32
          %jit3A_148 = arith.constant 0 : i32
          %broadcast_in_dim3A_149 = vector.broadcast %jit3A_147 : i32 to vector<16xi32>
          %broadcast_in_dim3A_150 = vector.broadcast %jit3A_148 : i32 to vector<16xi32>
          %select_n3A_151 = arith.select %and3A_146, %broadcast_in_dim3A_149, %broadcast_in_dim3A_150 : vector<16xi1>, vector<16xi32>
          %broadcast_in_dim3A_152 = vector.broadcast %while3A_130 : i32 to vector<16xi32>
          %broadcast_in_dim3A_153 = arith.constant true
          %broadcast_in_dim3A_154 = vector.broadcast %broadcast_in_dim3A_153 : i1 to vector<16xi1>
          %masked_cumsum3A = tpu.scan <sum>, %select_n3A_151 masked %broadcast_in_dim3A_154 : vector<16xi32>, vector<16xi1> -> vector<16xi32>
          %add3A_155 = arith.addi %broadcast_in_dim3A_152, %masked_cumsum3A : vector<16xi32>
          %sub3A_156 = arith.subi %add3A_155, %select_n3A_151 : vector<16xi32>
          %lt3A_157 = arith.cmpi slt, %sub3A_156, %broadcast_in_dim3A_105 : vector<16xi32>
          %and3A_158 = arith.andi %and3A_146, %lt3A_157 : vector<16xi1>
          %or3A = arith.ori %and3A_145, %and3A_158 : vector<16xi1>
          %jit3A_159 = arith.constant 1 : i32
          %jit3A_160 = arith.constant 0 : i32
          %broadcast_in_dim3A_161 = vector.broadcast %jit3A_159 : i32 to vector<16xi32>
          %broadcast_in_dim3A_162 = vector.broadcast %jit3A_160 : i32 to vector<16xi32>
          %select_n3A_163 = arith.select %or3A, %broadcast_in_dim3A_161, %broadcast_in_dim3A_162 : vector<16xi1>, vector<16xi32>
          %broadcast_in_dim3A_164 = vector.broadcast %while3A_129 : i32 to vector<16xi32>
          %broadcast_in_dim3A_165 = arith.constant true
          %broadcast_in_dim3A_166 = vector.broadcast %broadcast_in_dim3A_165 : i1 to vector<16xi1>
          %masked_cumsum3A_167 = tpu.scan <sum>, %select_n3A_163 masked %broadcast_in_dim3A_166 : vector<16xi32>, vector<16xi1> -> vector<16xi32>
          %add3A_168 = arith.addi %broadcast_in_dim3A_164, %masked_cumsum3A_167 : vector<16xi32>
          %sub3A_169 = arith.subi %add3A_168, %select_n3A_163 : vector<16xi32>
          %broadcast_in_dim3A_170 = vector.broadcast %scan3A_63 : i32 to vector<16xi32>
          tpu.vector_store_idx %arg9[%broadcast_in_dim3A_170, %sub3A_169], %get3A_134 masked %or3A : memref<8x896xi32, #tpu.memory_space<vmem>>[vector<16xi32>, vector<16xi32>], vector<16xi32>, vector<16xi1>
          tpu.vector_store_idx %arg10[%broadcast_in_dim3A_170, %sub3A_169], %get3A_139 masked %or3A : memref<8x896xi32, #tpu.memory_space<vmem>>[vector<16xi32>, vector<16xi32>], vector<16xi32>, vector<16xi1>
          %all_reduce_population_count3A = tpu.all_reduce %or3A {dim = 0 : i64, kind = #tpu.reduction_kind<sum>} : vector<16xi1> -> vector<16xi32>
          %slice3A_171 = vector.extract_strided_slice %all_reduce_population_count3A {offsets = [0], sizes = [1], strides = [1]} : vector<16xi32> to vector<1xi32>
          %squeeze3A_172 = vector.extract %slice3A_171[0] : i32 from vector<1xi32>
          %add3A_173 = arith.addi %while3A_129, %squeeze3A_172 : i32
          %all_reduce_population_count3A_174 = tpu.all_reduce %and3A_146 {dim = 0 : i64, kind = #tpu.reduction_kind<sum>} : vector<16xi1> -> vector<16xi32>
          %slice3A_175 = vector.extract_strided_slice %all_reduce_population_count3A_174 {offsets = [0], sizes = [1], strides = [1]} : vector<16xi32> to vector<1xi32>
          %squeeze3A_176 = vector.extract %slice3A_175[0] : i32 from vector<1xi32>
          %add3A_177 = arith.addi %while3A_130, %squeeze3A_176 : i32
          scf.yield %add3A_173, %add3A_177 : i32, i32
        }
        %while3A_116 = arith.constant 1 : i32
        %while3A_117:2 = scf.for %while3A_128 = %while3A_113 to %while3A_109 step %while3A_116 iter_args(%while3A_129 = %while3A_115#0, %while3A_130 = %while3A_115#1) -> (i32, i32)  : i32 {
          %mul3A_131 = arith.constant 16 : i32
          %mul3A_132 = arith.muli %while3A_128, %mul3A_131 : i32
          %get3A = arith.index_cast %scan3A_63 : i32 to index
          %get3A_133 = arith.index_cast %mul3A_132 : i32 to index
          %get3A_134 = tpu.vector_load %arg9[%get3A, %get3A_133] {strides = array<i32>} : memref<8x896xi32, #tpu.memory_space<vmem>>, vector<16xi32>,
          %mul3A_135 = arith.constant 16 : i32
          %mul3A_136 = arith.muli %while3A_128, %mul3A_135 : i32
          %get3A_137 = arith.index_cast %scan3A_63 : i32 to index
          %get3A_138 = arith.index_cast %mul3A_136 : i32 to index
          %get3A_139 = tpu.vector_load %arg10[%get3A_137, %get3A_138] {strides = array<i32>} : memref<8x896xi32, #tpu.memory_space<vmem>>, vector<16xi32>,
          %mul3A_140 = arith.constant 16 : i32
          %mul3A_141 = arith.muli %while3A_128, %mul3A_140 : i32
          %add3A_142 = vector.broadcast %mul3A_141 : i32 to vector<16xi32>
          %add3A_143 = arith.addi %iota3A, %add3A_142 : vector<16xi32>
          %lt3A = arith.cmpi slt, %add3A_143, %broadcast_in_dim3A_93 : vector<16xi32>
          %lt3A_144 = arith.cmpi slt, %get3A_134, %broadcast_in_dim3A_104 : vector<16xi32>
          %and3A_145 = arith.andi %lt3A_144, %lt3A : vector<16xi1>
          %eq3A = arith.cmpi eq, %get3A_134, %broadcast_in_dim3A_104 : vector<16xi32>
          %and3A_146 = arith.andi %eq3A, %lt3A : vector<16xi1>
          %jit3A_147 = arith.constant 1 : i32
          %jit3A_148 = arith.constant 0 : i32
          %broadcast_in_dim3A_149 = vector.broadcast %jit3A_147 : i32 to vector<16xi32>
          %broadcast_in_dim3A_150 = vector.broadcast %jit3A_148 : i32 to vector<16xi32>
          %select_n3A_151 = arith.select %and3A_146, %broadcast_in_dim3A_149, %broadcast_in_dim3A_150 : vector<16xi1>, vector<16xi32>
          %broadcast_in_dim3A_152 = vector.broadcast %while3A_130 : i32 to vector<16xi32>
          %broadcast_in_dim3A_153 = arith.constant true
          %broadcast_in_dim3A_154 = vector.broadcast %broadcast_in_dim3A_153 : i1 to vector<16xi1>
          %masked_cumsum3A = tpu.scan <sum>, %select_n3A_151 masked %broadcast_in_dim3A_154 : vector<16xi32>, vector<16xi1> -> vector<16xi32>
          %add3A_155 = arith.addi %broadcast_in_dim3A_152, %masked_cumsum3A : vector<16xi32>
          %sub3A_156 = arith.subi %add3A_155, %select_n3A_151 : vector<16xi32>
          %lt3A_157 = arith.cmpi slt, %sub3A_156, %broadcast_in_dim3A_105 : vector<16xi32>
          %and3A_158 = arith.andi %and3A_146, %lt3A_157 : vector<16xi1>
          %or3A = arith.ori %and3A_145, %and3A_158 : vector<16xi1>
          %jit3A_159 = arith.constant 1 : i32
          %jit3A_160 = arith.constant 0 : i32
          %broadcast_in_dim3A_161 = vector.broadcast %jit3A_159 : i32 to vector<16xi32>
          %broadcast_in_dim3A_162 = vector.broadcast %jit3A_160 : i32 to vector<16xi32>
          %select_n3A_163 = arith.select %or3A, %broadcast_in_dim3A_161, %broadcast_in_dim3A_162 : vector<16xi1>, vector<16xi32>
          %broadcast_in_dim3A_164 = vector.broadcast %while3A_129 : i32 to vector<16xi32>
          %broadcast_in_dim3A_165 = arith.constant true
          %broadcast_in_dim3A_166 = vector.broadcast %broadcast_in_dim3A_165 : i1 to vector<16xi1>
          %masked_cumsum3A_167 = tpu.scan <sum>, %select_n3A_163 masked %broadcast_in_dim3A_166 : vector<16xi32>, vector<16xi1> -> vector<16xi32>
          %add3A_168 = arith.addi %broadcast_in_dim3A_164, %masked_cumsum3A_167 : vector<16xi32>
          %sub3A_169 = arith.subi %add3A_168, %select_n3A_163 : vector<16xi32>
          %broadcast_in_dim3A_170 = vector.broadcast %scan3A_63 : i32 to vector<16xi32>
          tpu.vector_store_idx %arg9[%broadcast_in_dim3A_170, %sub3A_169], %get3A_134 masked %or3A : memref<8x896xi32, #tpu.memory_space<vmem>>[vector<16xi32>, vector<16xi32>], vector<16xi32>, vector<16xi1>
          tpu.vector_store_idx %arg10[%broadcast_in_dim3A_170, %sub3A_169], %get3A_139 masked %or3A : memref<8x896xi32, #tpu.memory_space<vmem>>[vector<16xi32>, vector<16xi32>], vector<16xi32>, vector<16xi1>
          %all_reduce_population_count3A = tpu.all_reduce %or3A {dim = 0 : i64, kind = #tpu.reduction_kind<sum>} : vector<16xi1> -> vector<16xi32>
          %slice3A_171 = vector.extract_strided_slice %all_reduce_population_count3A {offsets = [0], sizes = [1], strides = [1]} : vector<16xi32> to vector<1xi32>
          %squeeze3A_172 = vector.extract %slice3A_171[0] : i32 from vector<1xi32>
          %add3A_173 = arith.addi %while3A_129, %squeeze3A_172 : i32
          %all_reduce_population_count3A_174 = tpu.all_reduce %and3A_146 {dim = 0 : i64, kind = #tpu.reduction_kind<sum>} : vector<16xi1> -> vector<16xi32>
          %slice3A_175 = vector.extract_strided_slice %all_reduce_population_count3A_174 {offsets = [0], sizes = [1], strides = [1]} : vector<16xi32> to vector<1xi32>
          %squeeze3A_176 = vector.extract %slice3A_175[0] : i32 from vector<1xi32>
          %add3A_177 = arith.addi %while3A_130, %squeeze3A_176 : i32
          scf.yield %add3A_173, %add3A_177 : i32, i32
        }
        %shift_right_arithmetic3A = arith.constant 31 : i32
        %shift_right_arithmetic3A_118 = vector.broadcast %shift_right_arithmetic3A : i32 to vector<16xi32>
        %shift_right_arithmetic3A_119 = arith.shrsi %broadcast_in_dim3A_104, %shift_right_arithmetic3A_118 : vector<16xi32>
        %and3A_120 = arith.constant 2147483647 : i32
        %and3A_121 = vector.broadcast %and3A_120 : i32 to vector<16xi32>
        %and3A_122 = arith.andi %shift_right_arithmetic3A_119, %and3A_121 : vector<16xi32>
        %xor3A = arith.xori %broadcast_in_dim3A_104, %and3A_122 : vector<16xi32>
        %bitcast_convert_type3A = tpu.bitcast %xor3A : vector<16xi32> -> vector<16xf32>
        %slice3A = vector.extract_strided_slice %bitcast_convert_type3A {offsets = [0], sizes = [1], strides = [1]} : vector<16xf32> to vector<1xf32>
        %squeeze3A = vector.extract %slice3A[0] : f32 from vector<1xf32>
        %swap3A = arith.constant 64 : i32
        %swap3A_123 = arith.index_cast %scan3A_63 : i32 to index
        %swap3A_124 = memref.load %arg13[%swap3A_123] : memref<8xi32, #tpu.memory_space<smem>>
        memref.store %swap3A, %arg13[%swap3A_123] : memref<8xi32, #tpu.memory_space<smem>>
        %swap3A_125 = arith.index_cast %scan3A_63 : i32 to index
        %swap3A_126 = memref.load %arg14[%swap3A_125] : memref<8xf32, #tpu.memory_space<smem>>
        memref.store %squeeze3A, %arg14[%swap3A_125] : memref<8xf32, #tpu.memory_space<smem>>
        %scan3A_127 = arith.constant 0 : i32
        scf.yield %scan3A_127 : i32
      }
      %scan3A_47 = arith.constant 8 : i32
      %scan3A_48 = arith.constant 0 : i32
      %scan3A_49 = arith.constant 0 : i32
      %scan3A_50 = arith.constant 157 : i32
      %scan3A_51 = arith.addi %scan3A_49, %scan3A_50 : i32
      %scan3A_52 = arith.constant 1 : i32
      %scan3A_53 = scf.for %scan3A_63 = %scan3A_49 to %scan3A_51 step %scan3A_52 iter_args(%scan3A_64 = %scan3A_48) -> (i32)  : i32 {
        %and3A = arith.constant 1 : i32
        %and3A_65 = arith.andi %scan3A_63, %and3A : i32
        %gt3A = arith.constant 0 : i32
        %gt3A_66 = arith.cmpi sgt, %scan3A_63, %gt3A : i32
        %lt3A = arith.constant 156 : i32
        %lt3A_67 = arith.cmpi slt, %scan3A_63, %lt3A : i32
        %and3A_68 = arith.andi %gt3A_66, %lt3A_67 : i1
        %convert_element_type3A = arith.extui %and3A_68 : i1 to i32
        %cond3A = arith.constant 0 : i32
        %cond3A_69 = arith.cmpi ne, %convert_element_type3A, %cond3A : i32
        scf.if %cond3A_69 {
          %mul3A_96 = arith.constant 640 : i32
          %mul3A_97 = arith.muli %scan3A_63, %mul3A_96 : i32
          %multiple_of3A_98 = tpu.assume_multiple %mul3A_97, 128 : i32
          %dma_wait3A_99 = arith.constant 0 : i32
          %dma_wait3A_100 = arith.constant 0 : i32
          %dma_wait3A_101 = tpu.memref_slice %arg7[%and3A_65, %dma_wait3A_99, %dma_wait3A_100] : memref<2x8x640xf32, #tpu.memory_space<vmem>> -> memref<1x8x640xf32, #tpu.memory_space<vmem>>
          %dma_wait3A_102 = tpu.memref_squeeze %dma_wait3A_101 : memref<1x8x640xf32, #tpu.memory_space<vmem>> -> memref<8x640xf32, #tpu.memory_space<vmem>>
          %dma_wait3A_103 = tpu.memref_slice %arg2[%multiple_of3A, %multiple_of3A_98] : memref<1024x100000xf32, #tpu.memory_space<hbm>> -> memref<8x640xf32, #tpu.memory_space<hbm>>
          %dma_wait3A_104 = arith.constant 0 : i32
          %dma_wait3A_105 = arith.constant 0 : i32
          %dma_wait3A_106 = tpu.memref_slice %arg7[%and3A_65, %dma_wait3A_104, %dma_wait3A_105] : memref<2x8x640xf32, #tpu.memory_space<vmem>> -> memref<1x8x640xf32, #tpu.memory_space<vmem>>
          %dma_wait3A_107 = tpu.memref_squeeze %dma_wait3A_106 : memref<1x8x640xf32, #tpu.memory_space<vmem>> -> memref<8x640xf32, #tpu.memory_space<vmem>>
          %dma_wait3A_108 = tpu.memref_slice %arg2[%multiple_of3A, %multiple_of3A_98] : memref<1024x100000xf32, #tpu.memory_space<hbm>> -> memref<8x640xf32, #tpu.memory_space<hbm>>
          tpu.wait_dma2 semaphore(%arg15 : memref<!tpu.dma_semaphore, #tpu.memory_space<semaphore_mem>>) src(%dma_wait3A_108 : memref<8x640xf32, #tpu.memory_space<hbm>>) dst(%dma_wait3A_107 : memref<8x640xf32, #tpu.memory_space<vmem>>)
        } else {
        }
        %eq3A = arith.constant 156 : i32
        %eq3A_70 = arith.cmpi eq, %scan3A_63, %eq3A : i32
        %convert_element_type3A_71 = arith.extui %eq3A_70 : i1 to i32
        %cond3A_72 = arith.constant 0 : i32
        %cond3A_73 = arith.cmpi ne, %convert_element_type3A_71, %cond3A_72 : i32
        scf.if %cond3A_73 {
          %dma_wait3A_96 = arith.constant 0 : i32
          %dma_wait3A_97 = arith.constant 0 : i32
          %dma_wait3A_98 = tpu.memref_slice %arg8[%and3A_65, %dma_wait3A_96, %dma_wait3A_97] : memref<2x8x160xf32, #tpu.memory_space<vmem>> -> memref<1x8x160xf32, #tpu.memory_space<vmem>>
          %dma_wait3A_99 = tpu.memref_squeeze %dma_wait3A_98 : memref<1x8x160xf32, #tpu.memory_space<vmem>> -> memref<8x160xf32, #tpu.memory_space<vmem>>
          %dma_wait3A_100 = arith.constant 0 : i32
          %dma_wait3A_101 = tpu.memref_slice %arg3[%multiple_of3A, %dma_wait3A_100] : memref<1024x160xf32, #tpu.memory_space<hbm>> -> memref<8x160xf32, #tpu.memory_space<hbm>>
          %dma_wait3A_102 = arith.constant 0 : i32
          %dma_wait3A_103 = arith.constant 0 : i32
          %dma_wait3A_104 = tpu.memref_slice %arg8[%and3A_65, %dma_wait3A_102, %dma_wait3A_103] : memref<2x8x160xf32, #tpu.memory_space<vmem>> -> memref<1x8x160xf32, #tpu.memory_space<vmem>>
          %dma_wait3A_105 = tpu.memref_squeeze %dma_wait3A_104 : memref<1x8x160xf32, #tpu.memory_space<vmem>> -> memref<8x160xf32, #tpu.memory_space<vmem>>
          %dma_wait3A_106 = arith.constant 0 : i32
          %dma_wait3A_107 = tpu.memref_slice %arg3[%multiple_of3A, %dma_wait3A_106] : memref<1024x160xf32, #tpu.memory_space<hbm>> -> memref<8x160xf32, #tpu.memory_space<hbm>>
          tpu.wait_dma2 semaphore(%arg15 : memref<!tpu.dma_semaphore, #tpu.memory_space<semaphore_mem>>) src(%dma_wait3A_107 : memref<8x160xf32, #tpu.memory_space<hbm>>) dst(%dma_wait3A_105 : memref<8x160xf32, #tpu.memory_space<vmem>>)
        } else {
        }
        %add3A_74 = arith.constant 1 : i32
        %add3A_75 = arith.addi %scan3A_63, %add3A_74 : i32
        %lt3A_76 = arith.constant 156 : i32
        %lt3A_77 = arith.cmpi slt, %add3A_75, %lt3A_76 : i32
        %convert_element_type3A_78 = arith.extui %lt3A_77 : i1 to i32
        %cond3A_79 = arith.constant 0 : i32
        %cond3A_80 = arith.cmpi ne, %convert_element_type3A_78, %cond3A_79 : i32
        scf.if %cond3A_80 {
          %add3A_96 = arith.constant 1 : i32
          %add3A_97 = arith.addi %scan3A_63, %add3A_96 : i32
          %mul3A_98 = arith.constant 640 : i32
          %mul3A_99 = arith.muli %add3A_97, %mul3A_98 : i32
          %multiple_of3A_100 = tpu.assume_multiple %mul3A_99, 128 : i32
          %sub3A = arith.constant 1 : i32
          %sub3A_101 = arith.subi %sub3A, %and3A_65 : i32
          %dma_start3A_102 = arith.constant 0 : i32
          %dma_start3A_103 = arith.constant 0 : i32
          %dma_start3A_104 = tpu.memref_slice %arg7[%sub3A_101, %dma_start3A_102, %dma_start3A_103] : memref<2x8x640xf32, #tpu.memory_space<vmem>> -> memref<1x8x640xf32, #tpu.memory_space<vmem>>
          %dma_start3A_105 = tpu.memref_squeeze %dma_start3A_104 : memref<1x8x640xf32, #tpu.memory_space<vmem>> -> memref<8x640xf32, #tpu.memory_space<vmem>>
          %dma_start3A_106 = tpu.memref_slice %arg2[%multiple_of3A, %multiple_of3A_100] : memref<1024x100000xf32, #tpu.memory_space<hbm>> -> memref<8x640xf32, #tpu.memory_space<hbm>>
          %dma_start3A_107 = arith.constant 0 : i32
          %dma_start3A_108 = arith.constant 0 : i32
          %dma_start3A_109 = tpu.memref_slice %arg7[%sub3A_101, %dma_start3A_107, %dma_start3A_108] : memref<2x8x640xf32, #tpu.memory_space<vmem>> -> memref<1x8x640xf32, #tpu.memory_space<vmem>>
          %dma_start3A_110 = tpu.memref_squeeze %dma_start3A_109 : memref<1x8x640xf32, #tpu.memory_space<vmem>> -> memref<8x640xf32, #tpu.memory_space<vmem>>
          %dma_start3A_111 = tpu.memref_slice %arg2[%multiple_of3A, %multiple_of3A_100] : memref<1024x100000xf32, #tpu.memory_space<hbm>> -> memref<8x640xf32, #tpu.memory_space<hbm>>
          tpu.enqueue_dma source(%dma_start3A_111 : memref<8x640xf32, #tpu.memory_space<hbm>>) target(%dma_start3A_110 : memref<8x640xf32, #tpu.memory_space<vmem>>) target_semaphore(%arg15 : memref<!tpu.dma_semaphore, #tpu.memory_space<semaphore_mem>>)
        } else {
        }
        %add3A_81 = arith.constant 1 : i32
        %add3A_82 = arith.addi %scan3A_63, %add3A_81 : i32
        %eq3A_83 = arith.constant 156 : i32
        %eq3A_84 = arith.cmpi eq, %add3A_82, %eq3A_83 : i32
        %convert_element_type3A_85 = arith.extui %eq3A_84 : i1 to i32
        %cond3A_86 = arith.constant 0 : i32
        %cond3A_87 = arith.cmpi ne, %convert_element_type3A_85, %cond3A_86 : i32
        scf.if %cond3A_87 {
          %sub3A = arith.constant 1 : i32
          %sub3A_96 = arith.subi %sub3A, %and3A_65 : i32
          %dma_start3A_97 = arith.constant 0 : i32
          %dma_start3A_98 = arith.constant 0 : i32
          %dma_start3A_99 = tpu.memref_slice %arg8[%sub3A_96, %dma_start3A_97, %dma_start3A_98] : memref<2x8x160xf32, #tpu.memory_space<vmem>> -> memref<1x8x160xf32, #tpu.memory_space<vmem>>
          %dma_start3A_100 = tpu.memref_squeeze %dma_start3A_99 : memref<1x8x160xf32, #tpu.memory_space<vmem>> -> memref<8x160xf32, #tpu.memory_space<vmem>>
          %dma_start3A_101 = arith.constant 0 : i32
          %dma_start3A_102 = tpu.memref_slice %arg3[%multiple_of3A, %dma_start3A_101] : memref<1024x160xf32, #tpu.memory_space<hbm>> -> memref<8x160xf32, #tpu.memory_space<hbm>>
          %dma_start3A_103 = arith.constant 0 : i32
          %dma_start3A_104 = arith.constant 0 : i32
          %dma_start3A_105 = tpu.memref_slice %arg8[%sub3A_96, %dma_start3A_103, %dma_start3A_104] : memref<2x8x160xf32, #tpu.memory_space<vmem>> -> memref<1x8x160xf32, #tpu.memory_space<vmem>>
          %dma_start3A_106 = tpu.memref_squeeze %dma_start3A_105 : memref<1x8x160xf32, #tpu.memory_space<vmem>> -> memref<8x160xf32, #tpu.memory_space<vmem>>
          %dma_start3A_107 = arith.constant 0 : i32
          %dma_start3A_108 = tpu.memref_slice %arg3[%multiple_of3A, %dma_start3A_107] : memref<1024x160xf32, #tpu.memory_space<hbm>> -> memref<8x160xf32, #tpu.memory_space<hbm>>
          tpu.enqueue_dma source(%dma_start3A_108 : memref<8x160xf32, #tpu.memory_space<hbm>>) target(%dma_start3A_106 : memref<8x160xf32, #tpu.memory_space<vmem>>) target_semaphore(%arg15 : memref<!tpu.dma_semaphore, #tpu.memory_space<semaphore_mem>>)
        } else {
        }
        %scan3A_88 = arith.constant 0 : i32
        %scan3A_89 = arith.constant 0 : i32
        %scan3A_90 = arith.constant 8 : i32
        %scan3A_91 = arith.addi %scan3A_89, %scan3A_90 : i32
        %scan3A_92 = arith.constant 1 : i32
        %scan3A_93 = scf.for %scan3A_96 = %scan3A_89 to %scan3A_91 step %scan3A_92 iter_args(%scan3A_97 = %scan3A_88) -> (i32)  : i32 {
          %get3A = arith.index_cast %scan3A_96 : i32 to index
          %get3A_98 = memref.load %arg13[%get3A] : memref<8xi32, #tpu.memory_space<smem>>
          %get3A_99 = arith.index_cast %scan3A_96 : i32 to index
          %get3A_100 = memref.load %arg14[%get3A_99] : memref<8xf32, #tpu.memory_space<smem>>
          %ge3A = arith.constant 256 : i32
          %ge3A_101 = arith.cmpi sge, %get3A_98, %ge3A : i32
          %convert_element_type3A_102 = arith.extui %ge3A_101 : i1 to i32
          %cond3A_103 = arith.constant 0 : i32
          %cond3A_104 = arith.cmpi ne, %convert_element_type3A_102, %cond3A_103 : i32
          %cond3A_105:2 = scf.if %cond3A_104 -> (i32, f32) {
            %add3A_117 = arith.constant 15 : i32
            %add3A_118 = arith.addi %get3A_98, %add3A_117 : i32
            %jit3A = arith.constant 16 : i32
            %div3A = arith.divsi %add3A_118, %jit3A : i32
            %sign3A = arith.constant 0 : i32
            %sign3A_119 = arith.cmpi sgt, %add3A_118, %sign3A : i32
            %sign3A_120 = arith.extui %sign3A_119 : i1 to i32
            %sign3A_121 = arith.constant 0 : i32
            %sign3A_122 = arith.cmpi slt, %add3A_118, %sign3A_121 : i32
            %sign3A_123 = arith.extui %sign3A_122 : i1 to i32
            %sign3A_124 = arith.subi %sign3A_120, %sign3A_123 : i32
            %sign3A_125 = arith.constant 0 : i32
            %sign3A_126 = arith.cmpi sgt, %jit3A, %sign3A_125 : i32
            %sign3A_127 = arith.extui %sign3A_126 : i1 to i32
            %sign3A_128 = arith.constant 0 : i32
            %sign3A_129 = arith.cmpi slt, %jit3A, %sign3A_128 : i32
            %sign3A_130 = arith.extui %sign3A_129 : i1 to i32
            %sign3A_131 = arith.subi %sign3A_127, %sign3A_130 : i32
            %ne3A = arith.cmpi ne, %sign3A_124, %sign3A_131 : i32
            %rem3A = arith.remsi %add3A_118, %jit3A : i32
            %ne3A_132 = arith.constant 0 : i32
            %ne3A_133 = arith.cmpi ne, %rem3A, %ne3A_132 : i32
            %and3A_134 = arith.andi %ne3A, %ne3A_133 : i1
            %sub3A = arith.constant 1 : i32
            %sub3A_135 = arith.subi %div3A, %sub3A : i32
            %select_n3A = arith.select %and3A_134, %sub3A_135, %div3A : i32
            %broadcast_in_dim3A_136 = vector.broadcast %get3A_98 : i32 to vector<16xi32>
            %scan3A_137 = arith.constant 0 : i32
            %scan3A_138 = arith.constant 0 : i32
            %scan3A_139 = arith.constant 64 : i32
            %scan3A_140 = arith.constant 0 : i32
            %scan3A_141 = arith.constant 0 : i32
            %scan3A_142 = arith.constant 8 : i32
            %scan3A_143 = arith.addi %scan3A_141, %scan3A_142 : i32
            %scan3A_144 = arith.constant 1 : i32
            %scan3A_145:4 = scf.for %scan3A_167 = %scan3A_141 to %scan3A_143 step %scan3A_144 iter_args(%scan3A_168 = %scan3A_137, %scan3A_169 = %scan3A_138, %scan3A_170 = %scan3A_139, %scan3A_171 = %scan3A_140) -> (i32, i32, i32, i32)  : i32 {
              %mul3A_172 = arith.constant 4 : i32
              %mul3A_173 = arith.muli %mul3A_172, %scan3A_167 : i32
              %sub3A_174 = arith.constant 28 : i32
              %sub3A_175 = arith.subi %sub3A_174, %mul3A_173 : i32
              %broadcast_in_dim3A_176 = vector.broadcast %sub3A_175 : i32 to vector<16xi32>
              %eq3A_177 = arith.constant 0 : i32
              %eq3A_178 = arith.cmpi eq, %scan3A_167, %eq3A_177 : i32
              %jit3A_179 = arith.constant 8 : i32
              %jit3A_180 = arith.constant 0 : i32
              %select_n3A_181 = arith.select %eq3A_178, %jit3A_179, %jit3A_180 : i32
              %swap3A_182 = arith.constant 0 : index
              %swap3A_183 = tpu.vector_load %arg11[%swap3A_182] {strides = array<i32>} : memref<256xi32, #tpu.memory_space<vmem>>, vector<16xi32>,
              tpu.vector_store %arg11[%swap3A_182], %broadcast_in_dim3A_3 {strides = array<i32>} : memref<256xi32, #tpu.memory_space<vmem>>, vector<16xi32>,
              %swap3A_184 = arith.constant 16 : index
              %swap3A_185 = tpu.vector_load %arg11[%swap3A_184] {strides = array<i32>} : memref<256xi32, #tpu.memory_space<vmem>>, vector<16xi32>,
              tpu.vector_store %arg11[%swap3A_184], %broadcast_in_dim3A_3 {strides = array<i32>} : memref<256xi32, #tpu.memory_space<vmem>>, vector<16xi32>,
              %swap3A_186 = arith.constant 32 : index
              %swap3A_187 = tpu.vector_load %arg11[%swap3A_186] {strides = array<i32>} : memref<256xi32, #tpu.memory_space<vmem>>, vector<16xi32>,
              tpu.vector_store %arg11[%swap3A_186], %broadcast_in_dim3A_3 {strides = array<i32>} : memref<256xi32, #tpu.memory_space<vmem>>, vector<16xi32>,
              %swap3A_188 = arith.constant 48 : index
              %swap3A_189 = tpu.vector_load %arg11[%swap3A_188] {strides = array<i32>} : memref<256xi32, #tpu.memory_space<vmem>>, vector<16xi32>,
              tpu.vector_store %arg11[%swap3A_188], %broadcast_in_dim3A_3 {strides = array<i32>} : memref<256xi32, #tpu.memory_space<vmem>>, vector<16xi32>,
              %swap3A_190 = arith.constant 64 : index
              %swap3A_191 = tpu.vector_load %arg11[%swap3A_190] {strides = array<i32>} : memref<256xi32, #tpu.memory_space<vmem>>, vector<16xi32>,
              tpu.vector_store %arg11[%swap3A_190], %broadcast_in_dim3A_3 {strides = array<i32>} : memref<256xi32, #tpu.memory_space<vmem>>, vector<16xi32>,
              %swap3A_192 = arith.constant 80 : index
              %swap3A_193 = tpu.vector_load %arg11[%swap3A_192] {strides = array<i32>} : memref<256xi32, #tpu.memory_space<vmem>>, vector<16xi32>,
              tpu.vector_store %arg11[%swap3A_192], %broadcast_in_dim3A_3 {strides = array<i32>} : memref<256xi32, #tpu.memory_space<vmem>>, vector<16xi32>,
              %swap3A_194 = arith.constant 96 : index
              %swap3A_195 = tpu.vector_load %arg11[%swap3A_194] {strides = array<i32>} : memref<256xi32, #tpu.memory_space<vmem>>, vector<16xi32>,
              tpu.vector_store %arg11[%swap3A_194], %broadcast_in_dim3A_3 {strides = array<i32>} : memref<256xi32, #tpu.memory_space<vmem>>, vector<16xi32>,
              %swap3A_196 = arith.constant 112 : index
              %swap3A_197 = tpu.vector_load %arg11[%swap3A_196] {strides = array<i32>} : memref<256xi32, #tpu.memory_space<vmem>>, vector<16xi32>,
              tpu.vector_store %arg11[%swap3A_196], %broadcast_in_dim3A_3 {strides = array<i32>} : memref<256xi32, #tpu.memory_space<vmem>>, vector<16xi32>,
              %swap3A_198 = arith.constant 128 : index
              %swap3A_199 = tpu.vector_load %arg11[%swap3A_198] {strides = array<i32>} : memref<256xi32, #tpu.memory_space<vmem>>, vector<16xi32>,
              tpu.vector_store %arg11[%swap3A_198], %broadcast_in_dim3A_3 {strides = array<i32>} : memref<256xi32, #tpu.memory_space<vmem>>, vector<16xi32>,
              %swap3A_200 = arith.constant 144 : index
              %swap3A_201 = tpu.vector_load %arg11[%swap3A_200] {strides = array<i32>} : memref<256xi32, #tpu.memory_space<vmem>>, vector<16xi32>,
              tpu.vector_store %arg11[%swap3A_200], %broadcast_in_dim3A_3 {strides = array<i32>} : memref<256xi32, #tpu.memory_space<vmem>>, vector<16xi32>,
              %swap3A_202 = arith.constant 160 : index
              %swap3A_203 = tpu.vector_load %arg11[%swap3A_202] {strides = array<i32>} : memref<256xi32, #tpu.memory_space<vmem>>, vector<16xi32>,
              tpu.vector_store %arg11[%swap3A_202], %broadcast_in_dim3A_3 {strides = array<i32>} : memref<256xi32, #tpu.memory_space<vmem>>, vector<16xi32>,
              %swap3A_204 = arith.constant 176 : index
              %swap3A_205 = tpu.vector_load %arg11[%swap3A_204] {strides = array<i32>} : memref<256xi32, #tpu.memory_space<vmem>>, vector<16xi32>,
              tpu.vector_store %arg11[%swap3A_204], %broadcast_in_dim3A_3 {strides = array<i32>} : memref<256xi32, #tpu.memory_space<vmem>>, vector<16xi32>,
              %swap3A_206 = arith.constant 192 : index
              %swap3A_207 = tpu.vector_load %arg11[%swap3A_206] {strides = array<i32>} : memref<256xi32, #tpu.memory_space<vmem>>, vector<16xi32>,
              tpu.vector_store %arg11[%swap3A_206], %broadcast_in_dim3A_3 {strides = array<i32>} : memref<256xi32, #tpu.memory_space<vmem>>, vector<16xi32>,
              %swap3A_208 = arith.constant 208 : index
              %swap3A_209 = tpu.vector_load %arg11[%swap3A_208] {strides = array<i32>} : memref<256xi32, #tpu.memory_space<vmem>>, vector<16xi32>,
              tpu.vector_store %arg11[%swap3A_208], %broadcast_in_dim3A_3 {strides = array<i32>} : memref<256xi32, #tpu.memory_space<vmem>>, vector<16xi32>,
              %swap3A_210 = arith.constant 224 : index
              %swap3A_211 = tpu.vector_load %arg11[%swap3A_210] {strides = array<i32>} : memref<256xi32, #tpu.memory_space<vmem>>, vector<16xi32>,
              tpu.vector_store %arg11[%swap3A_210], %broadcast_in_dim3A_3 {strides = array<i32>} : memref<256xi32, #tpu.memory_space<vmem>>, vector<16xi32>,
              %swap3A_212 = arith.constant 240 : index
              %swap3A_213 = tpu.vector_load %arg11[%swap3A_212] {strides = array<i32>} : memref<256xi32, #tpu.memory_space<vmem>>, vector<16xi32>,
              tpu.vector_store %arg11[%swap3A_212], %broadcast_in_dim3A_3 {strides = array<i32>} : memref<256xi32, #tpu.memory_space<vmem>>, vector<16xi32>,
              %while3A_214 = arith.constant 0 : i32
              %while3A_215 = arith.constant 0 : i32
              %while3A_216 = arith.subi %select_n3A, %while3A_214 : i32
              %while3A_217 = arith.addi %while3A_214, %while3A_216 : i32
              %while3A_218 = arith.constant 1 : i32
              %while3A_219 = arith.divsi %while3A_216, %while3A_218 : i32
              %while3A_220 = arith.muli %while3A_219, %while3A_218 : i32
              %while3A_221 = arith.addi %while3A_214, %while3A_220 : i32
              %while3A_222 = arith.constant 1 : i32
              %while3A_223 = scf.for %while3A_293 = %while3A_214 to %while3A_221 step %while3A_222 iter_args(%while3A_294 = %while3A_215) -> (i32)  : i32 {
                %mul3A_295 = arith.constant 16 : i32
                %mul3A_296 = arith.muli %while3A_293, %mul3A_295 : i32
                %get3A_297 = arith.index_cast %scan3A_96 : i32 to index
                %get3A_298 = arith.index_cast %mul3A_296 : i32 to index
                %get3A_299 = tpu.vector_load %arg9[%get3A_297, %get3A_298] {strides = array<i32>} : memref<8x896xi32, #tpu.memory_space<vmem>>, vector<16xi32>,
                %mul3A_300 = arith.constant 16 : i32
                %mul3A_301 = arith.muli %while3A_293, %mul3A_300 : i32
                %add3A_302 = vector.broadcast %mul3A_301 : i32 to vector<16xi32>
                %add3A_303 = arith.addi %iota3A, %add3A_302 : vector<16xi32>
                %lt3A_304 = arith.cmpi slt, %add3A_303, %broadcast_in_dim3A_136 : vector<16xi32>
                %broadcast_in_dim3A_305 = vector.broadcast %scan3A_169 : i32 to vector<16xi32>
                %and3A_306 = arith.andi %get3A_299, %broadcast_in_dim3A_305 : vector<16xi32>
                %broadcast_in_dim3A_307 = vector.broadcast %scan3A_168 : i32 to vector<16xi32>
                %eq3A_308 = arith.cmpi eq, %and3A_306, %broadcast_in_dim3A_307 : vector<16xi32>
                %and3A_309 = arith.andi %lt3A_304, %eq3A_308 : vector<16xi1>
                %shift_right_arithmetic3A_310 = arith.shrsi %get3A_299, %broadcast_in_dim3A_176 : vector<16xi32>
                %broadcast_in_dim3A_311 = arith.constant 15 : i32
                %broadcast_in_dim3A_312 = vector.broadcast %broadcast_in_dim3A_311 : i32 to vector<16xi32>
                %and3A_313 = arith.andi %shift_right_arithmetic3A_310, %broadcast_in_dim3A_312 : vector<16xi32>
                %broadcast_in_dim3A_314 = vector.broadcast %select_n3A_181 : i32 to vector<16xi32>
                %xor3A_315 = arith.xori %and3A_313, %broadcast_in_dim3A_314 : vector<16xi32>
                %mul3A_316 = arith.constant 16 : i32
                %mul3A_317 = vector.broadcast %mul3A_316 : i32 to vector<16xi32>
                %mul3A_318 = arith.muli %iota3A, %mul3A_317 : vector<16xi32>
                %add3A_319 = arith.addi %mul3A_318, %xor3A_315 : vector<16xi32>
                %jit3A_320 = arith.constant 1 : i32
                %jit3A_321 = arith.constant 0 : i32
                %broadcast_in_dim3A_322 = vector.broadcast %jit3A_320 : i32 to vector<16xi32>
                %broadcast_in_dim3A_323 = vector.broadcast %jit3A_321 : i32 to vector<16xi32>
                %select_n3A_324 = arith.select %and3A_309, %broadcast_in_dim3A_322, %broadcast_in_dim3A_323 : vector<16xi1>, vector<16xi32>
                tpu.vector_store_idx %arg11[%add3A_319], %select_n3A_324 {add = true} : memref<256xi32, #tpu.memory_space<vmem>>[vector<16xi32>], vector<16xi32>,
                %while3A_325 = arith.constant 0 : i32
                scf.yield %while3A_325 : i32
              }
              %while3A_224 = arith.constant 1 : i32
              %while3A_225 = scf.for %while3A_293 = %while3A_221 to %while3A_217 step %while3A_224 iter_args(%while3A_294 = %while3A_223) -> (i32)  : i32 {
                %mul3A_295 = arith.constant 16 : i32
                %mul3A_296 = arith.muli %while3A_293, %mul3A_295 : i32
                %get3A_297 = arith.index_cast %scan3A_96 : i32 to index
                %get3A_298 = arith.index_cast %mul3A_296 : i32 to index
                %get3A_299 = tpu.vector_load %arg9[%get3A_297, %get3A_298] {strides = array<i32>} : memref<8x896xi32, #tpu.memory_space<vmem>>, vector<16xi32>,
                %mul3A_300 = arith.constant 16 : i32
                %mul3A_301 = arith.muli %while3A_293, %mul3A_300 : i32
                %add3A_302 = vector.broadcast %mul3A_301 : i32 to vector<16xi32>
                %add3A_303 = arith.addi %iota3A, %add3A_302 : vector<16xi32>
                %lt3A_304 = arith.cmpi slt, %add3A_303, %broadcast_in_dim3A_136 : vector<16xi32>
                %broadcast_in_dim3A_305 = vector.broadcast %scan3A_169 : i32 to vector<16xi32>
                %and3A_306 = arith.andi %get3A_299, %broadcast_in_dim3A_305 : vector<16xi32>
                %broadcast_in_dim3A_307 = vector.broadcast %scan3A_168 : i32 to vector<16xi32>
                %eq3A_308 = arith.cmpi eq, %and3A_306, %broadcast_in_dim3A_307 : vector<16xi32>
                %and3A_309 = arith.andi %lt3A_304, %eq3A_308 : vector<16xi1>
                %shift_right_arithmetic3A_310 = arith.shrsi %get3A_299, %broadcast_in_dim3A_176 : vector<16xi32>
                %broadcast_in_dim3A_311 = arith.constant 15 : i32
                %broadcast_in_dim3A_312 = vector.broadcast %broadcast_in_dim3A_311 : i32 to vector<16xi32>
                %and3A_313 = arith.andi %shift_right_arithmetic3A_310, %broadcast_in_dim3A_312 : vector<16xi32>
                %broadcast_in_dim3A_314 = vector.broadcast %select_n3A_181 : i32 to vector<16xi32>
                %xor3A_315 = arith.xori %and3A_313, %broadcast_in_dim3A_314 : vector<16xi32>
                %mul3A_316 = arith.constant 16 : i32
                %mul3A_317 = vector.broadcast %mul3A_316 : i32 to vector<16xi32>
                %mul3A_318 = arith.muli %iota3A, %mul3A_317 : vector<16xi32>
                %add3A_319 = arith.addi %mul3A_318, %xor3A_315 : vector<16xi32>
                %jit3A_320 = arith.constant 1 : i32
                %jit3A_321 = arith.constant 0 : i32
                %broadcast_in_dim3A_322 = vector.broadcast %jit3A_320 : i32 to vector<16xi32>
                %broadcast_in_dim3A_323 = vector.broadcast %jit3A_321 : i32 to vector<16xi32>
                %select_n3A_324 = arith.select %and3A_309, %broadcast_in_dim3A_322, %broadcast_in_dim3A_323 : vector<16xi1>, vector<16xi32>
                tpu.vector_store_idx %arg11[%add3A_319], %select_n3A_324 {add = true} : memref<256xi32, #tpu.memory_space<vmem>>[vector<16xi32>], vector<16xi32>,
                %while3A_325 = arith.constant 0 : i32
                scf.yield %while3A_325 : i32
              }
              %get3A_226 = arith.constant 0 : index
              %get3A_227 = tpu.vector_load %arg11[%get3A_226] {strides = array<i32>} : memref<256xi32, #tpu.memory_space<vmem>>, vector<16xi32>,
              %add3A_228 = arith.addi %broadcast_in_dim3A_3, %get3A_227 : vector<16xi32>
              %get3A_229 = arith.constant 16 : index
              %get3A_230 = tpu.vector_load %arg11[%get3A_229] {strides = array<i32>} : memref<256xi32, #tpu.memory_space<vmem>>, vector<16xi32>,
              %add3A_231 = arith.addi %add3A_228, %get3A_230 : vector<16xi32>
              %get3A_232 = arith.constant 32 : index
              %get3A_233 = tpu.vector_load %arg11[%get3A_232] {strides = array<i32>} : memref<256xi32, #tpu.memory_space<vmem>>, vector<16xi32>,
              %add3A_234 = arith.addi %add3A_231, %get3A_233 : vector<16xi32>
              %get3A_235 = arith.constant 48 : index
              %get3A_236 = tpu.vector_load %arg11[%get3A_235] {strides = array<i32>} : memref<256xi32, #tpu.memory_space<vmem>>, vector<16xi32>,
              %add3A_237 = arith.addi %add3A_234, %get3A_236 : vector<16xi32>
              %get3A_238 = arith.constant 64 : index
              %get3A_239 = tpu.vector_load %arg11[%get3A_238] {strides = array<i32>} : memref<256xi32, #tpu.memory_space<vmem>>, vector<16xi32>,
              %add3A_240 = arith.addi %add3A_237, %get3A_239 : vector<16xi32>
              %get3A_241 = arith.constant 80 : index
              %get3A_242 = tpu.vector_load %arg11[%get3A_241] {strides = array<i32>} : memref<256xi32, #tpu.memory_space<vmem>>, vector<16xi32>,
              %add3A_243 = arith.addi %add3A_240, %get3A_242 : vector<16xi32>
              %get3A_244 = arith.constant 96 : index
              %get3A_245 = tpu.vector_load %arg11[%get3A_244] {strides = array<i32>} : memref<256xi32, #tpu.memory_space<vmem>>, vector<16xi32>,
              %add3A_246 = arith.addi %add3A_243, %get3A_245 : vector<16xi32>
              %get3A_247 = arith.constant 112 : index
              %get3A_248 = tpu.vector_load %arg11[%get3A_247] {strides = array<i32>} : memref<256xi32, #tpu.memory_space<vmem>>, vector<16xi32>,
              %add3A_249 = arith.addi %add3A_246, %get3A_248 : vector<16xi32>
              %get3A_250 = arith.constant 128 : index
              %get3A_251 = tpu.vector_load %arg11[%get3A_250] {strides = array<i32>} : memref<256xi32, #tpu.memory_space<vmem>>, vector<16xi32>,
              %add3A_252 = arith.addi %add3A_249, %get3A_251 : vector<16xi32>
              %get3A_253 = arith.constant 144 : index
              %get3A_254 = tpu.vector_load %arg11[%get3A_253] {strides = array<i32>} : memref<256xi32, #tpu.memory_space<vmem>>, vector<16xi32>,
              %add3A_255 = arith.addi %add3A_252, %get3A_254 : vector<16xi32>
              %get3A_256 = arith.constant 160 : index
              %get3A_257 = tpu.vector_load %arg11[%get3A_256] {strides = array<i32>} : memref<256xi32, #tpu.memory_space<vmem>>, vector<16xi32>,
              %add3A_258 = arith.addi %add3A_255, %get3A_257 : vector<16xi32>
              %get3A_259 = arith.constant 176 : index
              %get3A_260 = tpu.vector_load %arg11[%get3A_259] {strides = array<i32>} : memref<256xi32, #tpu.memory_space<vmem>>, vector<16xi32>,
              %add3A_261 = arith.addi %add3A_258, %get3A_260 : vector<16xi32>
              %get3A_262 = arith.constant 192 : index
              %get3A_263 = tpu.vector_load %arg11[%get3A_262] {strides = array<i32>} : memref<256xi32, #tpu.memory_space<vmem>>, vector<16xi32>,
              %add3A_264 = arith.addi %add3A_261, %get3A_263 : vector<16xi32>
              %get3A_265 = arith.constant 208 : index
              %get3A_266 = tpu.vector_load %arg11[%get3A_265] {strides = array<i32>} : memref<256xi32, #tpu.memory_space<vmem>>, vector<16xi32>,
              %add3A_267 = arith.addi %add3A_264, %get3A_266 : vector<16xi32>
              %get3A_268 = arith.constant 224 : index
              %get3A_269 = tpu.vector_load %arg11[%get3A_268] {strides = array<i32>} : memref<256xi32, #tpu.memory_space<vmem>>, vector<16xi32>,
              %add3A_270 = arith.addi %add3A_267, %get3A_269 : vector<16xi32>
              %get3A_271 = arith.constant 240 : index
              %get3A_272 = tpu.vector_load %arg11[%get3A_271] {strides = array<i32>} : memref<256xi32, #tpu.memory_space<vmem>>, vector<16xi32>,
              %add3A_273 = arith.addi %add3A_270, %get3A_272 : vector<16xi32>
              %broadcast_in_dim3A_274 = arith.constant true
              %broadcast_in_dim3A_275 = vector.broadcast %broadcast_in_dim3A_274 : i1 to vector<16xi1>
              %masked_cumsum3A = tpu.scan <sum>, %add3A_273 masked %broadcast_in_dim3A_275 : vector<16xi32>, vector<16xi1> -> vector<16xi32>
              %broadcast_in_dim3A_276 = vector.broadcast %scan3A_170 : i32 to vector<16xi32>
              %ge3A_277 = arith.cmpi sge, %masked_cumsum3A, %broadcast_in_dim3A_276 : vector<16xi32>
              %all_reduce_ffs3A = tpu.all_reduce %ge3A_277 {dim = 0 : i64, kind = #tpu.reduction_kind<find_first_set>} : vector<16xi1> -> vector<16xi32>
              %lt3A_278 = arith.cmpi slt, %iota3A, %all_reduce_ffs3A : vector<16xi32>
              %jit3A_279 = arith.constant 0 : i32
              %broadcast_in_dim3A_280 = vector.broadcast %jit3A_279 : i32 to vector<16xi32>
              %select_n3A_281 = arith.select %lt3A_278, %add3A_273, %broadcast_in_dim3A_280 : vector<16xi1>, vector<16xi32>
              %reduce_sum3A = arith.constant true
              %reduce_sum3A_282 = vector.broadcast %reduce_sum3A : i1 to vector<16xi1>
              %reduce_sum3A_283 = tpu.scan <sum>, %select_n3A_281 masked %reduce_sum3A_282 : vector<16xi32>, vector<16xi1> -> vector<16xi32>
              %reduce_sum3A_284 = vector.extract %reduce_sum3A_283[15] : i32 from vector<16xi32>
              %slice3A_285 = vector.extract_strided_slice %all_reduce_ffs3A {offsets = [0], sizes = [1], strides = [1]} : vector<16xi32> to vector<1xi32>
              %squeeze3A_286 = vector.extract %slice3A_285[0] : i32 from vector<1xi32>
              %xor3A_287 = arith.xori %squeeze3A_286, %select_n3A_181 : i32
              %shift_left3A = arith.shli %xor3A_287, %sub3A_175 : i32
              %or3A = arith.ori %scan3A_168, %shift_left3A : i32
              %shift_left3A_288 = arith.constant 15 : i32
              %shift_left3A_289 = arith.shli %shift_left3A_288, %sub3A_175 : i32
              %or3A_290 = arith.ori %scan3A_169, %shift_left3A_289 : i32
              %sub3A_291 = arith.subi %scan3A_170, %reduce_sum3A_284 : i32
              %add3A_292 = arith.addi %scan3A_171, %reduce_sum3A_284 : i32
              scf.yield %or3A, %or3A_290, %sub3A_291, %add3A_292 : i32, i32, i32, i32
            }
            %scan3A_146 = arith.constant 8 : i32
            %broadcast_in_dim3A_147 = vector.broadcast %scan3A_145#0 : i32 to vector<16xi32>
            %broadcast_in_dim3A_148 = vector.broadcast %scan3A_145#2 : i32 to vector<16xi32>
            %while3A = arith.constant 0 : i32
            %while3A_149 = arith.constant 0 : i32
            %while3A_150 = arith.constant 0 : i32
            %while3A_151 = arith.subi %select_n3A, %while3A : i32
            %while3A_152 = arith.addi %while3A, %while3A_151 : i32
            %while3A_153 = arith.constant 1 : i32
            %while3A_154 = arith.divsi %while3A_151, %while3A_153 : i32
            %while3A_155 = arith.muli %while3A_154, %while3A_153 : i32
            %while3A_156 = arith.addi %while3A, %while3A_155 : i32
            %while3A_157 = arith.constant 1 : i32
            %while3A_158:2 = scf.for %while3A_167 = %while3A to %while3A_156 step %while3A_157 iter_args(%while3A_168 = %while3A_149, %while3A_169 = %while3A_150) -> (i32, i32)  : i32 {
              %mul3A_170 = arith.constant 16 : i32
              %mul3A_171 = arith.muli %while3A_167, %mul3A_170 : i32
              %get3A_172 = arith.index_cast %scan3A_96 : i32 to index
              %get3A_173 = arith.index_cast %mul3A_171 : i32 to index
              %get3A_174 = tpu.vector_load %arg9[%get3A_172, %get3A_173] {strides = array<i32>} : memref<8x896xi32, #tpu.memory_space<vmem>>, vector<16xi32>,
              %mul3A_175 = arith.constant 16 : i32
              %mul3A_176 = arith.muli %while3A_167, %mul3A_175 : i32
              %get3A_177 = arith.index_cast %scan3A_96 : i32 to index
              %get3A_178 = arith.index_cast %mul3A_176 : i32 to index
              %get3A_179 = tpu.vector_load %arg10[%get3A_177, %get3A_178] {strides = array<i32>} : memref<8x896xi32, #tpu.memory_space<vmem>>, vector<16xi32>,
              %mul3A_180 = arith.constant 16 : i32
              %mul3A_181 = arith.muli %while3A_167, %mul3A_180 : i32
              %add3A_182 = vector.broadcast %mul3A_181 : i32 to vector<16xi32>
              %add3A_183 = arith.addi %iota3A, %add3A_182 : vector<16xi32>
              %lt3A_184 = arith.cmpi slt, %add3A_183, %broadcast_in_dim3A_136 : vector<16xi32>
              %lt3A_185 = arith.cmpi slt, %get3A_174, %broadcast_in_dim3A_147 : vector<16xi32>
              %and3A_186 = arith.andi %lt3A_185, %lt3A_184 : vector<16xi1>
              %eq3A_187 = arith.cmpi eq, %get3A_174, %broadcast_in_dim3A_147 : vector<16xi32>
              %and3A_188 = arith.andi %eq3A_187, %lt3A_184 : vector<16xi1>
              %jit3A_189 = arith.constant 1 : i32
              %jit3A_190 = arith.constant 0 : i32
              %broadcast_in_dim3A_191 = vector.broadcast %jit3A_189 : i32 to vector<16xi32>
              %broadcast_in_dim3A_192 = vector.broadcast %jit3A_190 : i32 to vector<16xi32>
              %select_n3A_193 = arith.select %and3A_188, %broadcast_in_dim3A_191, %broadcast_in_dim3A_192 : vector<16xi1>, vector<16xi32>
              %broadcast_in_dim3A_194 = vector.broadcast %while3A_169 : i32 to vector<16xi32>
              %broadcast_in_dim3A_195 = arith.constant true
              %broadcast_in_dim3A_196 = vector.broadcast %broadcast_in_dim3A_195 : i1 to vector<16xi1>
              %masked_cumsum3A = tpu.scan <sum>, %select_n3A_193 masked %broadcast_in_dim3A_196 : vector<16xi32>, vector<16xi1> -> vector<16xi32>
              %add3A_197 = arith.addi %broadcast_in_dim3A_194, %masked_cumsum3A : vector<16xi32>
              %sub3A_198 = arith.subi %add3A_197, %select_n3A_193 : vector<16xi32>
              %lt3A_199 = arith.cmpi slt, %sub3A_198, %broadcast_in_dim3A_148 : vector<16xi32>
              %and3A_200 = arith.andi %and3A_188, %lt3A_199 : vector<16xi1>
              %or3A = arith.ori %and3A_186, %and3A_200 : vector<16xi1>
              %jit3A_201 = arith.constant 1 : i32
              %jit3A_202 = arith.constant 0 : i32
              %broadcast_in_dim3A_203 = vector.broadcast %jit3A_201 : i32 to vector<16xi32>
              %broadcast_in_dim3A_204 = vector.broadcast %jit3A_202 : i32 to vector<16xi32>
              %select_n3A_205 = arith.select %or3A, %broadcast_in_dim3A_203, %broadcast_in_dim3A_204 : vector<16xi1>, vector<16xi32>
              %broadcast_in_dim3A_206 = vector.broadcast %while3A_168 : i32 to vector<16xi32>
              %broadcast_in_dim3A_207 = arith.constant true
              %broadcast_in_dim3A_208 = vector.broadcast %broadcast_in_dim3A_207 : i1 to vector<16xi1>
              %masked_cumsum3A_209 = tpu.scan <sum>, %select_n3A_205 masked %broadcast_in_dim3A_208 : vector<16xi32>, vector<16xi1> -> vector<16xi32>
              %add3A_210 = arith.addi %broadcast_in_dim3A_206, %masked_cumsum3A_209 : vector<16xi32>
              %sub3A_211 = arith.subi %add3A_210, %select_n3A_205 : vector<16xi32>
              %broadcast_in_dim3A_212 = vector.broadcast %scan3A_96 : i32 to vector<16xi32>
              tpu.vector_store_idx %arg9[%broadcast_in_dim3A_212, %sub3A_211], %get3A_174 masked %or3A : memref<8x896xi32, #tpu.memory_space<vmem>>[vector<16xi32>, vector<16xi32>], vector<16xi32>, vector<16xi1>
              tpu.vector_store_idx %arg10[%broadcast_in_dim3A_212, %sub3A_211], %get3A_179 masked %or3A : memref<8x896xi32, #tpu.memory_space<vmem>>[vector<16xi32>, vector<16xi32>], vector<16xi32>, vector<16xi1>
              %all_reduce_population_count3A = tpu.all_reduce %or3A {dim = 0 : i64, kind = #tpu.reduction_kind<sum>} : vector<16xi1> -> vector<16xi32>
              %slice3A_213 = vector.extract_strided_slice %all_reduce_population_count3A {offsets = [0], sizes = [1], strides = [1]} : vector<16xi32> to vector<1xi32>
              %squeeze3A_214 = vector.extract %slice3A_213[0] : i32 from vector<1xi32>
              %add3A_215 = arith.addi %while3A_168, %squeeze3A_214 : i32
              %all_reduce_population_count3A_216 = tpu.all_reduce %and3A_188 {dim = 0 : i64, kind = #tpu.reduction_kind<sum>} : vector<16xi1> -> vector<16xi32>
              %slice3A_217 = vector.extract_strided_slice %all_reduce_population_count3A_216 {offsets = [0], sizes = [1], strides = [1]} : vector<16xi32> to vector<1xi32>
              %squeeze3A_218 = vector.extract %slice3A_217[0] : i32 from vector<1xi32>
              %add3A_219 = arith.addi %while3A_169, %squeeze3A_218 : i32
              scf.yield %add3A_215, %add3A_219 : i32, i32
            }
            %while3A_159 = arith.constant 1 : i32
            %while3A_160:2 = scf.for %while3A_167 = %while3A_156 to %while3A_152 step %while3A_159 iter_args(%while3A_168 = %while3A_158#0, %while3A_169 = %while3A_158#1) -> (i32, i32)  : i32 {
              %mul3A_170 = arith.constant 16 : i32
              %mul3A_171 = arith.muli %while3A_167, %mul3A_170 : i32
              %get3A_172 = arith.index_cast %scan3A_96 : i32 to index
              %get3A_173 = arith.index_cast %mul3A_171 : i32 to index
              %get3A_174 = tpu.vector_load %arg9[%get3A_172, %get3A_173] {strides = array<i32>} : memref<8x896xi32, #tpu.memory_space<vmem>>, vector<16xi32>,
              %mul3A_175 = arith.constant 16 : i32
              %mul3A_176 = arith.muli %while3A_167, %mul3A_175 : i32
              %get3A_177 = arith.index_cast %scan3A_96 : i32 to index
              %get3A_178 = arith.index_cast %mul3A_176 : i32 to index
              %get3A_179 = tpu.vector_load %arg10[%get3A_177, %get3A_178] {strides = array<i32>} : memref<8x896xi32, #tpu.memory_space<vmem>>, vector<16xi32>,
              %mul3A_180 = arith.constant 16 : i32
              %mul3A_181 = arith.muli %while3A_167, %mul3A_180 : i32
              %add3A_182 = vector.broadcast %mul3A_181 : i32 to vector<16xi32>
              %add3A_183 = arith.addi %iota3A, %add3A_182 : vector<16xi32>
              %lt3A_184 = arith.cmpi slt, %add3A_183, %broadcast_in_dim3A_136 : vector<16xi32>
              %lt3A_185 = arith.cmpi slt, %get3A_174, %broadcast_in_dim3A_147 : vector<16xi32>
              %and3A_186 = arith.andi %lt3A_185, %lt3A_184 : vector<16xi1>
              %eq3A_187 = arith.cmpi eq, %get3A_174, %broadcast_in_dim3A_147 : vector<16xi32>
              %and3A_188 = arith.andi %eq3A_187, %lt3A_184 : vector<16xi1>
              %jit3A_189 = arith.constant 1 : i32
              %jit3A_190 = arith.constant 0 : i32
              %broadcast_in_dim3A_191 = vector.broadcast %jit3A_189 : i32 to vector<16xi32>
              %broadcast_in_dim3A_192 = vector.broadcast %jit3A_190 : i32 to vector<16xi32>
              %select_n3A_193 = arith.select %and3A_188, %broadcast_in_dim3A_191, %broadcast_in_dim3A_192 : vector<16xi1>, vector<16xi32>
              %broadcast_in_dim3A_194 = vector.broadcast %while3A_169 : i32 to vector<16xi32>
              %broadcast_in_dim3A_195 = arith.constant true
              %broadcast_in_dim3A_196 = vector.broadcast %broadcast_in_dim3A_195 : i1 to vector<16xi1>
              %masked_cumsum3A = tpu.scan <sum>, %select_n3A_193 masked %broadcast_in_dim3A_196 : vector<16xi32>, vector<16xi1> -> vector<16xi32>
              %add3A_197 = arith.addi %broadcast_in_dim3A_194, %masked_cumsum3A : vector<16xi32>
              %sub3A_198 = arith.subi %add3A_197, %select_n3A_193 : vector<16xi32>
              %lt3A_199 = arith.cmpi slt, %sub3A_198, %broadcast_in_dim3A_148 : vector<16xi32>
              %and3A_200 = arith.andi %and3A_188, %lt3A_199 : vector<16xi1>
              %or3A = arith.ori %and3A_186, %and3A_200 : vector<16xi1>
              %jit3A_201 = arith.constant 1 : i32
              %jit3A_202 = arith.constant 0 : i32
              %broadcast_in_dim3A_203 = vector.broadcast %jit3A_201 : i32 to vector<16xi32>
              %broadcast_in_dim3A_204 = vector.broadcast %jit3A_202 : i32 to vector<16xi32>
              %select_n3A_205 = arith.select %or3A, %broadcast_in_dim3A_203, %broadcast_in_dim3A_204 : vector<16xi1>, vector<16xi32>
              %broadcast_in_dim3A_206 = vector.broadcast %while3A_168 : i32 to vector<16xi32>
              %broadcast_in_dim3A_207 = arith.constant true
              %broadcast_in_dim3A_208 = vector.broadcast %broadcast_in_dim3A_207 : i1 to vector<16xi1>
              %masked_cumsum3A_209 = tpu.scan <sum>, %select_n3A_205 masked %broadcast_in_dim3A_208 : vector<16xi32>, vector<16xi1> -> vector<16xi32>
              %add3A_210 = arith.addi %broadcast_in_dim3A_206, %masked_cumsum3A_209 : vector<16xi32>
              %sub3A_211 = arith.subi %add3A_210, %select_n3A_205 : vector<16xi32>
              %broadcast_in_dim3A_212 = vector.broadcast %scan3A_96 : i32 to vector<16xi32>
              tpu.vector_store_idx %arg9[%broadcast_in_dim3A_212, %sub3A_211], %get3A_174 masked %or3A : memref<8x896xi32, #tpu.memory_space<vmem>>[vector<16xi32>, vector<16xi32>], vector<16xi32>, vector<16xi1>
              tpu.vector_store_idx %arg10[%broadcast_in_dim3A_212, %sub3A_211], %get3A_179 masked %or3A : memref<8x896xi32, #tpu.memory_space<vmem>>[vector<16xi32>, vector<16xi32>], vector<16xi32>, vector<16xi1>
              %all_reduce_population_count3A = tpu.all_reduce %or3A {dim = 0 : i64, kind = #tpu.reduction_kind<sum>} : vector<16xi1> -> vector<16xi32>
              %slice3A_213 = vector.extract_strided_slice %all_reduce_population_count3A {offsets = [0], sizes = [1], strides = [1]} : vector<16xi32> to vector<1xi32>
              %squeeze3A_214 = vector.extract %slice3A_213[0] : i32 from vector<1xi32>
              %add3A_215 = arith.addi %while3A_168, %squeeze3A_214 : i32
              %all_reduce_population_count3A_216 = tpu.all_reduce %and3A_188 {dim = 0 : i64, kind = #tpu.reduction_kind<sum>} : vector<16xi1> -> vector<16xi32>
              %slice3A_217 = vector.extract_strided_slice %all_reduce_population_count3A_216 {offsets = [0], sizes = [1], strides = [1]} : vector<16xi32> to vector<1xi32>
              %squeeze3A_218 = vector.extract %slice3A_217[0] : i32 from vector<1xi32>
              %add3A_219 = arith.addi %while3A_169, %squeeze3A_218 : i32
              scf.yield %add3A_215, %add3A_219 : i32, i32
            }
            %shift_right_arithmetic3A = arith.constant 31 : i32
            %shift_right_arithmetic3A_161 = vector.broadcast %shift_right_arithmetic3A : i32 to vector<16xi32>
            %shift_right_arithmetic3A_162 = arith.shrsi %broadcast_in_dim3A_147, %shift_right_arithmetic3A_161 : vector<16xi32>
            %and3A_163 = arith.constant 2147483647 : i32
            %and3A_164 = vector.broadcast %and3A_163 : i32 to vector<16xi32>
            %and3A_165 = arith.andi %shift_right_arithmetic3A_162, %and3A_164 : vector<16xi32>
            %xor3A = arith.xori %broadcast_in_dim3A_147, %and3A_165 : vector<16xi32>
            %bitcast_convert_type3A = tpu.bitcast %xor3A : vector<16xi32> -> vector<16xf32>
            %slice3A = vector.extract_strided_slice %bitcast_convert_type3A {offsets = [0], sizes = [1], strides = [1]} : vector<16xf32> to vector<1xf32>
            %squeeze3A = vector.extract %slice3A[0] : f32 from vector<1xf32>
            %cond3A_166 = arith.constant 64 : i32
            scf.yield %cond3A_166, %squeeze3A : i32, f32
          } else {
            scf.yield %get3A_98, %get3A_100 : i32, f32
          }
          %broadcast_in_dim3A_106 = vector.broadcast %cond3A_105#1 : f32 to vector<16xf32>
          %lt3A_107 = arith.constant 156 : i32
          %lt3A_108 = arith.cmpi slt, %scan3A_63, %lt3A_107 : i32
          %convert_element_type3A_109 = arith.extui %lt3A_108 : i1 to i32
          %cond3A_110 = arith.constant 0 : i32
          %cond3A_111 = arith.cmpi ne, %convert_element_type3A_109, %cond3A_110 : i32
          %cond3A_112 = scf.if %cond3A_111 -> (i32) {
            %gt3A_117 = arith.constant 0 : i32
            %gt3A_118 = arith.cmpi sgt, %scan3A_63, %gt3A_117 : i32
            %convert_element_type3A_119 = arith.extui %gt3A_118 : i1 to i32
            %cond3A_120 = arith.constant 0 : i32
            %cond3A_121 = arith.cmpi ne, %convert_element_type3A_119, %cond3A_120 : i32
            %cond3A_122 = scf.if %cond3A_121 -> (i32) {
              %get3A_369 = arith.index_cast %and3A_65 : i32 to index
              %get3A_370 = arith.index_cast %scan3A_96 : i32 to index
              %get3A_371 = arith.constant 0 : index
              %get3A_372 = tpu.vector_load %arg7[%get3A_369, %get3A_370, %get3A_371] {strides = array<i32>} : memref<2x8x640xf32, #tpu.memory_space<vmem>>, vector<16xf32>,
              %lt3A_373 = arith.cmpf olt, %get3A_372, %broadcast_in_dim3A_106 : vector<16xf32>
              %get3A_374 = arith.index_cast %and3A_65 : i32 to index
              %get3A_375 = arith.index_cast %scan3A_96 : i32 to index
              %get3A_376 = arith.constant 16 : index
              %get3A_377 = tpu.vector_load %arg7[%get3A_374, %get3A_375, %get3A_376] {strides = array<i32>} : memref<2x8x640xf32, #tpu.memory_space<vmem>>, vector<16xf32>,
              %lt3A_378 = arith.cmpf olt, %get3A_377, %broadcast_in_dim3A_106 : vector<16xf32>
              %or3A_379 = arith.ori %lt3A_373, %lt3A_378 : vector<16xi1>
              %get3A_380 = arith.index_cast %and3A_65 : i32 to index
              %get3A_381 = arith.index_cast %scan3A_96 : i32 to index
              %get3A_382 = arith.constant 32 : index
              %get3A_383 = tpu.vector_load %arg7[%get3A_380, %get3A_381, %get3A_382] {strides = array<i32>} : memref<2x8x640xf32, #tpu.memory_space<vmem>>, vector<16xf32>,
              %lt3A_384 = arith.cmpf olt, %get3A_383, %broadcast_in_dim3A_106 : vector<16xf32>
              %or3A_385 = arith.ori %or3A_379, %lt3A_384 : vector<16xi1>
              %get3A_386 = arith.index_cast %and3A_65 : i32 to index
              %get3A_387 = arith.index_cast %scan3A_96 : i32 to index
              %get3A_388 = arith.constant 48 : index
              %get3A_389 = tpu.vector_load %arg7[%get3A_386, %get3A_387, %get3A_388] {strides = array<i32>} : memref<2x8x640xf32, #tpu.memory_space<vmem>>, vector<16xf32>,
              %lt3A_390 = arith.cmpf olt, %get3A_389, %broadcast_in_dim3A_106 : vector<16xf32>
              %or3A_391 = arith.ori %or3A_385, %lt3A_390 : vector<16xi1>
              %get3A_392 = arith.index_cast %and3A_65 : i32 to index
              %get3A_393 = arith.index_cast %scan3A_96 : i32 to index
              %get3A_394 = arith.constant 64 : index
              %get3A_395 = tpu.vector_load %arg7[%get3A_392, %get3A_393, %get3A_394] {strides = array<i32>} : memref<2x8x640xf32, #tpu.memory_space<vmem>>, vector<16xf32>,
              %lt3A_396 = arith.cmpf olt, %get3A_395, %broadcast_in_dim3A_106 : vector<16xf32>
              %or3A_397 = arith.ori %or3A_391, %lt3A_396 : vector<16xi1>
              %get3A_398 = arith.index_cast %and3A_65 : i32 to index
              %get3A_399 = arith.index_cast %scan3A_96 : i32 to index
              %get3A_400 = arith.constant 80 : index
              %get3A_401 = tpu.vector_load %arg7[%get3A_398, %get3A_399, %get3A_400] {strides = array<i32>} : memref<2x8x640xf32, #tpu.memory_space<vmem>>, vector<16xf32>,
              %lt3A_402 = arith.cmpf olt, %get3A_401, %broadcast_in_dim3A_106 : vector<16xf32>
              %or3A_403 = arith.ori %or3A_397, %lt3A_402 : vector<16xi1>
              %get3A_404 = arith.index_cast %and3A_65 : i32 to index
              %get3A_405 = arith.index_cast %scan3A_96 : i32 to index
              %get3A_406 = arith.constant 96 : index
              %get3A_407 = tpu.vector_load %arg7[%get3A_404, %get3A_405, %get3A_406] {strides = array<i32>} : memref<2x8x640xf32, #tpu.memory_space<vmem>>, vector<16xf32>,
              %lt3A_408 = arith.cmpf olt, %get3A_407, %broadcast_in_dim3A_106 : vector<16xf32>
              %or3A_409 = arith.ori %or3A_403, %lt3A_408 : vector<16xi1>
              %get3A_410 = arith.index_cast %and3A_65 : i32 to index
              %get3A_411 = arith.index_cast %scan3A_96 : i32 to index
              %get3A_412 = arith.constant 112 : index
              %get3A_413 = tpu.vector_load %arg7[%get3A_410, %get3A_411, %get3A_412] {strides = array<i32>} : memref<2x8x640xf32, #tpu.memory_space<vmem>>, vector<16xf32>,
              %lt3A_414 = arith.cmpf olt, %get3A_413, %broadcast_in_dim3A_106 : vector<16xf32>
              %or3A_415 = arith.ori %or3A_409, %lt3A_414 : vector<16xi1>
              %reduce_or3A_416 = arith.constant 1.000000e+00 : f32
              %reduce_or3A_417 = arith.constant 0.000000e+00 : f32
              %reduce_or3A_418 = vector.broadcast %reduce_or3A_416 : f32 to vector<16xf32>
              %reduce_or3A_419 = vector.broadcast %reduce_or3A_417 : f32 to vector<16xf32>
              %reduce_or3A_420 = arith.select %or3A_415, %reduce_or3A_418, %reduce_or3A_419 : vector<16xi1>, vector<16xf32>
              %reduce_or3A_421 = arith.constant true
              %reduce_or3A_422 = vector.broadcast %reduce_or3A_421 : i1 to vector<16xi1>
              %reduce_or3A_423 = tpu.scan <max>, %reduce_or3A_420 masked %reduce_or3A_422 : vector<16xf32>, vector<16xi1> -> vector<16xf32>
              %reduce_or3A_424 = vector.extract %reduce_or3A_423[15] : f32 from vector<16xf32>
              %reduce_or3A_425 = arith.constant 0.000000e+00 : f32
              %reduce_or3A_426 = arith.cmpf ogt, %reduce_or3A_424, %reduce_or3A_425 : f32
              %convert_element_type3A_427 = arith.extui %reduce_or3A_426 : i1 to i32
              %cond3A_428 = arith.constant 0 : i32
              %cond3A_429 = arith.cmpi ne, %convert_element_type3A_427, %cond3A_428 : i32
              %cond3A_430 = scf.if %cond3A_429 -> (i32) {
                %mul3A_431 = arith.constant 640 : i32
                %mul3A_432 = arith.muli %scan3A_63, %mul3A_431 : i32
                %add3A_433 = arith.constant 0 : i32
                %add3A_434 = arith.addi %mul3A_432, %add3A_433 : i32
                %broadcast_in_dim3A_435 = vector.broadcast %scan3A_96 : i32 to vector<16xi32>
                %scan3A_436 = arith.constant 0 : i32
                %scan3A_437 = arith.constant 8 : i32
                %scan3A_438 = arith.addi %scan3A_436, %scan3A_437 : i32
                %scan3A_439 = arith.constant 1 : i32
                %scan3A_440 = scf.for %scan3A_442 = %scan3A_436 to %scan3A_438 step %scan3A_439 iter_args(%scan3A_443 = %cond3A_105#0) -> (i32)  : i32 {
                  %mul3A_444 = arith.constant 16 : i32
                  %mul3A_445 = arith.muli %scan3A_442, %mul3A_444 : i32
                  %add3A_446 = arith.constant 0 : i32
                  %add3A_447 = arith.addi %add3A_446, %mul3A_445 : i32
                  %get3A_448 = arith.index_cast %and3A_65 : i32 to index
                  %get3A_449 = arith.index_cast %scan3A_96 : i32 to index
                  %get3A_450 = arith.index_cast %add3A_447 : i32 to index
                  %get3A_451 = tpu.vector_load %arg7[%get3A_448, %get3A_449, %get3A_450] {strides = array<i32>} : memref<2x8x640xf32, #tpu.memory_space<vmem>>, vector<16xf32>,
                  %lt3A_452 = arith.cmpf olt, %get3A_451, %broadcast_in_dim3A_106 : vector<16xf32>
                  %bitcast_convert_type3A = tpu.bitcast %get3A_451 : vector<16xf32> -> vector<16xi32>
                  %shift_right_arithmetic3A = arith.constant 31 : i32
                  %shift_right_arithmetic3A_453 = vector.broadcast %shift_right_arithmetic3A : i32 to vector<16xi32>
                  %shift_right_arithmetic3A_454 = arith.shrsi %bitcast_convert_type3A, %shift_right_arithmetic3A_453 : vector<16xi32>
                  %and3A_455 = arith.constant 2147483647 : i32
                  %and3A_456 = vector.broadcast %and3A_455 : i32 to vector<16xi32>
                  %and3A_457 = arith.andi %shift_right_arithmetic3A_454, %and3A_456 : vector<16xi32>
                  %xor3A = arith.xori %bitcast_convert_type3A, %and3A_457 : vector<16xi32>
                  %mul3A_458 = arith.constant 16 : i32
                  %mul3A_459 = arith.muli %scan3A_442, %mul3A_458 : i32
                  %add3A_460 = arith.addi %add3A_434, %mul3A_459 : i32
                  %add3A_461 = vector.broadcast %add3A_460 : i32 to vector<16xi32>
                  %add3A_462 = arith.addi %add3A_461, %iota3A : vector<16xi32>
                  %gather3A = tpu.vector_load_idx %arg6[%add3A_462] : memref<100000xi32, #tpu.memory_space<vmem>>[vector<16xi32>], vector<16xi32>,
                  %jit3A = arith.constant 1 : i32
                  %jit3A_463 = arith.constant 0 : i32
                  %broadcast_in_dim3A_464 = vector.broadcast %jit3A : i32 to vector<16xi32>
                  %broadcast_in_dim3A_465 = vector.broadcast %jit3A_463 : i32 to vector<16xi32>
                  %select_n3A = arith.select %lt3A_452, %broadcast_in_dim3A_464, %broadcast_in_dim3A_465 : vector<16xi1>, vector<16xi32>
                  %broadcast_in_dim3A_466 = vector.broadcast %scan3A_443 : i32 to vector<16xi32>
                  %broadcast_in_dim3A_467 = arith.constant true
                  %broadcast_in_dim3A_468 = vector.broadcast %broadcast_in_dim3A_467 : i1 to vector<16xi1>
                  %masked_cumsum3A = tpu.scan <sum>, %select_n3A masked %broadcast_in_dim3A_468 : vector<16xi32>, vector<16xi1> -> vector<16xi32>
                  %add3A_469 = arith.addi %broadcast_in_dim3A_466, %masked_cumsum3A : vector<16xi32>
                  %sub3A = arith.subi %add3A_469, %select_n3A : vector<16xi32>
                  tpu.vector_store_idx %arg9[%broadcast_in_dim3A_435, %sub3A], %xor3A masked %lt3A_452 : memref<8x896xi32, #tpu.memory_space<vmem>>[vector<16xi32>, vector<16xi32>], vector<16xi32>, vector<16xi1>
                  tpu.vector_store_idx %arg10[%broadcast_in_dim3A_435, %sub3A], %gather3A masked %lt3A_452 : memref<8x896xi32, #tpu.memory_space<vmem>>[vector<16xi32>, vector<16xi32>], vector<16xi32>, vector<16xi1>
                  %all_reduce_population_count3A = tpu.all_reduce %lt3A_452 {dim = 0 : i64, kind = #tpu.reduction_kind<sum>} : vector<16xi1> -> vector<16xi32>
                  %slice3A = vector.extract_strided_slice %all_reduce_population_count3A {offsets = [0], sizes = [1], strides = [1]} : vector<16xi32> to vector<1xi32>
                  %squeeze3A = vector.extract %slice3A[0] : i32 from vector<1xi32>
                  %add3A_470 = arith.addi %scan3A_443, %squeeze3A : i32
                  scf.yield %add3A_470 : i32
                }
                %scan3A_441 = arith.constant 8 : i32
                scf.yield %scan3A_440 : i32
              } else {
                scf.yield %cond3A_105#0 : i32
              }
              scf.yield %cond3A_430 : i32
            } else {
              scf.yield %cond3A_105#0 : i32
            }
            %get3A_123 = arith.index_cast %and3A_65 : i32 to index
            %get3A_124 = arith.index_cast %scan3A_96 : i32 to index
            %get3A_125 = arith.constant 128 : index
            %get3A_126 = tpu.vector_load %arg7[%get3A_123, %get3A_124, %get3A_125] {strides = array<i32>} : memref<2x8x640xf32, #tpu.memory_space<vmem>>, vector<16xf32>,
            %lt3A_127 = arith.cmpf olt, %get3A_126, %broadcast_in_dim3A_106 : vector<16xf32>
            %get3A_128 = arith.index_cast %and3A_65 : i32 to index
            %get3A_129 = arith.index_cast %scan3A_96 : i32 to index
            %get3A_130 = arith.constant 144 : index
            %get3A_131 = tpu.vector_load %arg7[%get3A_128, %get3A_129, %get3A_130] {strides = array<i32>} : memref<2x8x640xf32, #tpu.memory_space<vmem>>, vector<16xf32>,
            %lt3A_132 = arith.cmpf olt, %get3A_131, %broadcast_in_dim3A_106 : vector<16xf32>
            %or3A = arith.ori %lt3A_127, %lt3A_132 : vector<16xi1>
            %get3A_133 = arith.index_cast %and3A_65 : i32 to index
            %get3A_134 = arith.index_cast %scan3A_96 : i32 to index
            %get3A_135 = arith.constant 160 : index
            %get3A_136 = tpu.vector_load %arg7[%get3A_133, %get3A_134, %get3A_135] {strides = array<i32>} : memref<2x8x640xf32, #tpu.memory_space<vmem>>, vector<16xf32>,
            %lt3A_137 = arith.cmpf olt, %get3A_136, %broadcast_in_dim3A_106 : vector<16xf32>
            %or3A_138 = arith.ori %or3A, %lt3A_137 : vector<16xi1>
            %get3A_139 = arith.index_cast %and3A_65 : i32 to index
            %get3A_140 = arith.index_cast %scan3A_96 : i32 to index
            %get3A_141 = arith.constant 176 : index
            %get3A_142 = tpu.vector_load %arg7[%get3A_139, %get3A_140, %get3A_141] {strides = array<i32>} : memref<2x8x640xf32, #tpu.memory_space<vmem>>, vector<16xf32>,
            %lt3A_143 = arith.cmpf olt, %get3A_142, %broadcast_in_dim3A_106 : vector<16xf32>
            %or3A_144 = arith.ori %or3A_138, %lt3A_143 : vector<16xi1>
            %get3A_145 = arith.index_cast %and3A_65 : i32 to index
            %get3A_146 = arith.index_cast %scan3A_96 : i32 to index
            %get3A_147 = arith.constant 192 : index
            %get3A_148 = tpu.vector_load %arg7[%get3A_145, %get3A_146, %get3A_147] {strides = array<i32>} : memref<2x8x640xf32, #tpu.memory_space<vmem>>, vector<16xf32>,
            %lt3A_149 = arith.cmpf olt, %get3A_148, %broadcast_in_dim3A_106 : vector<16xf32>
            %or3A_150 = arith.ori %or3A_144, %lt3A_149 : vector<16xi1>
            %get3A_151 = arith.index_cast %and3A_65 : i32 to index
            %get3A_152 = arith.index_cast %scan3A_96 : i32 to index
            %get3A_153 = arith.constant 208 : index
            %get3A_154 = tpu.vector_load %arg7[%get3A_151, %get3A_152, %get3A_153] {strides = array<i32>} : memref<2x8x640xf32, #tpu.memory_space<vmem>>, vector<16xf32>,
            %lt3A_155 = arith.cmpf olt, %get3A_154, %broadcast_in_dim3A_106 : vector<16xf32>
            %or3A_156 = arith.ori %or3A_150, %lt3A_155 : vector<16xi1>
            %get3A_157 = arith.index_cast %and3A_65 : i32 to index
            %get3A_158 = arith.index_cast %scan3A_96 : i32 to index
            %get3A_159 = arith.constant 224 : index
            %get3A_160 = tpu.vector_load %arg7[%get3A_157, %get3A_158, %get3A_159] {strides = array<i32>} : memref<2x8x640xf32, #tpu.memory_space<vmem>>, vector<16xf32>,
            %lt3A_161 = arith.cmpf olt, %get3A_160, %broadcast_in_dim3A_106 : vector<16xf32>
            %or3A_162 = arith.ori %or3A_156, %lt3A_161 : vector<16xi1>
            %get3A_163 = arith.index_cast %and3A_65 : i32 to index
            %get3A_164 = arith.index_cast %scan3A_96 : i32 to index
            %get3A_165 = arith.constant 240 : index
            %get3A_166 = tpu.vector_load %arg7[%get3A_163, %get3A_164, %get3A_165] {strides = array<i32>} : memref<2x8x640xf32, #tpu.memory_space<vmem>>, vector<16xf32>,
            %lt3A_167 = arith.cmpf olt, %get3A_166, %broadcast_in_dim3A_106 : vector<16xf32>
            %or3A_168 = arith.ori %or3A_162, %lt3A_167 : vector<16xi1>
            %reduce_or3A = arith.constant 1.000000e+00 : f32
            %reduce_or3A_169 = arith.constant 0.000000e+00 : f32
            %reduce_or3A_170 = vector.broadcast %reduce_or3A : f32 to vector<16xf32>
            %reduce_or3A_171 = vector.broadcast %reduce_or3A_169 : f32 to vector<16xf32>
            %reduce_or3A_172 = arith.select %or3A_168, %reduce_or3A_170, %reduce_or3A_171 : vector<16xi1>, vector<16xf32>
            %reduce_or3A_173 = arith.constant true
            %reduce_or3A_174 = vector.broadcast %reduce_or3A_173 : i1 to vector<16xi1>
            %reduce_or3A_175 = tpu.scan <max>, %reduce_or3A_172 masked %reduce_or3A_174 : vector<16xf32>, vector<16xi1> -> vector<16xf32>
            %reduce_or3A_176 = vector.extract %reduce_or3A_175[15] : f32 from vector<16xf32>
            %reduce_or3A_177 = arith.constant 0.000000e+00 : f32
            %reduce_or3A_178 = arith.cmpf ogt, %reduce_or3A_176, %reduce_or3A_177 : f32
            %convert_element_type3A_179 = arith.extui %reduce_or3A_178 : i1 to i32
            %cond3A_180 = arith.constant 0 : i32
            %cond3A_181 = arith.cmpi ne, %convert_element_type3A_179, %cond3A_180 : i32
            %cond3A_182 = scf.if %cond3A_181 -> (i32) {
              %mul3A_369 = arith.constant 640 : i32
              %mul3A_370 = arith.muli %scan3A_63, %mul3A_369 : i32
              %add3A_371 = arith.constant 128 : i32
              %add3A_372 = arith.addi %mul3A_370, %add3A_371 : i32
              %broadcast_in_dim3A_373 = vector.broadcast %scan3A_96 : i32 to vector<16xi32>
              %scan3A_374 = arith.constant 0 : i32
              %scan3A_375 = arith.constant 8 : i32
              %scan3A_376 = arith.addi %scan3A_374, %scan3A_375 : i32
              %scan3A_377 = arith.constant 1 : i32
              %scan3A_378 = scf.for %scan3A_380 = %scan3A_374 to %scan3A_376 step %scan3A_377 iter_args(%scan3A_381 = %cond3A_122) -> (i32)  : i32 {
                %mul3A_382 = arith.constant 16 : i32
                %mul3A_383 = arith.muli %scan3A_380, %mul3A_382 : i32
                %add3A_384 = arith.constant 128 : i32
                %add3A_385 = arith.addi %add3A_384, %mul3A_383 : i32
                %get3A_386 = arith.index_cast %and3A_65 : i32 to index
                %get3A_387 = arith.index_cast %scan3A_96 : i32 to index
                %get3A_388 = arith.index_cast %add3A_385 : i32 to index
                %get3A_389 = tpu.vector_load %arg7[%get3A_386, %get3A_387, %get3A_388] {strides = array<i32>} : memref<2x8x640xf32, #tpu.memory_space<vmem>>, vector<16xf32>,
                %lt3A_390 = arith.cmpf olt, %get3A_389, %broadcast_in_dim3A_106 : vector<16xf32>
                %bitcast_convert_type3A = tpu.bitcast %get3A_389 : vector<16xf32> -> vector<16xi32>
                %shift_right_arithmetic3A = arith.constant 31 : i32
                %shift_right_arithmetic3A_391 = vector.broadcast %shift_right_arithmetic3A : i32 to vector<16xi32>
                %shift_right_arithmetic3A_392 = arith.shrsi %bitcast_convert_type3A, %shift_right_arithmetic3A_391 : vector<16xi32>
                %and3A_393 = arith.constant 2147483647 : i32
                %and3A_394 = vector.broadcast %and3A_393 : i32 to vector<16xi32>
                %and3A_395 = arith.andi %shift_right_arithmetic3A_392, %and3A_394 : vector<16xi32>
                %xor3A = arith.xori %bitcast_convert_type3A, %and3A_395 : vector<16xi32>
                %mul3A_396 = arith.constant 16 : i32
                %mul3A_397 = arith.muli %scan3A_380, %mul3A_396 : i32
                %add3A_398 = arith.addi %add3A_372, %mul3A_397 : i32
                %add3A_399 = vector.broadcast %add3A_398 : i32 to vector<16xi32>
                %add3A_400 = arith.addi %add3A_399, %iota3A : vector<16xi32>
                %gather3A = tpu.vector_load_idx %arg6[%add3A_400] : memref<100000xi32, #tpu.memory_space<vmem>>[vector<16xi32>], vector<16xi32>,
                %jit3A = arith.constant 1 : i32
                %jit3A_401 = arith.constant 0 : i32
                %broadcast_in_dim3A_402 = vector.broadcast %jit3A : i32 to vector<16xi32>
                %broadcast_in_dim3A_403 = vector.broadcast %jit3A_401 : i32 to vector<16xi32>
                %select_n3A = arith.select %lt3A_390, %broadcast_in_dim3A_402, %broadcast_in_dim3A_403 : vector<16xi1>, vector<16xi32>
                %broadcast_in_dim3A_404 = vector.broadcast %scan3A_381 : i32 to vector<16xi32>
                %broadcast_in_dim3A_405 = arith.constant true
                %broadcast_in_dim3A_406 = vector.broadcast %broadcast_in_dim3A_405 : i1 to vector<16xi1>
                %masked_cumsum3A = tpu.scan <sum>, %select_n3A masked %broadcast_in_dim3A_406 : vector<16xi32>, vector<16xi1> -> vector<16xi32>
                %add3A_407 = arith.addi %broadcast_in_dim3A_404, %masked_cumsum3A : vector<16xi32>
                %sub3A = arith.subi %add3A_407, %select_n3A : vector<16xi32>
                tpu.vector_store_idx %arg9[%broadcast_in_dim3A_373, %sub3A], %xor3A masked %lt3A_390 : memref<8x896xi32, #tpu.memory_space<vmem>>[vector<16xi32>, vector<16xi32>], vector<16xi32>, vector<16xi1>
                tpu.vector_store_idx %arg10[%broadcast_in_dim3A_373, %sub3A], %gather3A masked %lt3A_390 : memref<8x896xi32, #tpu.memory_space<vmem>>[vector<16xi32>, vector<16xi32>], vector<16xi32>, vector<16xi1>
                %all_reduce_population_count3A = tpu.all_reduce %lt3A_390 {dim = 0 : i64, kind = #tpu.reduction_kind<sum>} : vector<16xi1> -> vector<16xi32>
                %slice3A = vector.extract_strided_slice %all_reduce_population_count3A {offsets = [0], sizes = [1], strides = [1]} : vector<16xi32> to vector<1xi32>
                %squeeze3A = vector.extract %slice3A[0] : i32 from vector<1xi32>
                %add3A_408 = arith.addi %scan3A_381, %squeeze3A : i32
                scf.yield %add3A_408 : i32
              }
              %scan3A_379 = arith.constant 8 : i32
              scf.yield %scan3A_378 : i32
            } else {
              scf.yield %cond3A_122 : i32
            }
            %get3A_183 = arith.index_cast %and3A_65 : i32 to index
            %get3A_184 = arith.index_cast %scan3A_96 : i32 to index
            %get3A_185 = arith.constant 256 : index
            %get3A_186 = tpu.vector_load %arg7[%get3A_183, %get3A_184, %get3A_185] {strides = array<i32>} : memref<2x8x640xf32, #tpu.memory_space<vmem>>, vector<16xf32>,
            %lt3A_187 = arith.cmpf olt, %get3A_186, %broadcast_in_dim3A_106 : vector<16xf32>
            %get3A_188 = arith.index_cast %and3A_65 : i32 to index
            %get3A_189 = arith.index_cast %scan3A_96 : i32 to index
            %get3A_190 = arith.constant 272 : index
            %get3A_191 = tpu.vector_load %arg7[%get3A_188, %get3A_189, %get3A_190] {strides = array<i32>} : memref<2x8x640xf32, #tpu.memory_space<vmem>>, vector<16xf32>,
            %lt3A_192 = arith.cmpf olt, %get3A_191, %broadcast_in_dim3A_106 : vector<16xf32>
            %or3A_193 = arith.ori %lt3A_187, %lt3A_192 : vector<16xi1>
            %get3A_194 = arith.index_cast %and3A_65 : i32 to index
            %get3A_195 = arith.index_cast %scan3A_96 : i32 to index
            %get3A_196 = arith.constant 288 : index
            %get3A_197 = tpu.vector_load %arg7[%get3A_194, %get3A_195, %get3A_196] {strides = array<i32>} : memref<2x8x640xf32, #tpu.memory_space<vmem>>, vector<16xf32>,
            %lt3A_198 = arith.cmpf olt, %get3A_197, %broadcast_in_dim3A_106 : vector<16xf32>
            %or3A_199 = arith.ori %or3A_193, %lt3A_198 : vector<16xi1>
            %get3A_200 = arith.index_cast %and3A_65 : i32 to index
            %get3A_201 = arith.index_cast %scan3A_96 : i32 to index
            %get3A_202 = arith.constant 304 : index
            %get3A_203 = tpu.vector_load %arg7[%get3A_200, %get3A_201, %get3A_202] {strides = array<i32>} : memref<2x8x640xf32, #tpu.memory_space<vmem>>, vector<16xf32>,
            %lt3A_204 = arith.cmpf olt, %get3A_203, %broadcast_in_dim3A_106 : vector<16xf32>
            %or3A_205 = arith.ori %or3A_199, %lt3A_204 : vector<16xi1>
            %get3A_206 = arith.index_cast %and3A_65 : i32 to index
            %get3A_207 = arith.index_cast %scan3A_96 : i32 to index
            %get3A_208 = arith.constant 320 : index
            %get3A_209 = tpu.vector_load %arg7[%get3A_206, %get3A_207, %get3A_208] {strides = array<i32>} : memref<2x8x640xf32, #tpu.memory_space<vmem>>, vector<16xf32>,
            %lt3A_210 = arith.cmpf olt, %get3A_209, %broadcast_in_dim3A_106 : vector<16xf32>
            %or3A_211 = arith.ori %or3A_205, %lt3A_210 : vector<16xi1>
            %get3A_212 = arith.index_cast %and3A_65 : i32 to index
            %get3A_213 = arith.index_cast %scan3A_96 : i32 to index
            %get3A_214 = arith.constant 336 : index
            %get3A_215 = tpu.vector_load %arg7[%get3A_212, %get3A_213, %get3A_214] {strides = array<i32>} : memref<2x8x640xf32, #tpu.memory_space<vmem>>, vector<16xf32>,
            %lt3A_216 = arith.cmpf olt, %get3A_215, %broadcast_in_dim3A_106 : vector<16xf32>
            %or3A_217 = arith.ori %or3A_211, %lt3A_216 : vector<16xi1>
            %get3A_218 = arith.index_cast %and3A_65 : i32 to index
            %get3A_219 = arith.index_cast %scan3A_96 : i32 to index
            %get3A_220 = arith.constant 352 : index
            %get3A_221 = tpu.vector_load %arg7[%get3A_218, %get3A_219, %get3A_220] {strides = array<i32>} : memref<2x8x640xf32, #tpu.memory_space<vmem>>, vector<16xf32>,
            %lt3A_222 = arith.cmpf olt, %get3A_221, %broadcast_in_dim3A_106 : vector<16xf32>
            %or3A_223 = arith.ori %or3A_217, %lt3A_222 : vector<16xi1>
            %get3A_224 = arith.index_cast %and3A_65 : i32 to index
            %get3A_225 = arith.index_cast %scan3A_96 : i32 to index
            %get3A_226 = arith.constant 368 : index
            %get3A_227 = tpu.vector_load %arg7[%get3A_224, %get3A_225, %get3A_226] {strides = array<i32>} : memref<2x8x640xf32, #tpu.memory_space<vmem>>, vector<16xf32>,
            %lt3A_228 = arith.cmpf olt, %get3A_227, %broadcast_in_dim3A_106 : vector<16xf32>
            %or3A_229 = arith.ori %or3A_223, %lt3A_228 : vector<16xi1>
            %reduce_or3A_230 = arith.constant 1.000000e+00 : f32
            %reduce_or3A_231 = arith.constant 0.000000e+00 : f32
            %reduce_or3A_232 = vector.broadcast %reduce_or3A_230 : f32 to vector<16xf32>
            %reduce_or3A_233 = vector.broadcast %reduce_or3A_231 : f32 to vector<16xf32>
            %reduce_or3A_234 = arith.select %or3A_229, %reduce_or3A_232, %reduce_or3A_233 : vector<16xi1>, vector<16xf32>
            %reduce_or3A_235 = arith.constant true
            %reduce_or3A_236 = vector.broadcast %reduce_or3A_235 : i1 to vector<16xi1>
            %reduce_or3A_237 = tpu.scan <max>, %reduce_or3A_234 masked %reduce_or3A_236 : vector<16xf32>, vector<16xi1> -> vector<16xf32>
            %reduce_or3A_238 = vector.extract %reduce_or3A_237[15] : f32 from vector<16xf32>
            %reduce_or3A_239 = arith.constant 0.000000e+00 : f32
            %reduce_or3A_240 = arith.cmpf ogt, %reduce_or3A_238, %reduce_or3A_239 : f32
            %convert_element_type3A_241 = arith.extui %reduce_or3A_240 : i1 to i32
            %cond3A_242 = arith.constant 0 : i32
            %cond3A_243 = arith.cmpi ne, %convert_element_type3A_241, %cond3A_242 : i32
            %cond3A_244 = scf.if %cond3A_243 -> (i32) {
              %mul3A_369 = arith.constant 640 : i32
              %mul3A_370 = arith.muli %scan3A_63, %mul3A_369 : i32
              %add3A_371 = arith.constant 256 : i32
              %add3A_372 = arith.addi %mul3A_370, %add3A_371 : i32
              %broadcast_in_dim3A_373 = vector.broadcast %scan3A_96 : i32 to vector<16xi32>
              %scan3A_374 = arith.constant 0 : i32
              %scan3A_375 = arith.constant 8 : i32
              %scan3A_376 = arith.addi %scan3A_374, %scan3A_375 : i32
              %scan3A_377 = arith.constant 1 : i32
              %scan3A_378 = scf.for %scan3A_380 = %scan3A_374 to %scan3A_376 step %scan3A_377 iter_args(%scan3A_381 = %cond3A_182) -> (i32)  : i32 {
                %mul3A_382 = arith.constant 16 : i32
                %mul3A_383 = arith.muli %scan3A_380, %mul3A_382 : i32
                %add3A_384 = arith.constant 256 : i32
                %add3A_385 = arith.addi %add3A_384, %mul3A_383 : i32
                %get3A_386 = arith.index_cast %and3A_65 : i32 to index
                %get3A_387 = arith.index_cast %scan3A_96 : i32 to index
                %get3A_388 = arith.index_cast %add3A_385 : i32 to index
                %get3A_389 = tpu.vector_load %arg7[%get3A_386, %get3A_387, %get3A_388] {strides = array<i32>} : memref<2x8x640xf32, #tpu.memory_space<vmem>>, vector<16xf32>,
                %lt3A_390 = arith.cmpf olt, %get3A_389, %broadcast_in_dim3A_106 : vector<16xf32>
                %bitcast_convert_type3A = tpu.bitcast %get3A_389 : vector<16xf32> -> vector<16xi32>
                %shift_right_arithmetic3A = arith.constant 31 : i32
                %shift_right_arithmetic3A_391 = vector.broadcast %shift_right_arithmetic3A : i32 to vector<16xi32>
                %shift_right_arithmetic3A_392 = arith.shrsi %bitcast_convert_type3A, %shift_right_arithmetic3A_391 : vector<16xi32>
                %and3A_393 = arith.constant 2147483647 : i32
                %and3A_394 = vector.broadcast %and3A_393 : i32 to vector<16xi32>
                %and3A_395 = arith.andi %shift_right_arithmetic3A_392, %and3A_394 : vector<16xi32>
                %xor3A = arith.xori %bitcast_convert_type3A, %and3A_395 : vector<16xi32>
                %mul3A_396 = arith.constant 16 : i32
                %mul3A_397 = arith.muli %scan3A_380, %mul3A_396 : i32
                %add3A_398 = arith.addi %add3A_372, %mul3A_397 : i32
                %add3A_399 = vector.broadcast %add3A_398 : i32 to vector<16xi32>
                %add3A_400 = arith.addi %add3A_399, %iota3A : vector<16xi32>
                %gather3A = tpu.vector_load_idx %arg6[%add3A_400] : memref<100000xi32, #tpu.memory_space<vmem>>[vector<16xi32>], vector<16xi32>,
                %jit3A = arith.constant 1 : i32
                %jit3A_401 = arith.constant 0 : i32
                %broadcast_in_dim3A_402 = vector.broadcast %jit3A : i32 to vector<16xi32>
                %broadcast_in_dim3A_403 = vector.broadcast %jit3A_401 : i32 to vector<16xi32>
                %select_n3A = arith.select %lt3A_390, %broadcast_in_dim3A_402, %broadcast_in_dim3A_403 : vector<16xi1>, vector<16xi32>
                %broadcast_in_dim3A_404 = vector.broadcast %scan3A_381 : i32 to vector<16xi32>
                %broadcast_in_dim3A_405 = arith.constant true
                %broadcast_in_dim3A_406 = vector.broadcast %broadcast_in_dim3A_405 : i1 to vector<16xi1>
                %masked_cumsum3A = tpu.scan <sum>, %select_n3A masked %broadcast_in_dim3A_406 : vector<16xi32>, vector<16xi1> -> vector<16xi32>
                %add3A_407 = arith.addi %broadcast_in_dim3A_404, %masked_cumsum3A : vector<16xi32>
                %sub3A = arith.subi %add3A_407, %select_n3A : vector<16xi32>
                tpu.vector_store_idx %arg9[%broadcast_in_dim3A_373, %sub3A], %xor3A masked %lt3A_390 : memref<8x896xi32, #tpu.memory_space<vmem>>[vector<16xi32>, vector<16xi32>], vector<16xi32>, vector<16xi1>
                tpu.vector_store_idx %arg10[%broadcast_in_dim3A_373, %sub3A], %gather3A masked %lt3A_390 : memref<8x896xi32, #tpu.memory_space<vmem>>[vector<16xi32>, vector<16xi32>], vector<16xi32>, vector<16xi1>
                %all_reduce_population_count3A = tpu.all_reduce %lt3A_390 {dim = 0 : i64, kind = #tpu.reduction_kind<sum>} : vector<16xi1> -> vector<16xi32>
                %slice3A = vector.extract_strided_slice %all_reduce_population_count3A {offsets = [0], sizes = [1], strides = [1]} : vector<16xi32> to vector<1xi32>
                %squeeze3A = vector.extract %slice3A[0] : i32 from vector<1xi32>
                %add3A_408 = arith.addi %scan3A_381, %squeeze3A : i32
                scf.yield %add3A_408 : i32
              }
              %scan3A_379 = arith.constant 8 : i32
              scf.yield %scan3A_378 : i32
            } else {
              scf.yield %cond3A_182 : i32
            }
            %get3A_245 = arith.index_cast %and3A_65 : i32 to index
            %get3A_246 = arith.index_cast %scan3A_96 : i32 to index
            %get3A_247 = arith.constant 384 : index
            %get3A_248 = tpu.vector_load %arg7[%get3A_245, %get3A_246, %get3A_247] {strides = array<i32>} : memref<2x8x640xf32, #tpu.memory_space<vmem>>, vector<16xf32>,
            %lt3A_249 = arith.cmpf olt, %get3A_248, %broadcast_in_dim3A_106 : vector<16xf32>
            %get3A_250 = arith.index_cast %and3A_65 : i32 to index
            %get3A_251 = arith.index_cast %scan3A_96 : i32 to index
            %get3A_252 = arith.constant 400 : index
            %get3A_253 = tpu.vector_load %arg7[%get3A_250, %get3A_251, %get3A_252] {strides = array<i32>} : memref<2x8x640xf32, #tpu.memory_space<vmem>>, vector<16xf32>,
            %lt3A_254 = arith.cmpf olt, %get3A_253, %broadcast_in_dim3A_106 : vector<16xf32>
            %or3A_255 = arith.ori %lt3A_249, %lt3A_254 : vector<16xi1>
            %get3A_256 = arith.index_cast %and3A_65 : i32 to index
            %get3A_257 = arith.index_cast %scan3A_96 : i32 to index
            %get3A_258 = arith.constant 416 : index
            %get3A_259 = tpu.vector_load %arg7[%get3A_256, %get3A_257, %get3A_258] {strides = array<i32>} : memref<2x8x640xf32, #tpu.memory_space<vmem>>, vector<16xf32>,
            %lt3A_260 = arith.cmpf olt, %get3A_259, %broadcast_in_dim3A_106 : vector<16xf32>
            %or3A_261 = arith.ori %or3A_255, %lt3A_260 : vector<16xi1>
            %get3A_262 = arith.index_cast %and3A_65 : i32 to index
            %get3A_263 = arith.index_cast %scan3A_96 : i32 to index
            %get3A_264 = arith.constant 432 : index
            %get3A_265 = tpu.vector_load %arg7[%get3A_262, %get3A_263, %get3A_264] {strides = array<i32>} : memref<2x8x640xf32, #tpu.memory_space<vmem>>, vector<16xf32>,
            %lt3A_266 = arith.cmpf olt, %get3A_265, %broadcast_in_dim3A_106 : vector<16xf32>
            %or3A_267 = arith.ori %or3A_261, %lt3A_266 : vector<16xi1>
            %get3A_268 = arith.index_cast %and3A_65 : i32 to index
            %get3A_269 = arith.index_cast %scan3A_96 : i32 to index
            %get3A_270 = arith.constant 448 : index
            %get3A_271 = tpu.vector_load %arg7[%get3A_268, %get3A_269, %get3A_270] {strides = array<i32>} : memref<2x8x640xf32, #tpu.memory_space<vmem>>, vector<16xf32>,
            %lt3A_272 = arith.cmpf olt, %get3A_271, %broadcast_in_dim3A_106 : vector<16xf32>
            %or3A_273 = arith.ori %or3A_267, %lt3A_272 : vector<16xi1>
            %get3A_274 = arith.index_cast %and3A_65 : i32 to index
            %get3A_275 = arith.index_cast %scan3A_96 : i32 to index
            %get3A_276 = arith.constant 464 : index
            %get3A_277 = tpu.vector_load %arg7[%get3A_274, %get3A_275, %get3A_276] {strides = array<i32>} : memref<2x8x640xf32, #tpu.memory_space<vmem>>, vector<16xf32>,
            %lt3A_278 = arith.cmpf olt, %get3A_277, %broadcast_in_dim3A_106 : vector<16xf32>
            %or3A_279 = arith.ori %or3A_273, %lt3A_278 : vector<16xi1>
            %get3A_280 = arith.index_cast %and3A_65 : i32 to index
            %get3A_281 = arith.index_cast %scan3A_96 : i32 to index
            %get3A_282 = arith.constant 480 : index
            %get3A_283 = tpu.vector_load %arg7[%get3A_280, %get3A_281, %get3A_282] {strides = array<i32>} : memref<2x8x640xf32, #tpu.memory_space<vmem>>, vector<16xf32>,
            %lt3A_284 = arith.cmpf olt, %get3A_283, %broadcast_in_dim3A_106 : vector<16xf32>
            %or3A_285 = arith.ori %or3A_279, %lt3A_284 : vector<16xi1>
            %get3A_286 = arith.index_cast %and3A_65 : i32 to index
            %get3A_287 = arith.index_cast %scan3A_96 : i32 to index
            %get3A_288 = arith.constant 496 : index
            %get3A_289 = tpu.vector_load %arg7[%get3A_286, %get3A_287, %get3A_288] {strides = array<i32>} : memref<2x8x640xf32, #tpu.memory_space<vmem>>, vector<16xf32>,
            %lt3A_290 = arith.cmpf olt, %get3A_289, %broadcast_in_dim3A_106 : vector<16xf32>
            %or3A_291 = arith.ori %or3A_285, %lt3A_290 : vector<16xi1>
            %reduce_or3A_292 = arith.constant 1.000000e+00 : f32
            %reduce_or3A_293 = arith.constant 0.000000e+00 : f32
            %reduce_or3A_294 = vector.broadcast %reduce_or3A_292 : f32 to vector<16xf32>
            %reduce_or3A_295 = vector.broadcast %reduce_or3A_293 : f32 to vector<16xf32>
            %reduce_or3A_296 = arith.select %or3A_291, %reduce_or3A_294, %reduce_or3A_295 : vector<16xi1>, vector<16xf32>
            %reduce_or3A_297 = arith.constant true
            %reduce_or3A_298 = vector.broadcast %reduce_or3A_297 : i1 to vector<16xi1>
            %reduce_or3A_299 = tpu.scan <max>, %reduce_or3A_296 masked %reduce_or3A_298 : vector<16xf32>, vector<16xi1> -> vector<16xf32>
            %reduce_or3A_300 = vector.extract %reduce_or3A_299[15] : f32 from vector<16xf32>
            %reduce_or3A_301 = arith.constant 0.000000e+00 : f32
            %reduce_or3A_302 = arith.cmpf ogt, %reduce_or3A_300, %reduce_or3A_301 : f32
            %convert_element_type3A_303 = arith.extui %reduce_or3A_302 : i1 to i32
            %cond3A_304 = arith.constant 0 : i32
            %cond3A_305 = arith.cmpi ne, %convert_element_type3A_303, %cond3A_304 : i32
            %cond3A_306 = scf.if %cond3A_305 -> (i32) {
              %mul3A_369 = arith.constant 640 : i32
              %mul3A_370 = arith.muli %scan3A_63, %mul3A_369 : i32
              %add3A_371 = arith.constant 384 : i32
              %add3A_372 = arith.addi %mul3A_370, %add3A_371 : i32
              %broadcast_in_dim3A_373 = vector.broadcast %scan3A_96 : i32 to vector<16xi32>
              %scan3A_374 = arith.constant 0 : i32
              %scan3A_375 = arith.constant 8 : i32
              %scan3A_376 = arith.addi %scan3A_374, %scan3A_375 : i32
              %scan3A_377 = arith.constant 1 : i32
              %scan3A_378 = scf.for %scan3A_380 = %scan3A_374 to %scan3A_376 step %scan3A_377 iter_args(%scan3A_381 = %cond3A_244) -> (i32)  : i32 {
                %mul3A_382 = arith.constant 16 : i32
                %mul3A_383 = arith.muli %scan3A_380, %mul3A_382 : i32
                %add3A_384 = arith.constant 384 : i32
                %add3A_385 = arith.addi %add3A_384, %mul3A_383 : i32
                %get3A_386 = arith.index_cast %and3A_65 : i32 to index
                %get3A_387 = arith.index_cast %scan3A_96 : i32 to index
                %get3A_388 = arith.index_cast %add3A_385 : i32 to index
                %get3A_389 = tpu.vector_load %arg7[%get3A_386, %get3A_387, %get3A_388] {strides = array<i32>} : memref<2x8x640xf32, #tpu.memory_space<vmem>>, vector<16xf32>,
                %lt3A_390 = arith.cmpf olt, %get3A_389, %broadcast_in_dim3A_106 : vector<16xf32>
                %bitcast_convert_type3A = tpu.bitcast %get3A_389 : vector<16xf32> -> vector<16xi32>
                %shift_right_arithmetic3A = arith.constant 31 : i32
                %shift_right_arithmetic3A_391 = vector.broadcast %shift_right_arithmetic3A : i32 to vector<16xi32>
                %shift_right_arithmetic3A_392 = arith.shrsi %bitcast_convert_type3A, %shift_right_arithmetic3A_391 : vector<16xi32>
                %and3A_393 = arith.constant 2147483647 : i32
                %and3A_394 = vector.broadcast %and3A_393 : i32 to vector<16xi32>
                %and3A_395 = arith.andi %shift_right_arithmetic3A_392, %and3A_394 : vector<16xi32>
                %xor3A = arith.xori %bitcast_convert_type3A, %and3A_395 : vector<16xi32>
                %mul3A_396 = arith.constant 16 : i32
                %mul3A_397 = arith.muli %scan3A_380, %mul3A_396 : i32
                %add3A_398 = arith.addi %add3A_372, %mul3A_397 : i32
                %add3A_399 = vector.broadcast %add3A_398 : i32 to vector<16xi32>
                %add3A_400 = arith.addi %add3A_399, %iota3A : vector<16xi32>
                %gather3A = tpu.vector_load_idx %arg6[%add3A_400] : memref<100000xi32, #tpu.memory_space<vmem>>[vector<16xi32>], vector<16xi32>,
                %jit3A = arith.constant 1 : i32
                %jit3A_401 = arith.constant 0 : i32
                %broadcast_in_dim3A_402 = vector.broadcast %jit3A : i32 to vector<16xi32>
                %broadcast_in_dim3A_403 = vector.broadcast %jit3A_401 : i32 to vector<16xi32>
                %select_n3A = arith.select %lt3A_390, %broadcast_in_dim3A_402, %broadcast_in_dim3A_403 : vector<16xi1>, vector<16xi32>
                %broadcast_in_dim3A_404 = vector.broadcast %scan3A_381 : i32 to vector<16xi32>
                %broadcast_in_dim3A_405 = arith.constant true
                %broadcast_in_dim3A_406 = vector.broadcast %broadcast_in_dim3A_405 : i1 to vector<16xi1>
                %masked_cumsum3A = tpu.scan <sum>, %select_n3A masked %broadcast_in_dim3A_406 : vector<16xi32>, vector<16xi1> -> vector<16xi32>
                %add3A_407 = arith.addi %broadcast_in_dim3A_404, %masked_cumsum3A : vector<16xi32>
                %sub3A = arith.subi %add3A_407, %select_n3A : vector<16xi32>
                tpu.vector_store_idx %arg9[%broadcast_in_dim3A_373, %sub3A], %xor3A masked %lt3A_390 : memref<8x896xi32, #tpu.memory_space<vmem>>[vector<16xi32>, vector<16xi32>], vector<16xi32>, vector<16xi1>
                tpu.vector_store_idx %arg10[%broadcast_in_dim3A_373, %sub3A], %gather3A masked %lt3A_390 : memref<8x896xi32, #tpu.memory_space<vmem>>[vector<16xi32>, vector<16xi32>], vector<16xi32>, vector<16xi1>
                %all_reduce_population_count3A = tpu.all_reduce %lt3A_390 {dim = 0 : i64, kind = #tpu.reduction_kind<sum>} : vector<16xi1> -> vector<16xi32>
                %slice3A = vector.extract_strided_slice %all_reduce_population_count3A {offsets = [0], sizes = [1], strides = [1]} : vector<16xi32> to vector<1xi32>
                %squeeze3A = vector.extract %slice3A[0] : i32 from vector<1xi32>
                %add3A_408 = arith.addi %scan3A_381, %squeeze3A : i32
                scf.yield %add3A_408 : i32
              }
              %scan3A_379 = arith.constant 8 : i32
              scf.yield %scan3A_378 : i32
            } else {
              scf.yield %cond3A_244 : i32
            }
            %get3A_307 = arith.index_cast %and3A_65 : i32 to index
            %get3A_308 = arith.index_cast %scan3A_96 : i32 to index
            %get3A_309 = arith.constant 512 : index
            %get3A_310 = tpu.vector_load %arg7[%get3A_307, %get3A_308, %get3A_309] {strides = array<i32>} : memref<2x8x640xf32, #tpu.memory_space<vmem>>, vector<16xf32>,
            %lt3A_311 = arith.cmpf olt, %get3A_310, %broadcast_in_dim3A_106 : vector<16xf32>
            %get3A_312 = arith.index_cast %and3A_65 : i32 to index
            %get3A_313 = arith.index_cast %scan3A_96 : i32 to index
            %get3A_314 = arith.constant 528 : index
            %get3A_315 = tpu.vector_load %arg7[%get3A_312, %get3A_313, %get3A_314] {strides = array<i32>} : memref<2x8x640xf32, #tpu.memory_space<vmem>>, vector<16xf32>,
            %lt3A_316 = arith.cmpf olt, %get3A_315, %broadcast_in_dim3A_106 : vector<16xf32>
            %or3A_317 = arith.ori %lt3A_311, %lt3A_316 : vector<16xi1>
            %get3A_318 = arith.index_cast %and3A_65 : i32 to index
            %get3A_319 = arith.index_cast %scan3A_96 : i32 to index
            %get3A_320 = arith.constant 544 : index
            %get3A_321 = tpu.vector_load %arg7[%get3A_318, %get3A_319, %get3A_320] {strides = array<i32>} : memref<2x8x640xf32, #tpu.memory_space<vmem>>, vector<16xf32>,
            %lt3A_322 = arith.cmpf olt, %get3A_321, %broadcast_in_dim3A_106 : vector<16xf32>
            %or3A_323 = arith.ori %or3A_317, %lt3A_322 : vector<16xi1>
            %get3A_324 = arith.index_cast %and3A_65 : i32 to index
            %get3A_325 = arith.index_cast %scan3A_96 : i32 to index
            %get3A_326 = arith.constant 560 : index
            %get3A_327 = tpu.vector_load %arg7[%get3A_324, %get3A_325, %get3A_326] {strides = array<i32>} : memref<2x8x640xf32, #tpu.memory_space<vmem>>, vector<16xf32>,
            %lt3A_328 = arith.cmpf olt, %get3A_327, %broadcast_in_dim3A_106 : vector<16xf32>
            %or3A_329 = arith.ori %or3A_323, %lt3A_328 : vector<16xi1>
            %get3A_330 = arith.index_cast %and3A_65 : i32 to index
            %get3A_331 = arith.index_cast %scan3A_96 : i32 to index
            %get3A_332 = arith.constant 576 : index
            %get3A_333 = tpu.vector_load %arg7[%get3A_330, %get3A_331, %get3A_332] {strides = array<i32>} : memref<2x8x640xf32, #tpu.memory_space<vmem>>, vector<16xf32>,
            %lt3A_334 = arith.cmpf olt, %get3A_333, %broadcast_in_dim3A_106 : vector<16xf32>
            %or3A_335 = arith.ori %or3A_329, %lt3A_334 : vector<16xi1>
            %get3A_336 = arith.index_cast %and3A_65 : i32 to index
            %get3A_337 = arith.index_cast %scan3A_96 : i32 to index
            %get3A_338 = arith.constant 592 : index
            %get3A_339 = tpu.vector_load %arg7[%get3A_336, %get3A_337, %get3A_338] {strides = array<i32>} : memref<2x8x640xf32, #tpu.memory_space<vmem>>, vector<16xf32>,
            %lt3A_340 = arith.cmpf olt, %get3A_339, %broadcast_in_dim3A_106 : vector<16xf32>
            %or3A_341 = arith.ori %or3A_335, %lt3A_340 : vector<16xi1>
            %get3A_342 = arith.index_cast %and3A_65 : i32 to index
            %get3A_343 = arith.index_cast %scan3A_96 : i32 to index
            %get3A_344 = arith.constant 608 : index
            %get3A_345 = tpu.vector_load %arg7[%get3A_342, %get3A_343, %get3A_344] {strides = array<i32>} : memref<2x8x640xf32, #tpu.memory_space<vmem>>, vector<16xf32>,
            %lt3A_346 = arith.cmpf olt, %get3A_345, %broadcast_in_dim3A_106 : vector<16xf32>
            %or3A_347 = arith.ori %or3A_341, %lt3A_346 : vector<16xi1>
            %get3A_348 = arith.index_cast %and3A_65 : i32 to index
            %get3A_349 = arith.index_cast %scan3A_96 : i32 to index
            %get3A_350 = arith.constant 624 : index
            %get3A_351 = tpu.vector_load %arg7[%get3A_348, %get3A_349, %get3A_350] {strides = array<i32>} : memref<2x8x640xf32, #tpu.memory_space<vmem>>, vector<16xf32>,
            %lt3A_352 = arith.cmpf olt, %get3A_351, %broadcast_in_dim3A_106 : vector<16xf32>
            %or3A_353 = arith.ori %or3A_347, %lt3A_352 : vector<16xi1>
            %reduce_or3A_354 = arith.constant 1.000000e+00 : f32
            %reduce_or3A_355 = arith.constant 0.000000e+00 : f32
            %reduce_or3A_356 = vector.broadcast %reduce_or3A_354 : f32 to vector<16xf32>
            %reduce_or3A_357 = vector.broadcast %reduce_or3A_355 : f32 to vector<16xf32>
            %reduce_or3A_358 = arith.select %or3A_353, %reduce_or3A_356, %reduce_or3A_357 : vector<16xi1>, vector<16xf32>
            %reduce_or3A_359 = arith.constant true
            %reduce_or3A_360 = vector.broadcast %reduce_or3A_359 : i1 to vector<16xi1>
            %reduce_or3A_361 = tpu.scan <max>, %reduce_or3A_358 masked %reduce_or3A_360 : vector<16xf32>, vector<16xi1> -> vector<16xf32>
            %reduce_or3A_362 = vector.extract %reduce_or3A_361[15] : f32 from vector<16xf32>
            %reduce_or3A_363 = arith.constant 0.000000e+00 : f32
            %reduce_or3A_364 = arith.cmpf ogt, %reduce_or3A_362, %reduce_or3A_363 : f32
            %convert_element_type3A_365 = arith.extui %reduce_or3A_364 : i1 to i32
            %cond3A_366 = arith.constant 0 : i32
            %cond3A_367 = arith.cmpi ne, %convert_element_type3A_365, %cond3A_366 : i32
            %cond3A_368 = scf.if %cond3A_367 -> (i32) {
              %mul3A_369 = arith.constant 640 : i32
              %mul3A_370 = arith.muli %scan3A_63, %mul3A_369 : i32
              %add3A_371 = arith.constant 512 : i32
              %add3A_372 = arith.addi %mul3A_370, %add3A_371 : i32
              %broadcast_in_dim3A_373 = vector.broadcast %scan3A_96 : i32 to vector<16xi32>
              %scan3A_374 = arith.constant 0 : i32
              %scan3A_375 = arith.constant 8 : i32
              %scan3A_376 = arith.addi %scan3A_374, %scan3A_375 : i32
              %scan3A_377 = arith.constant 1 : i32
              %scan3A_378 = scf.for %scan3A_380 = %scan3A_374 to %scan3A_376 step %scan3A_377 iter_args(%scan3A_381 = %cond3A_306) -> (i32)  : i32 {
                %mul3A_382 = arith.constant 16 : i32
                %mul3A_383 = arith.muli %scan3A_380, %mul3A_382 : i32
                %add3A_384 = arith.constant 512 : i32
                %add3A_385 = arith.addi %add3A_384, %mul3A_383 : i32
                %get3A_386 = arith.index_cast %and3A_65 : i32 to index
                %get3A_387 = arith.index_cast %scan3A_96 : i32 to index
                %get3A_388 = arith.index_cast %add3A_385 : i32 to index
                %get3A_389 = tpu.vector_load %arg7[%get3A_386, %get3A_387, %get3A_388] {strides = array<i32>} : memref<2x8x640xf32, #tpu.memory_space<vmem>>, vector<16xf32>,
                %lt3A_390 = arith.cmpf olt, %get3A_389, %broadcast_in_dim3A_106 : vector<16xf32>
                %bitcast_convert_type3A = tpu.bitcast %get3A_389 : vector<16xf32> -> vector<16xi32>
                %shift_right_arithmetic3A = arith.constant 31 : i32
                %shift_right_arithmetic3A_391 = vector.broadcast %shift_right_arithmetic3A : i32 to vector<16xi32>
                %shift_right_arithmetic3A_392 = arith.shrsi %bitcast_convert_type3A, %shift_right_arithmetic3A_391 : vector<16xi32>
                %and3A_393 = arith.constant 2147483647 : i32
                %and3A_394 = vector.broadcast %and3A_393 : i32 to vector<16xi32>
                %and3A_395 = arith.andi %shift_right_arithmetic3A_392, %and3A_394 : vector<16xi32>
                %xor3A = arith.xori %bitcast_convert_type3A, %and3A_395 : vector<16xi32>
                %mul3A_396 = arith.constant 16 : i32
                %mul3A_397 = arith.muli %scan3A_380, %mul3A_396 : i32
                %add3A_398 = arith.addi %add3A_372, %mul3A_397 : i32
                %add3A_399 = vector.broadcast %add3A_398 : i32 to vector<16xi32>
                %add3A_400 = arith.addi %add3A_399, %iota3A : vector<16xi32>
                %gather3A = tpu.vector_load_idx %arg6[%add3A_400] : memref<100000xi32, #tpu.memory_space<vmem>>[vector<16xi32>], vector<16xi32>,
                %jit3A = arith.constant 1 : i32
                %jit3A_401 = arith.constant 0 : i32
                %broadcast_in_dim3A_402 = vector.broadcast %jit3A : i32 to vector<16xi32>
                %broadcast_in_dim3A_403 = vector.broadcast %jit3A_401 : i32 to vector<16xi32>
                %select_n3A = arith.select %lt3A_390, %broadcast_in_dim3A_402, %broadcast_in_dim3A_403 : vector<16xi1>, vector<16xi32>
                %broadcast_in_dim3A_404 = vector.broadcast %scan3A_381 : i32 to vector<16xi32>
                %broadcast_in_dim3A_405 = arith.constant true
                %broadcast_in_dim3A_406 = vector.broadcast %broadcast_in_dim3A_405 : i1 to vector<16xi1>
                %masked_cumsum3A = tpu.scan <sum>, %select_n3A masked %broadcast_in_dim3A_406 : vector<16xi32>, vector<16xi1> -> vector<16xi32>
                %add3A_407 = arith.addi %broadcast_in_dim3A_404, %masked_cumsum3A : vector<16xi32>
                %sub3A = arith.subi %add3A_407, %select_n3A : vector<16xi32>
                tpu.vector_store_idx %arg9[%broadcast_in_dim3A_373, %sub3A], %xor3A masked %lt3A_390 : memref<8x896xi32, #tpu.memory_space<vmem>>[vector<16xi32>, vector<16xi32>], vector<16xi32>, vector<16xi1>
                tpu.vector_store_idx %arg10[%broadcast_in_dim3A_373, %sub3A], %gather3A masked %lt3A_390 : memref<8x896xi32, #tpu.memory_space<vmem>>[vector<16xi32>, vector<16xi32>], vector<16xi32>, vector<16xi1>
                %all_reduce_population_count3A = tpu.all_reduce %lt3A_390 {dim = 0 : i64, kind = #tpu.reduction_kind<sum>} : vector<16xi1> -> vector<16xi32>
                %slice3A = vector.extract_strided_slice %all_reduce_population_count3A {offsets = [0], sizes = [1], strides = [1]} : vector<16xi32> to vector<1xi32>
                %squeeze3A = vector.extract %slice3A[0] : i32 from vector<1xi32>
                %add3A_408 = arith.addi %scan3A_381, %squeeze3A : i32
                scf.yield %add3A_408 : i32
              }
              %scan3A_379 = arith.constant 8 : i32
              scf.yield %scan3A_378 : i32
            } else {
              scf.yield %cond3A_306 : i32
            }
            scf.yield %cond3A_368 : i32
          } else {
            %get3A_117 = arith.index_cast %and3A_65 : i32 to index
            %get3A_118 = arith.index_cast %scan3A_96 : i32 to index
            %get3A_119 = arith.constant 0 : index
            %get3A_120 = tpu.vector_load %arg8[%get3A_117, %get3A_118, %get3A_119] {strides = array<i32>} : memref<2x8x160xf32, #tpu.memory_space<vmem>>, vector<16xf32>,
            %lt3A_121 = arith.cmpf olt, %get3A_120, %broadcast_in_dim3A_106 : vector<16xf32>
            %get3A_122 = arith.index_cast %and3A_65 : i32 to index
            %get3A_123 = arith.index_cast %scan3A_96 : i32 to index
            %get3A_124 = arith.constant 16 : index
            %get3A_125 = tpu.vector_load %arg8[%get3A_122, %get3A_123, %get3A_124] {strides = array<i32>} : memref<2x8x160xf32, #tpu.memory_space<vmem>>, vector<16xf32>,
            %lt3A_126 = arith.cmpf olt, %get3A_125, %broadcast_in_dim3A_106 : vector<16xf32>
            %or3A = arith.ori %lt3A_121, %lt3A_126 : vector<16xi1>
            %get3A_127 = arith.index_cast %and3A_65 : i32 to index
            %get3A_128 = arith.index_cast %scan3A_96 : i32 to index
            %get3A_129 = arith.constant 32 : index
            %get3A_130 = tpu.vector_load %arg8[%get3A_127, %get3A_128, %get3A_129] {strides = array<i32>} : memref<2x8x160xf32, #tpu.memory_space<vmem>>, vector<16xf32>,
            %lt3A_131 = arith.cmpf olt, %get3A_130, %broadcast_in_dim3A_106 : vector<16xf32>
            %or3A_132 = arith.ori %or3A, %lt3A_131 : vector<16xi1>
            %get3A_133 = arith.index_cast %and3A_65 : i32 to index
            %get3A_134 = arith.index_cast %scan3A_96 : i32 to index
            %get3A_135 = arith.constant 48 : index
            %get3A_136 = tpu.vector_load %arg8[%get3A_133, %get3A_134, %get3A_135] {strides = array<i32>} : memref<2x8x160xf32, #tpu.memory_space<vmem>>, vector<16xf32>,
            %lt3A_137 = arith.cmpf olt, %get3A_136, %broadcast_in_dim3A_106 : vector<16xf32>
            %or3A_138 = arith.ori %or3A_132, %lt3A_137 : vector<16xi1>
            %get3A_139 = arith.index_cast %and3A_65 : i32 to index
            %get3A_140 = arith.index_cast %scan3A_96 : i32 to index
            %get3A_141 = arith.constant 64 : index
            %get3A_142 = tpu.vector_load %arg8[%get3A_139, %get3A_140, %get3A_141] {strides = array<i32>} : memref<2x8x160xf32, #tpu.memory_space<vmem>>, vector<16xf32>,
            %lt3A_143 = arith.cmpf olt, %get3A_142, %broadcast_in_dim3A_106 : vector<16xf32>
            %or3A_144 = arith.ori %or3A_138, %lt3A_143 : vector<16xi1>
            %get3A_145 = arith.index_cast %and3A_65 : i32 to index
            %get3A_146 = arith.index_cast %scan3A_96 : i32 to index
            %get3A_147 = arith.constant 80 : index
            %get3A_148 = tpu.vector_load %arg8[%get3A_145, %get3A_146, %get3A_147] {strides = array<i32>} : memref<2x8x160xf32, #tpu.memory_space<vmem>>, vector<16xf32>,
            %lt3A_149 = arith.cmpf olt, %get3A_148, %broadcast_in_dim3A_106 : vector<16xf32>
            %or3A_150 = arith.ori %or3A_144, %lt3A_149 : vector<16xi1>
            %get3A_151 = arith.index_cast %and3A_65 : i32 to index
            %get3A_152 = arith.index_cast %scan3A_96 : i32 to index
            %get3A_153 = arith.constant 96 : index
            %get3A_154 = tpu.vector_load %arg8[%get3A_151, %get3A_152, %get3A_153] {strides = array<i32>} : memref<2x8x160xf32, #tpu.memory_space<vmem>>, vector<16xf32>,
            %lt3A_155 = arith.cmpf olt, %get3A_154, %broadcast_in_dim3A_106 : vector<16xf32>
            %or3A_156 = arith.ori %or3A_150, %lt3A_155 : vector<16xi1>
            %get3A_157 = arith.index_cast %and3A_65 : i32 to index
            %get3A_158 = arith.index_cast %scan3A_96 : i32 to index
            %get3A_159 = arith.constant 112 : index
            %get3A_160 = tpu.vector_load %arg8[%get3A_157, %get3A_158, %get3A_159] {strides = array<i32>} : memref<2x8x160xf32, #tpu.memory_space<vmem>>, vector<16xf32>,
            %lt3A_161 = arith.cmpf olt, %get3A_160, %broadcast_in_dim3A_106 : vector<16xf32>
            %or3A_162 = arith.ori %or3A_156, %lt3A_161 : vector<16xi1>
            %get3A_163 = arith.index_cast %and3A_65 : i32 to index
            %get3A_164 = arith.index_cast %scan3A_96 : i32 to index
            %get3A_165 = arith.constant 128 : index
            %get3A_166 = tpu.vector_load %arg8[%get3A_163, %get3A_164, %get3A_165] {strides = array<i32>} : memref<2x8x160xf32, #tpu.memory_space<vmem>>, vector<16xf32>,
            %lt3A_167 = arith.cmpf olt, %get3A_166, %broadcast_in_dim3A_106 : vector<16xf32>
            %or3A_168 = arith.ori %or3A_162, %lt3A_167 : vector<16xi1>
            %get3A_169 = arith.index_cast %and3A_65 : i32 to index
            %get3A_170 = arith.index_cast %scan3A_96 : i32 to index
            %get3A_171 = arith.constant 144 : index
            %get3A_172 = tpu.vector_load %arg8[%get3A_169, %get3A_170, %get3A_171] {strides = array<i32>} : memref<2x8x160xf32, #tpu.memory_space<vmem>>, vector<16xf32>,
            %lt3A_173 = arith.cmpf olt, %get3A_172, %broadcast_in_dim3A_106 : vector<16xf32>
            %or3A_174 = arith.ori %or3A_168, %lt3A_173 : vector<16xi1>
            %reduce_or3A = arith.constant 1.000000e+00 : f32
            %reduce_or3A_175 = arith.constant 0.000000e+00 : f32
            %reduce_or3A_176 = vector.broadcast %reduce_or3A : f32 to vector<16xf32>
            %reduce_or3A_177 = vector.broadcast %reduce_or3A_175 : f32 to vector<16xf32>
            %reduce_or3A_178 = arith.select %or3A_174, %reduce_or3A_176, %reduce_or3A_177 : vector<16xi1>, vector<16xf32>
            %reduce_or3A_179 = arith.constant true
            %reduce_or3A_180 = vector.broadcast %reduce_or3A_179 : i1 to vector<16xi1>
            %reduce_or3A_181 = tpu.scan <max>, %reduce_or3A_178 masked %reduce_or3A_180 : vector<16xf32>, vector<16xi1> -> vector<16xf32>
            %reduce_or3A_182 = vector.extract %reduce_or3A_181[15] : f32 from vector<16xf32>
            %reduce_or3A_183 = arith.constant 0.000000e+00 : f32
            %reduce_or3A_184 = arith.cmpf ogt, %reduce_or3A_182, %reduce_or3A_183 : f32
            %convert_element_type3A_185 = arith.extui %reduce_or3A_184 : i1 to i32
            %cond3A_186 = arith.constant 0 : i32
            %cond3A_187 = arith.cmpi ne, %convert_element_type3A_185, %cond3A_186 : i32
            %cond3A_188 = scf.if %cond3A_187 -> (i32) {
              %mul3A_189 = arith.constant 640 : i32
              %mul3A_190 = arith.muli %scan3A_63, %mul3A_189 : i32
              %add3A_191 = arith.constant 0 : i32
              %add3A_192 = arith.addi %mul3A_190, %add3A_191 : i32
              %broadcast_in_dim3A_193 = vector.broadcast %scan3A_96 : i32 to vector<16xi32>
              %scan3A_194 = arith.constant 0 : i32
              %scan3A_195 = arith.constant 10 : i32
              %scan3A_196 = arith.addi %scan3A_194, %scan3A_195 : i32
              %scan3A_197 = arith.constant 1 : i32
              %scan3A_198 = scf.for %scan3A_200 = %scan3A_194 to %scan3A_196 step %scan3A_197 iter_args(%scan3A_201 = %cond3A_105#0) -> (i32)  : i32 {
                %mul3A_202 = arith.constant 16 : i32
                %mul3A_203 = arith.muli %scan3A_200, %mul3A_202 : i32
                %add3A_204 = arith.constant 0 : i32
                %add3A_205 = arith.addi %add3A_204, %mul3A_203 : i32
                %get3A_206 = arith.index_cast %and3A_65 : i32 to index
                %get3A_207 = arith.index_cast %scan3A_96 : i32 to index
                %get3A_208 = arith.index_cast %add3A_205 : i32 to index
                %get3A_209 = tpu.vector_load %arg8[%get3A_206, %get3A_207, %get3A_208] {strides = array<i32>} : memref<2x8x160xf32, #tpu.memory_space<vmem>>, vector<16xf32>,
                %lt3A_210 = arith.cmpf olt, %get3A_209, %broadcast_in_dim3A_106 : vector<16xf32>
                %bitcast_convert_type3A = tpu.bitcast %get3A_209 : vector<16xf32> -> vector<16xi32>
                %shift_right_arithmetic3A = arith.constant 31 : i32
                %shift_right_arithmetic3A_211 = vector.broadcast %shift_right_arithmetic3A : i32 to vector<16xi32>
                %shift_right_arithmetic3A_212 = arith.shrsi %bitcast_convert_type3A, %shift_right_arithmetic3A_211 : vector<16xi32>
                %and3A_213 = arith.constant 2147483647 : i32
                %and3A_214 = vector.broadcast %and3A_213 : i32 to vector<16xi32>
                %and3A_215 = arith.andi %shift_right_arithmetic3A_212, %and3A_214 : vector<16xi32>
                %xor3A = arith.xori %bitcast_convert_type3A, %and3A_215 : vector<16xi32>
                %mul3A_216 = arith.constant 16 : i32
                %mul3A_217 = arith.muli %scan3A_200, %mul3A_216 : i32
                %add3A_218 = arith.addi %add3A_192, %mul3A_217 : i32
                %add3A_219 = vector.broadcast %add3A_218 : i32 to vector<16xi32>
                %add3A_220 = arith.addi %add3A_219, %iota3A : vector<16xi32>
                %gather3A = tpu.vector_load_idx %arg6[%add3A_220] : memref<100000xi32, #tpu.memory_space<vmem>>[vector<16xi32>], vector<16xi32>,
                %jit3A = arith.constant 1 : i32
                %jit3A_221 = arith.constant 0 : i32
                %broadcast_in_dim3A_222 = vector.broadcast %jit3A : i32 to vector<16xi32>
                %broadcast_in_dim3A_223 = vector.broadcast %jit3A_221 : i32 to vector<16xi32>
                %select_n3A = arith.select %lt3A_210, %broadcast_in_dim3A_222, %broadcast_in_dim3A_223 : vector<16xi1>, vector<16xi32>
                %broadcast_in_dim3A_224 = vector.broadcast %scan3A_201 : i32 to vector<16xi32>
                %broadcast_in_dim3A_225 = arith.constant true
                %broadcast_in_dim3A_226 = vector.broadcast %broadcast_in_dim3A_225 : i1 to vector<16xi1>
                %masked_cumsum3A = tpu.scan <sum>, %select_n3A masked %broadcast_in_dim3A_226 : vector<16xi32>, vector<16xi1> -> vector<16xi32>
                %add3A_227 = arith.addi %broadcast_in_dim3A_224, %masked_cumsum3A : vector<16xi32>
                %sub3A = arith.subi %add3A_227, %select_n3A : vector<16xi32>
                tpu.vector_store_idx %arg9[%broadcast_in_dim3A_193, %sub3A], %xor3A masked %lt3A_210 : memref<8x896xi32, #tpu.memory_space<vmem>>[vector<16xi32>, vector<16xi32>], vector<16xi32>, vector<16xi1>
                tpu.vector_store_idx %arg10[%broadcast_in_dim3A_193, %sub3A], %gather3A masked %lt3A_210 : memref<8x896xi32, #tpu.memory_space<vmem>>[vector<16xi32>, vector<16xi32>], vector<16xi32>, vector<16xi1>
                %all_reduce_population_count3A = tpu.all_reduce %lt3A_210 {dim = 0 : i64, kind = #tpu.reduction_kind<sum>} : vector<16xi1> -> vector<16xi32>
                %slice3A = vector.extract_strided_slice %all_reduce_population_count3A {offsets = [0], sizes = [1], strides = [1]} : vector<16xi32> to vector<1xi32>
                %squeeze3A = vector.extract %slice3A[0] : i32 from vector<1xi32>
                %add3A_228 = arith.addi %scan3A_201, %squeeze3A : i32
                scf.yield %add3A_228 : i32
              }
              %scan3A_199 = arith.constant 10 : i32
              scf.yield %scan3A_198 : i32
            } else {
              scf.yield %cond3A_105#0 : i32
            }
            scf.yield %cond3A_188 : i32
          }
          %swap3A = arith.index_cast %scan3A_96 : i32 to index
          %swap3A_113 = memref.load %arg13[%swap3A] : memref<8xi32, #tpu.memory_space<smem>>
          memref.store %cond3A_112, %arg13[%swap3A] : memref<8xi32, #tpu.memory_space<smem>>
          %swap3A_114 = arith.index_cast %scan3A_96 : i32 to index
          %swap3A_115 = memref.load %arg14[%swap3A_114] : memref<8xf32, #tpu.memory_space<smem>>
          memref.store %cond3A_105#1, %arg14[%swap3A_114] : memref<8xf32, #tpu.memory_space<smem>>
          %scan3A_116 = arith.constant 0 : i32
          scf.yield %scan3A_116 : i32
        }
        %scan3A_94 = arith.constant 8 : i32
        %scan3A_95 = arith.constant 0 : i32
        scf.yield %scan3A_95 : i32
      }
      %scan3A_54 = arith.constant 157 : i32
      %scan3A_55 = arith.constant 0 : i32
      %scan3A_56 = arith.constant 0 : i32
      %scan3A_57 = arith.constant 8 : i32
      %scan3A_58 = arith.addi %scan3A_56, %scan3A_57 : i32
      %scan3A_59 = arith.constant 1 : i32
      %scan3A_60 = scf.for %scan3A_63 = %scan3A_56 to %scan3A_58 step %scan3A_59 iter_args(%scan3A_64 = %scan3A_55) -> (i32)  : i32 {
        %get3A = arith.index_cast %scan3A_63 : i32 to index
        %get3A_65 = memref.load %arg13[%get3A] : memref<8xi32, #tpu.memory_space<smem>>
        %add3A_66 = arith.constant 15 : i32
        %add3A_67 = arith.addi %get3A_65, %add3A_66 : i32
        %jit3A = arith.constant 16 : i32
        %div3A = arith.divsi %add3A_67, %jit3A : i32
        %sign3A = arith.constant 0 : i32
        %sign3A_68 = arith.cmpi sgt, %add3A_67, %sign3A : i32
        %sign3A_69 = arith.extui %sign3A_68 : i1 to i32
        %sign3A_70 = arith.constant 0 : i32
        %sign3A_71 = arith.cmpi slt, %add3A_67, %sign3A_70 : i32
        %sign3A_72 = arith.extui %sign3A_71 : i1 to i32
        %sign3A_73 = arith.subi %sign3A_69, %sign3A_72 : i32
        %sign3A_74 = arith.constant 0 : i32
        %sign3A_75 = arith.cmpi sgt, %jit3A, %sign3A_74 : i32
        %sign3A_76 = arith.extui %sign3A_75 : i1 to i32
        %sign3A_77 = arith.constant 0 : i32
        %sign3A_78 = arith.cmpi slt, %jit3A, %sign3A_77 : i32
        %sign3A_79 = arith.extui %sign3A_78 : i1 to i32
        %sign3A_80 = arith.subi %sign3A_76, %sign3A_79 : i32
        %ne3A = arith.cmpi ne, %sign3A_73, %sign3A_80 : i32
        %rem3A = arith.remsi %add3A_67, %jit3A : i32
        %ne3A_81 = arith.constant 0 : i32
        %ne3A_82 = arith.cmpi ne, %rem3A, %ne3A_81 : i32
        %and3A = arith.andi %ne3A, %ne3A_82 : i1
        %sub3A = arith.constant 1 : i32
        %sub3A_83 = arith.subi %div3A, %sub3A : i32
        %select_n3A = arith.select %and3A, %sub3A_83, %div3A : i32
        %broadcast_in_dim3A_84 = vector.broadcast %get3A_65 : i32 to vector<16xi32>
        %scan3A_85 = arith.constant 0 : i32
        %scan3A_86 = arith.constant 0 : i32
        %scan3A_87 = arith.constant 64 : i32
        %scan3A_88 = arith.constant 0 : i32
        %scan3A_89 = arith.constant 0 : i32
        %scan3A_90 = arith.constant 8 : i32
        %scan3A_91 = arith.addi %scan3A_89, %scan3A_90 : i32
        %scan3A_92 = arith.constant 1 : i32
        %scan3A_93:4 = scf.for %scan3A_359 = %scan3A_89 to %scan3A_91 step %scan3A_92 iter_args(%scan3A_360 = %scan3A_85, %scan3A_361 = %scan3A_86, %scan3A_362 = %scan3A_87, %scan3A_363 = %scan3A_88) -> (i32, i32, i32, i32)  : i32 {
          %mul3A_364 = arith.constant 4 : i32
          %mul3A_365 = arith.muli %mul3A_364, %scan3A_359 : i32
          %sub3A_366 = arith.constant 28 : i32
          %sub3A_367 = arith.subi %sub3A_366, %mul3A_365 : i32
          %broadcast_in_dim3A_368 = vector.broadcast %sub3A_367 : i32 to vector<16xi32>
          %eq3A_369 = arith.constant 0 : i32
          %eq3A_370 = arith.cmpi eq, %scan3A_359, %eq3A_369 : i32
          %jit3A_371 = arith.constant 8 : i32
          %jit3A_372 = arith.constant 0 : i32
          %select_n3A_373 = arith.select %eq3A_370, %jit3A_371, %jit3A_372 : i32
          %swap3A_374 = arith.constant 0 : index
          %swap3A_375 = tpu.vector_load %arg11[%swap3A_374] {strides = array<i32>} : memref<256xi32, #tpu.memory_space<vmem>>, vector<16xi32>,
          tpu.vector_store %arg11[%swap3A_374], %broadcast_in_dim3A_3 {strides = array<i32>} : memref<256xi32, #tpu.memory_space<vmem>>, vector<16xi32>,
          %swap3A_376 = arith.constant 16 : index
          %swap3A_377 = tpu.vector_load %arg11[%swap3A_376] {strides = array<i32>} : memref<256xi32, #tpu.memory_space<vmem>>, vector<16xi32>,
          tpu.vector_store %arg11[%swap3A_376], %broadcast_in_dim3A_3 {strides = array<i32>} : memref<256xi32, #tpu.memory_space<vmem>>, vector<16xi32>,
          %swap3A_378 = arith.constant 32 : index
          %swap3A_379 = tpu.vector_load %arg11[%swap3A_378] {strides = array<i32>} : memref<256xi32, #tpu.memory_space<vmem>>, vector<16xi32>,
          tpu.vector_store %arg11[%swap3A_378], %broadcast_in_dim3A_3 {strides = array<i32>} : memref<256xi32, #tpu.memory_space<vmem>>, vector<16xi32>,
          %swap3A_380 = arith.constant 48 : index
          %swap3A_381 = tpu.vector_load %arg11[%swap3A_380] {strides = array<i32>} : memref<256xi32, #tpu.memory_space<vmem>>, vector<16xi32>,
          tpu.vector_store %arg11[%swap3A_380], %broadcast_in_dim3A_3 {strides = array<i32>} : memref<256xi32, #tpu.memory_space<vmem>>, vector<16xi32>,
          %swap3A_382 = arith.constant 64 : index
          %swap3A_383 = tpu.vector_load %arg11[%swap3A_382] {strides = array<i32>} : memref<256xi32, #tpu.memory_space<vmem>>, vector<16xi32>,
          tpu.vector_store %arg11[%swap3A_382], %broadcast_in_dim3A_3 {strides = array<i32>} : memref<256xi32, #tpu.memory_space<vmem>>, vector<16xi32>,
          %swap3A_384 = arith.constant 80 : index
          %swap3A_385 = tpu.vector_load %arg11[%swap3A_384] {strides = array<i32>} : memref<256xi32, #tpu.memory_space<vmem>>, vector<16xi32>,
          tpu.vector_store %arg11[%swap3A_384], %broadcast_in_dim3A_3 {strides = array<i32>} : memref<256xi32, #tpu.memory_space<vmem>>, vector<16xi32>,
          %swap3A_386 = arith.constant 96 : index
          %swap3A_387 = tpu.vector_load %arg11[%swap3A_386] {strides = array<i32>} : memref<256xi32, #tpu.memory_space<vmem>>, vector<16xi32>,
          tpu.vector_store %arg11[%swap3A_386], %broadcast_in_dim3A_3 {strides = array<i32>} : memref<256xi32, #tpu.memory_space<vmem>>, vector<16xi32>,
          %swap3A_388 = arith.constant 112 : index
          %swap3A_389 = tpu.vector_load %arg11[%swap3A_388] {strides = array<i32>} : memref<256xi32, #tpu.memory_space<vmem>>, vector<16xi32>,
          tpu.vector_store %arg11[%swap3A_388], %broadcast_in_dim3A_3 {strides = array<i32>} : memref<256xi32, #tpu.memory_space<vmem>>, vector<16xi32>,
          %swap3A_390 = arith.constant 128 : index
          %swap3A_391 = tpu.vector_load %arg11[%swap3A_390] {strides = array<i32>} : memref<256xi32, #tpu.memory_space<vmem>>, vector<16xi32>,
          tpu.vector_store %arg11[%swap3A_390], %broadcast_in_dim3A_3 {strides = array<i32>} : memref<256xi32, #tpu.memory_space<vmem>>, vector<16xi32>,
          %swap3A_392 = arith.constant 144 : index
          %swap3A_393 = tpu.vector_load %arg11[%swap3A_392] {strides = array<i32>} : memref<256xi32, #tpu.memory_space<vmem>>, vector<16xi32>,
          tpu.vector_store %arg11[%swap3A_392], %broadcast_in_dim3A_3 {strides = array<i32>} : memref<256xi32, #tpu.memory_space<vmem>>, vector<16xi32>,
          %swap3A_394 = arith.constant 160 : index
          %swap3A_395 = tpu.vector_load %arg11[%swap3A_394] {strides = array<i32>} : memref<256xi32, #tpu.memory_space<vmem>>, vector<16xi32>,
          tpu.vector_store %arg11[%swap3A_394], %broadcast_in_dim3A_3 {strides = array<i32>} : memref<256xi32, #tpu.memory_space<vmem>>, vector<16xi32>,
          %swap3A_396 = arith.constant 176 : index
          %swap3A_397 = tpu.vector_load %arg11[%swap3A_396] {strides = array<i32>} : memref<256xi32, #tpu.memory_space<vmem>>, vector<16xi32>,
          tpu.vector_store %arg11[%swap3A_396], %broadcast_in_dim3A_3 {strides = array<i32>} : memref<256xi32, #tpu.memory_space<vmem>>, vector<16xi32>,
          %swap3A_398 = arith.constant 192 : index
          %swap3A_399 = tpu.vector_load %arg11[%swap3A_398] {strides = array<i32>} : memref<256xi32, #tpu.memory_space<vmem>>, vector<16xi32>,
          tpu.vector_store %arg11[%swap3A_398], %broadcast_in_dim3A_3 {strides = array<i32>} : memref<256xi32, #tpu.memory_space<vmem>>, vector<16xi32>,
          %swap3A_400 = arith.constant 208 : index
          %swap3A_401 = tpu.vector_load %arg11[%swap3A_400] {strides = array<i32>} : memref<256xi32, #tpu.memory_space<vmem>>, vector<16xi32>,
          tpu.vector_store %arg11[%swap3A_400], %broadcast_in_dim3A_3 {strides = array<i32>} : memref<256xi32, #tpu.memory_space<vmem>>, vector<16xi32>,
          %swap3A_402 = arith.constant 224 : index
          %swap3A_403 = tpu.vector_load %arg11[%swap3A_402] {strides = array<i32>} : memref<256xi32, #tpu.memory_space<vmem>>, vector<16xi32>,
          tpu.vector_store %arg11[%swap3A_402], %broadcast_in_dim3A_3 {strides = array<i32>} : memref<256xi32, #tpu.memory_space<vmem>>, vector<16xi32>,
          %swap3A_404 = arith.constant 240 : index
          %swap3A_405 = tpu.vector_load %arg11[%swap3A_404] {strides = array<i32>} : memref<256xi32, #tpu.memory_space<vmem>>, vector<16xi32>,
          tpu.vector_store %arg11[%swap3A_404], %broadcast_in_dim3A_3 {strides = array<i32>} : memref<256xi32, #tpu.memory_space<vmem>>, vector<16xi32>,
          %while3A_406 = arith.constant 0 : i32
          %while3A_407 = arith.constant 0 : i32
          %while3A_408 = arith.subi %select_n3A, %while3A_406 : i32
          %while3A_409 = arith.addi %while3A_406, %while3A_408 : i32
          %while3A_410 = arith.constant 1 : i32
          %while3A_411 = arith.divsi %while3A_408, %while3A_410 : i32
          %while3A_412 = arith.muli %while3A_411, %while3A_410 : i32
          %while3A_413 = arith.addi %while3A_406, %while3A_412 : i32
          %while3A_414 = arith.constant 1 : i32
          %while3A_415 = scf.for %while3A_483 = %while3A_406 to %while3A_413 step %while3A_414 iter_args(%while3A_484 = %while3A_407) -> (i32)  : i32 {
            %mul3A_485 = arith.constant 16 : i32
            %mul3A_486 = arith.muli %while3A_483, %mul3A_485 : i32
            %get3A_487 = arith.index_cast %scan3A_63 : i32 to index
            %get3A_488 = arith.index_cast %mul3A_486 : i32 to index
            %get3A_489 = tpu.vector_load %arg9[%get3A_487, %get3A_488] {strides = array<i32>} : memref<8x896xi32, #tpu.memory_space<vmem>>, vector<16xi32>,
            %mul3A_490 = arith.constant 16 : i32
            %mul3A_491 = arith.muli %while3A_483, %mul3A_490 : i32
            %add3A_492 = vector.broadcast %mul3A_491 : i32 to vector<16xi32>
            %add3A_493 = arith.addi %iota3A, %add3A_492 : vector<16xi32>
            %lt3A_494 = arith.cmpi slt, %add3A_493, %broadcast_in_dim3A_84 : vector<16xi32>
            %broadcast_in_dim3A_495 = vector.broadcast %scan3A_361 : i32 to vector<16xi32>
            %and3A_496 = arith.andi %get3A_489, %broadcast_in_dim3A_495 : vector<16xi32>
            %broadcast_in_dim3A_497 = vector.broadcast %scan3A_360 : i32 to vector<16xi32>
            %eq3A_498 = arith.cmpi eq, %and3A_496, %broadcast_in_dim3A_497 : vector<16xi32>
            %and3A_499 = arith.andi %lt3A_494, %eq3A_498 : vector<16xi1>
            %shift_right_arithmetic3A_500 = arith.shrsi %get3A_489, %broadcast_in_dim3A_368 : vector<16xi32>
            %broadcast_in_dim3A_501 = arith.constant 15 : i32
            %broadcast_in_dim3A_502 = vector.broadcast %broadcast_in_dim3A_501 : i32 to vector<16xi32>
            %and3A_503 = arith.andi %shift_right_arithmetic3A_500, %broadcast_in_dim3A_502 : vector<16xi32>
            %broadcast_in_dim3A_504 = vector.broadcast %select_n3A_373 : i32 to vector<16xi32>
            %xor3A_505 = arith.xori %and3A_503, %broadcast_in_dim3A_504 : vector<16xi32>
            %mul3A_506 = arith.constant 16 : i32
            %mul3A_507 = vector.broadcast %mul3A_506 : i32 to vector<16xi32>
            %mul3A_508 = arith.muli %iota3A, %mul3A_507 : vector<16xi32>
            %add3A_509 = arith.addi %mul3A_508, %xor3A_505 : vector<16xi32>
            %jit3A_510 = arith.constant 1 : i32
            %jit3A_511 = arith.constant 0 : i32
            %broadcast_in_dim3A_512 = vector.broadcast %jit3A_510 : i32 to vector<16xi32>
            %broadcast_in_dim3A_513 = vector.broadcast %jit3A_511 : i32 to vector<16xi32>
            %select_n3A_514 = arith.select %and3A_499, %broadcast_in_dim3A_512, %broadcast_in_dim3A_513 : vector<16xi1>, vector<16xi32>
            tpu.vector_store_idx %arg11[%add3A_509], %select_n3A_514 {add = true} : memref<256xi32, #tpu.memory_space<vmem>>[vector<16xi32>], vector<16xi32>,
            %while3A_515 = arith.constant 0 : i32
            scf.yield %while3A_515 : i32
          }
          %while3A_416 = arith.constant 1 : i32
          %while3A_417 = scf.for %while3A_483 = %while3A_413 to %while3A_409 step %while3A_416 iter_args(%while3A_484 = %while3A_415) -> (i32)  : i32 {
            %mul3A_485 = arith.constant 16 : i32
            %mul3A_486 = arith.muli %while3A_483, %mul3A_485 : i32
            %get3A_487 = arith.index_cast %scan3A_63 : i32 to index
            %get3A_488 = arith.index_cast %mul3A_486 : i32 to index
            %get3A_489 = tpu.vector_load %arg9[%get3A_487, %get3A_488] {strides = array<i32>} : memref<8x896xi32, #tpu.memory_space<vmem>>, vector<16xi32>,
            %mul3A_490 = arith.constant 16 : i32
            %mul3A_491 = arith.muli %while3A_483, %mul3A_490 : i32
            %add3A_492 = vector.broadcast %mul3A_491 : i32 to vector<16xi32>
            %add3A_493 = arith.addi %iota3A, %add3A_492 : vector<16xi32>
            %lt3A_494 = arith.cmpi slt, %add3A_493, %broadcast_in_dim3A_84 : vector<16xi32>
            %broadcast_in_dim3A_495 = vector.broadcast %scan3A_361 : i32 to vector<16xi32>
            %and3A_496 = arith.andi %get3A_489, %broadcast_in_dim3A_495 : vector<16xi32>
            %broadcast_in_dim3A_497 = vector.broadcast %scan3A_360 : i32 to vector<16xi32>
            %eq3A_498 = arith.cmpi eq, %and3A_496, %broadcast_in_dim3A_497 : vector<16xi32>
            %and3A_499 = arith.andi %lt3A_494, %eq3A_498 : vector<16xi1>
            %shift_right_arithmetic3A_500 = arith.shrsi %get3A_489, %broadcast_in_dim3A_368 : vector<16xi32>
            %broadcast_in_dim3A_501 = arith.constant 15 : i32
            %broadcast_in_dim3A_502 = vector.broadcast %broadcast_in_dim3A_501 : i32 to vector<16xi32>
            %and3A_503 = arith.andi %shift_right_arithmetic3A_500, %broadcast_in_dim3A_502 : vector<16xi32>
            %broadcast_in_dim3A_504 = vector.broadcast %select_n3A_373 : i32 to vector<16xi32>
            %xor3A_505 = arith.xori %and3A_503, %broadcast_in_dim3A_504 : vector<16xi32>
            %mul3A_506 = arith.constant 16 : i32
            %mul3A_507 = vector.broadcast %mul3A_506 : i32 to vector<16xi32>
            %mul3A_508 = arith.muli %iota3A, %mul3A_507 : vector<16xi32>
            %add3A_509 = arith.addi %mul3A_508, %xor3A_505 : vector<16xi32>
            %jit3A_510 = arith.constant 1 : i32
            %jit3A_511 = arith.constant 0 : i32
            %broadcast_in_dim3A_512 = vector.broadcast %jit3A_510 : i32 to vector<16xi32>
            %broadcast_in_dim3A_513 = vector.broadcast %jit3A_511 : i32 to vector<16xi32>
            %select_n3A_514 = arith.select %and3A_499, %broadcast_in_dim3A_512, %broadcast_in_dim3A_513 : vector<16xi1>, vector<16xi32>
            tpu.vector_store_idx %arg11[%add3A_509], %select_n3A_514 {add = true} : memref<256xi32, #tpu.memory_space<vmem>>[vector<16xi32>], vector<16xi32>,
            %while3A_515 = arith.constant 0 : i32
            scf.yield %while3A_515 : i32
          }
          %get3A_418 = arith.constant 0 : index
          %get3A_419 = tpu.vector_load %arg11[%get3A_418] {strides = array<i32>} : memref<256xi32, #tpu.memory_space<vmem>>, vector<16xi32>,
          %add3A_420 = arith.addi %broadcast_in_dim3A_3, %get3A_419 : vector<16xi32>
          %get3A_421 = arith.constant 16 : index
          %get3A_422 = tpu.vector_load %arg11[%get3A_421] {strides = array<i32>} : memref<256xi32, #tpu.memory_space<vmem>>, vector<16xi32>,
          %add3A_423 = arith.addi %add3A_420, %get3A_422 : vector<16xi32>
          %get3A_424 = arith.constant 32 : index
          %get3A_425 = tpu.vector_load %arg11[%get3A_424] {strides = array<i32>} : memref<256xi32, #tpu.memory_space<vmem>>, vector<16xi32>,
          %add3A_426 = arith.addi %add3A_423, %get3A_425 : vector<16xi32>
          %get3A_427 = arith.constant 48 : index
          %get3A_428 = tpu.vector_load %arg11[%get3A_427] {strides = array<i32>} : memref<256xi32, #tpu.memory_space<vmem>>, vector<16xi32>,
          %add3A_429 = arith.addi %add3A_426, %get3A_428 : vector<16xi32>
          %get3A_430 = arith.constant 64 : index
          %get3A_431 = tpu.vector_load %arg11[%get3A_430] {strides = array<i32>} : memref<256xi32, #tpu.memory_space<vmem>>, vector<16xi32>,
          %add3A_432 = arith.addi %add3A_429, %get3A_431 : vector<16xi32>
          %get3A_433 = arith.constant 80 : index
          %get3A_434 = tpu.vector_load %arg11[%get3A_433] {strides = array<i32>} : memref<256xi32, #tpu.memory_space<vmem>>, vector<16xi32>,
          %add3A_435 = arith.addi %add3A_432, %get3A_434 : vector<16xi32>
          %get3A_436 = arith.constant 96 : index
          %get3A_437 = tpu.vector_load %arg11[%get3A_436] {strides = array<i32>} : memref<256xi32, #tpu.memory_space<vmem>>, vector<16xi32>,
          %add3A_438 = arith.addi %add3A_435, %get3A_437 : vector<16xi32>
          %get3A_439 = arith.constant 112 : index
          %get3A_440 = tpu.vector_load %arg11[%get3A_439] {strides = array<i32>} : memref<256xi32, #tpu.memory_space<vmem>>, vector<16xi32>,
          %add3A_441 = arith.addi %add3A_438, %get3A_440 : vector<16xi32>
          %get3A_442 = arith.constant 128 : index
          %get3A_443 = tpu.vector_load %arg11[%get3A_442] {strides = array<i32>} : memref<256xi32, #tpu.memory_space<vmem>>, vector<16xi32>,
          %add3A_444 = arith.addi %add3A_441, %get3A_443 : vector<16xi32>
          %get3A_445 = arith.constant 144 : index
          %get3A_446 = tpu.vector_load %arg11[%get3A_445] {strides = array<i32>} : memref<256xi32, #tpu.memory_space<vmem>>, vector<16xi32>,
          %add3A_447 = arith.addi %add3A_444, %get3A_446 : vector<16xi32>
          %get3A_448 = arith.constant 160 : index
          %get3A_449 = tpu.vector_load %arg11[%get3A_448] {strides = array<i32>} : memref<256xi32, #tpu.memory_space<vmem>>, vector<16xi32>,
          %add3A_450 = arith.addi %add3A_447, %get3A_449 : vector<16xi32>
          %get3A_451 = arith.constant 176 : index
          %get3A_452 = tpu.vector_load %arg11[%get3A_451] {strides = array<i32>} : memref<256xi32, #tpu.memory_space<vmem>>, vector<16xi32>,
          %add3A_453 = arith.addi %add3A_450, %get3A_452 : vector<16xi32>
          %get3A_454 = arith.constant 192 : index
          %get3A_455 = tpu.vector_load %arg11[%get3A_454] {strides = array<i32>} : memref<256xi32, #tpu.memory_space<vmem>>, vector<16xi32>,
          %add3A_456 = arith.addi %add3A_453, %get3A_455 : vector<16xi32>
          %get3A_457 = arith.constant 208 : index
          %get3A_458 = tpu.vector_load %arg11[%get3A_457] {strides = array<i32>} : memref<256xi32, #tpu.memory_space<vmem>>, vector<16xi32>,
          %add3A_459 = arith.addi %add3A_456, %get3A_458 : vector<16xi32>
          %get3A_460 = arith.constant 224 : index
          %get3A_461 = tpu.vector_load %arg11[%get3A_460] {strides = array<i32>} : memref<256xi32, #tpu.memory_space<vmem>>, vector<16xi32>,
          %add3A_462 = arith.addi %add3A_459, %get3A_461 : vector<16xi32>
          %get3A_463 = arith.constant 240 : index
          %get3A_464 = tpu.vector_load %arg11[%get3A_463] {strides = array<i32>} : memref<256xi32, #tpu.memory_space<vmem>>, vector<16xi32>,
          %add3A_465 = arith.addi %add3A_462, %get3A_464 : vector<16xi32>
          %broadcast_in_dim3A_466 = arith.constant true
          %broadcast_in_dim3A_467 = vector.broadcast %broadcast_in_dim3A_466 : i1 to vector<16xi1>
          %masked_cumsum3A = tpu.scan <sum>, %add3A_465 masked %broadcast_in_dim3A_467 : vector<16xi32>, vector<16xi1> -> vector<16xi32>
          %broadcast_in_dim3A_468 = vector.broadcast %scan3A_362 : i32 to vector<16xi32>
          %ge3A = arith.cmpi sge, %masked_cumsum3A, %broadcast_in_dim3A_468 : vector<16xi32>
          %all_reduce_ffs3A = tpu.all_reduce %ge3A {dim = 0 : i64, kind = #tpu.reduction_kind<find_first_set>} : vector<16xi1> -> vector<16xi32>
          %lt3A = arith.cmpi slt, %iota3A, %all_reduce_ffs3A : vector<16xi32>
          %jit3A_469 = arith.constant 0 : i32
          %broadcast_in_dim3A_470 = vector.broadcast %jit3A_469 : i32 to vector<16xi32>
          %select_n3A_471 = arith.select %lt3A, %add3A_465, %broadcast_in_dim3A_470 : vector<16xi1>, vector<16xi32>
          %reduce_sum3A = arith.constant true
          %reduce_sum3A_472 = vector.broadcast %reduce_sum3A : i1 to vector<16xi1>
          %reduce_sum3A_473 = tpu.scan <sum>, %select_n3A_471 masked %reduce_sum3A_472 : vector<16xi32>, vector<16xi1> -> vector<16xi32>
          %reduce_sum3A_474 = vector.extract %reduce_sum3A_473[15] : i32 from vector<16xi32>
          %slice3A_475 = vector.extract_strided_slice %all_reduce_ffs3A {offsets = [0], sizes = [1], strides = [1]} : vector<16xi32> to vector<1xi32>
          %squeeze3A_476 = vector.extract %slice3A_475[0] : i32 from vector<1xi32>
          %xor3A_477 = arith.xori %squeeze3A_476, %select_n3A_373 : i32
          %shift_left3A = arith.shli %xor3A_477, %sub3A_367 : i32
          %or3A = arith.ori %scan3A_360, %shift_left3A : i32
          %shift_left3A_478 = arith.constant 15 : i32
          %shift_left3A_479 = arith.shli %shift_left3A_478, %sub3A_367 : i32
          %or3A_480 = arith.ori %scan3A_361, %shift_left3A_479 : i32
          %sub3A_481 = arith.subi %scan3A_362, %reduce_sum3A_474 : i32
          %add3A_482 = arith.addi %scan3A_363, %reduce_sum3A_474 : i32
          scf.yield %or3A, %or3A_480, %sub3A_481, %add3A_482 : i32, i32, i32, i32
        }
        %scan3A_94 = arith.constant 8 : i32
        %broadcast_in_dim3A_95 = vector.broadcast %scan3A_93#0 : i32 to vector<16xi32>
        %broadcast_in_dim3A_96 = vector.broadcast %scan3A_93#2 : i32 to vector<16xi32>
        %while3A = arith.constant 0 : i32
        %while3A_97 = arith.constant 0 : i32
        %while3A_98 = arith.constant 0 : i32
        %while3A_99 = arith.subi %select_n3A, %while3A : i32
        %while3A_100 = arith.addi %while3A, %while3A_99 : i32
        %while3A_101 = arith.constant 1 : i32
        %while3A_102 = arith.divsi %while3A_99, %while3A_101 : i32
        %while3A_103 = arith.muli %while3A_102, %while3A_101 : i32
        %while3A_104 = arith.addi %while3A, %while3A_103 : i32
        %while3A_105 = arith.constant 1 : i32
        %while3A_106:2 = scf.for %while3A_359 = %while3A to %while3A_104 step %while3A_105 iter_args(%while3A_360 = %while3A_97, %while3A_361 = %while3A_98) -> (i32, i32)  : i32 {
          %mul3A_362 = arith.constant 16 : i32
          %mul3A_363 = arith.muli %while3A_359, %mul3A_362 : i32
          %get3A_364 = arith.index_cast %scan3A_63 : i32 to index
          %get3A_365 = arith.index_cast %mul3A_363 : i32 to index
          %get3A_366 = tpu.vector_load %arg9[%get3A_364, %get3A_365] {strides = array<i32>} : memref<8x896xi32, #tpu.memory_space<vmem>>, vector<16xi32>,
          %mul3A_367 = arith.constant 16 : i32
          %mul3A_368 = arith.muli %while3A_359, %mul3A_367 : i32
          %get3A_369 = arith.index_cast %scan3A_63 : i32 to index
          %get3A_370 = arith.index_cast %mul3A_368 : i32 to index
          %get3A_371 = tpu.vector_load %arg10[%get3A_369, %get3A_370] {strides = array<i32>} : memref<8x896xi32, #tpu.memory_space<vmem>>, vector<16xi32>,
          %mul3A_372 = arith.constant 16 : i32
          %mul3A_373 = arith.muli %while3A_359, %mul3A_372 : i32
          %add3A_374 = vector.broadcast %mul3A_373 : i32 to vector<16xi32>
          %add3A_375 = arith.addi %iota3A, %add3A_374 : vector<16xi32>
          %lt3A = arith.cmpi slt, %add3A_375, %broadcast_in_dim3A_84 : vector<16xi32>
          %lt3A_376 = arith.cmpi slt, %get3A_366, %broadcast_in_dim3A_95 : vector<16xi32>
          %and3A_377 = arith.andi %lt3A_376, %lt3A : vector<16xi1>
          %eq3A_378 = arith.cmpi eq, %get3A_366, %broadcast_in_dim3A_95 : vector<16xi32>
          %and3A_379 = arith.andi %eq3A_378, %lt3A : vector<16xi1>
          %jit3A_380 = arith.constant 1 : i32
          %jit3A_381 = arith.constant 0 : i32
          %broadcast_in_dim3A_382 = vector.broadcast %jit3A_380 : i32 to vector<16xi32>
          %broadcast_in_dim3A_383 = vector.broadcast %jit3A_381 : i32 to vector<16xi32>
          %select_n3A_384 = arith.select %and3A_379, %broadcast_in_dim3A_382, %broadcast_in_dim3A_383 : vector<16xi1>, vector<16xi32>
          %broadcast_in_dim3A_385 = vector.broadcast %while3A_361 : i32 to vector<16xi32>
          %broadcast_in_dim3A_386 = arith.constant true
          %broadcast_in_dim3A_387 = vector.broadcast %broadcast_in_dim3A_386 : i1 to vector<16xi1>
          %masked_cumsum3A = tpu.scan <sum>, %select_n3A_384 masked %broadcast_in_dim3A_387 : vector<16xi32>, vector<16xi1> -> vector<16xi32>
          %add3A_388 = arith.addi %broadcast_in_dim3A_385, %masked_cumsum3A : vector<16xi32>
          %sub3A_389 = arith.subi %add3A_388, %select_n3A_384 : vector<16xi32>
          %lt3A_390 = arith.cmpi slt, %sub3A_389, %broadcast_in_dim3A_96 : vector<16xi32>
          %and3A_391 = arith.andi %and3A_379, %lt3A_390 : vector<16xi1>
          %or3A = arith.ori %and3A_377, %and3A_391 : vector<16xi1>
          %jit3A_392 = arith.constant 1 : i32
          %jit3A_393 = arith.constant 0 : i32
          %broadcast_in_dim3A_394 = vector.broadcast %jit3A_392 : i32 to vector<16xi32>
          %broadcast_in_dim3A_395 = vector.broadcast %jit3A_393 : i32 to vector<16xi32>
          %select_n3A_396 = arith.select %or3A, %broadcast_in_dim3A_394, %broadcast_in_dim3A_395 : vector<16xi1>, vector<16xi32>
          %broadcast_in_dim3A_397 = vector.broadcast %while3A_360 : i32 to vector<16xi32>
          %broadcast_in_dim3A_398 = arith.constant true
          %broadcast_in_dim3A_399 = vector.broadcast %broadcast_in_dim3A_398 : i1 to vector<16xi1>
          %masked_cumsum3A_400 = tpu.scan <sum>, %select_n3A_396 masked %broadcast_in_dim3A_399 : vector<16xi32>, vector<16xi1> -> vector<16xi32>
          %add3A_401 = arith.addi %broadcast_in_dim3A_397, %masked_cumsum3A_400 : vector<16xi32>
          %sub3A_402 = arith.subi %add3A_401, %select_n3A_396 : vector<16xi32>
          %broadcast_in_dim3A_403 = vector.broadcast %scan3A_63 : i32 to vector<16xi32>
          tpu.vector_store_idx %arg9[%broadcast_in_dim3A_403, %sub3A_402], %get3A_366 masked %or3A : memref<8x896xi32, #tpu.memory_space<vmem>>[vector<16xi32>, vector<16xi32>], vector<16xi32>, vector<16xi1>
          tpu.vector_store_idx %arg10[%broadcast_in_dim3A_403, %sub3A_402], %get3A_371 masked %or3A : memref<8x896xi32, #tpu.memory_space<vmem>>[vector<16xi32>, vector<16xi32>], vector<16xi32>, vector<16xi1>
          %all_reduce_population_count3A = tpu.all_reduce %or3A {dim = 0 : i64, kind = #tpu.reduction_kind<sum>} : vector<16xi1> -> vector<16xi32>
          %slice3A_404 = vector.extract_strided_slice %all_reduce_population_count3A {offsets = [0], sizes = [1], strides = [1]} : vector<16xi32> to vector<1xi32>
          %squeeze3A_405 = vector.extract %slice3A_404[0] : i32 from vector<1xi32>
          %add3A_406 = arith.addi %while3A_360, %squeeze3A_405 : i32
          %all_reduce_population_count3A_407 = tpu.all_reduce %and3A_379 {dim = 0 : i64, kind = #tpu.reduction_kind<sum>} : vector<16xi1> -> vector<16xi32>
          %slice3A_408 = vector.extract_strided_slice %all_reduce_population_count3A_407 {offsets = [0], sizes = [1], strides = [1]} : vector<16xi32> to vector<1xi32>
          %squeeze3A_409 = vector.extract %slice3A_408[0] : i32 from vector<1xi32>
          %add3A_410 = arith.addi %while3A_361, %squeeze3A_409 : i32
          scf.yield %add3A_406, %add3A_410 : i32, i32
        }
        %while3A_107 = arith.constant 1 : i32
        %while3A_108:2 = scf.for %while3A_359 = %while3A_104 to %while3A_100 step %while3A_107 iter_args(%while3A_360 = %while3A_106#0, %while3A_361 = %while3A_106#1) -> (i32, i32)  : i32 {
          %mul3A_362 = arith.constant 16 : i32
          %mul3A_363 = arith.muli %while3A_359, %mul3A_362 : i32
          %get3A_364 = arith.index_cast %scan3A_63 : i32 to index
          %get3A_365 = arith.index_cast %mul3A_363 : i32 to index
          %get3A_366 = tpu.vector_load %arg9[%get3A_364, %get3A_365] {strides = array<i32>} : memref<8x896xi32, #tpu.memory_space<vmem>>, vector<16xi32>,
          %mul3A_367 = arith.constant 16 : i32
          %mul3A_368 = arith.muli %while3A_359, %mul3A_367 : i32
          %get3A_369 = arith.index_cast %scan3A_63 : i32 to index
          %get3A_370 = arith.index_cast %mul3A_368 : i32 to index
          %get3A_371 = tpu.vector_load %arg10[%get3A_369, %get3A_370] {strides = array<i32>} : memref<8x896xi32, #tpu.memory_space<vmem>>, vector<16xi32>,
          %mul3A_372 = arith.constant 16 : i32
          %mul3A_373 = arith.muli %while3A_359, %mul3A_372 : i32
          %add3A_374 = vector.broadcast %mul3A_373 : i32 to vector<16xi32>
          %add3A_375 = arith.addi %iota3A, %add3A_374 : vector<16xi32>
          %lt3A = arith.cmpi slt, %add3A_375, %broadcast_in_dim3A_84 : vector<16xi32>
          %lt3A_376 = arith.cmpi slt, %get3A_366, %broadcast_in_dim3A_95 : vector<16xi32>
          %and3A_377 = arith.andi %lt3A_376, %lt3A : vector<16xi1>
          %eq3A_378 = arith.cmpi eq, %get3A_366, %broadcast_in_dim3A_95 : vector<16xi32>
          %and3A_379 = arith.andi %eq3A_378, %lt3A : vector<16xi1>
          %jit3A_380 = arith.constant 1 : i32
          %jit3A_381 = arith.constant 0 : i32
          %broadcast_in_dim3A_382 = vector.broadcast %jit3A_380 : i32 to vector<16xi32>
          %broadcast_in_dim3A_383 = vector.broadcast %jit3A_381 : i32 to vector<16xi32>
          %select_n3A_384 = arith.select %and3A_379, %broadcast_in_dim3A_382, %broadcast_in_dim3A_383 : vector<16xi1>, vector<16xi32>
          %broadcast_in_dim3A_385 = vector.broadcast %while3A_361 : i32 to vector<16xi32>
          %broadcast_in_dim3A_386 = arith.constant true
          %broadcast_in_dim3A_387 = vector.broadcast %broadcast_in_dim3A_386 : i1 to vector<16xi1>
          %masked_cumsum3A = tpu.scan <sum>, %select_n3A_384 masked %broadcast_in_dim3A_387 : vector<16xi32>, vector<16xi1> -> vector<16xi32>
          %add3A_388 = arith.addi %broadcast_in_dim3A_385, %masked_cumsum3A : vector<16xi32>
          %sub3A_389 = arith.subi %add3A_388, %select_n3A_384 : vector<16xi32>
          %lt3A_390 = arith.cmpi slt, %sub3A_389, %broadcast_in_dim3A_96 : vector<16xi32>
          %and3A_391 = arith.andi %and3A_379, %lt3A_390 : vector<16xi1>
          %or3A = arith.ori %and3A_377, %and3A_391 : vector<16xi1>
          %jit3A_392 = arith.constant 1 : i32
          %jit3A_393 = arith.constant 0 : i32
          %broadcast_in_dim3A_394 = vector.broadcast %jit3A_392 : i32 to vector<16xi32>
          %broadcast_in_dim3A_395 = vector.broadcast %jit3A_393 : i32 to vector<16xi32>
          %select_n3A_396 = arith.select %or3A, %broadcast_in_dim3A_394, %broadcast_in_dim3A_395 : vector<16xi1>, vector<16xi32>
          %broadcast_in_dim3A_397 = vector.broadcast %while3A_360 : i32 to vector<16xi32>
          %broadcast_in_dim3A_398 = arith.constant true
          %broadcast_in_dim3A_399 = vector.broadcast %broadcast_in_dim3A_398 : i1 to vector<16xi1>
          %masked_cumsum3A_400 = tpu.scan <sum>, %select_n3A_396 masked %broadcast_in_dim3A_399 : vector<16xi32>, vector<16xi1> -> vector<16xi32>
          %add3A_401 = arith.addi %broadcast_in_dim3A_397, %masked_cumsum3A_400 : vector<16xi32>
          %sub3A_402 = arith.subi %add3A_401, %select_n3A_396 : vector<16xi32>
          %broadcast_in_dim3A_403 = vector.broadcast %scan3A_63 : i32 to vector<16xi32>
          tpu.vector_store_idx %arg9[%broadcast_in_dim3A_403, %sub3A_402], %get3A_366 masked %or3A : memref<8x896xi32, #tpu.memory_space<vmem>>[vector<16xi32>, vector<16xi32>], vector<16xi32>, vector<16xi1>
          tpu.vector_store_idx %arg10[%broadcast_in_dim3A_403, %sub3A_402], %get3A_371 masked %or3A : memref<8x896xi32, #tpu.memory_space<vmem>>[vector<16xi32>, vector<16xi32>], vector<16xi32>, vector<16xi1>
          %all_reduce_population_count3A = tpu.all_reduce %or3A {dim = 0 : i64, kind = #tpu.reduction_kind<sum>} : vector<16xi1> -> vector<16xi32>
          %slice3A_404 = vector.extract_strided_slice %all_reduce_population_count3A {offsets = [0], sizes = [1], strides = [1]} : vector<16xi32> to vector<1xi32>
          %squeeze3A_405 = vector.extract %slice3A_404[0] : i32 from vector<1xi32>
          %add3A_406 = arith.addi %while3A_360, %squeeze3A_405 : i32
          %all_reduce_population_count3A_407 = tpu.all_reduce %and3A_379 {dim = 0 : i64, kind = #tpu.reduction_kind<sum>} : vector<16xi1> -> vector<16xi32>
          %slice3A_408 = vector.extract_strided_slice %all_reduce_population_count3A_407 {offsets = [0], sizes = [1], strides = [1]} : vector<16xi32> to vector<1xi32>
          %squeeze3A_409 = vector.extract %slice3A_408[0] : i32 from vector<1xi32>
          %add3A_410 = arith.addi %while3A_361, %squeeze3A_409 : i32
          scf.yield %add3A_406, %add3A_410 : i32, i32
        }
        %shift_right_arithmetic3A = arith.constant 31 : i32
        %shift_right_arithmetic3A_109 = vector.broadcast %shift_right_arithmetic3A : i32 to vector<16xi32>
        %shift_right_arithmetic3A_110 = arith.shrsi %broadcast_in_dim3A_95, %shift_right_arithmetic3A_109 : vector<16xi32>
        %and3A_111 = arith.constant 2147483647 : i32
        %and3A_112 = vector.broadcast %and3A_111 : i32 to vector<16xi32>
        %and3A_113 = arith.andi %shift_right_arithmetic3A_110, %and3A_112 : vector<16xi32>
        %xor3A = arith.xori %broadcast_in_dim3A_95, %and3A_113 : vector<16xi32>
        %bitcast_convert_type3A = tpu.bitcast %xor3A : vector<16xi32> -> vector<16xf32>
        %slice3A = vector.extract_strided_slice %bitcast_convert_type3A {offsets = [0], sizes = [1], strides = [1]} : vector<16xf32> to vector<1xf32>
        %squeeze3A = vector.extract %slice3A[0] : f32 from vector<1xf32>
        %swap3A = arith.constant 0 : index
        %swap3A_114 = tpu.vector_load %arg12[%swap3A] {strides = array<i32>} : memref<1664xi32, #tpu.memory_space<vmem>>, vector<16xi32>,
        tpu.vector_store %arg12[%swap3A], %broadcast_in_dim3A_3 {strides = array<i32>} : memref<1664xi32, #tpu.memory_space<vmem>>, vector<16xi32>,
        %swap3A_115 = arith.constant 16 : index
        %swap3A_116 = tpu.vector_load %arg12[%swap3A_115] {strides = array<i32>} : memref<1664xi32, #tpu.memory_space<vmem>>, vector<16xi32>,
        tpu.vector_store %arg12[%swap3A_115], %broadcast_in_dim3A_3 {strides = array<i32>} : memref<1664xi32, #tpu.memory_space<vmem>>, vector<16xi32>,
        %swap3A_117 = arith.constant 32 : index
        %swap3A_118 = tpu.vector_load %arg12[%swap3A_117] {strides = array<i32>} : memref<1664xi32, #tpu.memory_space<vmem>>, vector<16xi32>,
        tpu.vector_store %arg12[%swap3A_117], %broadcast_in_dim3A_3 {strides = array<i32>} : memref<1664xi32, #tpu.memory_space<vmem>>, vector<16xi32>,
        %swap3A_119 = arith.constant 48 : index
        %swap3A_120 = tpu.vector_load %arg12[%swap3A_119] {strides = array<i32>} : memref<1664xi32, #tpu.memory_space<vmem>>, vector<16xi32>,
        tpu.vector_store %arg12[%swap3A_119], %broadcast_in_dim3A_3 {strides = array<i32>} : memref<1664xi32, #tpu.memory_space<vmem>>, vector<16xi32>,
        %swap3A_121 = arith.constant 64 : index
        %swap3A_122 = tpu.vector_load %arg12[%swap3A_121] {strides = array<i32>} : memref<1664xi32, #tpu.memory_space<vmem>>, vector<16xi32>,
        tpu.vector_store %arg12[%swap3A_121], %broadcast_in_dim3A_3 {strides = array<i32>} : memref<1664xi32, #tpu.memory_space<vmem>>, vector<16xi32>,
        %swap3A_123 = arith.constant 80 : index
        %swap3A_124 = tpu.vector_load %arg12[%swap3A_123] {strides = array<i32>} : memref<1664xi32, #tpu.memory_space<vmem>>, vector<16xi32>,
        tpu.vector_store %arg12[%swap3A_123], %broadcast_in_dim3A_3 {strides = array<i32>} : memref<1664xi32, #tpu.memory_space<vmem>>, vector<16xi32>,
        %swap3A_125 = arith.constant 96 : index
        %swap3A_126 = tpu.vector_load %arg12[%swap3A_125] {strides = array<i32>} : memref<1664xi32, #tpu.memory_space<vmem>>, vector<16xi32>,
        tpu.vector_store %arg12[%swap3A_125], %broadcast_in_dim3A_3 {strides = array<i32>} : memref<1664xi32, #tpu.memory_space<vmem>>, vector<16xi32>,
        %swap3A_127 = arith.constant 112 : index
        %swap3A_128 = tpu.vector_load %arg12[%swap3A_127] {strides = array<i32>} : memref<1664xi32, #tpu.memory_space<vmem>>, vector<16xi32>,
        tpu.vector_store %arg12[%swap3A_127], %broadcast_in_dim3A_3 {strides = array<i32>} : memref<1664xi32, #tpu.memory_space<vmem>>, vector<16xi32>,
        %swap3A_129 = arith.constant 128 : index
        %swap3A_130 = tpu.vector_load %arg12[%swap3A_129] {strides = array<i32>} : memref<1664xi32, #tpu.memory_space<vmem>>, vector<16xi32>,
        tpu.vector_store %arg12[%swap3A_129], %broadcast_in_dim3A_3 {strides = array<i32>} : memref<1664xi32, #tpu.memory_space<vmem>>, vector<16xi32>,
        %swap3A_131 = arith.constant 144 : index
        %swap3A_132 = tpu.vector_load %arg12[%swap3A_131] {strides = array<i32>} : memref<1664xi32, #tpu.memory_space<vmem>>, vector<16xi32>,
        tpu.vector_store %arg12[%swap3A_131], %broadcast_in_dim3A_3 {strides = array<i32>} : memref<1664xi32, #tpu.memory_space<vmem>>, vector<16xi32>,
        %swap3A_133 = arith.constant 160 : index
        %swap3A_134 = tpu.vector_load %arg12[%swap3A_133] {strides = array<i32>} : memref<1664xi32, #tpu.memory_space<vmem>>, vector<16xi32>,
        tpu.vector_store %arg12[%swap3A_133], %broadcast_in_dim3A_3 {strides = array<i32>} : memref<1664xi32, #tpu.memory_space<vmem>>, vector<16xi32>,
        %swap3A_135 = arith.constant 176 : index
        %swap3A_136 = tpu.vector_load %arg12[%swap3A_135] {strides = array<i32>} : memref<1664xi32, #tpu.memory_space<vmem>>, vector<16xi32>,
        tpu.vector_store %arg12[%swap3A_135], %broadcast_in_dim3A_3 {strides = array<i32>} : memref<1664xi32, #tpu.memory_space<vmem>>, vector<16xi32>,
        %swap3A_137 = arith.constant 192 : index
        %swap3A_138 = tpu.vector_load %arg12[%swap3A_137] {strides = array<i32>} : memref<1664xi32, #tpu.memory_space<vmem>>, vector<16xi32>,
        tpu.vector_store %arg12[%swap3A_137], %broadcast_in_dim3A_3 {strides = array<i32>} : memref<1664xi32, #tpu.memory_space<vmem>>, vector<16xi32>,
        %swap3A_139 = arith.constant 208 : index
        %swap3A_140 = tpu.vector_load %arg12[%swap3A_139] {strides = array<i32>} : memref<1664xi32, #tpu.memory_space<vmem>>, vector<16xi32>,
        tpu.vector_store %arg12[%swap3A_139], %broadcast_in_dim3A_3 {strides = array<i32>} : memref<1664xi32, #tpu.memory_space<vmem>>, vector<16xi32>,
        %swap3A_141 = arith.constant 224 : index
        %swap3A_142 = tpu.vector_load %arg12[%swap3A_141] {strides = array<i32>} : memref<1664xi32, #tpu.memory_space<vmem>>, vector<16xi32>,
        tpu.vector_store %arg12[%swap3A_141], %broadcast_in_dim3A_3 {strides = array<i32>} : memref<1664xi32, #tpu.memory_space<vmem>>, vector<16xi32>,
        %swap3A_143 = arith.constant 240 : index
        %swap3A_144 = tpu.vector_load %arg12[%swap3A_143] {strides = array<i32>} : memref<1664xi32, #tpu.memory_space<vmem>>, vector<16xi32>,
        tpu.vector_store %arg12[%swap3A_143], %broadcast_in_dim3A_3 {strides = array<i32>} : memref<1664xi32, #tpu.memory_space<vmem>>, vector<16xi32>,
        %swap3A_145 = arith.constant 256 : index
        %swap3A_146 = tpu.vector_load %arg12[%swap3A_145] {strides = array<i32>} : memref<1664xi32, #tpu.memory_space<vmem>>, vector<16xi32>,
        tpu.vector_store %arg12[%swap3A_145], %broadcast_in_dim3A_3 {strides = array<i32>} : memref<1664xi32, #tpu.memory_space<vmem>>, vector<16xi32>,
        %swap3A_147 = arith.constant 272 : index
        %swap3A_148 = tpu.vector_load %arg12[%swap3A_147] {strides = array<i32>} : memref<1664xi32, #tpu.memory_space<vmem>>, vector<16xi32>,
        tpu.vector_store %arg12[%swap3A_147], %broadcast_in_dim3A_3 {strides = array<i32>} : memref<1664xi32, #tpu.memory_space<vmem>>, vector<16xi32>,
        %swap3A_149 = arith.constant 288 : index
        %swap3A_150 = tpu.vector_load %arg12[%swap3A_149] {strides = array<i32>} : memref<1664xi32, #tpu.memory_space<vmem>>, vector<16xi32>,
        tpu.vector_store %arg12[%swap3A_149], %broadcast_in_dim3A_3 {strides = array<i32>} : memref<1664xi32, #tpu.memory_space<vmem>>, vector<16xi32>,
        %swap3A_151 = arith.constant 304 : index
        %swap3A_152 = tpu.vector_load %arg12[%swap3A_151] {strides = array<i32>} : memref<1664xi32, #tpu.memory_space<vmem>>, vector<16xi32>,
        tpu.vector_store %arg12[%swap3A_151], %broadcast_in_dim3A_3 {strides = array<i32>} : memref<1664xi32, #tpu.memory_space<vmem>>, vector<16xi32>,
        %swap3A_153 = arith.constant 320 : index
        %swap3A_154 = tpu.vector_load %arg12[%swap3A_153] {strides = array<i32>} : memref<1664xi32, #tpu.memory_space<vmem>>, vector<16xi32>,
        tpu.vector_store %arg12[%swap3A_153], %broadcast_in_dim3A_3 {strides = array<i32>} : memref<1664xi32, #tpu.memory_space<vmem>>, vector<16xi32>,
        %swap3A_155 = arith.constant 336 : index
        %swap3A_156 = tpu.vector_load %arg12[%swap3A_155] {strides = array<i32>} : memref<1664xi32, #tpu.memory_space<vmem>>, vector<16xi32>,
        tpu.vector_store %arg12[%swap3A_155], %broadcast_in_dim3A_3 {strides = array<i32>} : memref<1664xi32, #tpu.memory_space<vmem>>, vector<16xi32>,
        %swap3A_157 = arith.constant 352 : index
        %swap3A_158 = tpu.vector_load %arg12[%swap3A_157] {strides = array<i32>} : memref<1664xi32, #tpu.memory_space<vmem>>, vector<16xi32>,
        tpu.vector_store %arg12[%swap3A_157], %broadcast_in_dim3A_3 {strides = array<i32>} : memref<1664xi32, #tpu.memory_space<vmem>>, vector<16xi32>,
        %swap3A_159 = arith.constant 368 : index
        %swap3A_160 = tpu.vector_load %arg12[%swap3A_159] {strides = array<i32>} : memref<1664xi32, #tpu.memory_space<vmem>>, vector<16xi32>,
        tpu.vector_store %arg12[%swap3A_159], %broadcast_in_dim3A_3 {strides = array<i32>} : memref<1664xi32, #tpu.memory_space<vmem>>, vector<16xi32>,
        %swap3A_161 = arith.constant 384 : index
        %swap3A_162 = tpu.vector_load %arg12[%swap3A_161] {strides = array<i32>} : memref<1664xi32, #tpu.memory_space<vmem>>, vector<16xi32>,
        tpu.vector_store %arg12[%swap3A_161], %broadcast_in_dim3A_3 {strides = array<i32>} : memref<1664xi32, #tpu.memory_space<vmem>>, vector<16xi32>,
        %swap3A_163 = arith.constant 400 : index
        %swap3A_164 = tpu.vector_load %arg12[%swap3A_163] {strides = array<i32>} : memref<1664xi32, #tpu.memory_space<vmem>>, vector<16xi32>,
        tpu.vector_store %arg12[%swap3A_163], %broadcast_in_dim3A_3 {strides = array<i32>} : memref<1664xi32, #tpu.memory_space<vmem>>, vector<16xi32>,
        %swap3A_165 = arith.constant 416 : index
        %swap3A_166 = tpu.vector_load %arg12[%swap3A_165] {strides = array<i32>} : memref<1664xi32, #tpu.memory_space<vmem>>, vector<16xi32>,
        tpu.vector_store %arg12[%swap3A_165], %broadcast_in_dim3A_3 {strides = array<i32>} : memref<1664xi32, #tpu.memory_space<vmem>>, vector<16xi32>,
        %swap3A_167 = arith.constant 432 : index
        %swap3A_168 = tpu.vector_load %arg12[%swap3A_167] {strides = array<i32>} : memref<1664xi32, #tpu.memory_space<vmem>>, vector<16xi32>,
        tpu.vector_store %arg12[%swap3A_167], %broadcast_in_dim3A_3 {strides = array<i32>} : memref<1664xi32, #tpu.memory_space<vmem>>, vector<16xi32>,
        %swap3A_169 = arith.constant 448 : index
        %swap3A_170 = tpu.vector_load %arg12[%swap3A_169] {strides = array<i32>} : memref<1664xi32, #tpu.memory_space<vmem>>, vector<16xi32>,
        tpu.vector_store %arg12[%swap3A_169], %broadcast_in_dim3A_3 {strides = array<i32>} : memref<1664xi32, #tpu.memory_space<vmem>>, vector<16xi32>,
        %swap3A_171 = arith.constant 464 : index
        %swap3A_172 = tpu.vector_load %arg12[%swap3A_171] {strides = array<i32>} : memref<1664xi32, #tpu.memory_space<vmem>>, vector<16xi32>,
        tpu.vector_store %arg12[%swap3A_171], %broadcast_in_dim3A_3 {strides = array<i32>} : memref<1664xi32, #tpu.memory_space<vmem>>, vector<16xi32>,
        %swap3A_173 = arith.constant 480 : index
        %swap3A_174 = tpu.vector_load %arg12[%swap3A_173] {strides = array<i32>} : memref<1664xi32, #tpu.memory_space<vmem>>, vector<16xi32>,
        tpu.vector_store %arg12[%swap3A_173], %broadcast_in_dim3A_3 {strides = array<i32>} : memref<1664xi32, #tpu.memory_space<vmem>>, vector<16xi32>,
        %swap3A_175 = arith.constant 496 : index
        %swap3A_176 = tpu.vector_load %arg12[%swap3A_175] {strides = array<i32>} : memref<1664xi32, #tpu.memory_space<vmem>>, vector<16xi32>,
        tpu.vector_store %arg12[%swap3A_175], %broadcast_in_dim3A_3 {strides = array<i32>} : memref<1664xi32, #tpu.memory_space<vmem>>, vector<16xi32>,
        %swap3A_177 = arith.constant 512 : index
        %swap3A_178 = tpu.vector_load %arg12[%swap3A_177] {strides = array<i32>} : memref<1664xi32, #tpu.memory_space<vmem>>, vector<16xi32>,
        tpu.vector_store %arg12[%swap3A_177], %broadcast_in_dim3A_3 {strides = array<i32>} : memref<1664xi32, #tpu.memory_space<vmem>>, vector<16xi32>,
        %swap3A_179 = arith.constant 528 : index
        %swap3A_180 = tpu.vector_load %arg12[%swap3A_179] {strides = array<i32>} : memref<1664xi32, #tpu.memory_space<vmem>>, vector<16xi32>,
        tpu.vector_store %arg12[%swap3A_179], %broadcast_in_dim3A_3 {strides = array<i32>} : memref<1664xi32, #tpu.memory_space<vmem>>, vector<16xi32>,
        %swap3A_181 = arith.constant 544 : index
        %swap3A_182 = tpu.vector_load %arg12[%swap3A_181] {strides = array<i32>} : memref<1664xi32, #tpu.memory_space<vmem>>, vector<16xi32>,
        tpu.vector_store %arg12[%swap3A_181], %broadcast_in_dim3A_3 {strides = array<i32>} : memref<1664xi32, #tpu.memory_space<vmem>>, vector<16xi32>,
        %swap3A_183 = arith.constant 560 : index
        %swap3A_184 = tpu.vector_load %arg12[%swap3A_183] {strides = array<i32>} : memref<1664xi32, #tpu.memory_space<vmem>>, vector<16xi32>,
        tpu.vector_store %arg12[%swap3A_183], %broadcast_in_dim3A_3 {strides = array<i32>} : memref<1664xi32, #tpu.memory_space<vmem>>, vector<16xi32>,
        %swap3A_185 = arith.constant 576 : index
        %swap3A_186 = tpu.vector_load %arg12[%swap3A_185] {strides = array<i32>} : memref<1664xi32, #tpu.memory_space<vmem>>, vector<16xi32>,
        tpu.vector_store %arg12[%swap3A_185], %broadcast_in_dim3A_3 {strides = array<i32>} : memref<1664xi32, #tpu.memory_space<vmem>>, vector<16xi32>,
        %swap3A_187 = arith.constant 592 : index
        %swap3A_188 = tpu.vector_load %arg12[%swap3A_187] {strides = array<i32>} : memref<1664xi32, #tpu.memory_space<vmem>>, vector<16xi32>,
        tpu.vector_store %arg12[%swap3A_187], %broadcast_in_dim3A_3 {strides = array<i32>} : memref<1664xi32, #tpu.memory_space<vmem>>, vector<16xi32>,
        %swap3A_189 = arith.constant 608 : index
        %swap3A_190 = tpu.vector_load %arg12[%swap3A_189] {strides = array<i32>} : memref<1664xi32, #tpu.memory_space<vmem>>, vector<16xi32>,
        tpu.vector_store %arg12[%swap3A_189], %broadcast_in_dim3A_3 {strides = array<i32>} : memref<1664xi32, #tpu.memory_space<vmem>>, vector<16xi32>,
        %swap3A_191 = arith.constant 624 : index
        %swap3A_192 = tpu.vector_load %arg12[%swap3A_191] {strides = array<i32>} : memref<1664xi32, #tpu.memory_space<vmem>>, vector<16xi32>,
        tpu.vector_store %arg12[%swap3A_191], %broadcast_in_dim3A_3 {strides = array<i32>} : memref<1664xi32, #tpu.memory_space<vmem>>, vector<16xi32>,
        %swap3A_193 = arith.constant 640 : index
        %swap3A_194 = tpu.vector_load %arg12[%swap3A_193] {strides = array<i32>} : memref<1664xi32, #tpu.memory_space<vmem>>, vector<16xi32>,
        tpu.vector_store %arg12[%swap3A_193], %broadcast_in_dim3A_3 {strides = array<i32>} : memref<1664xi32, #tpu.memory_space<vmem>>, vector<16xi32>,
        %swap3A_195 = arith.constant 656 : index
        %swap3A_196 = tpu.vector_load %arg12[%swap3A_195] {strides = array<i32>} : memref<1664xi32, #tpu.memory_space<vmem>>, vector<16xi32>,
        tpu.vector_store %arg12[%swap3A_195], %broadcast_in_dim3A_3 {strides = array<i32>} : memref<1664xi32, #tpu.memory_space<vmem>>, vector<16xi32>,
        %swap3A_197 = arith.constant 672 : index
        %swap3A_198 = tpu.vector_load %arg12[%swap3A_197] {strides = array<i32>} : memref<1664xi32, #tpu.memory_space<vmem>>, vector<16xi32>,
        tpu.vector_store %arg12[%swap3A_197], %broadcast_in_dim3A_3 {strides = array<i32>} : memref<1664xi32, #tpu.memory_space<vmem>>, vector<16xi32>,
        %swap3A_199 = arith.constant 688 : index
        %swap3A_200 = tpu.vector_load %arg12[%swap3A_199] {strides = array<i32>} : memref<1664xi32, #tpu.memory_space<vmem>>, vector<16xi32>,
        tpu.vector_store %arg12[%swap3A_199], %broadcast_in_dim3A_3 {strides = array<i32>} : memref<1664xi32, #tpu.memory_space<vmem>>, vector<16xi32>,
        %swap3A_201 = arith.constant 704 : index
        %swap3A_202 = tpu.vector_load %arg12[%swap3A_201] {strides = array<i32>} : memref<1664xi32, #tpu.memory_space<vmem>>, vector<16xi32>,
        tpu.vector_store %arg12[%swap3A_201], %broadcast_in_dim3A_3 {strides = array<i32>} : memref<1664xi32, #tpu.memory_space<vmem>>, vector<16xi32>,
        %swap3A_203 = arith.constant 720 : index
        %swap3A_204 = tpu.vector_load %arg12[%swap3A_203] {strides = array<i32>} : memref<1664xi32, #tpu.memory_space<vmem>>, vector<16xi32>,
        tpu.vector_store %arg12[%swap3A_203], %broadcast_in_dim3A_3 {strides = array<i32>} : memref<1664xi32, #tpu.memory_space<vmem>>, vector<16xi32>,
        %swap3A_205 = arith.constant 736 : index
        %swap3A_206 = tpu.vector_load %arg12[%swap3A_205] {strides = array<i32>} : memref<1664xi32, #tpu.memory_space<vmem>>, vector<16xi32>,
        tpu.vector_store %arg12[%swap3A_205], %broadcast_in_dim3A_3 {strides = array<i32>} : memref<1664xi32, #tpu.memory_space<vmem>>, vector<16xi32>,
        %swap3A_207 = arith.constant 752 : index
        %swap3A_208 = tpu.vector_load %arg12[%swap3A_207] {strides = array<i32>} : memref<1664xi32, #tpu.memory_space<vmem>>, vector<16xi32>,
        tpu.vector_store %arg12[%swap3A_207], %broadcast_in_dim3A_3 {strides = array<i32>} : memref<1664xi32, #tpu.memory_space<vmem>>, vector<16xi32>,
        %swap3A_209 = arith.constant 768 : index
        %swap3A_210 = tpu.vector_load %arg12[%swap3A_209] {strides = array<i32>} : memref<1664xi32, #tpu.memory_space<vmem>>, vector<16xi32>,
        tpu.vector_store %arg12[%swap3A_209], %broadcast_in_dim3A_3 {strides = array<i32>} : memref<1664xi32, #tpu.memory_space<vmem>>, vector<16xi32>,
        %swap3A_211 = arith.constant 784 : index
        %swap3A_212 = tpu.vector_load %arg12[%swap3A_211] {strides = array<i32>} : memref<1664xi32, #tpu.memory_space<vmem>>, vector<16xi32>,
        tpu.vector_store %arg12[%swap3A_211], %broadcast_in_dim3A_3 {strides = array<i32>} : memref<1664xi32, #tpu.memory_space<vmem>>, vector<16xi32>,
        %swap3A_213 = arith.constant 800 : index
        %swap3A_214 = tpu.vector_load %arg12[%swap3A_213] {strides = array<i32>} : memref<1664xi32, #tpu.memory_space<vmem>>, vector<16xi32>,
        tpu.vector_store %arg12[%swap3A_213], %broadcast_in_dim3A_3 {strides = array<i32>} : memref<1664xi32, #tpu.memory_space<vmem>>, vector<16xi32>,
        %swap3A_215 = arith.constant 816 : index
        %swap3A_216 = tpu.vector_load %arg12[%swap3A_215] {strides = array<i32>} : memref<1664xi32, #tpu.memory_space<vmem>>, vector<16xi32>,
        tpu.vector_store %arg12[%swap3A_215], %broadcast_in_dim3A_3 {strides = array<i32>} : memref<1664xi32, #tpu.memory_space<vmem>>, vector<16xi32>,
        %swap3A_217 = arith.constant 832 : index
        %swap3A_218 = tpu.vector_load %arg12[%swap3A_217] {strides = array<i32>} : memref<1664xi32, #tpu.memory_space<vmem>>, vector<16xi32>,
        tpu.vector_store %arg12[%swap3A_217], %broadcast_in_dim3A_3 {strides = array<i32>} : memref<1664xi32, #tpu.memory_space<vmem>>, vector<16xi32>,
        %swap3A_219 = arith.constant 848 : index
        %swap3A_220 = tpu.vector_load %arg12[%swap3A_219] {strides = array<i32>} : memref<1664xi32, #tpu.memory_space<vmem>>, vector<16xi32>,
        tpu.vector_store %arg12[%swap3A_219], %broadcast_in_dim3A_3 {strides = array<i32>} : memref<1664xi32, #tpu.memory_space<vmem>>, vector<16xi32>,
        %swap3A_221 = arith.constant 864 : index
        %swap3A_222 = tpu.vector_load %arg12[%swap3A_221] {strides = array<i32>} : memref<1664xi32, #tpu.memory_space<vmem>>, vector<16xi32>,
        tpu.vector_store %arg12[%swap3A_221], %broadcast_in_dim3A_3 {strides = array<i32>} : memref<1664xi32, #tpu.memory_space<vmem>>, vector<16xi32>,
        %swap3A_223 = arith.constant 880 : index
        %swap3A_224 = tpu.vector_load %arg12[%swap3A_223] {strides = array<i32>} : memref<1664xi32, #tpu.memory_space<vmem>>, vector<16xi32>,
        tpu.vector_store %arg12[%swap3A_223], %broadcast_in_dim3A_3 {strides = array<i32>} : memref<1664xi32, #tpu.memory_space<vmem>>, vector<16xi32>,
        %swap3A_225 = arith.constant 896 : index
        %swap3A_226 = tpu.vector_load %arg12[%swap3A_225] {strides = array<i32>} : memref<1664xi32, #tpu.memory_space<vmem>>, vector<16xi32>,
        tpu.vector_store %arg12[%swap3A_225], %broadcast_in_dim3A_3 {strides = array<i32>} : memref<1664xi32, #tpu.memory_space<vmem>>, vector<16xi32>,
        %swap3A_227 = arith.constant 912 : index
        %swap3A_228 = tpu.vector_load %arg12[%swap3A_227] {strides = array<i32>} : memref<1664xi32, #tpu.memory_space<vmem>>, vector<16xi32>,
        tpu.vector_store %arg12[%swap3A_227], %broadcast_in_dim3A_3 {strides = array<i32>} : memref<1664xi32, #tpu.memory_space<vmem>>, vector<16xi32>,
        %swap3A_229 = arith.constant 928 : index
        %swap3A_230 = tpu.vector_load %arg12[%swap3A_229] {strides = array<i32>} : memref<1664xi32, #tpu.memory_space<vmem>>, vector<16xi32>,
        tpu.vector_store %arg12[%swap3A_229], %broadcast_in_dim3A_3 {strides = array<i32>} : memref<1664xi32, #tpu.memory_space<vmem>>, vector<16xi32>,
        %swap3A_231 = arith.constant 944 : index
        %swap3A_232 = tpu.vector_load %arg12[%swap3A_231] {strides = array<i32>} : memref<1664xi32, #tpu.memory_space<vmem>>, vector<16xi32>,
        tpu.vector_store %arg12[%swap3A_231], %broadcast_in_dim3A_3 {strides = array<i32>} : memref<1664xi32, #tpu.memory_space<vmem>>, vector<16xi32>,
        %swap3A_233 = arith.constant 960 : index
        %swap3A_234 = tpu.vector_load %arg12[%swap3A_233] {strides = array<i32>} : memref<1664xi32, #tpu.memory_space<vmem>>, vector<16xi32>,
        tpu.vector_store %arg12[%swap3A_233], %broadcast_in_dim3A_3 {strides = array<i32>} : memref<1664xi32, #tpu.memory_space<vmem>>, vector<16xi32>,
        %swap3A_235 = arith.constant 976 : index
        %swap3A_236 = tpu.vector_load %arg12[%swap3A_235] {strides = array<i32>} : memref<1664xi32, #tpu.memory_space<vmem>>, vector<16xi32>,
        tpu.vector_store %arg12[%swap3A_235], %broadcast_in_dim3A_3 {strides = array<i32>} : memref<1664xi32, #tpu.memory_space<vmem>>, vector<16xi32>,
        %swap3A_237 = arith.constant 992 : index
        %swap3A_238 = tpu.vector_load %arg12[%swap3A_237] {strides = array<i32>} : memref<1664xi32, #tpu.memory_space<vmem>>, vector<16xi32>,
        tpu.vector_store %arg12[%swap3A_237], %broadcast_in_dim3A_3 {strides = array<i32>} : memref<1664xi32, #tpu.memory_space<vmem>>, vector<16xi32>,
        %swap3A_239 = arith.constant 1008 : index
        %swap3A_240 = tpu.vector_load %arg12[%swap3A_239] {strides = array<i32>} : memref<1664xi32, #tpu.memory_space<vmem>>, vector<16xi32>,
        tpu.vector_store %arg12[%swap3A_239], %broadcast_in_dim3A_3 {strides = array<i32>} : memref<1664xi32, #tpu.memory_space<vmem>>, vector<16xi32>,
        %swap3A_241 = arith.constant 1024 : index
        %swap3A_242 = tpu.vector_load %arg12[%swap3A_241] {strides = array<i32>} : memref<1664xi32, #tpu.memory_space<vmem>>, vector<16xi32>,
        tpu.vector_store %arg12[%swap3A_241], %broadcast_in_dim3A_3 {strides = array<i32>} : memref<1664xi32, #tpu.memory_space<vmem>>, vector<16xi32>,
        %swap3A_243 = arith.constant 1040 : index
        %swap3A_244 = tpu.vector_load %arg12[%swap3A_243] {strides = array<i32>} : memref<1664xi32, #tpu.memory_space<vmem>>, vector<16xi32>,
        tpu.vector_store %arg12[%swap3A_243], %broadcast_in_dim3A_3 {strides = array<i32>} : memref<1664xi32, #tpu.memory_space<vmem>>, vector<16xi32>,
        %swap3A_245 = arith.constant 1056 : index
        %swap3A_246 = tpu.vector_load %arg12[%swap3A_245] {strides = array<i32>} : memref<1664xi32, #tpu.memory_space<vmem>>, vector<16xi32>,
        tpu.vector_store %arg12[%swap3A_245], %broadcast_in_dim3A_3 {strides = array<i32>} : memref<1664xi32, #tpu.memory_space<vmem>>, vector<16xi32>,
        %swap3A_247 = arith.constant 1072 : index
        %swap3A_248 = tpu.vector_load %arg12[%swap3A_247] {strides = array<i32>} : memref<1664xi32, #tpu.memory_space<vmem>>, vector<16xi32>,
        tpu.vector_store %arg12[%swap3A_247], %broadcast_in_dim3A_3 {strides = array<i32>} : memref<1664xi32, #tpu.memory_space<vmem>>, vector<16xi32>,
        %swap3A_249 = arith.constant 1088 : index
        %swap3A_250 = tpu.vector_load %arg12[%swap3A_249] {strides = array<i32>} : memref<1664xi32, #tpu.memory_space<vmem>>, vector<16xi32>,
        tpu.vector_store %arg12[%swap3A_249], %broadcast_in_dim3A_3 {strides = array<i32>} : memref<1664xi32, #tpu.memory_space<vmem>>, vector<16xi32>,
        %swap3A_251 = arith.constant 1104 : index
        %swap3A_252 = tpu.vector_load %arg12[%swap3A_251] {strides = array<i32>} : memref<1664xi32, #tpu.memory_space<vmem>>, vector<16xi32>,
        tpu.vector_store %arg12[%swap3A_251], %broadcast_in_dim3A_3 {strides = array<i32>} : memref<1664xi32, #tpu.memory_space<vmem>>, vector<16xi32>,
        %swap3A_253 = arith.constant 1120 : index
        %swap3A_254 = tpu.vector_load %arg12[%swap3A_253] {strides = array<i32>} : memref<1664xi32, #tpu.memory_space<vmem>>, vector<16xi32>,
        tpu.vector_store %arg12[%swap3A_253], %broadcast_in_dim3A_3 {strides = array<i32>} : memref<1664xi32, #tpu.memory_space<vmem>>, vector<16xi32>,
        %swap3A_255 = arith.constant 1136 : index
        %swap3A_256 = tpu.vector_load %arg12[%swap3A_255] {strides = array<i32>} : memref<1664xi32, #tpu.memory_space<vmem>>, vector<16xi32>,
        tpu.vector_store %arg12[%swap3A_255], %broadcast_in_dim3A_3 {strides = array<i32>} : memref<1664xi32, #tpu.memory_space<vmem>>, vector<16xi32>,
        %swap3A_257 = arith.constant 1152 : index
        %swap3A_258 = tpu.vector_load %arg12[%swap3A_257] {strides = array<i32>} : memref<1664xi32, #tpu.memory_space<vmem>>, vector<16xi32>,
        tpu.vector_store %arg12[%swap3A_257], %broadcast_in_dim3A_3 {strides = array<i32>} : memref<1664xi32, #tpu.memory_space<vmem>>, vector<16xi32>,
        %swap3A_259 = arith.constant 1168 : index
        %swap3A_260 = tpu.vector_load %arg12[%swap3A_259] {strides = array<i32>} : memref<1664xi32, #tpu.memory_space<vmem>>, vector<16xi32>,
        tpu.vector_store %arg12[%swap3A_259], %broadcast_in_dim3A_3 {strides = array<i32>} : memref<1664xi32, #tpu.memory_space<vmem>>, vector<16xi32>,
        %swap3A_261 = arith.constant 1184 : index
        %swap3A_262 = tpu.vector_load %arg12[%swap3A_261] {strides = array<i32>} : memref<1664xi32, #tpu.memory_space<vmem>>, vector<16xi32>,
        tpu.vector_store %arg12[%swap3A_261], %broadcast_in_dim3A_3 {strides = array<i32>} : memref<1664xi32, #tpu.memory_space<vmem>>, vector<16xi32>,
        %swap3A_263 = arith.constant 1200 : index
        %swap3A_264 = tpu.vector_load %arg12[%swap3A_263] {strides = array<i32>} : memref<1664xi32, #tpu.memory_space<vmem>>, vector<16xi32>,
        tpu.vector_store %arg12[%swap3A_263], %broadcast_in_dim3A_3 {strides = array<i32>} : memref<1664xi32, #tpu.memory_space<vmem>>, vector<16xi32>,
        %swap3A_265 = arith.constant 1216 : index
        %swap3A_266 = tpu.vector_load %arg12[%swap3A_265] {strides = array<i32>} : memref<1664xi32, #tpu.memory_space<vmem>>, vector<16xi32>,
        tpu.vector_store %arg12[%swap3A_265], %broadcast_in_dim3A_3 {strides = array<i32>} : memref<1664xi32, #tpu.memory_space<vmem>>, vector<16xi32>,
        %swap3A_267 = arith.constant 1232 : index
        %swap3A_268 = tpu.vector_load %arg12[%swap3A_267] {strides = array<i32>} : memref<1664xi32, #tpu.memory_space<vmem>>, vector<16xi32>,
        tpu.vector_store %arg12[%swap3A_267], %broadcast_in_dim3A_3 {strides = array<i32>} : memref<1664xi32, #tpu.memory_space<vmem>>, vector<16xi32>,
        %swap3A_269 = arith.constant 1248 : index
        %swap3A_270 = tpu.vector_load %arg12[%swap3A_269] {strides = array<i32>} : memref<1664xi32, #tpu.memory_space<vmem>>, vector<16xi32>,
        tpu.vector_store %arg12[%swap3A_269], %broadcast_in_dim3A_3 {strides = array<i32>} : memref<1664xi32, #tpu.memory_space<vmem>>, vector<16xi32>,
        %swap3A_271 = arith.constant 1264 : index
        %swap3A_272 = tpu.vector_load %arg12[%swap3A_271] {strides = array<i32>} : memref<1664xi32, #tpu.memory_space<vmem>>, vector<16xi32>,
        tpu.vector_store %arg12[%swap3A_271], %broadcast_in_dim3A_3 {strides = array<i32>} : memref<1664xi32, #tpu.memory_space<vmem>>, vector<16xi32>,
        %swap3A_273 = arith.constant 1280 : index
        %swap3A_274 = tpu.vector_load %arg12[%swap3A_273] {strides = array<i32>} : memref<1664xi32, #tpu.memory_space<vmem>>, vector<16xi32>,
        tpu.vector_store %arg12[%swap3A_273], %broadcast_in_dim3A_3 {strides = array<i32>} : memref<1664xi32, #tpu.memory_space<vmem>>, vector<16xi32>,
        %swap3A_275 = arith.constant 1296 : index
        %swap3A_276 = tpu.vector_load %arg12[%swap3A_275] {strides = array<i32>} : memref<1664xi32, #tpu.memory_space<vmem>>, vector<16xi32>,
        tpu.vector_store %arg12[%swap3A_275], %broadcast_in_dim3A_3 {strides = array<i32>} : memref<1664xi32, #tpu.memory_space<vmem>>, vector<16xi32>,
        %swap3A_277 = arith.constant 1312 : index
        %swap3A_278 = tpu.vector_load %arg12[%swap3A_277] {strides = array<i32>} : memref<1664xi32, #tpu.memory_space<vmem>>, vector<16xi32>,
        tpu.vector_store %arg12[%swap3A_277], %broadcast_in_dim3A_3 {strides = array<i32>} : memref<1664xi32, #tpu.memory_space<vmem>>, vector<16xi32>,
        %swap3A_279 = arith.constant 1328 : index
        %swap3A_280 = tpu.vector_load %arg12[%swap3A_279] {strides = array<i32>} : memref<1664xi32, #tpu.memory_space<vmem>>, vector<16xi32>,
        tpu.vector_store %arg12[%swap3A_279], %broadcast_in_dim3A_3 {strides = array<i32>} : memref<1664xi32, #tpu.memory_space<vmem>>, vector<16xi32>,
        %swap3A_281 = arith.constant 1344 : index
        %swap3A_282 = tpu.vector_load %arg12[%swap3A_281] {strides = array<i32>} : memref<1664xi32, #tpu.memory_space<vmem>>, vector<16xi32>,
        tpu.vector_store %arg12[%swap3A_281], %broadcast_in_dim3A_3 {strides = array<i32>} : memref<1664xi32, #tpu.memory_space<vmem>>, vector<16xi32>,
        %swap3A_283 = arith.constant 1360 : index
        %swap3A_284 = tpu.vector_load %arg12[%swap3A_283] {strides = array<i32>} : memref<1664xi32, #tpu.memory_space<vmem>>, vector<16xi32>,
        tpu.vector_store %arg12[%swap3A_283], %broadcast_in_dim3A_3 {strides = array<i32>} : memref<1664xi32, #tpu.memory_space<vmem>>, vector<16xi32>,
        %swap3A_285 = arith.constant 1376 : index
        %swap3A_286 = tpu.vector_load %arg12[%swap3A_285] {strides = array<i32>} : memref<1664xi32, #tpu.memory_space<vmem>>, vector<16xi32>,
        tpu.vector_store %arg12[%swap3A_285], %broadcast_in_dim3A_3 {strides = array<i32>} : memref<1664xi32, #tpu.memory_space<vmem>>, vector<16xi32>,
        %swap3A_287 = arith.constant 1392 : index
        %swap3A_288 = tpu.vector_load %arg12[%swap3A_287] {strides = array<i32>} : memref<1664xi32, #tpu.memory_space<vmem>>, vector<16xi32>,
        tpu.vector_store %arg12[%swap3A_287], %broadcast_in_dim3A_3 {strides = array<i32>} : memref<1664xi32, #tpu.memory_space<vmem>>, vector<16xi32>,
        %swap3A_289 = arith.constant 1408 : index
        %swap3A_290 = tpu.vector_load %arg12[%swap3A_289] {strides = array<i32>} : memref<1664xi32, #tpu.memory_space<vmem>>, vector<16xi32>,
        tpu.vector_store %arg12[%swap3A_289], %broadcast_in_dim3A_3 {strides = array<i32>} : memref<1664xi32, #tpu.memory_space<vmem>>, vector<16xi32>,
        %swap3A_291 = arith.constant 1424 : index
        %swap3A_292 = tpu.vector_load %arg12[%swap3A_291] {strides = array<i32>} : memref<1664xi32, #tpu.memory_space<vmem>>, vector<16xi32>,
        tpu.vector_store %arg12[%swap3A_291], %broadcast_in_dim3A_3 {strides = array<i32>} : memref<1664xi32, #tpu.memory_space<vmem>>, vector<16xi32>,
        %swap3A_293 = arith.constant 1440 : index
        %swap3A_294 = tpu.vector_load %arg12[%swap3A_293] {strides = array<i32>} : memref<1664xi32, #tpu.memory_space<vmem>>, vector<16xi32>,
        tpu.vector_store %arg12[%swap3A_293], %broadcast_in_dim3A_3 {strides = array<i32>} : memref<1664xi32, #tpu.memory_space<vmem>>, vector<16xi32>,
        %swap3A_295 = arith.constant 1456 : index
        %swap3A_296 = tpu.vector_load %arg12[%swap3A_295] {strides = array<i32>} : memref<1664xi32, #tpu.memory_space<vmem>>, vector<16xi32>,
        tpu.vector_store %arg12[%swap3A_295], %broadcast_in_dim3A_3 {strides = array<i32>} : memref<1664xi32, #tpu.memory_space<vmem>>, vector<16xi32>,
        %swap3A_297 = arith.constant 1472 : index
        %swap3A_298 = tpu.vector_load %arg12[%swap3A_297] {strides = array<i32>} : memref<1664xi32, #tpu.memory_space<vmem>>, vector<16xi32>,
        tpu.vector_store %arg12[%swap3A_297], %broadcast_in_dim3A_3 {strides = array<i32>} : memref<1664xi32, #tpu.memory_space<vmem>>, vector<16xi32>,
        %swap3A_299 = arith.constant 1488 : index
        %swap3A_300 = tpu.vector_load %arg12[%swap3A_299] {strides = array<i32>} : memref<1664xi32, #tpu.memory_space<vmem>>, vector<16xi32>,
        tpu.vector_store %arg12[%swap3A_299], %broadcast_in_dim3A_3 {strides = array<i32>} : memref<1664xi32, #tpu.memory_space<vmem>>, vector<16xi32>,
        %swap3A_301 = arith.constant 1504 : index
        %swap3A_302 = tpu.vector_load %arg12[%swap3A_301] {strides = array<i32>} : memref<1664xi32, #tpu.memory_space<vmem>>, vector<16xi32>,
        tpu.vector_store %arg12[%swap3A_301], %broadcast_in_dim3A_3 {strides = array<i32>} : memref<1664xi32, #tpu.memory_space<vmem>>, vector<16xi32>,
        %swap3A_303 = arith.constant 1520 : index
        %swap3A_304 = tpu.vector_load %arg12[%swap3A_303] {strides = array<i32>} : memref<1664xi32, #tpu.memory_space<vmem>>, vector<16xi32>,
        tpu.vector_store %arg12[%swap3A_303], %broadcast_in_dim3A_3 {strides = array<i32>} : memref<1664xi32, #tpu.memory_space<vmem>>, vector<16xi32>,
        %swap3A_305 = arith.constant 1536 : index
        %swap3A_306 = tpu.vector_load %arg12[%swap3A_305] {strides = array<i32>} : memref<1664xi32, #tpu.memory_space<vmem>>, vector<16xi32>,
        tpu.vector_store %arg12[%swap3A_305], %broadcast_in_dim3A_3 {strides = array<i32>} : memref<1664xi32, #tpu.memory_space<vmem>>, vector<16xi32>,
        %swap3A_307 = arith.constant 1552 : index
        %swap3A_308 = tpu.vector_load %arg12[%swap3A_307] {strides = array<i32>} : memref<1664xi32, #tpu.memory_space<vmem>>, vector<16xi32>,
        tpu.vector_store %arg12[%swap3A_307], %broadcast_in_dim3A_3 {strides = array<i32>} : memref<1664xi32, #tpu.memory_space<vmem>>, vector<16xi32>,
        %swap3A_309 = arith.constant 1568 : index
        %swap3A_310 = tpu.vector_load %arg12[%swap3A_309] {strides = array<i32>} : memref<1664xi32, #tpu.memory_space<vmem>>, vector<16xi32>,
        tpu.vector_store %arg12[%swap3A_309], %broadcast_in_dim3A_3 {strides = array<i32>} : memref<1664xi32, #tpu.memory_space<vmem>>, vector<16xi32>,
        %swap3A_311 = arith.constant 1584 : index
        %swap3A_312 = tpu.vector_load %arg12[%swap3A_311] {strides = array<i32>} : memref<1664xi32, #tpu.memory_space<vmem>>, vector<16xi32>,
        tpu.vector_store %arg12[%swap3A_311], %broadcast_in_dim3A_3 {strides = array<i32>} : memref<1664xi32, #tpu.memory_space<vmem>>, vector<16xi32>,
        %get3A_313 = arith.index_cast %scan3A_63 : i32 to index
        %get3A_314 = arith.constant 0 : index
        %get3A_315 = tpu.vector_load %arg10[%get3A_313, %get3A_314] {strides = array<i32>} : memref<8x896xi32, #tpu.memory_space<vmem>>, vector<16xi32>,
        %mul3A_316 = arith.constant 16 : i32
        %mul3A_317 = vector.broadcast %mul3A_316 : i32 to vector<16xi32>
        %mul3A_318 = arith.muli %get3A_315, %mul3A_317 : vector<16xi32>
        %add3A_319 = arith.addi %mul3A_318, %iota3A : vector<16xi32>
        tpu.vector_store_idx %arg12[%add3A_319], %broadcast_in_dim3A_5 {add = true} : memref<1664xi32, #tpu.memory_space<vmem>>[vector<16xi32>], vector<16xi32>,
        %get3A_320 = arith.index_cast %scan3A_63 : i32 to index
        %get3A_321 = arith.constant 16 : index
        %get3A_322 = tpu.vector_load %arg10[%get3A_320, %get3A_321] {strides = array<i32>} : memref<8x896xi32, #tpu.memory_space<vmem>>, vector<16xi32>,
        %mul3A_323 = arith.constant 16 : i32
        %mul3A_324 = vector.broadcast %mul3A_323 : i32 to vector<16xi32>
        %mul3A_325 = arith.muli %get3A_322, %mul3A_324 : vector<16xi32>
        %add3A_326 = arith.addi %mul3A_325, %iota3A : vector<16xi32>
        tpu.vector_store_idx %arg12[%add3A_326], %broadcast_in_dim3A_5 {add = true} : memref<1664xi32, #tpu.memory_space<vmem>>[vector<16xi32>], vector<16xi32>,
        %get3A_327 = arith.index_cast %scan3A_63 : i32 to index
        %get3A_328 = arith.constant 32 : index
        %get3A_329 = tpu.vector_load %arg10[%get3A_327, %get3A_328] {strides = array<i32>} : memref<8x896xi32, #tpu.memory_space<vmem>>, vector<16xi32>,
        %mul3A_330 = arith.constant 16 : i32
        %mul3A_331 = vector.broadcast %mul3A_330 : i32 to vector<16xi32>
        %mul3A_332 = arith.muli %get3A_329, %mul3A_331 : vector<16xi32>
        %add3A_333 = arith.addi %mul3A_332, %iota3A : vector<16xi32>
        tpu.vector_store_idx %arg12[%add3A_333], %broadcast_in_dim3A_5 {add = true} : memref<1664xi32, #tpu.memory_space<vmem>>[vector<16xi32>], vector<16xi32>,
        %get3A_334 = arith.index_cast %scan3A_63 : i32 to index
        %get3A_335 = arith.constant 48 : index
        %get3A_336 = tpu.vector_load %arg10[%get3A_334, %get3A_335] {strides = array<i32>} : memref<8x896xi32, #tpu.memory_space<vmem>>, vector<16xi32>,
        %mul3A_337 = arith.constant 16 : i32
        %mul3A_338 = vector.broadcast %mul3A_337 : i32 to vector<16xi32>
        %mul3A_339 = arith.muli %get3A_336, %mul3A_338 : vector<16xi32>
        %add3A_340 = arith.addi %mul3A_339, %iota3A : vector<16xi32>
        tpu.vector_store_idx %arg12[%add3A_340], %broadcast_in_dim3A_5 {add = true} : memref<1664xi32, #tpu.memory_space<vmem>>[vector<16xi32>], vector<16xi32>,
        %scan3A_341 = arith.constant -1 : i32
        %scan3A_342 = arith.constant 0 : i32
        %scan3A_343 = arith.constant 0 : i32
        %scan3A_344 = arith.constant 100 : i32
        %scan3A_345 = arith.addi %scan3A_343, %scan3A_344 : i32
        %scan3A_346 = arith.constant 1 : i32
        %scan3A_347:2 = scf.for %scan3A_359 = %scan3A_343 to %scan3A_345 step %scan3A_346 iter_args(%scan3A_360 = %scan3A_341, %scan3A_361 = %scan3A_342) -> (i32, i32)  : i32 {
          %mul3A_362 = arith.constant 16 : i32
          %mul3A_363 = arith.muli %scan3A_359, %mul3A_362 : i32
          %get3A_364 = arith.index_cast %mul3A_363 : i32 to index
          %get3A_365 = tpu.vector_load %arg12[%get3A_364] {strides = array<i32>} : memref<1664xi32, #tpu.memory_space<vmem>>, vector<16xi32>,
          %reduce_sum3A = arith.constant true
          %reduce_sum3A_366 = vector.broadcast %reduce_sum3A : i1 to vector<16xi1>
          %reduce_sum3A_367 = tpu.scan <sum>, %get3A_365 masked %reduce_sum3A_366 : vector<16xi32>, vector<16xi1> -> vector<16xi32>
          %reduce_sum3A_368 = vector.extract %reduce_sum3A_367[15] : i32 from vector<16xi32>
          %gt3A = arith.cmpi sgt, %reduce_sum3A_368, %scan3A_360 : i32
          %select_n3A_369 = arith.select %gt3A, %reduce_sum3A_368, %scan3A_360 : i32
          %select_n3A_370 = arith.select %gt3A, %scan3A_359, %scan3A_361 : i32
          scf.yield %select_n3A_369, %select_n3A_370 : i32, i32
        }
        %scan3A_348 = arith.constant 100 : i32
        %mul3A_349 = arith.constant 8 : i32
        %mul3A_350 = arith.muli %scan3A_12, %mul3A_349 : i32
        %add3A_351 = arith.constant 1600 : i32
        %add3A_352 = arith.addi %add3A_351, %mul3A_350 : i32
        %add3A_353 = arith.addi %add3A_352, %scan3A_63 : i32
        %broadcast_in_dim3A_354 = vector.broadcast %add3A_353 : i32 to vector<16xi32>
        %broadcast_in_dim3A_355 = vector.broadcast %scan3A_347#1 : i32 to vector<16xi32>
        %eq3A = arith.constant 0 : i32
        %eq3A_356 = vector.broadcast %eq3A : i32 to vector<16xi32>
        %eq3A_357 = arith.cmpi eq, %iota3A, %eq3A_356 : vector<16xi32>
        tpu.vector_store_idx %arg12[%broadcast_in_dim3A_354], %broadcast_in_dim3A_355 masked %eq3A_357 : memref<1664xi32, #tpu.memory_space<vmem>>[vector<16xi32>], vector<16xi32>, vector<16xi1>
        %scan3A_358 = arith.constant 0 : i32
        scf.yield %scan3A_358 : i32
      }
      %scan3A_61 = arith.constant 8 : i32
      %scan3A_62 = arith.constant 0 : i32
      scf.yield %scan3A_62 : i32
    }
    %scan3A_11 = arith.constant 4 : i32
    "tpu.region"() ({
      %run_scoped3A = tpu.sem_alloc : memref<!tpu.dma_semaphore, #tpu.memory_space<semaphore_mem>>
      %dma_start3A = arith.constant 1600 : i32
      %dma_start3A_12 = tpu.memref_slice %arg12[%dma_start3A] : memref<1664xi32, #tpu.memory_space<vmem>> -> memref<32xi32, #tpu.memory_space<vmem>>
      %dma_start3A_13 = tpu.memref_slice %arg5[%mul3A_2] : memref<1024xi32, #tpu.memory_space<hbm>> -> memref<32xi32, #tpu.memory_space<hbm>>
      %dma_start3A_14 = tpu.memref_slice %arg5[%mul3A_2] : memref<1024xi32, #tpu.memory_space<hbm>> -> memref<32xi32, #tpu.memory_space<hbm>>
      %dma_start3A_15 = arith.constant 1600 : i32
      %dma_start3A_16 = tpu.memref_slice %arg12[%dma_start3A_15] : memref<1664xi32, #tpu.memory_space<vmem>> -> memref<32xi32, #tpu.memory_space<vmem>>
      tpu.enqueue_dma source(%dma_start3A_16 : memref<32xi32, #tpu.memory_space<vmem>>) target(%dma_start3A_14 : memref<32xi32, #tpu.memory_space<hbm>>) target_semaphore(%run_scoped3A : memref<!tpu.dma_semaphore, #tpu.memory_space<semaphore_mem>>)
      %dma_wait3A = arith.constant 1600 : i32
      %dma_wait3A_17 = tpu.memref_slice %arg12[%dma_wait3A] : memref<1664xi32, #tpu.memory_space<vmem>> -> memref<32xi32, #tpu.memory_space<vmem>>
      %dma_wait3A_18 = tpu.memref_slice %arg5[%mul3A_2] : memref<1024xi32, #tpu.memory_space<hbm>> -> memref<32xi32, #tpu.memory_space<hbm>>
      %dma_wait3A_19 = tpu.memref_slice %arg5[%mul3A_2] : memref<1024xi32, #tpu.memory_space<hbm>> -> memref<32xi32, #tpu.memory_space<hbm>>
      %dma_wait3A_20 = arith.constant 1600 : i32
      %dma_wait3A_21 = tpu.memref_slice %arg12[%dma_wait3A_20] : memref<1664xi32, #tpu.memory_space<vmem>> -> memref<32xi32, #tpu.memory_space<vmem>>
      tpu.wait_dma2 semaphore(%run_scoped3A : memref<!tpu.dma_semaphore, #tpu.memory_space<semaphore_mem>>) src(%dma_wait3A_21 : memref<32xi32, #tpu.memory_space<vmem>>) dst(%dma_wait3A_19 : memref<32xi32, #tpu.memory_space<hbm>>)
      tpu.yield
    }) : () -> ()
    return
  }
}

module attributes {stable_mosaic.version = 14 : i64} {
  func.func @body(%arg0: i32, %arg1: memref<1000x100xf32, #tpu.memory_space<vmem>>, %arg2: memref<1x1x1000xi32, #tpu.memory_space<vmem>>) attributes {dimension_semantics = [#tpu.dimension_semantics<arbitrary>], iteration_bounds = array<i64: 100>, scalar_prefetch = 0 : i64, scratch_operands = 0 : i64, tpu.core_type = #tpu.core_type<tc>, window_params = [{transform_indices = @transform_0, window_bounds = array<i64: 1000, 100>}, {transform_indices = @transform_1, window_bounds = array<i64: 1, 1, 1000>}]} {
    %iota3A = tpu.iota {dimensions = array<i32: 1>} : vector<1x100xi32>
    %convert_element_type3A = arith.sitofp %iota3A : vector<1x100xi32> to vector<1x100xf32>
    %get3A = arith.constant 0 : index
    %get3A_0 = arith.constant 0 : index
    %get3A_1 = vector.load %arg1[%get3A, %get3A_0] : memref<1000x100xf32, #tpu.memory_space<vmem>>, vector<1000x100xf32>
    %mul3A = vector.broadcast %convert_element_type3A : vector<1x100xf32> to vector<1000x100xf32>
    %mul3A_2 = arith.mulf %get3A_1, %mul3A : vector<1000x100xf32>
    %reduce_sum3A = arith.constant dense<0.000000e+00> : vector<1000xf32>
    %reduce_sum3A_3 = vector.multi_reduction <add>, %mul3A_2, %reduce_sum3A [1] : vector<1000x100xf32> to vector<1000xf32>
    %convert_element_type3A_4 = arith.fptosi %reduce_sum3A_3 : vector<1000xf32> to vector<1000xi32>
    %swap3A = arith.constant 0 : index
    %swap3A_5 = arith.constant 0 : index
    %swap3A_6 = arith.constant 0 : index
    %swap3A_7 = vector.load %arg2[%swap3A, %swap3A_5, %swap3A_6] : memref<1x1x1000xi32, #tpu.memory_space<vmem>>, vector<1x1x1000xi32>
    %swap3A_8 = vector.shape_cast %swap3A_7 : vector<1x1x1000xi32> to vector<1000xi32>
    %swap3A_9 = vector.shape_cast %convert_element_type3A_4 : vector<1000xi32> to vector<1x1x1000xi32>
    tpu.vector_store %arg2[%swap3A, %swap3A_5, %swap3A_6], %swap3A_9 {strides = array<i32>} : memref<1x1x1000xi32, #tpu.memory_space<vmem>>, vector<1x1x1000xi32>,
    return
  }
  func.func @transform_0(%arg0: i32) -> (i32, i32) {
    %c0_i32 = arith.constant 0 : i32
    %c0_i32_0 = arith.constant 0 : i32
    return %arg0, %c0_i32 : i32, i32
  }
  func.func @transform_1(%arg0: i32) -> (i32, i32, i32) {
    %c0_i32 = arith.constant 0 : i32
    %c0_i32_0 = arith.constant 0 : i32
    %c0_i32_1 = arith.constant 0 : i32
    return %arg0, %c0_i32, %c0_i32_0 : i32, i32, i32
  }
}

</mosaic_0001>

<sc_bundles>
// kernel: kernel.4.cloned.1.call-start
scs
__scs_entry_jumppad:
0x0: {  	(pc) =	sbr.rel $0x88, $3  }
0x1: {  	(tag) =	ssettag $0x0;
	lr =	simm.s32 $0x1  }
0x2: {  	[smem:$0x3F9F] =	sst lr;
	_ =	strace $0xD0000000  }
0x3: {  	_ = 	snop  }
0x4: {  	_ = 	snop  }
0x5: {  	_ = 	snop  }
0x6: {  	_ = 	snop  }
0x7: {  	_ = 	snop  }
__scs_overlays_trampoline_lowered:
0x8: {  	[smem:$0x3FAE] =	sst s0  }
0x9: {  	[smem:$0x3FAF] =	sst s1  }
0xa: {  	[smem:$0x3FB0] =	sst s2  }
0xb: {  	[smem:$0x3FB1] =	sst s3  }
0xc: {  	[smem:$0x3FB2] =	sst s4  }
0xd: {  	[smem:$0x3FB3] =	sst s5  }
0xe: {  	[smem:$0x3FB4] =	sst s6  }
0xf: {  	[smem:$0x3FB5] =	sst s7  }
0x10: {  	[smem:$0x3FB6] =	sst s8  }
0x11: {  	[smem:$0x3FB7] =	sst s9;
	s0 =	simm.s32 @!p0 $0x0  }
0x12: {  	s1 =	sld [smem:$0x3F9D];
	s0 =	simm.s32 @p0 $0x1  }
0x13: {  	[smem:$0x3FB8] =	sst s0;
	s0 =	simm.s32 @!p1 $0x0  }
0x14: {  	s2 =	sld [smem:$0x3F9C];
	s0 =	simm.s32 @p1 $0x1  }
0x15: {  	[smem:$0x3FB9] =	sst s0;
	s0 =	simm.s32 @!p2 $0x0  }
0x16: {  	s3 =	sld [smem:$0x3FDB];
	s0 =	simm.s32 @p2 $0x1  }
0x17: {  	s4 =	simm.s32 $0x1BF5;
	[smem:$0x3FBB] =	sst s0  }
0x18: {  	s0 =	sld [smem:$0x3F9E];
	_ =	swait.ge [sflag:s4], $0x0  }
0x19: {  	s7 =	sld [smem:$0x3F9F]  }
0x1a: {  	s8 =	sadd.s32 $0xFFFFE003, lr  }
0x1b: {  	s9 =	sadd.s32 $0xFFFFFEF7, lr;
	s5 =	simm.s32 $0xFFFFFFFF;
	p2 =	slt.u32 s8, $0xFFFFF086  }
0x1c: {  	p1 =	slt.u32 s9, $0xF7A;
	s5 =	simm.s32 @!p2 $0x0  }
0x1d: {  	s5 =	simm.s32 @p1 $0x1;
	p0 =	seq.s32 s7, s2  }
0x1e: {  	s7 =	smul.u32 @!p0 $0xF7A, s2;
	p2 =	seq.s32 @!p0 s5, $0x0  }
0x1f: {  	s9 =	smul.u32 $0xF7A, s1;
	s8 =	simm.s32 @!p0 $0x1BF5;
	p2 =	por !p2, p0  }
0x20: {  	[sflag:s8] =	ssyncset.s32 @!p0 $0xFFFFF086;
	s6 =	sadd.s32 @!p0 s3, s7;
	s7 =	simm.s32 @!p0 $0x108  }
0x21: {  	s3 =	sadd.s32 s3, s9;
	s6 =	sadd.s32 @!p0 $0x88, s6;
	s7 =	simm.s32 @p2 $0x1082  }
0x22: {  	[simem:s7], [sflag:s8] =	dma.local @!p0 [hbm:s6], $0xF7A  }
0x23: {  	s9 =	sor.u32 $0xD0000000, s2;
	s6 =	simm.s32 $0x108;
	_ =	swait.ge @!p0 [sflag:s8], $0x0  }
0x24: {  	s3 =	sadd.s32 $0x88, s3;
	s6 =	simm.s32 @!p1 $0x1082;
	[sflag:s4] =	ssyncset.s32 $0xFFFFF086  }
0x25: {  	[simem:s6], [sflag:s4] =	dma.local [hbm:s3], $0xF7A  }
0x26: {  	[smem:$0x3F9F] =	sst s1;
	(tag) =	ssettag s2;
	_ =	strace s9  }
0x27: {  	s1 =	sld [smem:$0x3FAF]  }
0x28: {  	s2 =	sld [smem:$0x3FB0]  }
0x29: {  	s4 =	sld [smem:$0x3FB2]  }
0x2a: {  	p0 =	seq.s32 s5, $0x0;
	s5 =	sld [smem:$0x3FB3]  }
0x2b: {  	s6 =	sld [smem:$0x3FB4]  }
0x2c: {  	s7 =	sld [smem:$0x3FB5]  }
0x2d: {  	s3 =	simm.s32 $0x108;
	s8 =	sld [smem:$0x3FB6]  }
0x2e: {  	s3 =	simm.s32 @!p0 $0x1082;
	s9 =	sld [smem:$0x3FB7]  }
0x2f: {  	lr =	sadd.s32 s0, s3;
	s0 =	sld [smem:$0x3FAE]  }
0x30: {  	s3 =	sld [smem:$0x3FB1]  }
0x31: {  	[smem:$0x3FBA] =	sst s10  }
0x32: {  	s10 =	sld [smem:$0x3FB8];
	_ =	sdelay $0x3  }
0x33: {  	p0 =	seq.s32 s10, $0x1;
	s10 =	sld [smem:$0x3FBA];
	_ =	sdelay $0x3  }
0x34: {  	[smem:$0x3FBA] =	sst s10  }
0x35: {  	s10 =	sld [smem:$0x3FB9];
	_ =	sdelay $0x3  }
0x36: {  	p1 =	seq.s32 s10, $0x1;
	s10 =	sld [smem:$0x3FBA];
	_ =	sdelay $0x3  }
0x37: {  	[smem:$0x3FBA] =	sst s10  }
0x38: {  	s10 =	sld [smem:$0x3FBB]  }
0x39: {  	_ = 	snop;
	(pc) =	sbr.ind lr, $3  }
0x3a: {  	_ = 	snop  }
0x3b: {  	_ = 	snop  }
0x3c: {  	p2 =	seq.s32 s10, $0x1;
	s10 =	sld [smem:$0x3FBA]  }
0x3d: {  	_ =	shalt  }
0x3e: {  	_ =	shalt  }
0x3f: {  	_ =	shalt  }
0x40: {  	_ =	shalt  }
0x41: {  	_ =	shalt  }
0x42: {  	_ =	shalt  }
0x43: {  	_ =	shalt  }
0x44: {  	_ =	shalt  }
0x45: {  	_ =	shalt  }
0x46: {  	_ =	shalt  }
0x47: {  	_ =	shalt  }
0x48: {  	_ =	shalt  }
0x49: {  	_ =	shalt  }
0x4a: {  	_ =	shalt  }
0x4b: {  	_ =	shalt  }
0x4c: {  	_ =	shalt  }
0x4d: {  	_ =	shalt  }
0x4e: {  	_ =	shalt  }
0x4f: {  	_ =	shalt  }
0x50: {  	_ =	shalt  }
0x51: {  	_ =	shalt  }
0x52: {  	_ =	shalt  }
0x53: {  	_ =	shalt  }
0x54: {  	_ =	shalt  }
0x55: {  	_ =	shalt  }
0x56: {  	_ =	shalt  }
0x57: {  	_ =	shalt  }
0x58: {  	_ =	shalt  }
0x59: {  	_ =	shalt  }
0x5a: {  	_ =	shalt  }
0x5b: {  	_ =	shalt  }
0x5c: {  	_ =	shalt  }
0x5d: {  	_ =	shalt  }
0x5e: {  	_ =	shalt  }
0x5f: {  	_ =	shalt  }
0x60: {  	_ =	shalt  }
0x61: {  	_ =	shalt  }
0x62: {  	_ =	shalt  }
0x63: {  	_ =	shalt  }
0x64: {  	_ =	shalt  }
0x65: {  	_ =	shalt  }
0x66: {  	_ =	shalt  }
0x67: {  	_ =	shalt  }
0x68: {  	_ =	shalt  }
0x69: {  	_ =	shalt  }
0x6a: {  	_ =	shalt  }
0x6b: {  	_ =	shalt  }
0x6c: {  	_ =	shalt  }
0x6d: {  	_ =	shalt  }
0x6e: {  	_ =	shalt  }
0x6f: {  	_ =	shalt  }
0x70: {  	_ =	shalt  }
0x71: {  	_ =	shalt  }
0x72: {  	_ =	shalt  }
0x73: {  	_ =	shalt  }
0x74: {  	_ =	shalt  }
0x75: {  	_ =	shalt  }
0x76: {  	_ =	shalt  }
0x77: {  	_ =	shalt  }
0x78: {  	_ =	shalt  }
0x79: {  	_ =	shalt  }
0x7a: {  	_ =	shalt  }
0x7b: {  	_ =	shalt  }
0x7c: {  	_ =	shalt  }
0x7d: {  	_ =	shalt  }
0x7e: {  	_ =	shalt  }
0x7f: {  	_ =	shalt  }
0x80: {  	_ =	shalt  }
0x81: {  	_ =	shalt  }
0x82: {  	_ =	shalt  }
0x83: {  	_ =	shalt  }
0x84: {  	_ =	shalt  }
0x85: {  	_ =	shalt  }
0x86: {  	_ =	shalt  }
0x87: {  	_ =	shalt  }
.Lfunc_end0:
.L_simem_size_0:
called_computation_lowered:
.L_overlay_start_0:
0x88: {  	s2 =	sld [smem:$0x3FD9]  }
0x89: {  	s3 =	sld [smem:$0x3FFE];
	_ =	sdelay $0x1  }
0x8a: {  	s1 =	srdreg.scid  }
0x8b: {  	s0 =	sand.u32 $0x1, s1  }
0x8c: {  	s17 =	sshll.u32 s0, $0xA;
	s2 =	sadd.s32 s3, s2  }
0x8d: {  	s2 =	sadd.s32 s2, s17  }
0x8e: {  	[smem:$0x3FC6] =	sst s2  }
0x8f: {  	_ = 	snop  }
0x90: {  	s2 =	sld [smem:$0x3FD0];
	(tm) =	ssettm $0x1  }
0x91: {  	s18 =	sld [smem:$0x3FFB];
	_ =	sdelay $0x3  }
0x92: {  	_ =	strace s18  }
0x93: {  	s3 =	sld [smem:$0x3FFC];
	_ =	sdelay $0x3  }
0x94: {  	_ =	strace s3  }
0x95: {  	s3 =	sld [smem:$0x3FFD];
	_ =	sdelay $0x3  }
0x96: {  	_ =	strace s3  }
0x97: {  	_ =	strace $0x8FFFFFFF  }
0x98: {  	s19 =	sld [smem:$0x3FDB];
	_ =	sdelay $0x1  }
0x99: {  	s4 =	simm.s32 $_scs_section_size  }
0x9a: {  	s5 =	simm.s32 $_size__tile_overlayer_lowered;
	s6 =	simm.s32 $_tile_overlayer_lowered  }
0x9b: {  	s22 =	simm.s32 $0x1BFF;
	s21 =	sshll.u32 s6, $0x1;
	s3 =	sadd.s32 s4, s19  }
0x9c: {  	s7 =	simm.s32 $0x0;
	s20 =	sshll.u32 s5, $0x1;
	s5 =	sadd.s32 s21, s3  }
0x9d: {  	[timem:s7], [sflag:s22] =	dma.local [hbm:s5], s20  }
0x9e: {  	_ =	swait.ge [sflag:s22], s20  }
0x9f: {  	s4 =	ssub.s32 $0x0, s20;
	[sflag:s22] =	ssyncset.done $0x0  }
0xa0: {  	[sflag:s22] =	ssyncadd.s32 s4;
	_ =	sdelay $0x1  }
0xa1: {  	s23 =	simm.s32 $0x1B8B  }
0xa2: {  	_ =	swait.ge [sflag:s23], $0x1  }
0xa3: {  	[sflag:s23] =	ssyncset.done $0x0  }
0xa4: {  	s25 =	simm.s32 $0x1B8E;
	s24 =	sld [smem:$0x3FFE];
	[sflag:s23] =	ssyncadd.s32 $0xFFFFFFFF  }
0xa5: {  	s26 =	simm.s32 $execute0_lowered;
	[smem:$0x3FD2] =	sst s25  }
0xa6: {  	s5 =	sshll.u32 s26, $0x1;
	_ =	strace $0x80000046;
	[dreg:$0x1] =	wrdreg $0xFFFFFFFF  }
0xa7: {  	s28 =	simm.s32 $_size_execute0_lowered;
	s3 =	sadd.s32 s3, s5;
	[dreg:$0x0] =	wrdreg $0x0  }
0xa8: {  	s5 =	sshll.u32 s28, $0x1;
	[dreg:$0x2] =	wrdreg s3  }
0xa9: {  	[dreg:$0x3] =	wrdreg s5  }
0xaa: {  	[dreg:$0x4] =	wrdreg $0xC0  }
0xab: {  	_ =	task [dreg:s7], $0x5FFFF  }
0xac: {  	[dreg:$0x1] =	wrdreg $0xFFFFFFFF  }
0xad: {  	[dreg:$0x0] =	wrdreg $0x60  }
0xae: {  	[dreg:$0x2] =	wrdreg s24  }
0xaf: {  	[dreg:$0x3] =	wrdreg s2  }
0xb0: {  	[dreg:$0x4] =	wrdreg $0x9  }
0xb1: {  	_ =	task.clear_ibuf [dreg:s7], $0x5FFFF;
	_ =	strace $0x90000046  }
0xb2: {  	s29 =	simm.s32 $0x9;
	_ =	strace $0x80000048  }
0xb3: {  	_ =	swait.ge [sflag:s29], $0x1  }
0xb4: {  	[sflag:s29] =	ssyncadd.s32 $0xFFFFFFFF  }
0xb5: {  	_ =	strace $0x90000048  }
0xb6: {  	_ =	sfence  }
0xb7: {  	s30 =	sld [smem:$0x0];
	_ =	sdelay $0x2  }
0xb8: {  	s31 =	sshll.u32 s1, $0xD;
	s1 =	sshrl.u32 s1, $0x2  }
0xb9: {  	s3 =	sand.u32 $0x4000, s31;
	s1 =	sadd.s32 s1, s30  }
0xba: {  	s0 =	sor.u32 s3, s0;
	s1 =	sshll.u32 s1, $0x11  }
0xbb: {  	s0 =	sor.u32 s1, s0  }
0xbc: {  	s0 =	sadd.s32 $0x8F2B, s0  }
0xbd: {  	[sflag:s0] =	ssyncadd.remote.s32 $0x1  }
0xbe: {  	_ =	sfence.sel $0xFFFF  }
0xbf: {  	[dreg:$0x0] =	wrdreg $0xFFFFFFFF;
	(pc) =	sbr.abs _section_cstart, $3  }
0xc0: {  	[dreg:$0x1] =	wrdreg $0xFFFFFFFF  }
0xc1: {  	_ =	task.clear_ibuf [dreg:s7], $0x2FFFF;
	_ =	strace $0x9FFFFFFF  }
0xc2: {  	(tm) =	ssettm $0x7FFFFFFF  }
0xc3: {  	_ =	shalt  }
tec
execute0_lowered:
.L_overlay_start_1:
0x0: {  	(tag) =	ssettag $0x1  }
0x1: {  	s6 =	rddreg [dreg:$0x0]  }
0x2: {  	s0 =	rddreg [dreg:$0x1];
	s3 =	simm.s32 $0x0;
	s1 =	srdreg.scid  }
0x3: {  	s4 =	stileid.u32;
	s11 =	simm.s32 $0x1BF00;
	s12 =	simm.s32 $0x1DB00  }
0x4: {  	s13 =	simm.s32 $0x1F700;
	[smem:$0x7FF] =	sst s3;
	s1 =	sand.u32 $0x1, s1  }
0x5: {  	s4 =	sshll.u32 s4, $0x6;
	s5 =	sadd.s32 $0x3200, s6;
	s28 =	sadd.s32 $0xC3B200, s6  }
0x6: {  	_ =	strace $0x80000047;
	s2 =	ssub.s32 $0x2, s1;
	s1 =	sshll.u32 s1, $0x5  }
.Ltmp0:
0x7: {  	[dreg:$0x3] =	wrdreg s5;
	s4 =	sor.u32 s1, s4;
	(pc) =	sbr.rel .LBB2_1-.Ltmp0, $4  }
0x8: {  	[dreg:$0x5] =	wrdreg s28;
	s26 =	sshrl.u32 s2, $0x1;
	s30 =	sshrl.u32 s4, $0x3  }
0x9: {  	s29 =	ssub.s32 s2, s26;
	[dreg:$0x4] =	wrdreg s4;
	s0 =	sadd.s32 s0, s30  }
0xa: {  	v0 =	vlaneseq.u32;
	v1 =	vimm.s32 $0x0;
	s14 =	simm.s32 $0xF0000000;
	s31 =	smax.u32 s29, $0x1;
	[dreg:$0x6] =	wrdreg s0  }
0xb: {  	v3 =	vimm.f32 $0.0e+00;
	v4 =	vimm.s32 $0x1;
	v2 =	vmul.u32 $0x10, v0;
	s1 =	simm.s32 $0x2;
	s2 =	simm.s32 $0x0;
	[dreg:$0x7] =	wrdreg s31  }
.LBB2_95:
0xc: {  	s0 =	rddreg [dreg:$0x6];
	s1 =	simm.s32 $0x1FE40  }
0xd: {  	[hbm4b:s0+s3] =	stream.linear.scatter [tilespmem:s1], [sflag:$0x2], $0x20, $0x38;
	[tilespmem:$0x1FE80] =	vst v63  }
0xe: {  	s1 =	simm.s32 $0x2  }
0xf: {  	_ =	swait.ge [sflag:s1], $0x20  }
0x10: {  	s2 =	rddreg [dreg:$0x8]  }
0x11: {  	s31 =	rddreg [dreg:$0x7];
	s2 =	sadd.s32 $0x1, s2  }
0x12: {  	p0 =	sne.s32 s2, s31  }
.Ltmp1:
0x13: {  	_ = 	snop;
	(pc) =	sbr.rel @!p0 .LBB2_96-.Ltmp1, $3  }
0x14: {  	_ =	sdelay $0x1  }
0x15: {  	[sflag:s1] =	ssyncset.done $0x0  }
0x16: {  	[sflag:s1] =	ssyncadd.s32 $0xFFFFFFE0  }
.LBB2_1:
0x17: {  	[dreg:$0x8] =	wrdreg s2  }
.Ltmp2:
0x18: {  	s0 =	rddreg [dreg:$0x0];
	(pc) =	sbr.rel .LBB2_2-.Ltmp2, $4  }
0x19: {  	[tilespmem:s3], [sflag:$0x2] =	stream.linear.gather [hbm4b:s0+s3], $0x18700, $0x38;
	[tilespmem:$0x1FE80] =	vst v63  }
0x1a: {  	_ =	swait.ge [sflag:s1], $0x18700  }
0x1b: {  	[sflag:s1] =	ssyncset.done $0x0  }
0x1c: {  	s0 =	simm.s32 $0x0;
	[sflag:s1] =	ssyncadd.s32 $0xFFFE7900  }
.LBB2_94:
0x1d: {  	s0 =	rddreg [dreg:$0x9]  }
0x1e: {  	s0 =	sadd.s32 $0x1, s0  }
0x1f: {  	p0 =	sne.s32 s0, $0x4  }
.Ltmp3:
0x20: {  	_ = 	snop;
	(pc) =	sbr.rel @!p0 .LBB2_95-.Ltmp3, $1  }
0x21: {  	_ =	sdelay $0x3  }
.LBB2_2:
0x22: {  	s1 =	sshll.u32 s0, $0x3;
	s30 =	rddreg [dreg:$0x4]  }
0x23: {  	[dreg:$0x9] =	wrdreg s0;
	s0 =	sor.u32 s30, s1  }
0x24: {  	[dreg:$0xa] =	wrdreg s1;
	s1 =	sshrl.u32 s0, $0x3  }
0x25: {  	s1 =	smul.u32 $0xC3800, s1  }
0x26: {  	s2 =	rddreg [dreg:$0x3]  }
0x27: {  	[dreg:$0xb] =	wrdreg s1;
	s1 =	sshrl.u32 s1, $0x3  }
0x28: {  	s31 =	simm.s32 $0x1;
	s4 =	sadd.s32 s2, s1  }
.Ltmp4:
0x29: {  	s1 =	simm.s32 $0x0;
	s2 =	simm.s32 $0x18700;
	(pc) =	sbr.rel .LBB2_3-.Ltmp4, $4  }
0x2a: {  	[tilespmem:s2], [sflag:$0x1] =	stream.linear.gather [hbm4b:s4+s1], $0x1400, $0x38;
	[tilespmem:$0x1FE80] =	vst v63  }
0x2b: {  	_ =	swait.ge [sflag:s31], $0x1400  }
0x2c: {  	[sflag:s31] =	ssyncset.done $0x0  }
0x2d: {  	[sflag:s31] =	ssyncadd.s32 $0xFFFFEC00  }
.LBB2_15:
0x2e: {  	s5 =	simm.s32 $0x0;
	s8 =	simm.s32 $0x0;
	s6 =	simm.s32 $0x0  }
.LBB2_19:
0x2f: {  	_ =	sdelay $0x4  }
0x30: {  	s7 =	sor.u32 s16, s10;
	[tilespmem:v9+s12+$0x0] =	vst.idx.msk @p0 vm0, v10  }
0x31: {  	v9 =	vld [tilespmem:s7+$0x1BF00];
	_ =	sdelay $0x3  }
0x32: {  	v61 =	vor.u32 s8, v0  }
0x33: {  	vm14 =	vlt.s32 v61, v6;
	vm1 =	veq.s32 v9, v7  }
0x34: {  	vm1 =	vmand vm14, vm1  }
0x35: {  	v6 =	vsel vm1, $0x1, v1  }
0x36: {  	(xrf0) =	vadd.scan.msk.s32 $0xffff, v6;
	_ =	sdelay $0x4  }
0x37: {  	v6 =	vsel vm1, $0xFFFFFFFF, v1  }
0x38: {  	v6 =	vadd.s32 s6, v6;
	v62, _, _ =	vpop (xrf0)  }
0x39: {  	v6 =	vadd.s32 v62, v6  }
0x3a: {  	vm2 =	vlt.s32 v9, v7;
	vm3 =	vlt.s32 v6, v8  }
0x3b: {  	vm0 =	vmand vm14, vm2;
	vm15 =	vmand vm1, vm3  }
0x3c: {  	vm0 =	vmor vm0, vm15  }
0x3d: {  	v6 =	vmpcnt.ones.xlane vm1;
	v8 =	vsel vm0, $0x1, v1  }
0x3e: {  	v63 =	vmpcnt.ones.xlane vm0;
	(xrf0) =	vadd.scan.msk.s32 $0xffff, v8  }
0x3f: {  	(v2sf) =	vpush v6, $0x0  }
0x40: {  	(v2sf) =	vpush v63, $0x0;
	_ =	sdelay $0x1  }
0x41: {  	s4 =	sadd.s32 @p0 s5, s4  }
0x42: {  	s9 =	smov.u32 @p0 s4;
	v6 =	vsel vm0, $0xFFFFFFFF, v1  }
0x43: {  	v6 =	vadd.s32 s9, v6;
	v8, _, _ =	vpop (xrf0)  }
0x44: {  	v6 =	vadd.s32 v8, v6  }
0x45: {  	v8 =	vshll.u32 v6, $0x3  }
0x46: {  	v8 =	vand.u32 $0xFFFFFC00, v8  }
0x47: {  	v6 =	vand.u32 $0x7F, v6;
	v5 =	vadd.s32 v5, v8  }
0x48: {  	v5 =	vor.u32 v6, v5  }
0x49: {  	v6 =	vld [tilespmem:s7+$0x1DB00];
	_ =	sdelay $0x3  }
0x4a: {  	s30 =	spop (v2sf);
	[tilespmem:v5+s11+$0x0] =	vst.idx.msk vm0, v9  }
0x4b: {  	s31 =	spop (v2sf);
	[tilespmem:v5+s12+$0x0] =	vst.idx.msk vm0, v6  }
.LBB2_20:
0x4c: {  	vm0 =	vlt.s32 v7, $0x0  }
0x4d: {  	v5 =	vsel vm0, $0x7FFFFFFF, v1  }
0x4e: {  	v5 =	vxor.u32 v7, v5  }
0x4f: {  	(v2sf) =	vpush v5, $0x0;
	_ =	sdelay $0x8  }
0x50: {  	s4 =	simm.s32 $0x40  }
0x51: {  	s31 =	sadd.s32 $0x80, s1;
	[smem:s1] =	sst s4;
	s1 =	sadd.s32 $0x1, s1  }
0x52: {  	p0 =	seq.s32 s1, $0x8  }
.Ltmp5:
0x53: {  	_ = 	snop;
	(pc) =	sbr.rel @p0 .LBB2_21-.Ltmp5, $3  }
0x54: {  	_ =	sdelay $0x1  }
0x55: {  	s5 =	spop (v2sf)  }
0x56: {  	s2 =	sadd.s32 $0x80, s2;
	[smem:s31] =	sst s5  }
.LBB2_3:
0x57: {  	v5 =	vmov s1  }
0x58: {  	s5 =	sshll.u32 s1, $0x9;
	s8 =	simm.s32 $0x10;
	v5 =	vshll.u32 v5, $0x7  }
0x59: {  	v6 =	vld [tilespmem:s2+$0x0];
	s7 =	simm.s32 $0x0;
	s6 =	simm.s32 $0x0;
	s9 =	smov.u32 s2;
	v5 =	vbroadcast v5, $0x0  }
.LBB2_4:
0x5a: {  	p0 =	sne.s32 s8, $0x70;
	_ =	sdelay $0x3  }
0x5b: {  	vm0 =	vlt.f32 v6, $+Inf;
	vm1 =	vgt.f32 v6, $+Inf  }
0x5c: {  	vm0 =	vmor vm1, vm0  }
0x5d: {  	v7 =	vsel vm0, $0x1, v1;
	v8 =	vmpcnt.ones.xlane vm0  }
0x5e: {  	(xrf0) =	vadd.scan.msk.s32 $0xffff, v7  }
0x5f: {  	(v2sf) =	vpush v8, $0x0;
	_ =	sdelay $0x3  }
0x60: {  	v7 =	vsel vm0, $0xFFFFFFFF, v1  }
0x61: {  	v8 =	vor.u32 s7, v0;
	v7 =	vadd.s32 s6, v7;
	s7 =	smov.u32 s8;
	v9, _, _ =	vpop (xrf0)  }
0x62: {  	v7 =	vadd.s32 v9, v7  }
0x63: {  	v9 =	vshll.u32 v7, $0x3  }
0x64: {  	v9 =	vand.u32 $0xFFFFFC00, v9  }
0x65: {  	v7 =	vand.u32 $0x7F, v7;
	v9 =	vadd.s32 v5, v9  }
0x66: {  	v8 =	vld.idx.msk [tilespmem:v8+s3+$0x0], $0xffff;
	v7 =	vor.u32 v7, v9;
	_ =	sdelay $0x1  }
0x67: {  	v9 =	vshra.s32 v6, $0x1F  }
.Ltmp6:
0x68: {  	v9 =	vand.u32 $0x7FFFFFFF, v9;
	(pc) =	sbr.rel @p0 .LBB2_4-.Ltmp6, $4  }
0x69: {  	v6 =	vxor.u32 v6, v9  }
0x6a: {  	[tilespmem:v7+s11+$0x0] =	vst.idx.msk vm0, v6;
	s4 =	spop (v2sf)  }
0x6b: {  	s9 =	sadd.s32 $0x10, s9;
	[tilespmem:v7+s12+$0x0] =	vst.idx.msk vm0, v8;
	s6 =	sadd.s32 s6, s4  }
0x6c: {  	s8 =	sadd.s32 $0x10, s8;
	v6 =	vld [tilespmem:s9+$0x0]  }
0x6d: {  	_ =	sdelay $0x3  }
0x6e: {  	vm0 =	vlt.f32 v6, $+Inf;
	vm1 =	vgt.f32 v6, $+Inf  }
0x6f: {  	vm0 =	vmor vm1, vm0  }
0x70: {  	v7 =	vmpcnt.ones.xlane vm0;
	_ =	sdelay $0x1  }
0x71: {  	(v2sf) =	vpush v7, $0x0;
	_ =	sdelay $0x5  }
0x72: {  	v7 =	vsel vm0, $0x1, v1  }
0x73: {  	(xrf0) =	vadd.scan.msk.s32 $0xffff, v7;
	_ =	sdelay $0x4  }
0x74: {  	v7 =	vsel vm0, $0xFFFFFFFF, v1  }
0x75: {  	v7 =	vadd.s32 s6, v7;
	v8, _, _ =	vpop (xrf0)  }
0x76: {  	v9 =	vor.u32 s7, v0;
	v7 =	vadd.s32 v8, v7  }
0x77: {  	v8 =	vshll.u32 v7, $0x3;
	s4 =	spop (v2sf)  }
0x78: {  	v8 =	vand.u32 $0xFFFFFC00, v8;
	s4 =	sadd.s32 s6, s4  }
0x79: {  	v7 =	vand.u32 $0x7F, v7;
	v8 =	vadd.s32 v5, v8;
	s6 =	sadd.s32 $0xF, s4  }
0x7a: {  	s7 =	simm.s32 $0x1;
	v7 =	vor.u32 v7, v8;
	s30 =	sand.u32 $0xF, s6  }
0x7b: {  	v8 =	vld.idx.msk [tilespmem:v9+s3+$0x0], $0xffff;
	s8 =	sshra.s32 s6, $0x1F;
	p0 =	slt.s32 s6, $0x1;
	p1 =	sne.s32 s30, $0x0  }
.Ltmp7:
0x7c: {  	v63 =	vshra.s32 v6, $0x1F;
	s31 =	sshrl.u32 s8, $0x1C;
	p0 =	por !p0, !p1;
	(pc) =	sbr.rel .LBB2_6-.Ltmp7, $4  }
0x7d: {  	s5 =	sshrl.u32 s5, $0x2;
	v9 =	vand.u32 $0x7FFFFFFF, v63;
	s6 =	sadd.s32 s31, s6;
	p0 =	por !p0, !p0  }
0x7e: {  	s17 =	simm.s32 $0x0;
	v6 =	vxor.u32 v6, v9;
	s6 =	sshra.s32 s6, $0x4;
	s7 =	simm.s32 @!p0 $0x0  }
0x7f: {  	s9 =	sadd.s32 $0x1BF00, s5;
	s5 =	simm.s32 $0x0;
	[tilespmem:v7+s11+$0x0] =	vst.idx.msk vm0, v6;
	s7 =	ssub.s32 s6, s7  }
0x80: {  	v6 =	vmov s4;
	[tilespmem:v7+s12+$0x0] =	vst.idx.msk vm0, v8;
	s8 =	simm.s32 $0x40;
	s6 =	simm.s32 $0x0;
	p0 =	slt.s32 s7, $0x1  }
.LBB2_8:
0x81: {  	_ = 	snop  }
.LBB2_11:
0x82: {  	_ =	sdelay $0x2  }
0x83: {  	s4 =	sand.u32 $0x70, s15;
	s10 =	sadd.s32 s21, s9;
	v12 =	vsel @p1 vm0, $0x1, v1  }
0x84: {  	s4 =	sadd.s32 s4, s10;
	[tilespmem:v11+s13+$0x0] =	vst.idx.add.s32.msk @p1 $0xffff, v12  }
0x85: {  	v11 =	vld [tilespmem:s4+$0x0];
	_ =	sdelay $0x4  }
0x86: {  	v9 =	vshra.s32 v11, v9  }
0x87: {  	v9 =	vand.u32 $0xF, v9  }
0x88: {  	v9 =	vxor.u32 v10, v9  }
0x89: {  	v9 =	vor.u32 v2, v9  }
0x8a: {  	v63 =	vor.u32 s15, v0;
	v8 =	vand.u32 v8, v11  }
0x8b: {  	vm15 =	vlt.s32 v63, v6;
	vm1 =	veq.s32 v8, v7  }
0x8c: {  	vm0 =	vmand vm15, vm1  }
0x8d: {  	v7 =	vsel vm0, $0x1, v1  }
0x8e: {  	[tilespmem:v9+s13+$0x0] =	vst.idx.add.s32.msk $0xffff, v7  }
.LBB2_12:
0x8f: {  	v7 =	vld [tilespmem:$0x1F700]  }
0x90: {  	v8 =	vld [tilespmem:$0x1F710]  }
0x91: {  	v9 =	vld [tilespmem:$0x1F720]  }
0x92: {  	v10 =	vld [tilespmem:$0x1F730]  }
0x93: {  	v11 =	vld [tilespmem:$0x1F740]  }
0x94: {  	v12 =	vld [tilespmem:$0x1F750]  }
0x95: {  	v7 =	vadd.s32 v7, v8;
	v8 =	vld [tilespmem:$0x1F760]  }
0x96: {  	v56 =	vld [tilespmem:$0x1F770];
	v7 =	vadd.s32 v9, v7  }
0x97: {  	v57 =	vld [tilespmem:$0x1F780];
	v7 =	vadd.s32 v10, v7  }
0x98: {  	v58 =	vld [tilespmem:$0x1F790];
	v7 =	vadd.s32 v11, v7  }
0x99: {  	v59 =	vld [tilespmem:$0x1F7A0];
	v7 =	vadd.s32 v12, v7  }
0x9a: {  	v7 =	vadd.s32 v8, v7;
	v8 =	vld [tilespmem:$0x1F7B0]  }
0x9b: {  	v60 =	vld [tilespmem:$0x1F7C0];
	v7 =	vadd.s32 v56, v7  }
0x9c: {  	v61 =	vld [tilespmem:$0x1F7D0];
	v7 =	vadd.s32 v57, v7  }
0x9d: {  	v62 =	vld [tilespmem:$0x1F7E0];
	v7 =	vadd.s32 v58, v7  }
0x9e: {  	v63 =	vld [tilespmem:$0x1F7F0];
	v7 =	vadd.s32 v59, v7  }
0x9f: {  	v7 =	vadd.s32 v8, v7  }
0xa0: {  	v7 =	vadd.s32 v60, v7  }
0xa1: {  	v7 =	vadd.s32 v61, v7  }
0xa2: {  	v7 =	vadd.s32 v62, v7  }
0xa3: {  	v7 =	vadd.s32 v63, v7  }
0xa4: {  	(xrf0) =	vadd.scan.msk.s32 $0xffff, v7;
	_ =	sdelay $0x5  }
0xa5: {  	v8, _, _ =	vpop (xrf0)  }
0xa6: {  	vm0 =	vge.s32 v8, s8  }
0xa7: {  	v8 =	vmctz.xlane vm0;
	_ =	sdelay $0x1  }
0xa8: {  	vm0 =	vgt.s32 v8, v0  }
0xa9: {  	v7 =	vnsel vm0, $0x0, v7  }
0xaa: {  	(xrf0) =	vadd.scan.msk.s32 $0xffff, v7;
	_ =	sdelay $0x5  }
0xab: {  	v7, _, _ =	vpop (xrf0)  }
0xac: {  	(v2sf) =	vpush v7, $0xF  }
0xad: {  	(v2sf) =	vpush v8, $0x0;
	_ =	sdelay $0xb  }
0xae: {  	s5 =	sadd.s32 $0x1, s5  }
0xaf: {  	p1 =	sne.s32 s5, $0x8  }
.Ltmp8:
0xb0: {  	s4 =	spop (v2sf);
	(pc) =	sbr.rel @!p1 .LBB2_13-.Ltmp8, $4  }
0xb1: {  	s10 =	spop (v2sf)  }
0xb2: {  	s10 =	sxor.u32 s20, s10  }
0xb3: {  	s15 =	sshrl.u32 s14, s18;
	s10 =	sshll.u32 s10, s19  }
0xb4: {  	s17 =	sor.u32 s15, s17;
	s8 =	ssub.s32 s8, s4;
	s6 =	sor.u32 s6, s10  }
.LBB2_6:
0xb5: {  	[tilespmem:$0x1F700] =	vst v1  }
0xb6: {  	[tilespmem:$0x1F710] =	vst v1  }
0xb7: {  	[tilespmem:$0x1F720] =	vst v1  }
0xb8: {  	[tilespmem:$0x1F730] =	vst v1  }
0xb9: {  	[tilespmem:$0x1F740] =	vst v1  }
0xba: {  	[tilespmem:$0x1F750] =	vst v1  }
0xbb: {  	[tilespmem:$0x1F760] =	vst v1  }
0xbc: {  	[tilespmem:$0x1F770] =	vst v1  }
0xbd: {  	[tilespmem:$0x1F780] =	vst v1  }
0xbe: {  	[tilespmem:$0x1F790] =	vst v1  }
0xbf: {  	[tilespmem:$0x1F7A0] =	vst v1  }
.Ltmp9:
0xc0: {  	[tilespmem:$0x1F7B0] =	vst v1;
	(pc) =	sbr.rel @p0 .LBB2_12-.Ltmp9, $4  }
0xc1: {  	[tilespmem:$0x1F7C0] =	vst v1  }
0xc2: {  	[tilespmem:$0x1F7D0] =	vst v1  }
0xc3: {  	s18 =	sshll.u32 s5, $0x2;
	p1 =	seq.s32 s5, $0x0;
	s20 =	simm.s32 $0x8;
	[tilespmem:$0x1F7E0] =	vst v1  }
0xc4: {  	[tilespmem:$0x1F7F0] =	vst v1;
	s19 =	ssub.s32 $0x1C, s18;
	s20 =	simm.s32 @!p1 $0x0  }
0xc5: {  	p2 =	sne.s32 s7, $0x1  }
.Ltmp10:
0xc6: {  	_ = 	snop;
	(pc) =	sbr.rel @!p2 .LBB2_8-.Ltmp10, $3  }
0xc7: {  	_ =	sdelay $0x1  }
0xc8: {  	v9 =	vmov s19;
	s15 =	simm.s32 $0x0  }
0xc9: {  	v8 =	vmov s17;
	v7 =	vmov s6;
	v10 =	vmov s20;
	s4 =	sadd.s32 $0xFFFFFFFF, s7;
	p1 =	por $0x0, $0x0;
	s21 =	sand.u32 $0xFFFFFC00, s15  }
0xca: {  	s10 =	sand.u32 $0x70, s15;
	s16 =	sadd.s32 s21, s9  }
0xcb: {  	s10 =	sadd.s32 s10, s16  }
0xcc: {  	v11 =	vld [tilespmem:s10+$0x0];
	_ =	sdelay $0x4  }
0xcd: {  	v12 =	vshra.s32 v11, v9  }
0xce: {  	p2 =	sne.s32 s4, $0x1;
	v12 =	vand.u32 $0xF, v12  }
.Ltmp11:
0xcf: {  	v11 =	vand.u32 v8, v11;
	v12 =	vxor.u32 v10, v12;
	(pc) =	sbr.rel @!p2 .LBB2_11-.Ltmp11, $4  }
0xd0: {  	vm1 =	veq.s32 v11, v7;
	v11 =	vor.u32 v2, v12  }
0xd1: {  	v13 =	vor.u32 s15, v0  }
0xd2: {  	s4 =	sadd.s32 $0xFFFFFFFF, s4;
	s16 =	simm.s32 $0x80;
	vm0 =	vlt.s32 v13, v6  }
0xd3: {  	s15 =	simm.s32 $0x10;
	p1 =	por $0x1, $0x1;
	s21 =	sand.u32 $0xFFFFFC00, s16;
	vm0 =	vmand vm0, vm1  }
.LBB2_10:
0xd4: {  	p2 =	sne.s32 s4, $0x1;
	s10 =	sand.u32 $0x70, s15;
	s21 =	sadd.s32 s21, s9;
	v12 =	vsel vm0, $0x1, v1  }
0xd5: {  	s10 =	sadd.s32 s10, s21;
	[tilespmem:v11+s13+$0x0] =	vst.idx.add.s32.msk $0xffff, v12  }
0xd6: {  	v12 =	vld [tilespmem:s10+$0x0];
	_ =	sdelay $0x4  }
0xd7: {  	v11 =	vshra.s32 v12, v9  }
0xd8: {  	v11 =	vand.u32 $0xF, v11  }
.Ltmp12:
0xd9: {  	v11 =	vxor.u32 v10, v11;
	(pc) =	sbr.rel @p2 .LBB2_10-.Ltmp12, $4  }
0xda: {  	v11 =	vor.u32 v2, v11  }
0xdb: {  	v13 =	vor.u32 s15, v0;
	v12 =	vand.u32 v8, v12  }
0xdc: {  	s16 =	sadd.s32 $0x80, s16;
	vm0 =	vlt.s32 v13, v6;
	vm1 =	veq.s32 v12, v7  }
0xdd: {  	s4 =	sadd.s32 $0xFFFFFFFF, s4;
	s15 =	sadd.s32 $0x10, s15;
	s21 =	sand.u32 $0xFFFFFC00, s16;
	vm0 =	vmand vm0, vm1  }
.Ltmp13:
0xde: {  	_ = 	snop;
	(pc) =	sbr.rel .LBB2_11-.Ltmp13, $1  }
0xdf: {  	_ =	sdelay $0x3  }
.LBB2_13:
.Ltmp14:
0xe0: {  	(pc) =	sbr.rel @p0 .LBB2_20-.Ltmp14, $2  }
0xe1: {  	_ =	sdelay $0x2  }
0xe2: {  	v7 =	vmov s6  }
0xe3: {  	p1 =	sne.s32 s7, $0x1  }
.Ltmp15:
0xe4: {  	_ = 	snop;
	(pc) =	sbr.rel @!p1 .LBB2_15-.Ltmp15, $4  }
0xe5: {  	s9 =	simm.s32 $0x0  }
0xe6: {  	s5 =	sand.u32 $0x1FFFFF8, s9  }
0xe7: {  	s4 =	simm.s32 $0x1;
	s5 =	sadd.s32 s1, s5  }
0xe8: {  	v8 =	vmov s8;
	p0 =	por $0x0, $0x0;
	s16 =	sand.u32 $0x70, s9;
	s10 =	sshll.u32 s5, $0x7  }
0xe9: {  	s5 =	sor.u32 s16, s10  }
0xea: {  	v11 =	vld [tilespmem:s5+$0x1BF00];
	_ =	sdelay $0x3  }
0xeb: {  	v9 =	vor.u32 s9, v0  }
0xec: {  	vm0 =	vlt.s32 v9, v6;
	vm1 =	veq.s32 v11, v7  }
0xed: {  	vm1 =	vmand vm0, vm1  }
0xee: {  	v9 =	vsel vm1, $0x1, v1  }
0xef: {  	(xrf0) =	vadd.scan.msk.s32 $0xffff, v9;
	_ =	sdelay $0x4  }
0xf0: {  	v9 =	vsel vm1, $0xFFFFFFFF, v1  }
0xf1: {  	v9 =	vadd.s32 s9, v9;
	v10, _, _ =	vpop (xrf0)  }
0xf2: {  	v9 =	vadd.s32 v10, v9  }
0xf3: {  	vm2 =	vlt.s32 v11, v7;
	vm3 =	vlt.s32 v9, v8  }
0xf4: {  	vm0 =	vmand vm0, vm2;
	v9 =	vmpcnt.ones.xlane vm1;
	vm1 =	vmand vm1, vm3  }
0xf5: {  	vm0 =	vmor vm0, vm1  }
0xf6: {  	(v2sf) =	vpush v9, $0x0;
	v9 =	vsel vm0, $0x1, v1;
	v10 =	vmpcnt.ones.xlane vm0  }
0xf7: {  	(xrf0) =	vadd.scan.msk.s32 $0xffff, v9  }
0xf8: {  	(v2sf) =	vpush v10, $0x0;
	_ =	sdelay $0x3  }
0xf9: {  	v9 =	vsel vm0, $0xFFFFFFFF, v1  }
0xfa: {  	v9 =	vadd.s32 s9, v9;
	v10, _, _ =	vpop (xrf0)  }
0xfb: {  	v9 =	vadd.s32 v10, v9  }
0xfc: {  	v10 =	vshll.u32 v9, $0x3  }
0xfd: {  	v10 =	vand.u32 $0xFFFFFC00, v10  }
0xfe: {  	v9 =	vand.u32 $0x7F, v9;
	v10 =	vadd.s32 v5, v10  }
0xff: {  	p1 =	sne.s32 s7, $0x2;
	v9 =	vor.u32 v9, v10  }
.Ltmp16:
0x100: {  	_ = 	snop;
	(pc) =	sbr.rel @!p1 .LBB2_17-.Ltmp16, $4  }
0x101: {  	s15 =	simm.s32 $0x2;
	s4 =	sand.u32 $0x1FFFFF8, s4;
	v10 =	vld [tilespmem:s5+$0x1DB00]  }
0x102: {  	s8 =	simm.s32 $0x10;
	p0 =	por $0x1, $0x1;
	s4 =	sadd.s32 s1, s4  }
0x103: {  	s16 =	sand.u32 $0x70, s8;
	s10 =	sshll.u32 s4, $0x7;
	s6 =	spop (v2sf)  }
0x104: {  	s5 =	simm.s32 $0x0;
	s6 =	sadd.s32 $0x0, s6;
	[tilespmem:v9+s11+$0x0] =	vst.idx.msk vm0, v11;
	s4 =	spop (v2sf)  }
.LBB2_18:
0x105: {  	s17 =	sor.u32 s16, s10  }
0x106: {  	[tilespmem:v9+s12+$0x0] =	vst.idx.msk vm0, v10;
	s5 =	sadd.s32 s5, s4;
	s16 =	smov.u32 s15;
	s15 =	sadd.s32 $0x1, s15  }
0x107: {  	p1 =	sne.s32 s7, s15;
	v11 =	vld [tilespmem:s17+$0x1BF00];
	_ =	sdelay $0x3  }
0x108: {  	v9 =	vor.u32 s8, v0  }
0x109: {  	vm0 =	vlt.s32 v9, v6;
	vm1 =	vlt.s32 v11, v7;
	vm2 =	veq.s32 v11, v7  }
0x10a: {  	vm2 =	vmand vm0, vm2  }
0x10b: {  	v9 =	vsel vm2, $0xFFFFFFFF, v1;
	v10 =	vsel vm2, $0x1, v1;
	v12 =	vmpcnt.ones.xlane vm2  }
0x10c: {  	(xrf0) =	vadd.scan.msk.s32 $0xffff, v10  }
0x10d: {  	(v2sf) =	vpush v12, $0x0;
	_ =	sdelay $0x4  }
0x10e: {  	v9 =	vadd.s32 s6, v9;
	v10, _, _ =	vpop (xrf0)  }
0x10f: {  	v9 =	vadd.s32 v10, v9  }
0x110: {  	vm3 =	vlt.s32 v9, v8  }
0x111: {  	vm0 =	vmand vm0, vm1;
	vm1 =	vmand vm2, vm3  }
0x112: {  	vm0 =	vmor vm0, vm1  }
0x113: {  	v9 =	vsel vm0, $0xFFFFFFFF, v1;
	v10 =	vsel vm0, $0x1, v1;
	v12 =	vmpcnt.ones.xlane vm0  }
0x114: {  	(xrf0) =	vadd.scan.msk.s32 $0xffff, v10  }
0x115: {  	(v2sf) =	vpush v12, $0x0;
	_ =	sdelay $0x2  }
0x116: {  	s4 =	spop (v2sf)  }
0x117: {  	s6 =	sadd.s32 s6, s4  }
0x118: {  	v9 =	vadd.s32 s5, v9;
	v10, _, _ =	vpop (xrf0)  }
0x119: {  	v9 =	vadd.s32 v10, v9  }
0x11a: {  	v10 =	vshll.u32 v9, $0x3  }
0x11b: {  	v10 =	vand.u32 $0xFFFFFC00, v10  }
0x11c: {  	v9 =	vand.u32 $0x7F, v9;
	v10 =	vadd.s32 v5, v10  }
0x11d: {  	v9 =	vor.u32 v9, v10  }
.Ltmp17:
0x11e: {  	v10 =	vld [tilespmem:s17+$0x1DB00];
	(pc) =	sbr.rel @p1 .LBB2_18-.Ltmp17, $4  }
0x11f: {  	_ = 	snop  }
0x120: {  	s4 =	sand.u32 $0x1FFFFF8, s16  }
0x121: {  	s8 =	sadd.s32 $0x10, s8;
	s4 =	sadd.s32 s1, s4  }
0x122: {  	s16 =	sand.u32 $0x70, s8;
	s10 =	sshll.u32 s4, $0x7;
	[tilespmem:v9+s11+$0x0] =	vst.idx.msk vm0, v11;
	s4 =	spop (v2sf)  }
.Ltmp18:
0x123: {  	_ = 	snop;
	(pc) =	sbr.rel .LBB2_19-.Ltmp18, $1  }
0x124: {  	_ =	sdelay $0x3  }
.LBB2_17:
.Ltmp19:
0x125: {  	(pc) =	sbr.rel .LBB2_19-.Ltmp19, $2  }
0x126: {  	_ =	sdelay $0x2  }
0x127: {  	s5 =	simm.s32 $0x0  }
.LBB2_21:
.Ltmp20:
0x128: {  	(pc) =	sbr.rel .LBB2_22-.Ltmp20, $4  }
0x129: {  	_ = 	snop  }
0x12a: {  	s0 =	sshll.u32 s0, $0x5;
	s1 =	rddreg [dreg:$0x5]  }
0x12b: {  	s0 =	sadd.s32 s1, s0  }
0x12c: {  	s5 =	simm.s32 $0x0;
	[dreg:$0xc] =	wrdreg s0  }
.LBB2_25:
0x12d: {  	s5 =	rddreg [dreg:$0xd]  }
0x12e: {  	p0 =	slt.u32 s5, $0x9D  }
.Ltmp21:
0x12f: {  	_ = 	snop;
	(pc) =	sbr.rel @!p0 .LBB2_26-.Ltmp21, $1  }
0x130: {  	_ =	sdelay $0x3  }
.LBB2_22:
0x131: {  	p0 =	seq.s32 s5, $0x0  }
.Ltmp22:
0x132: {  	_ = 	snop;
	(pc) =	sbr.rel @p0 .LBB2_32-.Ltmp22, $2  }
0x133: {  	_ =	sdelay $0x2  }
0x134: {  	s0 =	sand.u32 $0x1, s5;
	s1 =	simm.s32 $0x1  }
0x135: {  	p1 =	sne.s32 s5, $0x9C  }
.Ltmp23:
0x136: {  	_ = 	snop;
	(pc) =	sbr.rel @p1 .LBB2_31-.Ltmp23, $1  }
0x137: {  	_ =	sdelay $0x3  }
.Ltmp24:
0x138: {  	(pc) =	sbr.rel .LBB2_34-.Ltmp24, $4  }
0x139: {  	_ = 	snop  }
0x13a: {  	_ =	swait.ge [sflag:s1], $0x800  }
0x13b: {  	s31 =	simm.s32 $0x9D;
	[sflag:s1] =	ssyncset.done $0x0  }
0x13c: {  	[dreg:$0xd] =	wrdreg s31;
	[sflag:s1] =	ssyncadd.s32 $0xFFFFF800  }
.LBB2_31:
0x13d: {  	p1 =	sgt.u32 s5, $0x9A  }
.Ltmp25:
0x13e: {  	_ = 	snop;
	(pc) =	sbr.rel @p1 .LBB2_33-.Ltmp25, $4  }
0x13f: {  	_ = 	snop  }
0x140: {  	_ =	swait.ge [sflag:s1], $0x1400  }
0x141: {  	[sflag:s1] =	ssyncset.done $0x0  }
0x142: {  	[sflag:s1] =	ssyncadd.s32 $0xFFFFEC00;
	s1 =	sadd.s32 $0x1, s5  }
.LBB2_32:
0x143: {  	s30 =	smul.u32 $0x1400, s1;
	s2 =	sxor.u32 $0x1, s0  }
0x144: {  	s2 =	smul.u32 $0x5000, s2  }
.Ltmp26:
0x145: {  	s4 =	rddreg [dreg:$0xb];
	(pc) =	sbr.rel .LBB2_34-.Ltmp26, $4  }
0x146: {  	[dreg:$0xd] =	wrdreg s1;
	s1 =	sadd.s32 s4, s30  }
0x147: {  	s31 =	rddreg [dreg:$0x3];
	s2 =	sshrl.u32 s2, $0x2;
	s1 =	sshrl.u32 s1, $0x3  }
0x148: {  	s2 =	sadd.s32 $0x18700, s2;
	s1 =	sadd.s32 s31, s1  }
0x149: {  	[tilespmem:s2], [sflag:$0x1] =	stream.linear.gather [hbm4b:s1+s3], $0x1400, $0x38;
	[tilespmem:$0x1FE80] =	vst v63  }
.LBB2_33:
0x14a: {  	p1 =	sne.s32 s1, $0x9C  }
0x14b: {  	s1 =	sshll.u32 @!p1 s0, $0xB  }
0x14c: {  	s1 =	sxor.u32 @!p1 $0x800, s1  }
0x14d: {  	s4 =	rddreg [dreg:$0xc];
	s2 =	simm.s32 @!p1 $0x0;
	s1 =	sadd.s32 @!p1 $0x1AF00, s1  }
0x14e: {  	[tilespmem:s1], [sflag:$0x1] =	stream.linear.gather @!p1 [hbm4b:s4+s2], $0x800, $0x38;
	[tilespmem:$0x1FE80] =	vst v63  }
0x14f: {  	s1 =	simm.s32 @!p1 $0x9C  }
0x150: {  	s1 =	simm.s32 @p1 $0x9D  }
0x151: {  	[dreg:$0xd] =	wrdreg s1  }
.LBB2_34:
0x152: {  	s0 =	smul.u32 $0x5000, s0  }
0x153: {  	s24 =	smul.u32 $0x280, s5  }
.Ltmp27:
0x154: {  	_ = 	snop;
	(pc) =	sbr.rel .LBB2_35-.Ltmp27, $4  }
0x155: {  	p1 =	seq.s32 s5, $0x9C;
	s1 =	sshrl.u32 s0, $0x2;
	s28 =	sadd.s32 $0x80, s24  }
0x156: {  	s30 =	sadd.s32 $0x100, s24;
	s25 =	sadd.s32 $0x18700, s1;
	s26 =	sadd.s32 $0x18B00, s1  }
0x157: {  	s29 =	sadd.s32 $0x18F00, s1;
	s31 =	sadd.s32 $0x19300, s1;
	s2 =	sadd.s32 $0x19700, s1;
	v5 =	vmov s25;
	v6 =	vmov s26  }
0x158: {  	s0 =	sadd.s32 $0x180, s24;
	s17 =	sadd.s32 $0x200, s24;
	s1 =	simm.s32 $0x0;
	v7 =	vmov s29;
	v8 =	vmov s31;
	v9 =	vmov s2  }
.LBB2_79:
0x159: {  	[smem:s1] =	sst s7;
	s4 =	sadd.s32 $0x80, s1;
	s1 =	sadd.s32 $0x1, s1  }
0x15a: {  	p2 =	seq.s32 s1, $0x8  }
.Ltmp28:
0x15b: {  	_ = 	snop;
	(pc) =	sbr.rel @p2 .LBB2_25-.Ltmp28, $3  }
0x15c: {  	_ =	sdelay $0x1  }
0x15d: {  	s25 =	sadd.s32 $0x80, s25;
	s26 =	sadd.s32 $0x80, s26;
	s29 =	sadd.s32 $0x80, s29  }
0x15e: {  	s31 =	sadd.s32 $0x80, s31;
	s2 =	sadd.s32 $0x80, s2;
	[smem:s4] =	sst s8  }
.LBB2_35:
0x15f: {  	s7 =	sld [smem:s1+$0x0];
	_ =	sdelay $0x2  }
0x160: {  	p2 =	slt.s32 s7, $0x100  }
.Ltmp29:
0x161: {  	_ = 	snop;
	(pc) =	sbr.rel @p2 .LBB2_36-.Ltmp29, $1  }
0x162: {  	_ =	sdelay $0x3  }
0x163: {  	s4 =	sadd.s32 $0xF, s7  }
0x164: {  	s22 =	sshll.u32 s1, $0x7;
	s9 =	simm.s32 $0x40;
	s5 =	sand.u32 $0xF, s4  }
0x165: {  	s6 =	sshra.s32 s4, $0x1F;
	p2 =	slt.s32 s4, $0x0;
	p3 =	sne.s32 s5, $0x0  }
.Ltmp30:
0x166: {  	s21 =	sshrl.u32 s6, $0x1C;
	p2 =	por !p2, !p3;
	(pc) =	sbr.rel .LBB2_38-.Ltmp30, $4  }
0x167: {  	s5 =	simm.s32 $0x1;
	s4 =	sadd.s32 s21, s4;
	p2 =	por !p2, !p2  }
0x168: {  	s23 =	sand.u32 $0x3FFFFF80, s22;
	s4 =	sshra.s32 s4, $0x4;
	s5 =	simm.s32 @!p2 $0x0  }
0x169: {  	s20 =	simm.s32 $0x0;
	s18 =	sadd.s32 $0x1BF00, s23;
	s8 =	ssub.s32 s4, s5  }
0x16a: {  	v10 =	vmov s7;
	s6 =	simm.s32 $0x0;
	s5 =	simm.s32 $0x0;
	p2 =	slt.s32 s8, $0x1  }
.LBB2_36:
.Ltmp31:
0x16b: {  	(pc) =	sbr.rel .LBB2_53-.Ltmp31, $2  }
0x16c: {  	_ =	sdelay $0x2  }
0x16d: {  	s8 =	sld [smem:s1+$0x80]  }
.LBB2_40:
0x16e: {  	_ = 	snop  }
.LBB2_43:
0x16f: {  	_ =	sdelay $0x2  }
0x170: {  	s4 =	sand.u32 $0x70, s16;
	s10 =	sadd.s32 s10, s18;
	v16 =	vsel @p3 vm0, $0x1, v1  }
0x171: {  	s4 =	sadd.s32 s4, s10;
	[tilespmem:v15+s13+$0x0] =	vst.idx.add.s32.msk @p3 $0xffff, v16  }
0x172: {  	v15 =	vld [tilespmem:s4+$0x0];
	_ =	sdelay $0x4  }
0x173: {  	v13 =	vshra.s32 v15, v13  }
0x174: {  	v13 =	vand.u32 $0xF, v13  }
0x175: {  	v13 =	vxor.u32 v14, v13  }
0x176: {  	v13 =	vor.u32 v2, v13  }
0x177: {  	v63 =	vor.u32 s16, v0;
	v12 =	vand.u32 v12, v15  }
0x178: {  	vm15 =	vlt.s32 v63, v10;
	vm1 =	veq.s32 v12, v11  }
0x179: {  	vm0 =	vmand vm15, vm1  }
0x17a: {  	v11 =	vsel vm0, $0x1, v1  }
0x17b: {  	[tilespmem:v13+s13+$0x0] =	vst.idx.add.s32.msk $0xffff, v11  }
.LBB2_44:
0x17c: {  	v11 =	vld [tilespmem:$0x1F700]  }
0x17d: {  	v12 =	vld [tilespmem:$0x1F710]  }
0x17e: {  	v13 =	vld [tilespmem:$0x1F720]  }
0x17f: {  	v14 =	vld [tilespmem:$0x1F730]  }
0x180: {  	v15 =	vld [tilespmem:$0x1F740]  }
0x181: {  	v16 =	vld [tilespmem:$0x1F750]  }
0x182: {  	v53 =	vld [tilespmem:$0x1F760];
	v11 =	vadd.s32 v11, v12  }
0x183: {  	v54 =	vld [tilespmem:$0x1F770];
	v11 =	vadd.s32 v13, v11  }
0x184: {  	v55 =	vld [tilespmem:$0x1F780];
	v11 =	vadd.s32 v14, v11  }
0x185: {  	v56 =	vld [tilespmem:$0x1F790];
	v11 =	vadd.s32 v15, v11  }
0x186: {  	v57 =	vld [tilespmem:$0x1F7A0];
	v11 =	vadd.s32 v16, v11  }
0x187: {  	v58 =	vld [tilespmem:$0x1F7B0];
	v11 =	vadd.s32 v53, v11  }
0x188: {  	v59 =	vld [tilespmem:$0x1F7C0];
	v11 =	vadd.s32 v54, v11  }
0x189: {  	v60 =	vld [tilespmem:$0x1F7D0];
	v11 =	vadd.s32 v55, v11  }
0x18a: {  	v61 =	vld [tilespmem:$0x1F7E0];
	v11 =	vadd.s32 v56, v11  }
0x18b: {  	v62 =	vld [tilespmem:$0x1F7F0];
	v11 =	vadd.s32 v57, v11  }
0x18c: {  	v11 =	vadd.s32 v58, v11  }
0x18d: {  	v11 =	vadd.s32 v59, v11  }
0x18e: {  	v11 =	vadd.s32 v60, v11  }
0x18f: {  	v11 =	vadd.s32 v61, v11  }
0x190: {  	v11 =	vadd.s32 v62, v11  }
0x191: {  	(xrf0) =	vadd.scan.msk.s32 $0xffff, v11;
	_ =	sdelay $0x5  }
0x192: {  	v63, _, _ =	vpop (xrf0)  }
0x193: {  	vm0 =	vge.s32 v63, s9  }
0x194: {  	v12 =	vmctz.xlane vm0;
	_ =	sdelay $0x1  }
0x195: {  	vm0 =	vgt.s32 v12, v0  }
0x196: {  	v11 =	vnsel vm0, $0x0, v11  }
0x197: {  	(xrf0) =	vadd.scan.msk.s32 $0xffff, v11;
	_ =	sdelay $0x5  }
0x198: {  	v11, _, _ =	vpop (xrf0)  }
0x199: {  	(v2sf) =	vpush v11, $0xF  }
0x19a: {  	(v2sf) =	vpush v12, $0x0;
	_ =	sdelay $0xb  }
0x19b: {  	s20 =	sadd.s32 $0x1, s20  }
0x19c: {  	p3 =	sne.s32 s20, $0x8  }
.Ltmp32:
0x19d: {  	s4 =	spop (v2sf);
	(pc) =	sbr.rel @!p3 .LBB2_45-.Ltmp32, $4  }
0x19e: {  	s10 =	spop (v2sf)  }
0x19f: {  	s10 =	sxor.u32 s15, s10  }
0x1a0: {  	s23 =	sshrl.u32 s14, s19;
	s10 =	sshll.u32 s10, s22  }
0x1a1: {  	s6 =	sor.u32 s23, s6;
	s9 =	ssub.s32 s9, s4;
	s5 =	sor.u32 s5, s10  }
.LBB2_38:
0x1a2: {  	[tilespmem:$0x1F700] =	vst v1  }
0x1a3: {  	[tilespmem:$0x1F710] =	vst v1  }
0x1a4: {  	[tilespmem:$0x1F720] =	vst v1  }
0x1a5: {  	[tilespmem:$0x1F730] =	vst v1  }
0x1a6: {  	[tilespmem:$0x1F740] =	vst v1  }
0x1a7: {  	[tilespmem:$0x1F750] =	vst v1  }
0x1a8: {  	[tilespmem:$0x1F760] =	vst v1  }
0x1a9: {  	[tilespmem:$0x1F770] =	vst v1  }
0x1aa: {  	[tilespmem:$0x1F780] =	vst v1  }
0x1ab: {  	[tilespmem:$0x1F790] =	vst v1  }
0x1ac: {  	[tilespmem:$0x1F7A0] =	vst v1  }
.Ltmp33:
0x1ad: {  	[tilespmem:$0x1F7B0] =	vst v1;
	(pc) =	sbr.rel @p2 .LBB2_44-.Ltmp33, $4  }
0x1ae: {  	[tilespmem:$0x1F7C0] =	vst v1  }
0x1af: {  	[tilespmem:$0x1F7D0] =	vst v1  }
0x1b0: {  	s19 =	sshll.u32 s20, $0x2;
	p3 =	seq.s32 s20, $0x0;
	s15 =	simm.s32 $0x8;
	[tilespmem:$0x1F7E0] =	vst v1  }
0x1b1: {  	[tilespmem:$0x1F7F0] =	vst v1;
	s22 =	ssub.s32 $0x1C, s19;
	s15 =	simm.s32 @!p3 $0x0  }
0x1b2: {  	p4 =	sne.s32 s8, $0x1  }
.Ltmp34:
0x1b3: {  	_ = 	snop;
	(pc) =	sbr.rel @!p4 .LBB2_40-.Ltmp34, $3  }
0x1b4: {  	_ =	sdelay $0x1  }
0x1b5: {  	v13 =	vmov s22;
	s16 =	simm.s32 $0x0  }
0x1b6: {  	v12 =	vmov s6;
	v11 =	vmov s5;
	v14 =	vmov s15;
	s21 =	sadd.s32 $0xFFFFFFFF, s8;
	p3 =	por $0x0, $0x0;
	s10 =	sand.u32 $0xFFFFFC00, s16  }
0x1b7: {  	s4 =	sand.u32 $0x70, s16;
	s10 =	sadd.s32 s10, s18  }
0x1b8: {  	s4 =	sadd.s32 s4, s10  }
0x1b9: {  	v15 =	vld [tilespmem:s4+$0x0];
	_ =	sdelay $0x4  }
0x1ba: {  	v16 =	vshra.s32 v15, v13  }
0x1bb: {  	p4 =	sne.s32 s21, $0x1;
	v16 =	vand.u32 $0xF, v16  }
.Ltmp35:
0x1bc: {  	v15 =	vand.u32 v12, v15;
	v16 =	vxor.u32 v14, v16;
	(pc) =	sbr.rel @!p4 .LBB2_43-.Ltmp35, $4  }
0x1bd: {  	vm1 =	veq.s32 v15, v11;
	v15 =	vor.u32 v2, v16  }
0x1be: {  	v17 =	vor.u32 s16, v0  }
0x1bf: {  	s21 =	sadd.s32 $0xFFFFFFFF, s21;
	vm0 =	vlt.s32 v17, v10;
	s4 =	simm.s32 $0x80  }
0x1c0: {  	s16 =	simm.s32 $0x10;
	p3 =	por $0x1, $0x1;
	s10 =	sand.u32 $0xFFFFFC00, s4;
	vm0 =	vmand vm0, vm1  }
.LBB2_42:
0x1c1: {  	p4 =	sne.s32 s21, $0x1;
	s23 =	sand.u32 $0x70, s16;
	s10 =	sadd.s32 s10, s18;
	v16 =	vsel vm0, $0x1, v1  }
0x1c2: {  	s10 =	sadd.s32 s23, s10;
	[tilespmem:v15+s13+$0x0] =	vst.idx.add.s32.msk $0xffff, v16  }
0x1c3: {  	v16 =	vld [tilespmem:s10+$0x0];
	_ =	sdelay $0x4  }
0x1c4: {  	v15 =	vshra.s32 v16, v13  }
0x1c5: {  	v15 =	vand.u32 $0xF, v15  }
.Ltmp36:
0x1c6: {  	v15 =	vxor.u32 v14, v15;
	(pc) =	sbr.rel @p4 .LBB2_42-.Ltmp36, $4  }
0x1c7: {  	v15 =	vor.u32 v2, v15  }
0x1c8: {  	v17 =	vor.u32 s16, v0;
	v16 =	vand.u32 v12, v16  }
0x1c9: {  	s4 =	sadd.s32 $0x80, s4;
	vm0 =	vlt.s32 v17, v10;
	vm1 =	veq.s32 v16, v11  }
0x1ca: {  	s21 =	sadd.s32 $0xFFFFFFFF, s21;
	s16 =	sadd.s32 $0x10, s16;
	s10 =	sand.u32 $0xFFFFFC00, s4;
	vm0 =	vmand vm0, vm1  }
.Ltmp37:
0x1cb: {  	_ = 	snop;
	(pc) =	sbr.rel .LBB2_43-.Ltmp37, $1  }
0x1cc: {  	_ =	sdelay $0x3  }
.LBB2_45:
.Ltmp38:
0x1cd: {  	(pc) =	sbr.rel @p2 .LBB2_52-.Ltmp38, $2  }
0x1ce: {  	_ =	sdelay $0x2  }
0x1cf: {  	v11 =	vmov s5  }
0x1d0: {  	p3 =	sne.s32 s8, $0x1  }
.Ltmp39:
0x1d1: {  	s18 =	simm.s32 $0x0;
	(pc) =	sbr.rel @!p3 .LBB2_47-.Ltmp39, $4  }
0x1d2: {  	v12 =	vmov s1;
	s4 =	sand.u32 $0x1FFFFF8, s18  }
0x1d3: {  	v12 =	vshll.u32 v12, $0x7;
	s4 =	sadd.s32 s1, s4  }
0x1d4: {  	s5 =	sand.u32 $0x70, s18;
	v12 =	vand.u32 $0x380, v12;
	s6 =	sshll.u32 s4, $0x7  }
0x1d5: {  	v13 =	vmov s9;
	p2 =	por $0x0, $0x0;
	v12 =	vbroadcast v12, $0x0;
	s4 =	simm.s32 $0x1;
	s5 =	sor.u32 s5, s6  }
0x1d6: {  	v14 =	vld [tilespmem:s5+$0x1BF00];
	_ =	sdelay $0x3  }
0x1d7: {  	v15 =	vor.u32 s18, v0  }
0x1d8: {  	vm0 =	vlt.s32 v15, v10;
	vm1 =	veq.s32 v14, v11  }
0x1d9: {  	vm1 =	vmand vm0, vm1  }
0x1da: {  	v15 =	vsel vm1, $0x1, v1  }
0x1db: {  	(xrf0) =	vadd.scan.msk.s32 $0xffff, v15;
	_ =	sdelay $0x4  }
0x1dc: {  	v15 =	vsel vm1, $0xFFFFFFFF, v1  }
0x1dd: {  	v15 =	vadd.s32 s18, v15;
	v16, _, _ =	vpop (xrf0)  }
0x1de: {  	v15 =	vadd.s32 v16, v15  }
0x1df: {  	vm2 =	vlt.s32 v14, v11;
	vm3 =	vlt.s32 v15, v13  }
0x1e0: {  	vm0 =	vmand vm0, vm2;
	v15 =	vmpcnt.ones.xlane vm1;
	vm1 =	vmand vm1, vm3  }
0x1e1: {  	vm0 =	vmor vm0, vm1  }
0x1e2: {  	(v2sf) =	vpush v15, $0x0;
	v15 =	vsel vm0, $0x1, v1;
	v61 =	vmpcnt.ones.xlane vm0  }
0x1e3: {  	(xrf0) =	vadd.scan.msk.s32 $0xffff, v15  }
0x1e4: {  	(v2sf) =	vpush v61, $0x0;
	_ =	sdelay $0x3  }
0x1e5: {  	v15 =	vsel vm0, $0xFFFFFFFF, v1  }
0x1e6: {  	v15 =	vadd.s32 s18, v15;
	v62, _, _ =	vpop (xrf0)  }
0x1e7: {  	v15 =	vadd.s32 v62, v15  }
0x1e8: {  	v16 =	vand.u32 $0x7F, v15;
	v15 =	vshll.u32 v15, $0x3  }
0x1e9: {  	v15 =	vand.u32 $0xFFFFFC00, v15;
	v16 =	vor.u32 v12, v16  }
0x1ea: {  	v15 =	vor.u32 v15, v16  }
0x1eb: {  	v63 =	vld [tilespmem:s5+$0x1DB00];
	p3 =	sne.s32 s8, $0x2  }
.Ltmp40:
0x1ec: {  	s4 =	sand.u32 $0x1FFFFF8, s4;
	(pc) =	sbr.rel @!p3 .LBB2_49-.Ltmp40, $4  }
0x1ed: {  	s15 =	simm.s32 $0x10;
	s4 =	sadd.s32 s1, s4  }
0x1ee: {  	s19 =	simm.s32 $0x2;
	s6 =	sand.u32 $0x70, s15;
	s4 =	sshll.u32 s4, $0x7  }
0x1ef: {  	p2 =	por $0x1, $0x1;
	s5 =	sor.u32 s6, s4;
	s23 =	spop (v2sf);
	[tilespmem:v15+s11+$0x0] =	vst.idx.msk vm0, v14  }
0x1f0: {  	s6 =	simm.s32 $0x0;
	s9 =	sadd.s32 $0x0, s23;
	[tilespmem:v15+s12+$0x0] =	vst.idx.msk vm0, v63;
	s4 =	spop (v2sf)  }
.LBB2_50:
0x1f1: {  	v14 =	vld [tilespmem:s5+$0x1BF00];
	s6 =	sadd.s32 s6, s4;
	s16 =	smov.u32 s19;
	s19 =	sadd.s32 $0x1, s19  }
0x1f2: {  	p3 =	sne.s32 s8, s19;
	_ =	sdelay $0x2  }
0x1f3: {  	v15 =	vor.u32 s15, v0  }
0x1f4: {  	vm0 =	vlt.s32 v15, v10;
	vm1 =	vlt.s32 v14, v11;
	vm2 =	veq.s32 v14, v11  }
0x1f5: {  	vm2 =	vmand vm0, vm2  }
0x1f6: {  	v15 =	vsel vm2, $0xFFFFFFFF, v1;
	v16 =	vsel vm2, $0x1, v1;
	v17 =	vmpcnt.ones.xlane vm2  }
0x1f7: {  	(xrf0) =	vadd.scan.msk.s32 $0xffff, v16  }
0x1f8: {  	(v2sf) =	vpush v17, $0x0;
	_ =	sdelay $0x4  }
0x1f9: {  	v15 =	vadd.s32 s9, v15;
	v16, _, _ =	vpop (xrf0)  }
0x1fa: {  	v15 =	vadd.s32 v16, v15  }
0x1fb: {  	vm3 =	vlt.s32 v15, v13  }
0x1fc: {  	vm0 =	vmand vm0, vm1;
	vm1 =	vmand vm2, vm3  }
0x1fd: {  	vm0 =	vmor vm0, vm1  }
0x1fe: {  	v15 =	vsel vm0, $0xFFFFFFFF, v1;
	v16 =	vsel vm0, $0x1, v1;
	v17 =	vmpcnt.ones.xlane vm0  }
0x1ff: {  	(xrf0) =	vadd.scan.msk.s32 $0xffff, v16  }
0x200: {  	(v2sf) =	vpush v17, $0x0;
	_ =	sdelay $0x2  }
0x201: {  	s4 =	spop (v2sf)  }
0x202: {  	s9 =	sadd.s32 s9, s4  }
0x203: {  	v15 =	vadd.s32 s6, v15;
	v16, _, _ =	vpop (xrf0)  }
0x204: {  	v15 =	vadd.s32 v16, v15  }
0x205: {  	v16 =	vand.u32 $0x7F, v15;
	v15 =	vshll.u32 v15, $0x3  }
0x206: {  	v15 =	vand.u32 $0xFFFFFC00, v15;
	v16 =	vor.u32 v12, v16  }
0x207: {  	v15 =	vor.u32 v15, v16  }
0x208: {  	v16 =	vld [tilespmem:s5+$0x1DB00]  }
.Ltmp41:
0x209: {  	(pc) =	sbr.rel @p3 .LBB2_50-.Ltmp41, $4  }
0x20a: {  	s4 =	sand.u32 $0x1FFFFF8, s16  }
0x20b: {  	s15 =	sadd.s32 $0x10, s15;
	s4 =	sadd.s32 s1, s4  }
0x20c: {  	s4 =	sshll.u32 s4, $0x7;
	s5 =	sand.u32 $0x70, s15;
	[tilespmem:v15+s11+$0x0] =	vst.idx.msk vm0, v14  }
0x20d: {  	s5 =	sor.u32 s5, s4;
	[tilespmem:v15+s12+$0x0] =	vst.idx.msk vm0, v16;
	s4 =	spop (v2sf)  }
.LBB2_51:
0x20e: {  	v14 =	vld [tilespmem:s5+$0x1BF00];
	_ =	sdelay $0x3  }
0x20f: {  	v15 =	vor.u32 s15, v0  }
0x210: {  	vm0 =	vlt.s32 v15, v10;
	vm1 =	veq.s32 v14, v11  }
0x211: {  	vm1 =	vmand vm0, vm1  }
0x212: {  	v10 =	vsel vm1, $0x1, v1  }
0x213: {  	(xrf0) =	vadd.scan.msk.s32 $0xffff, v10;
	_ =	sdelay $0x4  }
0x214: {  	v10 =	vsel vm1, $0xFFFFFFFF, v1  }
0x215: {  	v10 =	vadd.s32 s9, v10;
	v60, _, _ =	vpop (xrf0)  }
0x216: {  	v10 =	vadd.s32 v60, v10  }
0x217: {  	vm2 =	vlt.s32 v14, v11;
	vm3 =	vlt.s32 v10, v13  }
0x218: {  	vm0 =	vmand vm0, vm2;
	vm15 =	vmand vm1, vm3  }
0x219: {  	v10 =	vmpcnt.ones.xlane vm1;
	vm0 =	vmor vm0, vm15  }
0x21a: {  	v61 =	vsel vm0, $0x1, v1;
	v62 =	vmpcnt.ones.xlane vm0  }
0x21b: {  	(v2sf) =	vpush v10, $0x0;
	(xrf0) =	vadd.scan.msk.s32 $0xffff, v61  }
0x21c: {  	(v2sf) =	vpush v62, $0x0;
	_ =	sdelay $0x2  }
0x21d: {  	s4 =	sadd.s32 @p2 s6, s4  }
0x21e: {  	s18 =	smov.u32 @p2 s4;
	v10 =	vsel vm0, $0xFFFFFFFF, v1  }
0x21f: {  	v10 =	vadd.s32 s18, v10;
	v13, _, _ =	vpop (xrf0)  }
0x220: {  	v10 =	vadd.s32 v13, v10  }
0x221: {  	v13 =	vand.u32 $0x7F, v10;
	v10 =	vshll.u32 v10, $0x3  }
0x222: {  	v10 =	vand.u32 $0xFFFFFC00, v10;
	v12 =	vor.u32 v12, v13  }
0x223: {  	v10 =	vor.u32 v10, v12  }
0x224: {  	v63 =	vld [tilespmem:s5+$0x1DB00];
	_ =	sdelay $0x3  }
0x225: {  	s22 =	spop (v2sf);
	[tilespmem:v10+s11+$0x0] =	vst.idx.msk vm0, v14  }
0x226: {  	[tilespmem:v10+s12+$0x0] =	vst.idx.msk vm0, v63;
	s23 =	spop (v2sf)  }
.LBB2_52:
0x227: {  	vm0 =	vlt.s32 v11, $0x0  }
0x228: {  	v10 =	vsel vm0, $0x7FFFFFFF, v1  }
0x229: {  	v10 =	vxor.u32 v11, v10  }
0x22a: {  	(v2sf) =	vpush v10, $0x0;
	_ =	sdelay $0xe  }
0x22b: {  	s8 =	spop (v2sf)  }
.LBB2_53:
.Ltmp42:
0x22c: {  	(pc) =	sbr.rel @p0 .LBB2_59-.Ltmp42, $3  }
0x22d: {  	_ =	sdelay $0x1  }
0x22e: {  	p2 =	sgt.s32 s7, $0xFF  }
0x22f: {  	s9 =	sshll.u32 s1, $0x7;
	s7 =	simm.s32 @p2 $0x40;
	v10 =	vmov s8  }
.Ltmp43:
0x230: {  	(pc) =	sbr.rel @!p1 .LBB2_55-.Ltmp43, $1  }
0x231: {  	_ =	sdelay $0x3  }
0x232: {  	v11 =	vld [tilespmem:s9+$0x1AF00]  }
0x233: {  	v12 =	vld [tilespmem:s9+$0x1AF10]  }
0x234: {  	v13 =	vld [tilespmem:s9+$0x1AF20]  }
0x235: {  	v14 =	vld [tilespmem:s9+$0x1AF30]  }
0x236: {  	v15 =	vld [tilespmem:s9+$0x1AF40]  }
0x237: {  	v16 =	vld [tilespmem:s9+$0x1AF50]  }
0x238: {  	vm0 =	vlt.f32 v11, v10;
	vm1 =	vlt.f32 v12, v10;
	v11 =	vld [tilespmem:s9+$0x1AF60]  }
0x239: {  	v61 =	vld [tilespmem:s9+$0x1AF70];
	vm8 =	vlt.f32 v13, v10;
	vm0 =	vmor vm0, vm1  }
0x23a: {  	v62 =	vld [tilespmem:s9+$0x1B300];
	vm9 =	vlt.f32 v14, v10;
	vm0 =	vmor vm0, vm8  }
0x23b: {  	v63 =	vld [tilespmem:s9+$0x1B310];
	vm10 =	vlt.f32 v15, v10;
	vm0 =	vmor vm0, vm9  }
0x23c: {  	vm11 =	vlt.f32 v16, v10;
	vm0 =	vmor vm0, vm10  }
0x23d: {  	vm0 =	vmor vm0, vm11;
	vm12 =	vlt.f32 v11, v10  }
0x23e: {  	vm13 =	vlt.f32 v61, v10;
	vm0 =	vmor vm0, vm12  }
0x23f: {  	vm14 =	vlt.f32 v62, v10;
	vm0 =	vmor vm0, vm13  }
0x240: {  	vm15 =	vlt.f32 v63, v10;
	vm0 =	vmor vm0, vm14  }
0x241: {  	vm0 =	vmor vm0, vm15  }
0x242: {  	v11 =	vsel vm0, $0x3F800000, v3  }
0x243: {  	(xrf0) =	vmax.scan.msk.f32 $0xffff, v11;
	_ =	sdelay $0x5  }
0x244: {  	v11, _, _ =	vpop (xrf0)  }
0x245: {  	(v2sf) =	vpush v11, $0xF;
	_ =	sdelay $0xe  }
0x246: {  	s4 =	spop (v2sf)  }
0x247: {  	p2 =	sgt.f32 s4, $0.0e+00  }
.Ltmp44:
0x248: {  	_ = 	snop;
	(pc) =	sbr.rel @!p2 .LBB2_79-.Ltmp44, $1  }
0x249: {  	_ =	sdelay $0x3  }
0x24a: {  	v12 =	vmov s9;
	_ =	sdelay $0x1  }
0x24b: {  	s4 =	simm.s32 $0x0  }
0x24c: {  	s5 =	sand.u32 $0x70, s4;
	s4 =	sand.u32 $0x400, s4  }
0x24d: {  	s4 =	sor.u32 s5, s4  }
0x24e: {  	v15 =	vld.idx.msk [tilespmem:v12+s4+$0x1AF00 ss:$0x1], $0xffff;
	_ =	sdelay $0x4  }
0x24f: {  	vm0 =	vlt.f32 v15, v10  }
0x250: {  	v11 =	vsel vm0, $0x1, v1;
	v17 =	vmpcnt.ones.xlane vm0  }
0x251: {  	(xrf0) =	vadd.scan.msk.s32 $0xffff, v11  }
0x252: {  	(v2sf) =	vpush v17, $0x0;
	_ =	sdelay $0x2  }
0x253: {  	v11 =	vmov s1  }
0x254: {  	s23 =	simm.s32 $0x18600;
	v13 =	vsel vm0, $0xFFFFFFFF, v1;
	v11 =	vshll.u32 v11, $0x7  }
0x255: {  	v14 =	vor.u32 s23, v0;
	v13 =	vadd.s32 s7, v13;
	v11 =	vand.u32 $0x380, v11;
	v16, _, _ =	vpop (xrf0)  }
0x256: {  	v11 =	vbroadcast v11, $0x0;
	v13 =	vadd.s32 v16, v13  }
0x257: {  	v16 =	vand.u32 $0x7F, v13;
	v13 =	vshll.u32 v13, $0x3  }
0x258: {  	v13 =	vand.u32 $0xFFFFFC00, v13;
	v16 =	vor.u32 v11, v16  }
0x259: {  	v13 =	vor.u32 v13, v16  }
0x25a: {  	v14 =	vld.idx.msk [tilespmem:v14+s3+$0x0], $0xffff  }
0x25b: {  	v18 =	vshra.s32 v15, $0x1F  }
0x25c: {  	v18 =	vand.u32 $0x7FFFFFFF, v18  }
0x25d: {  	s9 =	simm.s32 $0x20;
	s6 =	simm.s32 $0x80;
	s5 =	simm.s32 $0x10;
	v15 =	vxor.u32 v15, v18  }
.LBB2_77:
0x25e: {  	p2 =	sne.s32 s9, $0x90;
	s4 =	sand.u32 $0x70, s5;
	s10 =	sand.u32 $0x400, s6;
	[tilespmem:v13+s11+$0x0] =	vst.idx.msk vm0, v15  }
0x25f: {  	s4 =	sor.u32 s4, s10;
	[tilespmem:v13+s12+$0x0] =	vst.idx.msk vm0, v14;
	s10 =	spop (v2sf)  }
0x260: {  	v15 =	vld.idx.msk [tilespmem:v12+s4+$0x1AF00 ss:$0x1], $0xffff;
	s7 =	sadd.s32 s7, s10;
	_ =	sdelay $0x5  }
0x261: {  	vm0 =	vlt.f32 v15, v10  }
0x262: {  	v13 =	vsel vm0, $0x1, v1;
	v14 =	vmpcnt.ones.xlane vm0  }
0x263: {  	(xrf0) =	vadd.scan.msk.s32 $0xffff, v13  }
0x264: {  	(v2sf) =	vpush v14, $0x0;
	_ =	sdelay $0x2  }
0x265: {  	s4 =	sadd.s32 $0x18600, s5;
	s5 =	smov.u32 s9  }
0x266: {  	v13 =	vor.u32 s4, v0;
	v14 =	vsel vm0, $0xFFFFFFFF, v1  }
0x267: {  	v14 =	vadd.s32 s7, v14;
	v16, _, _ =	vpop (xrf0)  }
0x268: {  	v14 =	vadd.s32 v16, v14  }
0x269: {  	v16 =	vand.u32 $0x7F, v14;
	v14 =	vshll.u32 v14, $0x3  }
0x26a: {  	v17 =	vand.u32 $0xFFFFFC00, v14;
	v16 =	vor.u32 v11, v16  }
.Ltmp45:
0x26b: {  	v14 =	vld.idx.msk [tilespmem:v13+s3+$0x0], $0xffff;
	v13 =	vor.u32 v17, v16;
	(pc) =	sbr.rel @p2 .LBB2_77-.Ltmp45, $4  }
0x26c: {  	_ = 	snop  }
0x26d: {  	v16 =	vshra.s32 v15, $0x1F  }
0x26e: {  	v16 =	vand.u32 $0x7FFFFFFF, v16  }
0x26f: {  	s6 =	sadd.s32 $0x80, s6;
	s9 =	sadd.s32 $0x10, s9;
	v15 =	vxor.u32 v15, v16  }
0x270: {  	_ =	sdelay $0x4  }
0x271: {  	s4 =	sand.u32 $0x70, s5;
	s6 =	sand.u32 $0x400, s6;
	[tilespmem:v13+s11+$0x0] =	vst.idx.msk vm0, v15  }
0x272: {  	s4 =	sor.u32 s4, s6;
	[tilespmem:v13+s12+$0x0] =	vst.idx.msk vm0, v14  }
0x273: {  	v12 =	vld.idx.msk [tilespmem:v12+s4+$0x1AF00 ss:$0x1], $0xffff;
	_ =	sdelay $0x4  }
0x274: {  	vm15 =	vlt.f32 v12, v10  }
0x275: {  	v10 =	vmpcnt.ones.xlane vm15  }
0x276: {  	v60 =	vsel vm15, $0x1, v1  }
0x277: {  	(xrf0) =	vadd.scan.msk.s32 $0xffff, v60;
	(v2sf) =	vpush v10, $0x0;
	_ =	sdelay $0x3  }
0x278: {  	s21 =	spop (v2sf)  }
0x279: {  	s22 =	sadd.s32 $0x18600, s5;
	s4 =	sadd.s32 s7, s21;
	v10 =	vsel vm15, $0xFFFFFFFF, v1  }
0x27a: {  	v61 =	vor.u32 s22, v0;
	v10 =	vadd.s32 s4, v10;
	v62, _, _ =	vpop (xrf0)  }
0x27b: {  	v10 =	vadd.s32 v62, v10  }
0x27c: {  	v14 =	vand.u32 $0x7F, v10;
	v10 =	vshll.u32 v10, $0x3  }
0x27d: {  	v10 =	vand.u32 $0xFFFFFC00, v10;
	v11 =	vor.u32 v11, v14  }
0x27e: {  	v10 =	vor.u32 v10, v11  }
0x27f: {  	v11 =	vld.idx.msk [tilespmem:v61+s3+$0x0], $0xffff  }
.Ltmp46:
0x280: {  	v63 =	vshra.s32 v12, $0x1F;
	(pc) =	sbr.rel .LBB2_79-.Ltmp46, $4  }
0x281: {  	v13 =	vand.u32 $0x7FFFFFFF, v63  }
0x282: {  	v12 =	vxor.u32 v12, v13  }
0x283: {  	[tilespmem:v10+s11+$0x0] =	vst.idx.msk vm15, v12;
	s23 =	spop (v2sf)  }
0x284: {  	[tilespmem:v10+s12+$0x0] =	vst.idx.msk vm15, v11;
	s7 =	sadd.s32 s4, s23  }
.LBB2_55:
0x285: {  	_ =	sdelay $0x3  }
0x286: {  	v11 =	vld.idx.msk [tilespmem:v5+s9+$0x0 ss:$0x1], $0xffff  }
0x287: {  	v12 =	vld.idx.msk [tilespmem:v5+s9+$0x10 ss:$0x1], $0xffff  }
0x288: {  	v13 =	vld.idx.msk [tilespmem:v5+s9+$0x20 ss:$0x1], $0xffff  }
0x289: {  	v14 =	vld.idx.msk [tilespmem:v5+s9+$0x30 ss:$0x1], $0xffff  }
0x28a: {  	v15 =	vld.idx.msk [tilespmem:v5+s9+$0x40 ss:$0x1], $0xffff  }
0x28b: {  	v16 =	vld.idx.msk [tilespmem:v5+s9+$0x50 ss:$0x1], $0xffff  }
0x28c: {  	vm0 =	vlt.f32 v11, v10;
	vm1 =	vlt.f32 v12, v10;
	v11 =	vld.idx.msk [tilespmem:v5+s9+$0x60 ss:$0x1], $0xffff  }
0x28d: {  	v63 =	vld.idx.msk [tilespmem:v5+s9+$0x70 ss:$0x1], $0xffff;
	vm10 =	vlt.f32 v13, v10;
	vm0 =	vmor vm0, vm1  }
0x28e: {  	vm11 =	vlt.f32 v14, v10;
	vm0 =	vmor vm0, vm10  }
0x28f: {  	vm12 =	vlt.f32 v15, v10;
	vm0 =	vmor vm0, vm11  }
0x290: {  	vm13 =	vlt.f32 v16, v10;
	vm0 =	vmor vm0, vm12  }
0x291: {  	vm0 =	vmor vm0, vm13;
	vm14 =	vlt.f32 v11, v10  }
0x292: {  	vm15 =	vlt.f32 v63, v10;
	vm0 =	vmor vm0, vm14  }
0x293: {  	vm0 =	vmor vm0, vm15  }
0x294: {  	v11 =	vsel vm0, $0x3F800000, v3  }
0x295: {  	(xrf0) =	vmax.scan.msk.f32 $0xffff, v11;
	_ =	sdelay $0x5  }
0x296: {  	v11, _, _ =	vpop (xrf0)  }
0x297: {  	(v2sf) =	vpush v11, $0xF;
	_ =	sdelay $0xe  }
0x298: {  	s4 =	spop (v2sf)  }
0x299: {  	p2 =	sgt.f32 s4, $0.0e+00  }
.Ltmp47:
0x29a: {  	_ = 	snop;
	(pc) =	sbr.rel @!p2 .LBB2_59-.Ltmp47, $1  }
0x29b: {  	_ =	sdelay $0x3  }
0x29c: {  	v12 =	vmov s25;
	_ =	sdelay $0x3  }
0x29d: {  	s4 =	simm.s32 $0x0  }
0x29e: {  	v14 =	vld.idx.msk [tilespmem:v12+s4+$0x0 ss:$0x1], $0xffff;
	_ =	sdelay $0x4  }
0x29f: {  	vm0 =	vlt.f32 v14, v10  }
0x2a0: {  	v11 =	vsel vm0, $0x1, v1  }
0x2a1: {  	v17 =	vmpcnt.ones.xlane vm0;
	(xrf0) =	vadd.scan.msk.s32 $0xffff, v11;
	_ =	sdelay $0x1  }
0x2a2: {  	(v2sf) =	vpush v17, $0x0;
	_ =	sdelay $0x1  }
0x2a3: {  	v11 =	vmov s1  }
0x2a4: {  	v13 =	vsel vm0, $0xFFFFFFFF, v1;
	v11 =	vshll.u32 v11, $0x7  }
0x2a5: {  	v13 =	vadd.s32 s7, v13;
	v11 =	vand.u32 $0x380, v11;
	v15, _, _ =	vpop (xrf0)  }
0x2a6: {  	v16 =	vor.u32 s24, v0;
	v11 =	vbroadcast v11, $0x0;
	v13 =	vadd.s32 v15, v13  }
0x2a7: {  	v15 =	vand.u32 $0x7F, v13;
	v13 =	vshll.u32 v13, $0x3  }
0x2a8: {  	v13 =	vand.u32 $0xFFFFFC00, v13;
	v15 =	vor.u32 v11, v15  }
0x2a9: {  	v13 =	vor.u32 v13, v15;
	v15 =	vshra.s32 v14, $0x1F  }
0x2aa: {  	v15 =	vand.u32 $0x7FFFFFFF, v15  }
0x2ab: {  	v15 =	vxor.u32 v14, v15;
	v14 =	vld.idx.msk [tilespmem:v16+s3+$0x0], $0xffff;
	_ =	sdelay $0x3  }
0x2ac: {  	s15 =	simm.s32 $0x40;
	s6 =	simm.s32 $0x80;
	s5 =	smov.u32 s24;
	[tilespmem:v13+s11+$0x0] =	vst.idx.msk vm0, v15  }
.LBB2_57:
0x2ad: {  	p2 =	sne.s32 s6, $0x1C0;
	s4 =	sshra.s32 s15, $0x2;
	[tilespmem:v13+s12+$0x0] =	vst.idx.msk vm0, v14;
	s10 =	spop (v2sf)  }
0x2ae: {  	s15 =	smov.u32 s6;
	v15 =	vld.idx.msk [tilespmem:v12+s4+$0x0 ss:$0x1], $0xffff;
	s7 =	sadd.s32 s7, s10;
	_ =	sdelay $0x5  }
0x2af: {  	vm0 =	vlt.f32 v15, v10  }
0x2b0: {  	v13 =	vsel vm0, $0x1, v1;
	v14 =	vmpcnt.ones.xlane vm0  }
0x2b1: {  	(xrf0) =	vadd.scan.msk.s32 $0xffff, v13  }
0x2b2: {  	(v2sf) =	vpush v14, $0x0;
	_ =	sdelay $0x2  }
0x2b3: {  	s5 =	sadd.s32 $0x10, s5  }
0x2b4: {  	v13 =	vor.u32 s5, v0;
	v14 =	vsel vm0, $0xFFFFFFFF, v1  }
0x2b5: {  	v14 =	vadd.s32 s7, v14;
	v16, _, _ =	vpop (xrf0)  }
0x2b6: {  	v14 =	vadd.s32 v16, v14  }
0x2b7: {  	v16 =	vand.u32 $0x7F, v14;
	v14 =	vshll.u32 v14, $0x3  }
0x2b8: {  	v17 =	vand.u32 $0xFFFFFC00, v14;
	v16 =	vor.u32 v11, v16  }
0x2b9: {  	v14 =	vld.idx.msk [tilespmem:v13+s3+$0x0], $0xffff;
	v13 =	vor.u32 v17, v16  }
.Ltmp48:
0x2ba: {  	(pc) =	sbr.rel @p2 .LBB2_57-.Ltmp48, $4  }
0x2bb: {  	v16 =	vshra.s32 v15, $0x1F  }
0x2bc: {  	v16 =	vand.u32 $0x7FFFFFFF, v16  }
0x2bd: {  	v15 =	vxor.u32 v15, v16  }
0x2be: {  	s6 =	sadd.s32 $0x40, s6;
	[tilespmem:v13+s11+$0x0] =	vst.idx.msk vm0, v15  }
0x2bf: {  	_ =	sdelay $0x4  }
0x2c0: {  	s4 =	sshra.s32 s15, $0x2;
	[tilespmem:v13+s12+$0x0] =	vst.idx.msk vm0, v14  }
0x2c1: {  	v12 =	vld.idx.msk [tilespmem:v12+s4+$0x0 ss:$0x1], $0xffff;
	_ =	sdelay $0x4  }
0x2c2: {  	vm15 =	vlt.f32 v12, v10  }
0x2c3: {  	v58 =	vmpcnt.ones.xlane vm15  }
0x2c4: {  	v59 =	vsel vm15, $0x1, v1  }
0x2c5: {  	(xrf0) =	vadd.scan.msk.s32 $0xffff, v59;
	(v2sf) =	vpush v58, $0x0;
	_ =	sdelay $0x3  }
0x2c6: {  	s22 =	spop (v2sf)  }
0x2c7: {  	s5 =	sadd.s32 $0x10, s5;
	s4 =	sadd.s32 s7, s22;
	v60 =	vsel vm15, $0xFFFFFFFF, v1  }
0x2c8: {  	v61 =	vor.u32 s5, v0;
	v13 =	vadd.s32 s4, v60;
	v15, _, _ =	vpop (xrf0)  }
0x2c9: {  	v13 =	vadd.s32 v15, v13  }
0x2ca: {  	v15 =	vand.u32 $0x7F, v13;
	v13 =	vshll.u32 v13, $0x3  }
0x2cb: {  	v13 =	vand.u32 $0xFFFFFC00, v13;
	v11 =	vor.u32 v11, v15  }
0x2cc: {  	v11 =	vor.u32 v13, v11  }
0x2cd: {  	v62 =	vld.idx.msk [tilespmem:v61+s3+$0x0], $0xffff  }
0x2ce: {  	v63 =	vshra.s32 v12, $0x1F  }
0x2cf: {  	v14 =	vand.u32 $0x7FFFFFFF, v63  }
0x2d0: {  	v12 =	vxor.u32 v12, v14  }
0x2d1: {  	[tilespmem:v11+s11+$0x0] =	vst.idx.msk vm15, v12;
	s23 =	spop (v2sf)  }
0x2d2: {  	[tilespmem:v11+s12+$0x0] =	vst.idx.msk vm15, v62;
	s7 =	sadd.s32 s4, s23  }
.LBB2_59:
0x2d3: {  	_ =	sdelay $0x3  }
0x2d4: {  	v11 =	vld.idx.msk [tilespmem:v6+s9+$0x0 ss:$0x1], $0xffff  }
0x2d5: {  	v12 =	vld.idx.msk [tilespmem:v6+s9+$0x10 ss:$0x1], $0xffff  }
0x2d6: {  	v13 =	vld.idx.msk [tilespmem:v6+s9+$0x20 ss:$0x1], $0xffff  }
0x2d7: {  	v14 =	vld.idx.msk [tilespmem:v6+s9+$0x30 ss:$0x1], $0xffff  }
0x2d8: {  	v15 =	vld.idx.msk [tilespmem:v6+s9+$0x40 ss:$0x1], $0xffff  }
0x2d9: {  	v16 =	vld.idx.msk [tilespmem:v6+s9+$0x50 ss:$0x1], $0xffff  }
0x2da: {  	vm0 =	vlt.f32 v11, v10;
	vm1 =	vlt.f32 v12, v10;
	v11 =	vld.idx.msk [tilespmem:v6+s9+$0x60 ss:$0x1], $0xffff  }
0x2db: {  	v63 =	vld.idx.msk [tilespmem:v6+s9+$0x70 ss:$0x1], $0xffff;
	vm10 =	vlt.f32 v13, v10;
	vm0 =	vmor vm0, vm1  }
0x2dc: {  	vm11 =	vlt.f32 v14, v10;
	vm0 =	vmor vm0, vm10  }
0x2dd: {  	vm12 =	vlt.f32 v15, v10;
	vm0 =	vmor vm0, vm11  }
0x2de: {  	vm13 =	vlt.f32 v16, v10;
	vm0 =	vmor vm0, vm12  }
0x2df: {  	vm0 =	vmor vm0, vm13;
	vm14 =	vlt.f32 v11, v10  }
0x2e0: {  	vm15 =	vlt.f32 v63, v10;
	vm0 =	vmor vm0, vm14  }
0x2e1: {  	vm0 =	vmor vm0, vm15  }
0x2e2: {  	v11 =	vsel vm0, $0x3F800000, v3  }
0x2e3: {  	(xrf0) =	vmax.scan.msk.f32 $0xffff, v11;
	_ =	sdelay $0x5  }
0x2e4: {  	v11, _, _ =	vpop (xrf0)  }
0x2e5: {  	(v2sf) =	vpush v11, $0xF;
	_ =	sdelay $0xe  }
0x2e6: {  	s4 =	spop (v2sf)  }
0x2e7: {  	p2 =	sgt.f32 s4, $0.0e+00  }
.Ltmp49:
0x2e8: {  	_ = 	snop;
	(pc) =	sbr.rel @!p2 .LBB2_63-.Ltmp49, $1  }
0x2e9: {  	_ =	sdelay $0x3  }
0x2ea: {  	v12 =	vmov s26;
	_ =	sdelay $0x3  }
0x2eb: {  	s4 =	simm.s32 $0x0  }
0x2ec: {  	v14 =	vld.idx.msk [tilespmem:v12+s4+$0x0 ss:$0x1], $0xffff;
	_ =	sdelay $0x4  }
0x2ed: {  	vm0 =	vlt.f32 v14, v10  }
0x2ee: {  	v11 =	vsel vm0, $0x1, v1  }
0x2ef: {  	v17 =	vmpcnt.ones.xlane vm0;
	(xrf0) =	vadd.scan.msk.s32 $0xffff, v11;
	_ =	sdelay $0x1  }
0x2f0: {  	(v2sf) =	vpush v17, $0x0;
	_ =	sdelay $0x1  }
0x2f1: {  	v11 =	vmov s1  }
0x2f2: {  	v13 =	vsel vm0, $0xFFFFFFFF, v1;
	v11 =	vshll.u32 v11, $0x7  }
0x2f3: {  	v13 =	vadd.s32 s7, v13;
	v11 =	vand.u32 $0x380, v11;
	v15, _, _ =	vpop (xrf0)  }
0x2f4: {  	v16 =	vor.u32 s28, v0;
	v11 =	vbroadcast v11, $0x0;
	v13 =	vadd.s32 v15, v13  }
0x2f5: {  	v15 =	vand.u32 $0x7F, v13;
	v13 =	vshll.u32 v13, $0x3  }
0x2f6: {  	v13 =	vand.u32 $0xFFFFFC00, v13;
	v15 =	vor.u32 v11, v15  }
0x2f7: {  	v13 =	vor.u32 v13, v15;
	v15 =	vshra.s32 v14, $0x1F  }
0x2f8: {  	v15 =	vand.u32 $0x7FFFFFFF, v15  }
0x2f9: {  	v15 =	vxor.u32 v14, v15;
	v14 =	vld.idx.msk [tilespmem:v16+s3+$0x0], $0xffff;
	_ =	sdelay $0x3  }
0x2fa: {  	s15 =	simm.s32 $0x40;
	s6 =	simm.s32 $0x80;
	s5 =	smov.u32 s28;
	[tilespmem:v13+s11+$0x0] =	vst.idx.msk vm0, v15  }
.LBB2_61:
0x2fb: {  	p2 =	sne.s32 s6, $0x1C0;
	s4 =	sshra.s32 s15, $0x2;
	[tilespmem:v13+s12+$0x0] =	vst.idx.msk vm0, v14;
	s10 =	spop (v2sf)  }
0x2fc: {  	s15 =	smov.u32 s6;
	v15 =	vld.idx.msk [tilespmem:v12+s4+$0x0 ss:$0x1], $0xffff;
	s7 =	sadd.s32 s7, s10;
	_ =	sdelay $0x5  }
0x2fd: {  	vm0 =	vlt.f32 v15, v10  }
0x2fe: {  	v13 =	vsel vm0, $0x1, v1;
	v14 =	vmpcnt.ones.xlane vm0  }
0x2ff: {  	(xrf0) =	vadd.scan.msk.s32 $0xffff, v13  }
0x300: {  	(v2sf) =	vpush v14, $0x0;
	_ =	sdelay $0x2  }
0x301: {  	s5 =	sadd.s32 $0x10, s5  }
0x302: {  	v13 =	vor.u32 s5, v0;
	v14 =	vsel vm0, $0xFFFFFFFF, v1  }
0x303: {  	v14 =	vadd.s32 s7, v14;
	v16, _, _ =	vpop (xrf0)  }
0x304: {  	v14 =	vadd.s32 v16, v14  }
0x305: {  	v16 =	vand.u32 $0x7F, v14;
	v14 =	vshll.u32 v14, $0x3  }
0x306: {  	v17 =	vand.u32 $0xFFFFFC00, v14;
	v16 =	vor.u32 v11, v16  }
0x307: {  	v14 =	vld.idx.msk [tilespmem:v13+s3+$0x0], $0xffff;
	v13 =	vor.u32 v17, v16  }
.Ltmp50:
0x308: {  	(pc) =	sbr.rel @p2 .LBB2_61-.Ltmp50, $4  }
0x309: {  	v16 =	vshra.s32 v15, $0x1F  }
0x30a: {  	v16 =	vand.u32 $0x7FFFFFFF, v16  }
0x30b: {  	v15 =	vxor.u32 v15, v16  }
0x30c: {  	s6 =	sadd.s32 $0x40, s6;
	[tilespmem:v13+s11+$0x0] =	vst.idx.msk vm0, v15  }
0x30d: {  	_ =	sdelay $0x4  }
0x30e: {  	s4 =	sshra.s32 s15, $0x2;
	[tilespmem:v13+s12+$0x0] =	vst.idx.msk vm0, v14  }
0x30f: {  	v12 =	vld.idx.msk [tilespmem:v12+s4+$0x0 ss:$0x1], $0xffff;
	_ =	sdelay $0x4  }
0x310: {  	vm15 =	vlt.f32 v12, v10  }
0x311: {  	v58 =	vmpcnt.ones.xlane vm15  }
0x312: {  	v59 =	vsel vm15, $0x1, v1  }
0x313: {  	(xrf0) =	vadd.scan.msk.s32 $0xffff, v59;
	(v2sf) =	vpush v58, $0x0;
	_ =	sdelay $0x3  }
0x314: {  	s22 =	spop (v2sf)  }
0x315: {  	s5 =	sadd.s32 $0x10, s5;
	s4 =	sadd.s32 s7, s22;
	v60 =	vsel vm15, $0xFFFFFFFF, v1  }
0x316: {  	v61 =	vor.u32 s5, v0;
	v13 =	vadd.s32 s4, v60;
	v15, _, _ =	vpop (xrf0)  }
0x317: {  	v13 =	vadd.s32 v15, v13  }
0x318: {  	v15 =	vand.u32 $0x7F, v13;
	v13 =	vshll.u32 v13, $0x3  }
0x319: {  	v13 =	vand.u32 $0xFFFFFC00, v13;
	v11 =	vor.u32 v11, v15  }
0x31a: {  	v11 =	vor.u32 v13, v11  }
0x31b: {  	v62 =	vld.idx.msk [tilespmem:v61+s3+$0x0], $0xffff  }
0x31c: {  	v63 =	vshra.s32 v12, $0x1F  }
0x31d: {  	v14 =	vand.u32 $0x7FFFFFFF, v63  }
0x31e: {  	v12 =	vxor.u32 v12, v14  }
0x31f: {  	[tilespmem:v11+s11+$0x0] =	vst.idx.msk vm15, v12;
	s23 =	spop (v2sf)  }
0x320: {  	[tilespmem:v11+s12+$0x0] =	vst.idx.msk vm15, v62;
	s7 =	sadd.s32 s4, s23  }
.LBB2_63:
0x321: {  	_ =	sdelay $0x3  }
0x322: {  	v11 =	vld.idx.msk [tilespmem:v7+s9+$0x0 ss:$0x1], $0xffff  }
0x323: {  	v12 =	vld.idx.msk [tilespmem:v7+s9+$0x10 ss:$0x1], $0xffff  }
0x324: {  	v13 =	vld.idx.msk [tilespmem:v7+s9+$0x20 ss:$0x1], $0xffff  }
0x325: {  	v14 =	vld.idx.msk [tilespmem:v7+s9+$0x30 ss:$0x1], $0xffff  }
0x326: {  	v15 =	vld.idx.msk [tilespmem:v7+s9+$0x40 ss:$0x1], $0xffff  }
0x327: {  	v16 =	vld.idx.msk [tilespmem:v7+s9+$0x50 ss:$0x1], $0xffff  }
0x328: {  	vm0 =	vlt.f32 v11, v10;
	vm1 =	vlt.f32 v12, v10;
	v11 =	vld.idx.msk [tilespmem:v7+s9+$0x60 ss:$0x1], $0xffff  }
0x329: {  	v63 =	vld.idx.msk [tilespmem:v7+s9+$0x70 ss:$0x1], $0xffff;
	vm10 =	vlt.f32 v13, v10;
	vm0 =	vmor vm0, vm1  }
0x32a: {  	vm11 =	vlt.f32 v14, v10;
	vm0 =	vmor vm0, vm10  }
0x32b: {  	vm12 =	vlt.f32 v15, v10;
	vm0 =	vmor vm0, vm11  }
0x32c: {  	vm13 =	vlt.f32 v16, v10;
	vm0 =	vmor vm0, vm12  }
0x32d: {  	vm0 =	vmor vm0, vm13;
	vm14 =	vlt.f32 v11, v10  }
0x32e: {  	vm15 =	vlt.f32 v63, v10;
	vm0 =	vmor vm0, vm14  }
0x32f: {  	vm0 =	vmor vm0, vm15  }
0x330: {  	v11 =	vsel vm0, $0x3F800000, v3  }
0x331: {  	(xrf0) =	vmax.scan.msk.f32 $0xffff, v11;
	_ =	sdelay $0x5  }
0x332: {  	v11, _, _ =	vpop (xrf0)  }
0x333: {  	(v2sf) =	vpush v11, $0xF;
	_ =	sdelay $0xe  }
0x334: {  	s4 =	spop (v2sf)  }
0x335: {  	p2 =	sgt.f32 s4, $0.0e+00  }
.Ltmp51:
0x336: {  	_ = 	snop;
	(pc) =	sbr.rel @!p2 .LBB2_67-.Ltmp51, $1  }
0x337: {  	_ =	sdelay $0x3  }
0x338: {  	v12 =	vmov s29;
	_ =	sdelay $0x3  }
0x339: {  	s4 =	simm.s32 $0x0  }
0x33a: {  	v14 =	vld.idx.msk [tilespmem:v12+s4+$0x0 ss:$0x1], $0xffff;
	_ =	sdelay $0x4  }
0x33b: {  	vm0 =	vlt.f32 v14, v10  }
0x33c: {  	v11 =	vsel vm0, $0x1, v1  }
0x33d: {  	v17 =	vmpcnt.ones.xlane vm0;
	(xrf0) =	vadd.scan.msk.s32 $0xffff, v11;
	_ =	sdelay $0x1  }
0x33e: {  	(v2sf) =	vpush v17, $0x0;
	_ =	sdelay $0x1  }
0x33f: {  	v11 =	vmov s1  }
0x340: {  	v13 =	vsel vm0, $0xFFFFFFFF, v1;
	v11 =	vshll.u32 v11, $0x7  }
0x341: {  	v13 =	vadd.s32 s7, v13;
	v11 =	vand.u32 $0x380, v11;
	v15, _, _ =	vpop (xrf0)  }
0x342: {  	v16 =	vor.u32 s30, v0;
	v11 =	vbroadcast v11, $0x0;
	v13 =	vadd.s32 v15, v13  }
0x343: {  	v15 =	vand.u32 $0x7F, v13;
	v13 =	vshll.u32 v13, $0x3  }
0x344: {  	v13 =	vand.u32 $0xFFFFFC00, v13;
	v15 =	vor.u32 v11, v15  }
0x345: {  	v13 =	vor.u32 v13, v15;
	v15 =	vshra.s32 v14, $0x1F  }
0x346: {  	v15 =	vand.u32 $0x7FFFFFFF, v15  }
0x347: {  	v15 =	vxor.u32 v14, v15;
	v14 =	vld.idx.msk [tilespmem:v16+s3+$0x0], $0xffff;
	_ =	sdelay $0x3  }
0x348: {  	s15 =	simm.s32 $0x40;
	s6 =	simm.s32 $0x80;
	s5 =	smov.u32 s30;
	[tilespmem:v13+s11+$0x0] =	vst.idx.msk vm0, v15  }
.LBB2_65:
0x349: {  	p2 =	sne.s32 s6, $0x1C0;
	s4 =	sshra.s32 s15, $0x2;
	[tilespmem:v13+s12+$0x0] =	vst.idx.msk vm0, v14;
	s10 =	spop (v2sf)  }
0x34a: {  	s15 =	smov.u32 s6;
	v15 =	vld.idx.msk [tilespmem:v12+s4+$0x0 ss:$0x1], $0xffff;
	s7 =	sadd.s32 s7, s10;
	_ =	sdelay $0x5  }
0x34b: {  	vm0 =	vlt.f32 v15, v10  }
0x34c: {  	v13 =	vsel vm0, $0x1, v1;
	v14 =	vmpcnt.ones.xlane vm0  }
0x34d: {  	(xrf0) =	vadd.scan.msk.s32 $0xffff, v13  }
0x34e: {  	(v2sf) =	vpush v14, $0x0;
	_ =	sdelay $0x2  }
0x34f: {  	s5 =	sadd.s32 $0x10, s5  }
0x350: {  	v13 =	vor.u32 s5, v0;
	v14 =	vsel vm0, $0xFFFFFFFF, v1  }
0x351: {  	v14 =	vadd.s32 s7, v14;
	v16, _, _ =	vpop (xrf0)  }
0x352: {  	v14 =	vadd.s32 v16, v14  }
0x353: {  	v16 =	vand.u32 $0x7F, v14;
	v14 =	vshll.u32 v14, $0x3  }
0x354: {  	v17 =	vand.u32 $0xFFFFFC00, v14;
	v16 =	vor.u32 v11, v16  }
0x355: {  	v14 =	vld.idx.msk [tilespmem:v13+s3+$0x0], $0xffff;
	v13 =	vor.u32 v17, v16  }
.Ltmp52:
0x356: {  	(pc) =	sbr.rel @p2 .LBB2_65-.Ltmp52, $4  }
0x357: {  	v16 =	vshra.s32 v15, $0x1F  }
0x358: {  	v16 =	vand.u32 $0x7FFFFFFF, v16  }
0x359: {  	v15 =	vxor.u32 v15, v16  }
0x35a: {  	s6 =	sadd.s32 $0x40, s6;
	[tilespmem:v13+s11+$0x0] =	vst.idx.msk vm0, v15  }
0x35b: {  	_ =	sdelay $0x4  }
0x35c: {  	s4 =	sshra.s32 s15, $0x2;
	[tilespmem:v13+s12+$0x0] =	vst.idx.msk vm0, v14  }
0x35d: {  	v12 =	vld.idx.msk [tilespmem:v12+s4+$0x0 ss:$0x1], $0xffff;
	_ =	sdelay $0x4  }
0x35e: {  	vm15 =	vlt.f32 v12, v10  }
0x35f: {  	v58 =	vmpcnt.ones.xlane vm15  }
0x360: {  	v59 =	vsel vm15, $0x1, v1  }
0x361: {  	(xrf0) =	vadd.scan.msk.s32 $0xffff, v59;
	(v2sf) =	vpush v58, $0x0;
	_ =	sdelay $0x3  }
0x362: {  	s22 =	spop (v2sf)  }
0x363: {  	s5 =	sadd.s32 $0x10, s5;
	s4 =	sadd.s32 s7, s22;
	v60 =	vsel vm15, $0xFFFFFFFF, v1  }
0x364: {  	v61 =	vor.u32 s5, v0;
	v13 =	vadd.s32 s4, v60;
	v15, _, _ =	vpop (xrf0)  }
0x365: {  	v13 =	vadd.s32 v15, v13  }
0x366: {  	v15 =	vand.u32 $0x7F, v13;
	v13 =	vshll.u32 v13, $0x3  }
0x367: {  	v13 =	vand.u32 $0xFFFFFC00, v13;
	v11 =	vor.u32 v11, v15  }
0x368: {  	v11 =	vor.u32 v13, v11  }
0x369: {  	v62 =	vld.idx.msk [tilespmem:v61+s3+$0x0], $0xffff  }
0x36a: {  	v63 =	vshra.s32 v12, $0x1F  }
0x36b: {  	v14 =	vand.u32 $0x7FFFFFFF, v63  }
0x36c: {  	v12 =	vxor.u32 v12, v14  }
0x36d: {  	[tilespmem:v11+s11+$0x0] =	vst.idx.msk vm15, v12;
	s23 =	spop (v2sf)  }
0x36e: {  	[tilespmem:v11+s12+$0x0] =	vst.idx.msk vm15, v62;
	s7 =	sadd.s32 s4, s23  }
.LBB2_67:
0x36f: {  	_ =	sdelay $0x3  }
0x370: {  	v11 =	vld.idx.msk [tilespmem:v8+s9+$0x0 ss:$0x1], $0xffff  }
0x371: {  	v12 =	vld.idx.msk [tilespmem:v8+s9+$0x10 ss:$0x1], $0xffff  }
0x372: {  	v13 =	vld.idx.msk [tilespmem:v8+s9+$0x20 ss:$0x1], $0xffff  }
0x373: {  	v14 =	vld.idx.msk [tilespmem:v8+s9+$0x30 ss:$0x1], $0xffff  }
0x374: {  	v15 =	vld.idx.msk [tilespmem:v8+s9+$0x40 ss:$0x1], $0xffff  }
0x375: {  	v16 =	vld.idx.msk [tilespmem:v8+s9+$0x50 ss:$0x1], $0xffff  }
0x376: {  	vm0 =	vlt.f32 v11, v10;
	vm1 =	vlt.f32 v12, v10;
	v11 =	vld.idx.msk [tilespmem:v8+s9+$0x60 ss:$0x1], $0xffff  }
0x377: {  	v63 =	vld.idx.msk [tilespmem:v8+s9+$0x70 ss:$0x1], $0xffff;
	vm10 =	vlt.f32 v13, v10;
	vm0 =	vmor vm0, vm1  }
0x378: {  	vm11 =	vlt.f32 v14, v10;
	vm0 =	vmor vm0, vm10  }
0x379: {  	vm12 =	vlt.f32 v15, v10;
	vm0 =	vmor vm0, vm11  }
0x37a: {  	vm13 =	vlt.f32 v16, v10;
	vm0 =	vmor vm0, vm12  }
0x37b: {  	vm0 =	vmor vm0, vm13;
	vm14 =	vlt.f32 v11, v10  }
0x37c: {  	vm15 =	vlt.f32 v63, v10;
	vm0 =	vmor vm0, vm14  }
0x37d: {  	vm0 =	vmor vm0, vm15  }
0x37e: {  	v11 =	vsel vm0, $0x3F800000, v3  }
0x37f: {  	(xrf0) =	vmax.scan.msk.f32 $0xffff, v11;
	_ =	sdelay $0x5  }
0x380: {  	v11, _, _ =	vpop (xrf0)  }
0x381: {  	(v2sf) =	vpush v11, $0xF;
	_ =	sdelay $0xe  }
0x382: {  	s4 =	spop (v2sf)  }
0x383: {  	p2 =	sgt.f32 s4, $0.0e+00  }
.Ltmp53:
0x384: {  	_ = 	snop;
	(pc) =	sbr.rel @!p2 .LBB2_71-.Ltmp53, $1  }
0x385: {  	_ =	sdelay $0x3  }
0x386: {  	v12 =	vmov s31;
	_ =	sdelay $0x3  }
0x387: {  	s4 =	simm.s32 $0x0  }
0x388: {  	v14 =	vld.idx.msk [tilespmem:v12+s4+$0x0 ss:$0x1], $0xffff;
	_ =	sdelay $0x4  }
0x389: {  	vm0 =	vlt.f32 v14, v10  }
0x38a: {  	v11 =	vsel vm0, $0x1, v1  }
0x38b: {  	v17 =	vmpcnt.ones.xlane vm0;
	(xrf0) =	vadd.scan.msk.s32 $0xffff, v11;
	_ =	sdelay $0x1  }
0x38c: {  	(v2sf) =	vpush v17, $0x0;
	_ =	sdelay $0x1  }
0x38d: {  	v11 =	vmov s1  }
0x38e: {  	v13 =	vsel vm0, $0xFFFFFFFF, v1;
	v11 =	vshll.u32 v11, $0x7  }
0x38f: {  	v13 =	vadd.s32 s7, v13;
	v11 =	vand.u32 $0x380, v11;
	v15, _, _ =	vpop (xrf0)  }
0x390: {  	v16 =	vor.u32 s0, v0;
	v11 =	vbroadcast v11, $0x0;
	v13 =	vadd.s32 v15, v13  }
0x391: {  	v15 =	vand.u32 $0x7F, v13;
	v13 =	vshll.u32 v13, $0x3  }
0x392: {  	v13 =	vand.u32 $0xFFFFFC00, v13;
	v15 =	vor.u32 v11, v15  }
0x393: {  	v13 =	vor.u32 v13, v15;
	v15 =	vshra.s32 v14, $0x1F  }
0x394: {  	v15 =	vand.u32 $0x7FFFFFFF, v15  }
0x395: {  	v15 =	vxor.u32 v14, v15;
	v14 =	vld.idx.msk [tilespmem:v16+s3+$0x0], $0xffff;
	_ =	sdelay $0x3  }
0x396: {  	s15 =	simm.s32 $0x40;
	s6 =	simm.s32 $0x80;
	s5 =	smov.u32 s0;
	[tilespmem:v13+s11+$0x0] =	vst.idx.msk vm0, v15  }
.LBB2_69:
0x397: {  	p2 =	sne.s32 s6, $0x1C0;
	s4 =	sshra.s32 s15, $0x2;
	[tilespmem:v13+s12+$0x0] =	vst.idx.msk vm0, v14;
	s10 =	spop (v2sf)  }
0x398: {  	s15 =	smov.u32 s6;
	v15 =	vld.idx.msk [tilespmem:v12+s4+$0x0 ss:$0x1], $0xffff;
	s7 =	sadd.s32 s7, s10;
	_ =	sdelay $0x5  }
0x399: {  	vm0 =	vlt.f32 v15, v10  }
0x39a: {  	v13 =	vsel vm0, $0x1, v1;
	v14 =	vmpcnt.ones.xlane vm0  }
0x39b: {  	(xrf0) =	vadd.scan.msk.s32 $0xffff, v13  }
0x39c: {  	(v2sf) =	vpush v14, $0x0;
	_ =	sdelay $0x2  }
0x39d: {  	s5 =	sadd.s32 $0x10, s5  }
0x39e: {  	v13 =	vor.u32 s5, v0;
	v14 =	vsel vm0, $0xFFFFFFFF, v1  }
0x39f: {  	v14 =	vadd.s32 s7, v14;
	v16, _, _ =	vpop (xrf0)  }
0x3a0: {  	v14 =	vadd.s32 v16, v14  }
0x3a1: {  	v16 =	vand.u32 $0x7F, v14;
	v14 =	vshll.u32 v14, $0x3  }
0x3a2: {  	v17 =	vand.u32 $0xFFFFFC00, v14;
	v16 =	vor.u32 v11, v16  }
0x3a3: {  	v14 =	vld.idx.msk [tilespmem:v13+s3+$0x0], $0xffff;
	v13 =	vor.u32 v17, v16  }
.Ltmp54:
0x3a4: {  	(pc) =	sbr.rel @p2 .LBB2_69-.Ltmp54, $4  }
0x3a5: {  	v16 =	vshra.s32 v15, $0x1F  }
0x3a6: {  	v16 =	vand.u32 $0x7FFFFFFF, v16  }
0x3a7: {  	v15 =	vxor.u32 v15, v16  }
0x3a8: {  	s6 =	sadd.s32 $0x40, s6;
	[tilespmem:v13+s11+$0x0] =	vst.idx.msk vm0, v15  }
0x3a9: {  	_ =	sdelay $0x4  }
0x3aa: {  	s4 =	sshra.s32 s15, $0x2;
	[tilespmem:v13+s12+$0x0] =	vst.idx.msk vm0, v14  }
0x3ab: {  	v12 =	vld.idx.msk [tilespmem:v12+s4+$0x0 ss:$0x1], $0xffff;
	_ =	sdelay $0x4  }
0x3ac: {  	vm15 =	vlt.f32 v12, v10  }
0x3ad: {  	v58 =	vmpcnt.ones.xlane vm15  }
0x3ae: {  	v59 =	vsel vm15, $0x1, v1  }
0x3af: {  	(xrf0) =	vadd.scan.msk.s32 $0xffff, v59;
	(v2sf) =	vpush v58, $0x0;
	_ =	sdelay $0x3  }
0x3b0: {  	s22 =	spop (v2sf)  }
0x3b1: {  	s5 =	sadd.s32 $0x10, s5;
	s4 =	sadd.s32 s7, s22;
	v60 =	vsel vm15, $0xFFFFFFFF, v1  }
0x3b2: {  	v61 =	vor.u32 s5, v0;
	v13 =	vadd.s32 s4, v60;
	v15, _, _ =	vpop (xrf0)  }
0x3b3: {  	v13 =	vadd.s32 v15, v13  }
0x3b4: {  	v15 =	vand.u32 $0x7F, v13;
	v13 =	vshll.u32 v13, $0x3  }
0x3b5: {  	v13 =	vand.u32 $0xFFFFFC00, v13;
	v11 =	vor.u32 v11, v15  }
0x3b6: {  	v11 =	vor.u32 v13, v11  }
0x3b7: {  	v62 =	vld.idx.msk [tilespmem:v61+s3+$0x0], $0xffff  }
0x3b8: {  	v63 =	vshra.s32 v12, $0x1F  }
0x3b9: {  	v14 =	vand.u32 $0x7FFFFFFF, v63  }
0x3ba: {  	v12 =	vxor.u32 v12, v14  }
0x3bb: {  	[tilespmem:v11+s11+$0x0] =	vst.idx.msk vm15, v12;
	s23 =	spop (v2sf)  }
0x3bc: {  	[tilespmem:v11+s12+$0x0] =	vst.idx.msk vm15, v62;
	s7 =	sadd.s32 s4, s23  }
.LBB2_71:
0x3bd: {  	_ =	sdelay $0x3  }
0x3be: {  	v11 =	vld.idx.msk [tilespmem:v9+s9+$0x0 ss:$0x1], $0xffff  }
0x3bf: {  	v12 =	vld.idx.msk [tilespmem:v9+s9+$0x10 ss:$0x1], $0xffff  }
0x3c0: {  	v13 =	vld.idx.msk [tilespmem:v9+s9+$0x20 ss:$0x1], $0xffff  }
0x3c1: {  	v14 =	vld.idx.msk [tilespmem:v9+s9+$0x30 ss:$0x1], $0xffff  }
0x3c2: {  	v15 =	vld.idx.msk [tilespmem:v9+s9+$0x40 ss:$0x1], $0xffff  }
0x3c3: {  	v16 =	vld.idx.msk [tilespmem:v9+s9+$0x50 ss:$0x1], $0xffff  }
0x3c4: {  	vm0 =	vlt.f32 v11, v10;
	vm1 =	vlt.f32 v12, v10;
	v11 =	vld.idx.msk [tilespmem:v9+s9+$0x60 ss:$0x1], $0xffff  }
0x3c5: {  	v63 =	vld.idx.msk [tilespmem:v9+s9+$0x70 ss:$0x1], $0xffff;
	vm10 =	vlt.f32 v13, v10;
	vm0 =	vmor vm0, vm1  }
0x3c6: {  	vm11 =	vlt.f32 v14, v10;
	vm0 =	vmor vm0, vm10  }
0x3c7: {  	vm12 =	vlt.f32 v15, v10;
	vm0 =	vmor vm0, vm11  }
0x3c8: {  	vm13 =	vlt.f32 v16, v10;
	vm0 =	vmor vm0, vm12  }
0x3c9: {  	vm0 =	vmor vm0, vm13;
	vm14 =	vlt.f32 v11, v10  }
0x3ca: {  	vm15 =	vlt.f32 v63, v10;
	vm0 =	vmor vm0, vm14  }
0x3cb: {  	vm0 =	vmor vm0, vm15  }
0x3cc: {  	v11 =	vsel vm0, $0x3F800000, v3  }
0x3cd: {  	(xrf0) =	vmax.scan.msk.f32 $0xffff, v11;
	_ =	sdelay $0x5  }
0x3ce: {  	v11, _, _ =	vpop (xrf0)  }
0x3cf: {  	(v2sf) =	vpush v11, $0xF;
	_ =	sdelay $0xe  }
0x3d0: {  	s4 =	spop (v2sf)  }
0x3d1: {  	p2 =	sgt.f32 s4, $0.0e+00  }
.Ltmp55:
0x3d2: {  	_ = 	snop;
	(pc) =	sbr.rel @!p2 .LBB2_79-.Ltmp55, $1  }
0x3d3: {  	_ =	sdelay $0x3  }
0x3d4: {  	v12 =	vmov s2;
	_ =	sdelay $0x3  }
0x3d5: {  	s4 =	simm.s32 $0x0  }
0x3d6: {  	v14 =	vld.idx.msk [tilespmem:v12+s4+$0x0 ss:$0x1], $0xffff;
	_ =	sdelay $0x4  }
0x3d7: {  	vm0 =	vlt.f32 v14, v10  }
0x3d8: {  	v11 =	vsel vm0, $0x1, v1  }
0x3d9: {  	v17 =	vmpcnt.ones.xlane vm0;
	(xrf0) =	vadd.scan.msk.s32 $0xffff, v11;
	_ =	sdelay $0x1  }
0x3da: {  	(v2sf) =	vpush v17, $0x0;
	_ =	sdelay $0x1  }
0x3db: {  	v11 =	vmov s1  }
0x3dc: {  	v13 =	vsel vm0, $0xFFFFFFFF, v1;
	v11 =	vshll.u32 v11, $0x7  }
0x3dd: {  	v13 =	vadd.s32 s7, v13;
	v11 =	vand.u32 $0x380, v11;
	v15, _, _ =	vpop (xrf0)  }
0x3de: {  	v16 =	vor.u32 s17, v0;
	v11 =	vbroadcast v11, $0x0;
	v13 =	vadd.s32 v15, v13  }
0x3df: {  	v15 =	vand.u32 $0x7F, v13;
	v13 =	vshll.u32 v13, $0x3  }
0x3e0: {  	v13 =	vand.u32 $0xFFFFFC00, v13;
	v15 =	vor.u32 v11, v15  }
0x3e1: {  	v13 =	vor.u32 v13, v15;
	v15 =	vshra.s32 v14, $0x1F  }
0x3e2: {  	v15 =	vand.u32 $0x7FFFFFFF, v15  }
0x3e3: {  	v15 =	vxor.u32 v14, v15;
	v14 =	vld.idx.msk [tilespmem:v16+s3+$0x0], $0xffff;
	_ =	sdelay $0x3  }
0x3e4: {  	s9 =	simm.s32 $0x40;
	s6 =	simm.s32 $0x80;
	s5 =	smov.u32 s17;
	[tilespmem:v13+s11+$0x0] =	vst.idx.msk vm0, v15  }
.LBB2_73:
0x3e5: {  	p2 =	seq.s32 s6, $0x1C0;
	s4 =	sshra.s32 s9, $0x2;
	[tilespmem:v13+s12+$0x0] =	vst.idx.msk vm0, v14;
	s9 =	spop (v2sf)  }
0x3e6: {  	v15 =	vld.idx.msk [tilespmem:v12+s4+$0x0 ss:$0x1], $0xffff;
	s7 =	sadd.s32 s7, s9;
	s9 =	smov.u32 s6;
	_ =	sdelay $0x5  }
0x3e7: {  	vm0 =	vlt.f32 v15, v10  }
0x3e8: {  	v13 =	vsel vm0, $0x1, v1;
	v14 =	vmpcnt.ones.xlane vm0  }
0x3e9: {  	(xrf0) =	vadd.scan.msk.s32 $0xffff, v13  }
0x3ea: {  	(v2sf) =	vpush v14, $0x0;
	_ =	sdelay $0x2  }
0x3eb: {  	s5 =	sadd.s32 $0x10, s5  }
0x3ec: {  	v13 =	vor.u32 s5, v0;
	v14 =	vsel vm0, $0xFFFFFFFF, v1  }
0x3ed: {  	v14 =	vadd.s32 s7, v14;
	v16, _, _ =	vpop (xrf0)  }
0x3ee: {  	v14 =	vadd.s32 v16, v14  }
0x3ef: {  	v16 =	vand.u32 $0x7F, v14;
	v14 =	vshll.u32 v14, $0x3  }
0x3f0: {  	v17 =	vand.u32 $0xFFFFFC00, v14;
	v16 =	vor.u32 v11, v16  }
0x3f1: {  	v14 =	vld.idx.msk [tilespmem:v13+s3+$0x0], $0xffff;
	v13 =	vor.u32 v17, v16  }
.Ltmp56:
0x3f2: {  	(pc) =	sbr.rel @!p2 .LBB2_73-.Ltmp56, $4  }
0x3f3: {  	v16 =	vshra.s32 v15, $0x1F  }
0x3f4: {  	v16 =	vand.u32 $0x7FFFFFFF, v16  }
0x3f5: {  	v15 =	vxor.u32 v15, v16  }
0x3f6: {  	s6 =	sadd.s32 $0x40, s6;
	[tilespmem:v13+s11+$0x0] =	vst.idx.msk vm0, v15  }
0x3f7: {  	_ =	sdelay $0x4  }
0x3f8: {  	s4 =	sshra.s32 s9, $0x2;
	[tilespmem:v13+s12+$0x0] =	vst.idx.msk vm0, v14  }
0x3f9: {  	v12 =	vld.idx.msk [tilespmem:v12+s4+$0x0 ss:$0x1], $0xffff;
	_ =	sdelay $0x4  }
0x3fa: {  	vm15 =	vlt.f32 v12, v10  }
0x3fb: {  	v10 =	vmpcnt.ones.xlane vm15  }
0x3fc: {  	v60 =	vsel vm15, $0x1, v1  }
0x3fd: {  	(xrf0) =	vadd.scan.msk.s32 $0xffff, v60;
	(v2sf) =	vpush v10, $0x0;
	_ =	sdelay $0x3  }
0x3fe: {  	s22 =	spop (v2sf)  }
0x3ff: {  	s5 =	sadd.s32 $0x10, s5;
	s4 =	sadd.s32 s7, s22;
	v10 =	vsel vm15, $0xFFFFFFFF, v1  }
0x400: {  	v61 =	vor.u32 s5, v0;
	v10 =	vadd.s32 s4, v10;
	v62, _, _ =	vpop (xrf0)  }
0x401: {  	v10 =	vadd.s32 v62, v10  }
0x402: {  	v14 =	vand.u32 $0x7F, v10;
	v10 =	vshll.u32 v10, $0x3  }
0x403: {  	v10 =	vand.u32 $0xFFFFFC00, v10;
	v11 =	vor.u32 v11, v14  }
0x404: {  	v10 =	vor.u32 v10, v11  }
0x405: {  	v11 =	vld.idx.msk [tilespmem:v61+s3+$0x0], $0xffff  }
.Ltmp57:
0x406: {  	v63 =	vshra.s32 v12, $0x1F;
	(pc) =	sbr.rel .LBB2_79-.Ltmp57, $4  }
0x407: {  	v13 =	vand.u32 $0x7FFFFFFF, v63  }
0x408: {  	v12 =	vxor.u32 v12, v13  }
0x409: {  	[tilespmem:v10+s11+$0x0] =	vst.idx.msk vm15, v12;
	s23 =	spop (v2sf)  }
0x40a: {  	[tilespmem:v10+s12+$0x0] =	vst.idx.msk vm15, v11;
	s7 =	sadd.s32 s4, s23  }
.LBB2_47:
.Ltmp58:
0x40b: {  	(pc) =	sbr.rel .LBB2_51-.Ltmp58, $2  }
0x40c: {  	_ =	sdelay $0x2  }
0x40d: {  	s6 =	simm.s32 $0x0;
	s15 =	simm.s32 $0x0;
	s9 =	simm.s32 $0x0  }
.LBB2_49:
.Ltmp59:
0x40e: {  	(pc) =	sbr.rel .LBB2_51-.Ltmp59, $2  }
0x40f: {  	_ =	sdelay $0x2  }
0x410: {  	s6 =	simm.s32 $0x0  }
.LBB2_26:
0x411: {  	s0 =	rddreg [dreg:$0xa]  }
0x412: {  	s1 =	simm.s32 $0x0;
	s0 =	sor.u32 $0x640, s0  }
.LBB2_27:
0x413: {  	s4 =	sld [smem:s1+$0x0];
	_ =	sdelay $0x2  }
0x414: {  	s2 =	sadd.s32 $0xF, s4  }
0x415: {  	s31 =	sshll.u32 s1, $0x9;
	s8 =	simm.s32 $0x40;
	s5 =	sand.u32 $0xF, s2  }
0x416: {  	s6 =	sshra.s32 s2, $0x1F;
	p0 =	slt.s32 s2, $0x1;
	p1 =	sne.s32 s5, $0x0  }
.Ltmp60:
0x417: {  	s30 =	sshrl.u32 s6, $0x1C;
	p0 =	por !p0, !p1;
	(pc) =	sbr.rel .LBB2_28-.Ltmp60, $4  }
0x418: {  	s5 =	simm.s32 $0x1;
	s2 =	sadd.s32 s30, s2;
	p0 =	por !p0, !p0  }
0x419: {  	s17 =	simm.s32 $0x0;
	s2 =	sshra.s32 s2, $0x4;
	s5 =	simm.s32 @!p0 $0x0  }
0x41a: {  	s6 =	simm.s32 $0x0;
	s7 =	ssub.s32 s2, s5;
	s2 =	sshrl.u32 s31, $0x2  }
0x41b: {  	v5 =	vmov s4;
	s5 =	simm.s32 $0x0;
	s9 =	sadd.s32 $0x1BF00, s2;
	p0 =	slt.s32 s7, $0x1  }
.LBB2_30:
0x41c: {  	_ = 	snop  }
.LBB2_82:
0x41d: {  	_ =	sdelay $0x2  }
0x41e: {  	s4 =	sand.u32 $0x70, s16;
	s10 =	sadd.s32 s10, s9;
	v11 =	vsel @p1 vm0, $0x1, v1  }
0x41f: {  	s4 =	sadd.s32 s4, s10;
	[tilespmem:v10+s13+$0x0] =	vst.idx.add.s32.msk @p1 $0xffff, v11  }
0x420: {  	v10 =	vld [tilespmem:s4+$0x0];
	_ =	sdelay $0x4  }
0x421: {  	v8 =	vshra.s32 v10, v8  }
0x422: {  	v8 =	vand.u32 $0xF, v8  }
0x423: {  	v8 =	vxor.u32 v9, v8  }
0x424: {  	v8 =	vor.u32 v2, v8  }
0x425: {  	v63 =	vor.u32 s16, v0;
	v7 =	vand.u32 v7, v10  }
0x426: {  	vm15 =	vlt.s32 v63, v5;
	vm1 =	veq.s32 v7, v6  }
0x427: {  	vm0 =	vmand vm15, vm1  }
0x428: {  	v6 =	vsel vm0, $0x1, v1  }
0x429: {  	[tilespmem:v8+s13+$0x0] =	vst.idx.add.s32.msk $0xffff, v6  }
.LBB2_83:
0x42a: {  	v6 =	vld [tilespmem:$0x1F700]  }
0x42b: {  	v7 =	vld [tilespmem:$0x1F710]  }
0x42c: {  	v8 =	vld [tilespmem:$0x1F720]  }
0x42d: {  	v9 =	vld [tilespmem:$0x1F730]  }
0x42e: {  	v10 =	vld [tilespmem:$0x1F740]  }
0x42f: {  	v11 =	vld [tilespmem:$0x1F750]  }
0x430: {  	v6 =	vadd.s32 v6, v7;
	v7 =	vld [tilespmem:$0x1F760]  }
0x431: {  	v56 =	vld [tilespmem:$0x1F770];
	v6 =	vadd.s32 v8, v6  }
0x432: {  	v57 =	vld [tilespmem:$0x1F780];
	v6 =	vadd.s32 v9, v6  }
0x433: {  	v58 =	vld [tilespmem:$0x1F790];
	v6 =	vadd.s32 v10, v6  }
0x434: {  	v59 =	vld [tilespmem:$0x1F7A0];
	v6 =	vadd.s32 v11, v6  }
0x435: {  	v6 =	vadd.s32 v7, v6;
	v7 =	vld [tilespmem:$0x1F7B0]  }
0x436: {  	v60 =	vld [tilespmem:$0x1F7C0];
	v6 =	vadd.s32 v56, v6  }
0x437: {  	v61 =	vld [tilespmem:$0x1F7D0];
	v6 =	vadd.s32 v57, v6  }
0x438: {  	v62 =	vld [tilespmem:$0x1F7E0];
	v6 =	vadd.s32 v58, v6  }
0x439: {  	v63 =	vld [tilespmem:$0x1F7F0];
	v6 =	vadd.s32 v59, v6  }
0x43a: {  	v6 =	vadd.s32 v7, v6  }
0x43b: {  	v6 =	vadd.s32 v60, v6  }
0x43c: {  	v6 =	vadd.s32 v61, v6  }
0x43d: {  	v6 =	vadd.s32 v62, v6  }
0x43e: {  	v6 =	vadd.s32 v63, v6  }
0x43f: {  	(xrf0) =	vadd.scan.msk.s32 $0xffff, v6;
	_ =	sdelay $0x5  }
0x440: {  	v7, _, _ =	vpop (xrf0)  }
0x441: {  	vm0 =	vge.s32 v7, s8  }
0x442: {  	v7 =	vmctz.xlane vm0;
	_ =	sdelay $0x1  }
0x443: {  	vm0 =	vgt.s32 v7, v0  }
0x444: {  	v6 =	vnsel vm0, $0x0, v6  }
0x445: {  	(xrf0) =	vadd.scan.msk.s32 $0xffff, v6;
	_ =	sdelay $0x5  }
0x446: {  	v6, _, _ =	vpop (xrf0)  }
0x447: {  	(v2sf) =	vpush v6, $0xF  }
0x448: {  	(v2sf) =	vpush v7, $0x0;
	_ =	sdelay $0xb  }
0x449: {  	s6 =	sadd.s32 $0x1, s6  }
0x44a: {  	p1 =	sne.s32 s6, $0x8  }
.Ltmp61:
0x44b: {  	s4 =	spop (v2sf);
	(pc) =	sbr.rel @!p1 .LBB2_84-.Ltmp61, $4  }
0x44c: {  	s10 =	spop (v2sf)  }
0x44d: {  	s10 =	sxor.u32 s19, s10  }
0x44e: {  	s31 =	sshrl.u32 s14, s18;
	s10 =	sshll.u32 s10, s15  }
0x44f: {  	s5 =	sor.u32 s31, s5;
	s8 =	ssub.s32 s8, s4;
	s17 =	sor.u32 s17, s10  }
.LBB2_28:
0x450: {  	[tilespmem:$0x1F700] =	vst v1  }
0x451: {  	[tilespmem:$0x1F710] =	vst v1  }
0x452: {  	[tilespmem:$0x1F720] =	vst v1  }
0x453: {  	[tilespmem:$0x1F730] =	vst v1  }
0x454: {  	[tilespmem:$0x1F740] =	vst v1  }
0x455: {  	[tilespmem:$0x1F750] =	vst v1  }
0x456: {  	[tilespmem:$0x1F760] =	vst v1  }
0x457: {  	[tilespmem:$0x1F770] =	vst v1  }
0x458: {  	[tilespmem:$0x1F780] =	vst v1  }
0x459: {  	[tilespmem:$0x1F790] =	vst v1  }
0x45a: {  	[tilespmem:$0x1F7A0] =	vst v1  }
.Ltmp62:
0x45b: {  	[tilespmem:$0x1F7B0] =	vst v1;
	(pc) =	sbr.rel @p0 .LBB2_83-.Ltmp62, $4  }
0x45c: {  	[tilespmem:$0x1F7C0] =	vst v1  }
0x45d: {  	[tilespmem:$0x1F7D0] =	vst v1  }
0x45e: {  	s18 =	sshll.u32 s6, $0x2;
	p1 =	seq.s32 s6, $0x0;
	s19 =	simm.s32 $0x8;
	[tilespmem:$0x1F7E0] =	vst v1  }
0x45f: {  	[tilespmem:$0x1F7F0] =	vst v1;
	s15 =	ssub.s32 $0x1C, s18;
	s19 =	simm.s32 @!p1 $0x0  }
0x460: {  	p2 =	sne.s32 s7, $0x1  }
.Ltmp63:
0x461: {  	_ = 	snop;
	(pc) =	sbr.rel @!p2 .LBB2_30-.Ltmp63, $3  }
0x462: {  	_ =	sdelay $0x1  }
0x463: {  	v8 =	vmov s15;
	s16 =	simm.s32 $0x0  }
0x464: {  	v7 =	vmov s5;
	v6 =	vmov s17;
	v9 =	vmov s19;
	s20 =	sadd.s32 $0xFFFFFFFF, s7;
	p1 =	por $0x0, $0x0;
	s10 =	sand.u32 $0xFFFFFC00, s16  }
0x465: {  	s4 =	sand.u32 $0x70, s16;
	s10 =	sadd.s32 s10, s9  }
0x466: {  	s4 =	sadd.s32 s4, s10  }
0x467: {  	v10 =	vld [tilespmem:s4+$0x0];
	_ =	sdelay $0x4  }
0x468: {  	v11 =	vshra.s32 v10, v8  }
0x469: {  	p2 =	sne.s32 s20, $0x1;
	v11 =	vand.u32 $0xF, v11  }
.Ltmp64:
0x46a: {  	v10 =	vand.u32 v7, v10;
	v11 =	vxor.u32 v9, v11;
	(pc) =	sbr.rel @!p2 .LBB2_82-.Ltmp64, $4  }
0x46b: {  	vm1 =	veq.s32 v10, v6;
	v10 =	vor.u32 v2, v11  }
0x46c: {  	v12 =	vor.u32 s16, v0  }
0x46d: {  	s20 =	sadd.s32 $0xFFFFFFFF, s20;
	vm0 =	vlt.s32 v12, v5;
	s4 =	simm.s32 $0x80  }
0x46e: {  	s16 =	simm.s32 $0x10;
	p1 =	por $0x1, $0x1;
	s10 =	sand.u32 $0xFFFFFC00, s4;
	vm0 =	vmand vm0, vm1  }
.LBB2_81:
0x46f: {  	p2 =	sne.s32 s20, $0x1;
	s21 =	sand.u32 $0x70, s16;
	s10 =	sadd.s32 s10, s9;
	v11 =	vsel vm0, $0x1, v1  }
0x470: {  	s10 =	sadd.s32 s21, s10;
	[tilespmem:v10+s13+$0x0] =	vst.idx.add.s32.msk $0xffff, v11  }
0x471: {  	v11 =	vld [tilespmem:s10+$0x0];
	_ =	sdelay $0x4  }
0x472: {  	v10 =	vshra.s32 v11, v8  }
0x473: {  	v10 =	vand.u32 $0xF, v10  }
.Ltmp65:
0x474: {  	v10 =	vxor.u32 v9, v10;
	(pc) =	sbr.rel @p2 .LBB2_81-.Ltmp65, $4  }
0x475: {  	v10 =	vor.u32 v2, v10  }
0x476: {  	v12 =	vor.u32 s16, v0;
	v11 =	vand.u32 v7, v11  }
0x477: {  	s4 =	sadd.s32 $0x80, s4;
	vm0 =	vlt.s32 v12, v5;
	vm1 =	veq.s32 v11, v6  }
0x478: {  	s20 =	sadd.s32 $0xFFFFFFFF, s20;
	s16 =	sadd.s32 $0x10, s16;
	s10 =	sand.u32 $0xFFFFFC00, s4;
	vm0 =	vmand vm0, vm1  }
.Ltmp66:
0x479: {  	_ = 	snop;
	(pc) =	sbr.rel .LBB2_82-.Ltmp66, $1  }
0x47a: {  	_ =	sdelay $0x3  }
.LBB2_84:
.Ltmp67:
0x47b: {  	(pc) =	sbr.rel @p0 .LBB2_91-.Ltmp67, $1  }
0x47c: {  	_ =	sdelay $0x3  }
0x47d: {  	p1 =	sne.s32 s7, $0x1  }
.Ltmp68:
0x47e: {  	s9 =	simm.s32 $0x0;
	(pc) =	sbr.rel @!p1 .LBB2_86-.Ltmp68, $4  }
0x47f: {  	v6 =	vmov s1;
	s4 =	sand.u32 $0x1FFFFF8, s9  }
0x480: {  	v6 =	vshll.u32 v6, $0x7;
	s4 =	sadd.s32 s1, s4  }
0x481: {  	s5 =	sand.u32 $0x70, s9;
	v6 =	vand.u32 $0x380, v6;
	s6 =	sshll.u32 s4, $0x7  }
0x482: {  	v7 =	vmov s17;
	v8 =	vmov s8;
	p0 =	por $0x0, $0x0;
	v6 =	vbroadcast v6, $0x0;
	s4 =	simm.s32 $0x1;
	s5 =	sor.u32 s5, s6  }
0x483: {  	v9 =	vld [tilespmem:s5+$0x1BF00];
	_ =	sdelay $0x3  }
0x484: {  	v10 =	vor.u32 s9, v0  }
0x485: {  	vm0 =	vlt.s32 v10, v5;
	vm1 =	veq.s32 v9, v7  }
0x486: {  	vm1 =	vmand vm0, vm1  }
0x487: {  	v10 =	vsel vm1, $0x1, v1  }
0x488: {  	(xrf0) =	vadd.scan.msk.s32 $0xffff, v10;
	_ =	sdelay $0x4  }
0x489: {  	v10 =	vsel vm1, $0xFFFFFFFF, v1  }
0x48a: {  	v10 =	vadd.s32 s9, v10;
	v11, _, _ =	vpop (xrf0)  }
0x48b: {  	v10 =	vadd.s32 v11, v10  }
0x48c: {  	vm2 =	vlt.s32 v9, v7;
	vm3 =	vlt.s32 v10, v8  }
0x48d: {  	vm0 =	vmand vm0, vm2;
	v10 =	vmpcnt.ones.xlane vm1;
	vm1 =	vmand vm1, vm3  }
0x48e: {  	vm0 =	vmor vm0, vm1  }
0x48f: {  	(v2sf) =	vpush v10, $0x0;
	v10 =	vsel vm0, $0x1, v1;
	v11 =	vmpcnt.ones.xlane vm0  }
0x490: {  	(xrf0) =	vadd.scan.msk.s32 $0xffff, v10  }
0x491: {  	(v2sf) =	vpush v11, $0x0;
	_ =	sdelay $0x3  }
0x492: {  	v10 =	vsel vm0, $0xFFFFFFFF, v1  }
0x493: {  	v10 =	vadd.s32 s9, v10;
	v11, _, _ =	vpop (xrf0)  }
0x494: {  	v10 =	vadd.s32 v11, v10  }
0x495: {  	v11 =	vand.u32 $0x7F, v10;
	v10 =	vshll.u32 v10, $0x3  }
0x496: {  	v10 =	vand.u32 $0xFFFFFC00, v10;
	v11 =	vor.u32 v6, v11  }
0x497: {  	v10 =	vor.u32 v10, v11  }
0x498: {  	p1 =	sne.s32 s7, $0x2;
	v11 =	vld [tilespmem:s5+$0x1DB00]  }
.Ltmp69:
0x499: {  	s4 =	sand.u32 $0x1FFFFF8, s4;
	(pc) =	sbr.rel @!p1 .LBB2_88-.Ltmp69, $4  }
0x49a: {  	s15 =	simm.s32 $0x10;
	s4 =	sadd.s32 s1, s4  }
0x49b: {  	s17 =	simm.s32 $0x2;
	s6 =	sand.u32 $0x70, s15;
	s4 =	sshll.u32 s4, $0x7  }
0x49c: {  	p0 =	por $0x1, $0x1;
	s5 =	sor.u32 s6, s4;
	s31 =	spop (v2sf);
	[tilespmem:v10+s11+$0x0] =	vst.idx.msk vm0, v9  }
0x49d: {  	s6 =	simm.s32 $0x0;
	s8 =	sadd.s32 $0x0, s31;
	[tilespmem:v10+s12+$0x0] =	vst.idx.msk vm0, v11;
	s4 =	spop (v2sf)  }
.LBB2_89:
0x49e: {  	v9 =	vld [tilespmem:s5+$0x1BF00];
	s6 =	sadd.s32 s6, s4;
	s16 =	smov.u32 s17;
	s17 =	sadd.s32 $0x1, s17  }
0x49f: {  	p1 =	sne.s32 s7, s17;
	_ =	sdelay $0x2  }
0x4a0: {  	v10 =	vor.u32 s15, v0  }
0x4a1: {  	vm0 =	vlt.s32 v10, v5;
	vm1 =	vlt.s32 v9, v7;
	vm2 =	veq.s32 v9, v7  }
0x4a2: {  	vm2 =	vmand vm0, vm2  }
0x4a3: {  	v10 =	vsel vm2, $0xFFFFFFFF, v1;
	v11 =	vsel vm2, $0x1, v1;
	v12 =	vmpcnt.ones.xlane vm2  }
0x4a4: {  	(xrf0) =	vadd.scan.msk.s32 $0xffff, v11  }
0x4a5: {  	(v2sf) =	vpush v12, $0x0;
	_ =	sdelay $0x4  }
0x4a6: {  	v10 =	vadd.s32 s8, v10;
	v11, _, _ =	vpop (xrf0)  }
0x4a7: {  	v10 =	vadd.s32 v11, v10  }
0x4a8: {  	vm3 =	vlt.s32 v10, v8  }
0x4a9: {  	vm0 =	vmand vm0, vm1;
	vm1 =	vmand vm2, vm3  }
0x4aa: {  	vm0 =	vmor vm0, vm1  }
0x4ab: {  	v10 =	vsel vm0, $0xFFFFFFFF, v1;
	v11 =	vsel vm0, $0x1, v1;
	v12 =	vmpcnt.ones.xlane vm0  }
0x4ac: {  	(xrf0) =	vadd.scan.msk.s32 $0xffff, v11  }
0x4ad: {  	(v2sf) =	vpush v12, $0x0;
	_ =	sdelay $0x2  }
0x4ae: {  	s4 =	spop (v2sf)  }
0x4af: {  	s8 =	sadd.s32 s8, s4  }
0x4b0: {  	v10 =	vadd.s32 s6, v10;
	v11, _, _ =	vpop (xrf0)  }
0x4b1: {  	v10 =	vadd.s32 v11, v10  }
0x4b2: {  	v11 =	vand.u32 $0x7F, v10;
	v10 =	vshll.u32 v10, $0x3  }
0x4b3: {  	v10 =	vand.u32 $0xFFFFFC00, v10;
	v11 =	vor.u32 v6, v11  }
0x4b4: {  	v10 =	vor.u32 v10, v11  }
0x4b5: {  	v11 =	vld [tilespmem:s5+$0x1DB00]  }
.Ltmp70:
0x4b6: {  	(pc) =	sbr.rel @p1 .LBB2_89-.Ltmp70, $4  }
0x4b7: {  	s4 =	sand.u32 $0x1FFFFF8, s16  }
0x4b8: {  	s15 =	sadd.s32 $0x10, s15;
	s4 =	sadd.s32 s1, s4  }
0x4b9: {  	s4 =	sshll.u32 s4, $0x7;
	s5 =	sand.u32 $0x70, s15;
	[tilespmem:v10+s11+$0x0] =	vst.idx.msk vm0, v9  }
0x4ba: {  	s5 =	sor.u32 s5, s4;
	[tilespmem:v10+s12+$0x0] =	vst.idx.msk vm0, v11;
	s4 =	spop (v2sf)  }
.LBB2_90:
0x4bb: {  	v9 =	vld [tilespmem:s5+$0x1BF00];
	_ =	sdelay $0x3  }
0x4bc: {  	v10 =	vor.u32 s15, v0  }
0x4bd: {  	vm0 =	vlt.s32 v10, v5;
	vm1 =	veq.s32 v9, v7  }
0x4be: {  	vm1 =	vmand vm0, vm1  }
0x4bf: {  	v5 =	vsel vm1, $0x1, v1  }
0x4c0: {  	(xrf0) =	vadd.scan.msk.s32 $0xffff, v5;
	_ =	sdelay $0x4  }
0x4c1: {  	v5 =	vsel vm1, $0xFFFFFFFF, v1  }
0x4c2: {  	v5 =	vadd.s32 s8, v5;
	v62, _, _ =	vpop (xrf0)  }
0x4c3: {  	v5 =	vadd.s32 v62, v5  }
0x4c4: {  	vm2 =	vlt.s32 v9, v7;
	vm3 =	vlt.s32 v5, v8  }
0x4c5: {  	vm0 =	vmand vm0, vm2;
	vm15 =	vmand vm1, vm3  }
0x4c6: {  	v5 =	vmpcnt.ones.xlane vm1;
	vm0 =	vmor vm0, vm15  }
0x4c7: {  	v7 =	vsel vm0, $0x1, v1;
	v63 =	vmpcnt.ones.xlane vm0  }
0x4c8: {  	(v2sf) =	vpush v5, $0x0;
	(xrf0) =	vadd.scan.msk.s32 $0xffff, v7  }
0x4c9: {  	(v2sf) =	vpush v63, $0x0;
	_ =	sdelay $0x2  }
0x4ca: {  	s4 =	sadd.s32 @p0 s6, s4  }
0x4cb: {  	s9 =	smov.u32 @p0 s4;
	v5 =	vsel vm0, $0xFFFFFFFF, v1  }
0x4cc: {  	v5 =	vadd.s32 s9, v5;
	v7, _, _ =	vpop (xrf0)  }
0x4cd: {  	v5 =	vadd.s32 v7, v5  }
0x4ce: {  	v7 =	vand.u32 $0x7F, v5;
	v5 =	vshll.u32 v5, $0x3  }
0x4cf: {  	v5 =	vand.u32 $0xFFFFFC00, v5;
	v6 =	vor.u32 v6, v7  }
0x4d0: {  	v5 =	vor.u32 v5, v6  }
0x4d1: {  	v6 =	vld [tilespmem:s5+$0x1DB00];
	_ =	sdelay $0x3  }
0x4d2: {  	s30 =	spop (v2sf);
	[tilespmem:v5+s11+$0x0] =	vst.idx.msk vm0, v9  }
0x4d3: {  	[tilespmem:v5+s12+$0x0] =	vst.idx.msk vm0, v6;
	s31 =	spop (v2sf)  }
.LBB2_91:
0x4d4: {  	[tilespmem:$0x1F800] =	vst v1  }
0x4d5: {  	[tilespmem:$0x1F810] =	vst v1  }
0x4d6: {  	[tilespmem:$0x1F820] =	vst v1  }
0x4d7: {  	[tilespmem:$0x1F830] =	vst v1  }
0x4d8: {  	[tilespmem:$0x1F840] =	vst v1  }
0x4d9: {  	[tilespmem:$0x1F850] =	vst v1  }
0x4da: {  	[tilespmem:$0x1F860] =	vst v1  }
0x4db: {  	[tilespmem:$0x1F870] =	vst v1  }
0x4dc: {  	[tilespmem:$0x1F880] =	vst v1  }
0x4dd: {  	[tilespmem:$0x1F890] =	vst v1  }
0x4de: {  	[tilespmem:$0x1F8A0] =	vst v1  }
0x4df: {  	[tilespmem:$0x1F8B0] =	vst v1  }
0x4e0: {  	[tilespmem:$0x1F8C0] =	vst v1  }
0x4e1: {  	[tilespmem:$0x1F8D0] =	vst v1  }
0x4e2: {  	[tilespmem:$0x1F8E0] =	vst v1  }
0x4e3: {  	[tilespmem:$0x1F8F0] =	vst v1  }
0x4e4: {  	[tilespmem:$0x1F900] =	vst v1  }
0x4e5: {  	[tilespmem:$0x1F910] =	vst v1  }
0x4e6: {  	[tilespmem:$0x1F920] =	vst v1  }
0x4e7: {  	[tilespmem:$0x1F930] =	vst v1  }
0x4e8: {  	[tilespmem:$0x1F940] =	vst v1  }
0x4e9: {  	[tilespmem:$0x1F950] =	vst v1  }
0x4ea: {  	[tilespmem:$0x1F960] =	vst v1  }
0x4eb: {  	[tilespmem:$0x1F970] =	vst v1  }
0x4ec: {  	[tilespmem:$0x1F980] =	vst v1  }
0x4ed: {  	[tilespmem:$0x1F990] =	vst v1  }
0x4ee: {  	[tilespmem:$0x1F9A0] =	vst v1  }
0x4ef: {  	[tilespmem:$0x1F9B0] =	vst v1  }
0x4f0: {  	[tilespmem:$0x1F9C0] =	vst v1  }
0x4f1: {  	[tilespmem:$0x1F9D0] =	vst v1  }
0x4f2: {  	[tilespmem:$0x1F9E0] =	vst v1  }
0x4f3: {  	[tilespmem:$0x1F9F0] =	vst v1  }
0x4f4: {  	[tilespmem:$0x1FA00] =	vst v1  }
0x4f5: {  	[tilespmem:$0x1FA10] =	vst v1  }
0x4f6: {  	[tilespmem:$0x1FA20] =	vst v1  }
0x4f7: {  	[tilespmem:$0x1FA30] =	vst v1  }
0x4f8: {  	[tilespmem:$0x1FA40] =	vst v1  }
0x4f9: {  	[tilespmem:$0x1FA50] =	vst v1  }
0x4fa: {  	[tilespmem:$0x1FA60] =	vst v1  }
0x4fb: {  	[tilespmem:$0x1FA70] =	vst v1  }
0x4fc: {  	[tilespmem:$0x1FA80] =	vst v1  }
0x4fd: {  	[tilespmem:$0x1FA90] =	vst v1  }
0x4fe: {  	[tilespmem:$0x1FAA0] =	vst v1  }
0x4ff: {  	[tilespmem:$0x1FAB0] =	vst v1  }
0x500: {  	[tilespmem:$0x1FAC0] =	vst v1  }
0x501: {  	[tilespmem:$0x1FAD0] =	vst v1  }
0x502: {  	[tilespmem:$0x1FAE0] =	vst v1  }
0x503: {  	[tilespmem:$0x1FAF0] =	vst v1  }
0x504: {  	[tilespmem:$0x1FB00] =	vst v1  }
0x505: {  	[tilespmem:$0x1FB10] =	vst v1  }
0x506: {  	[tilespmem:$0x1FB20] =	vst v1  }
0x507: {  	[tilespmem:$0x1FB30] =	vst v1  }
0x508: {  	[tilespmem:$0x1FB40] =	vst v1  }
0x509: {  	[tilespmem:$0x1FB50] =	vst v1  }
0x50a: {  	[tilespmem:$0x1FB60] =	vst v1  }
0x50b: {  	[tilespmem:$0x1FB70] =	vst v1  }
0x50c: {  	[tilespmem:$0x1FB80] =	vst v1  }
0x50d: {  	[tilespmem:$0x1FB90] =	vst v1  }
0x50e: {  	[tilespmem:$0x1FBA0] =	vst v1  }
0x50f: {  	[tilespmem:$0x1FBB0] =	vst v1  }
0x510: {  	[tilespmem:$0x1FBC0] =	vst v1  }
0x511: {  	[tilespmem:$0x1FBD0] =	vst v1  }
0x512: {  	[tilespmem:$0x1FBE0] =	vst v1  }
0x513: {  	[tilespmem:$0x1FBF0] =	vst v1  }
0x514: {  	[tilespmem:$0x1FC00] =	vst v1  }
0x515: {  	[tilespmem:$0x1FC10] =	vst v1  }
0x516: {  	[tilespmem:$0x1FC20] =	vst v1  }
0x517: {  	[tilespmem:$0x1FC30] =	vst v1  }
0x518: {  	[tilespmem:$0x1FC40] =	vst v1  }
0x519: {  	[tilespmem:$0x1FC50] =	vst v1  }
0x51a: {  	[tilespmem:$0x1FC60] =	vst v1  }
0x51b: {  	[tilespmem:$0x1FC70] =	vst v1  }
0x51c: {  	[tilespmem:$0x1FC80] =	vst v1  }
0x51d: {  	[tilespmem:$0x1FC90] =	vst v1  }
0x51e: {  	[tilespmem:$0x1FCA0] =	vst v1  }
0x51f: {  	[tilespmem:$0x1FCB0] =	vst v1  }
0x520: {  	[tilespmem:$0x1FCC0] =	vst v1  }
0x521: {  	[tilespmem:$0x1FCD0] =	vst v1  }
0x522: {  	[tilespmem:$0x1FCE0] =	vst v1  }
0x523: {  	[tilespmem:$0x1FCF0] =	vst v1  }
0x524: {  	[tilespmem:$0x1FD00] =	vst v1  }
0x525: {  	[tilespmem:$0x1FD10] =	vst v1  }
0x526: {  	[tilespmem:$0x1FD20] =	vst v1  }
0x527: {  	[tilespmem:$0x1FD30] =	vst v1  }
0x528: {  	[tilespmem:$0x1FD40] =	vst v1  }
0x529: {  	[tilespmem:$0x1FD50] =	vst v1  }
0x52a: {  	[tilespmem:$0x1FD60] =	vst v1  }
0x52b: {  	[tilespmem:$0x1FD70] =	vst v1  }
0x52c: {  	[tilespmem:$0x1FD80] =	vst v1  }
0x52d: {  	[tilespmem:$0x1FD90] =	vst v1  }
0x52e: {  	[tilespmem:$0x1FDA0] =	vst v1  }
0x52f: {  	[tilespmem:$0x1FDB0] =	vst v1  }
0x530: {  	[tilespmem:$0x1FDC0] =	vst v1  }
0x531: {  	[tilespmem:$0x1FDD0] =	vst v1  }
0x532: {  	[tilespmem:$0x1FDE0] =	vst v1  }
0x533: {  	[tilespmem:$0x1FDF0] =	vst v1  }
0x534: {  	[tilespmem:$0x1FE00] =	vst v1  }
0x535: {  	[tilespmem:$0x1FE10] =	vst v1  }
0x536: {  	[tilespmem:$0x1FE20] =	vst v1  }
0x537: {  	[tilespmem:$0x1FE30] =	vst v1  }
0x538: {  	v5 =	vld [tilespmem:s2+$0x1DB00];
	_ =	sdelay $0x4  }
0x539: {  	v5 =	vshll.u32 v5, $0x4  }
0x53a: {  	v5 =	vor.u32 v0, v5;
	_ =	sdelay $0x3  }
0x53b: {  	s4 =	simm.s32 $0x1F800  }
0x53c: {  	[tilespmem:v5+s4+$0x0] =	vst.idx.add.s32.msk $0xffff, v4  }
0x53d: {  	v5 =	vld [tilespmem:s2+$0x1DB10];
	_ =	sdelay $0x4  }
0x53e: {  	v5 =	vshll.u32 v5, $0x4  }
0x53f: {  	v5 =	vor.u32 v0, v5;
	_ =	sdelay $0x4  }
0x540: {  	[tilespmem:v5+s4+$0x0] =	vst.idx.add.s32.msk $0xffff, v4  }
0x541: {  	v5 =	vld [tilespmem:s2+$0x1DB20];
	_ =	sdelay $0x4  }
0x542: {  	v5 =	vshll.u32 v5, $0x4  }
0x543: {  	v5 =	vor.u32 v0, v5;
	_ =	sdelay $0x4  }
0x544: {  	[tilespmem:v5+s4+$0x0] =	vst.idx.add.s32.msk $0xffff, v4  }
0x545: {  	v5 =	vld [tilespmem:s2+$0x1DB30];
	_ =	sdelay $0x4  }
0x546: {  	v5 =	vshll.u32 v5, $0x4  }
0x547: {  	v5 =	vor.u32 v0, v5;
	_ =	sdelay $0x4  }
0x548: {  	[tilespmem:v5+s4+$0x0] =	vst.idx.add.s32.msk $0xffff, v4  }
0x549: {  	v5 =	vld [tilespmem:s4+$0x0];
	_ =	sdelay $0x4  }
0x54a: {  	(xrf0) =	vadd.scan.msk.s32 $0xffff, v5;
	_ =	sdelay $0x5  }
0x54b: {  	v5, _, _ =	vpop (xrf0)  }
0x54c: {  	(v2sf) =	vpush v5, $0xF  }
0x54d: {  	s29 =	simm.s32 $0x1F810  }
0x54e: {  	s30 =	simm.s32 $0x1F820;
	v5 =	vld [tilespmem:s29+$0x0]  }
0x54f: {  	v6 =	vld [tilespmem:s30+$0x0];
	_ =	sdelay $0x3  }
0x550: {  	(xrf0) =	vadd.scan.msk.s32 $0xffff, v5  }
0x551: {  	(xrf0) =	vadd.scan.msk.s32 $0xffff, v6;
	_ =	sdelay $0x4  }
0x552: {  	v6, _, _ =	vpop (xrf0)  }
0x553: {  	(v2sf) =	vpush v6, $0xF;
	v6, _, _ =	vpop (xrf0)  }
0x554: {  	s31 =	simm.s32 $0x1F830;
	s16 =	spop (v2sf);
	(v2sf) =	vpush v6, $0xF  }
0x555: {  	v5 =	vld [tilespmem:s31+$0x0];
	_ =	sdelay $0x3  }
0x556: {  	s5 =	simm.s32 $0xFFFFFFFF  }
0x557: {  	s9 =	simm.s32 $0x1;
	s8 =	simm.s32 $0x2;
	s7 =	simm.s32 $0x3;
	(xrf0) =	vadd.scan.msk.s32 $0xffff, v5  }
0x558: {  	s6 =	simm.s32 $0x4;
	s10 =	simm.s32 $0x5;
	s4 =	simm.s32 $0x1F840  }
0x559: {  	s15 =	simm.s32 $0x0;
	s2 =	simm.s32 $0x0;
	v5 =	vld [tilespmem:s4+$0x0];
	p1 =	sgt.s32 s16, $0xFFFFFFFF  }
.LBB2_92:
0x55a: {  	p0 =	sne.s32 s10, $0x63;
	s5 =	smov.u32 @p1 s16;
	s2 =	smov.u32 @p1 s15  }
0x55b: {  	s15 =	smov.u32 s9;
	s9 =	smov.u32 s8;
	s8 =	smov.u32 s7  }
.Ltmp71:
0x55c: {  	s7 =	smov.u32 s6;
	s6 =	smov.u32 s10;
	(pc) =	sbr.rel @p0 .LBB2_92-.Ltmp71, $4  }
0x55d: {  	v6, _, _ =	vpop (xrf0)  }
0x55e: {  	(xrf0) =	vadd.scan.msk.s32 $0xffff, v5;
	(v2sf) =	vpush v6, $0xF  }
0x55f: {  	s4 =	sadd.s32 $0x10, s4;
	s16 =	spop (v2sf)  }
0x560: {  	s10 =	sadd.s32 $0x1, s10;
	v5 =	vld [tilespmem:s4+$0x0];
	p1 =	sgt.s32 s16, s5  }
0x561: {  	_ =	sdelay $0x3  }
0x562: {  	(xrf0) =	vadd.scan.msk.s32 $0xffff, v5;
	_ =	sdelay $0x3  }
0x563: {  	v5, _, _ =	vpop (xrf0)  }
0x564: {  	(v2sf) =	vpush v5, $0xF  }
0x565: {  	v5, _, _ =	vpop (xrf0)  }
0x566: {  	(v2sf) =	vpush v5, $0xF;
	_ =	sdelay $0x8  }
0x567: {  	s5 =	smov.u32 @p1 s16;
	s4 =	spop (v2sf)  }
0x568: {  	p0 =	sgt.s32 s4, s5  }
0x569: {  	s2 =	smov.u32 @p1 s15;
	s5 =	smov.u32 @p0 s4;
	s4 =	spop (v2sf)  }
0x56a: {  	s2 =	smov.u32 @p0 s9;
	p0 =	sgt.s32 s4, s5  }
0x56b: {  	s5 =	smov.u32 @p0 s4;
	s4 =	spop (v2sf)  }
0x56c: {  	s2 =	smov.u32 @p0 s8;
	p0 =	sgt.s32 s4, s5  }
0x56d: {  	s29 =	sor.u32 s0, s1;
	s5 =	smov.u32 @p0 s4;
	s30 =	spop (v2sf)  }
0x56e: {  	s1 =	sadd.s32 $0x1, s1;
	s2 =	smov.u32 @p0 s7;
	p0 =	sgt.s32 s30, s5  }
0x56f: {  	v5 =	vmov s29;
	s2 =	smov.u32 @p0 s6;
	p0 =	sne.s32 s1, $0x8  }
.Ltmp72:
0x570: {  	_ = 	snop;
	(pc) =	sbr.rel @p0 .LBB2_27-.Ltmp72, $4  }
.Ltmp73:
0x571: {  	_ = 	snop;
	(pc) =	sbr.rel @!p0 .LBB2_94-.Ltmp73, $4  }
0x572: {  	_ = 	snop  }
0x573: {  	s31 =	simm.s32 $0x1F800;
	v6 =	vmov s2  }
0x574: {  	[tilespmem:v5+s31+$0x0] =	vst.idx.msk $0x1, v6  }
0x575: {  	_ = 	snop  }
.LBB2_86:
.Ltmp74:
0x576: {  	(pc) =	sbr.rel .LBB2_90-.Ltmp74, $2  }
0x577: {  	_ =	sdelay $0x2  }
0x578: {  	s6 =	simm.s32 $0x0;
	s15 =	simm.s32 $0x0;
	s8 =	simm.s32 $0x0  }
.LBB2_88:
.Ltmp75:
0x579: {  	(pc) =	sbr.rel .LBB2_90-.Ltmp75, $2  }
0x57a: {  	_ =	sdelay $0x2  }
0x57b: {  	s6 =	simm.s32 $0x0  }
.LBB2_96:
0x57c: {  	_ =	sfence.sel $0x180000  }
0x57d: {  	[bflag:$0x0] =	sbarrier.arrive $0xFFFF  }
0x57e: {  	_ =	strace $0x90000047  }
0x57f: {  	s0 =	stileid.u32;
	[bflag:$0x2] =	sbarrier.arrive $0xFFFF  }
0x580: {  	p0 =	sne.s32 s0, $0x0;
	s0 =	rddreg [dreg:$0x2]  }
0x581: {  	s0 =	sadd.s32 @!p0 $0x100000, s0  }
0x582: {  	[sflag:s0] =	ssyncadd.tile.s32 @!p0 $0x1;
	_ =	shalt  }
.Lfunc_end2:
_tile_overlayer_lowered:
.L_overlay_start_2:
0x583: {  	(tag) =	ssettag $0x2  }
0x584: {  	s0 =	rddreg [dreg:$0x0];
	s2 =	stileid.u32  }
0x585: {  	s1 =	rddreg [dreg:$0x1];
	p0 =	sne.s32 s2, $0x0  }
0x586: {  	s3 =	rddreg [dreg:$0x2];
	[bflag:$0x3] =	sbarrier.arrive $0xFFFF;
	s2 =	simm.s32 @!p0 $0x1C02  }
0x587: {  	[timem:s3], [sflag:s2] =	dma.local @!p0 [hbm:s0], s1  }
0x588: {  	s0 =	simm.s32 @!p0 $0x2  }
0x589: {  	_ =	swait.ge @!p0 [sflag:s0], s1  }
0x58a: {  	s1 =	ssub.s32 @!p0 $0x0, s1;
	[sflag:s0] =	ssyncset.done @!p0 $0x0  }
0x58b: {  	[sflag:s0] =	ssyncadd.s32 @!p0 s1  }
0x58c: {  	[bflag:$0x3] =	sbarrier.arrive $0xFFFF  }
0x58d: {  	_ =	shalt  }

</sc_bundles>
